<compile_context>
chip_gen: v7x
topology: tpu7x:2x2x1
jax: 0.10.2.dev20260603
libtpu: 0.0.44.dev20260713+nightly
codegen_flags: <defaults>
</compile_context>

<pallas_src>
import jax
import jax.numpy as jnp
from jax import lax
from jax.experimental import pallas as pl
from jax.experimental.pallas import tpu as pltpu
from jax.experimental.pallas import tpu_sc as plsc

N = 10000
D = 128
NP = 10240
ES = 320000 + NP
CH = 64
EPT = -(-ES // (16 * 128)) * 128
E_PAD = 16 * EPT
NCH = EPT // CH
SB = 12
B = 1024
GRID = NP // B

_mesh = plsc.VectorSubcoreMesh(core_axis_name="c", subcore_axis_name="s")


def _edge_body(h_hbm, als_hbm, ald_hbm, src_hbm, dst_hbm, u_hbm, den_hbm,
               su, als_v, ald_v, den_v, src_c, dst_c, gidx_v, didx_v0,
               didx_v1, w_v, rows_v0, rows_v1, sem, sem2):
    c = lax.axis_index("c")
    s = lax.axis_index("s")
    wid = c * 16 + s
    coff = c * NP

    pltpu.sync_copy(als_hbm.at[pl.ds(coff, NP)], als_v)
    pltpu.sync_copy(ald_hbm.at[pl.ds(coff, NP)], ald_v)

    zero = jnp.zeros((16,), jnp.float32)

    @pl.loop(0, CH)
    def _(i):
        for j in range(8):
            rows_v0[i, pl.ds(j * 16, 16)] = zero

    @pl.loop(0, NP // 16)
    def _(i):
        den_v[pl.ds(i * 16, 16)] = zero

    @pl.loop(0, NP // 16 // CH)
    def _(i):
        r0 = s * (NP // 16) + i * CH
        pltpu.sync_copy(rows_v0, su.at[pl.ds(r0, CH)])

    plsc.subcore_barrier()

    rows_bufs = (rows_v0, rows_v1)
    didx_bufs = (didx_v0, didx_v1)

    @pl.loop(0, NCH // SB)
    def _(sb):
        sbase = sb * SB * CH
        pltpu.sync_copy(src_hbm.at[wid, pl.ds(sbase, SB * CH)], src_c)
        pltpu.sync_copy(dst_hbm.at[wid, pl.ds(sbase, SB * CH)], dst_c)

        @pl.loop(0, SB // 2)
        def _(p):
            for b in range(2):
                ci = p * 2 + b
                base = ci * CH
                gci = sb * SB + ci
                rows_b = rows_bufs[b]
                didx_b = didx_bufs[b]

                for g in range(CH // 16):
                    off = base + g * 16
                    gidx_v[pl.ds(g * 16, 16)] = src_c[pl.ds(off, 16)] + coff

                @pl.when(gci >= 2)
                def _():
                    pltpu.make_async_copy(rows_b, su.at[didx_b], sem2).wait()

                cp = pltpu.async_copy(h_hbm.at[gidx_v], rows_b, sem)

                for g in range(CH // 16):
                    off = base + g * 16
                    si = src_c[pl.ds(off, 16)]
                    di = dst_c[pl.ds(off, 16)]
                    didx_b[pl.ds(g * 16, 16)] = di
                    a = (plsc.load_gather(als_v, [si])
                         + plsc.load_gather(ald_v, [di]))
                    a = jnp.where(a > 0.0, a, 0.2 * a)
                    w = jnp.exp(a)
                    w_v[pl.ds(g * 16, 16)] = w
                    plsc.addupdate_scatter(den_v, [di], w)

                cp.wait()

                @pl.loop(0, CH, unroll=8)
                def _(e):
                    wv = plsc.load_gather(w_v, [jnp.full((16,), e, jnp.int32)])
                    for j in range(8):
                        rows_b[e, pl.ds(j * 16, 16)] = (
                            rows_b[e, pl.ds(j * 16, 16)] * wv)

                pltpu.async_copy(rows_b, su.at[didx_b], sem2, add=True)

    pltpu.make_async_copy(rows_v0, su.at[didx_v0], sem2).wait()
    pltpu.make_async_copy(rows_v1, su.at[didx_v1], sem2).wait()

    plsc.subcore_barrier()

    @pl.loop(0, NP // 16 // CH)
    def _(i):
        r0 = s * (NP // 16) + i * CH
        pltpu.sync_copy(su.at[pl.ds(r0, CH)], rows_v0)
        pltpu.sync_copy(rows_v0, u_hbm.at[pl.ds(coff + r0, CH)])
    pltpu.sync_copy(den_v, den_hbm.at[wid])


_edge_kernel = pl.kernel(
    _edge_body,
    out_type=[
        jax.ShapeDtypeStruct((2 * NP, D), jnp.float32),
        jax.ShapeDtypeStruct((32, NP), jnp.float32),
    ],
    mesh=_mesh,
    scratch_types=[
        pltpu.VMEM_SHARED((NP, D), jnp.float32),
        pltpu.VMEM((NP,), jnp.float32),
        pltpu.VMEM((NP,), jnp.float32),
        pltpu.VMEM((NP,), jnp.float32),
        pltpu.VMEM((SB * CH,), jnp.int32),
        pltpu.VMEM((SB * CH,), jnp.int32),
        pltpu.VMEM((CH,), jnp.int32),
        pltpu.VMEM((CH,), jnp.int32),
        pltpu.VMEM((CH,), jnp.int32),
        pltpu.VMEM((CH,), jnp.float32),
        pltpu.VMEM((CH, D), jnp.float32),
        pltpu.VMEM((CH, D), jnp.float32),
        pltpu.SemaphoreType.DMA,
        pltpu.SemaphoreType.DMA,
    ],
    compiler_params=pltpu.CompilerParams(needs_layout_passes=False),
)


def _t1_body(x_ref, w_ref, am_ref, h_ref, al_ref):
    h = jnp.dot(x_ref[...], w_ref[...], preferred_element_type=jnp.float32)
    h_ref[0] = h[:, :D]
    h_ref[1] = h[:, D:]
    al_ref[...] = jnp.dot(h, am_ref[...], preferred_element_type=jnp.float32)


def _dcol(den_ref, k):
    return jnp.sum(den_ref[k], axis=0)[:, None] + 1e-16


def _t2_body(u_ref, den_ref, b_ref, w2_ref, am_ref, h_ref, al_ref):
    x1o = jax.nn.relu(u_ref[0] / _dcol(den_ref, 0) + b_ref[0])
    x1s = jax.nn.relu(u_ref[1] / _dcol(den_ref, 1) + b_ref[1])
    x1 = jnp.concatenate([x1o, x1s], axis=1)
    h = jnp.dot(x1, w2_ref[...], preferred_element_type=jnp.float32)
    h_ref[0] = h[:, :D]
    h_ref[1] = h[:, D:]
    al_ref[...] = jnp.dot(h, am_ref[...], preferred_element_type=jnp.float32)


def _t3_body(u_ref, den_ref, b_ref, wp_ref, bp_ref, out_ref):
    x2o = u_ref[0] / _dcol(den_ref, 0) + b_ref[0]
    x2s = u_ref[1] / _dcol(den_ref, 1) + b_ref[1]
    x2 = jnp.concatenate([x2o, x2s], axis=1)
    out_ref[...] = (jnp.dot(x2, wp_ref[...], preferred_element_type=jnp.float32)
                    + bp_ref[...])


_u_spec = pl.BlockSpec((2, B, D), lambda i: (0, i, 0))
_den_spec = pl.BlockSpec((2, 16, B), lambda i: (0, 0, i))
_b_spec = pl.BlockSpec((2, 1, D), lambda i: (0, 0, 0))

_t1_call = pl.pallas_call(
    _t1_body,
    grid=(GRID,),
    in_specs=[
        pl.BlockSpec((B, D), lambda i: (i, 0)),
        pl.BlockSpec((D, 2 * D), lambda i: (0, 0)),
        pl.BlockSpec((2 * D, 8), lambda i: (0, 0)),
    ],
    out_specs=[
        pl.BlockSpec((2, B, D), lambda i: (0, i, 0)),
        pl.BlockSpec((B, 8), lambda i: (i, 0)),
    ],
    out_shape=[
        jax.ShapeDtypeStruct((2, NP, D), jnp.float32),
        jax.ShapeDtypeStruct((NP, 8), jnp.float32),
    ],
)

_t2_call = pl.pallas_call(
    _t2_body,
    grid=(GRID,),
    in_specs=[
        _u_spec, _den_spec, _b_spec,
        pl.BlockSpec((2 * D, 2 * D), lambda i: (0, 0)),
        pl.BlockSpec((2 * D, 8), lambda i: (0, 0)),
    ],
    out_specs=[
        pl.BlockSpec((2, B, D), lambda i: (0, i, 0)),
        pl.BlockSpec((B, 8), lambda i: (i, 0)),
    ],
    out_shape=[
        jax.ShapeDtypeStruct((2, NP, D), jnp.float32),
        jax.ShapeDtypeStruct((NP, 8), jnp.float32),
    ],
)

_t3_call = pl.pallas_call(
    _t3_body,
    grid=(GRID,),
    in_specs=[
        _u_spec, _den_spec, _b_spec,
        pl.BlockSpec((2 * D, D), lambda i: (0, 0)),
        pl.BlockSpec((1, D), lambda i: (0, 0)),
    ],
    out_specs=pl.BlockSpec((B, D), lambda i: (i, 0)),
    out_shape=jax.ShapeDtypeStruct((NP, D), jnp.float32),
)


def _amat(a_list):
    z = jnp.zeros((D,), jnp.float32)
    cols = [jnp.concatenate([a_list[0], z]), jnp.concatenate([a_list[1], z]),
            jnp.concatenate([z, a_list[2]]), jnp.concatenate([z, a_list[3]])]
    cols += [jnp.concatenate([z, z])] * 4
    return jnp.stack(cols, axis=1)


def kernel(x, edge_index_o, edge_index_s, W_o1, as_o1, ad_o1, b_o1,
           W_s1, as_s1, ad_s1, b_s1, W_o2, as_o2, ad_o2, b_o2,
           W_s2, as_s2, ad_s2, b_s2, W_pred, b_pred):
    loops = jnp.arange(NP, dtype=jnp.int32)

    def prep(ei):
        s = jnp.concatenate([ei[0], loops])
        d = jnp.concatenate([ei[1], loops])
        s = jnp.pad(s, (0, E_PAD - ES), constant_values=N)
        d = jnp.pad(d, (0, E_PAD - ES), constant_values=N)
        return s.reshape(16, EPT), d.reshape(16, EPT)

    so, do_ = prep(edge_index_o)
    ss, ds_ = prep(edge_index_s)
    src = jnp.concatenate([so, ss], axis=0)
    dst = jnp.concatenate([do_, ds_], axis=0)

    xp = jnp.pad(x, ((0, NP - N), (0, 0)))

    w1 = jnp.concatenate([W_o1, W_s1], axis=1)
    am1 = _amat([as_o1, ad_o1, as_s1, ad_s1])
    h1, al1 = _t1_call(xp, w1, am1)

    als1 = jnp.concatenate([al1[:, 0], al1[:, 2]])
    ald1 = jnp.concatenate([al1[:, 1], al1[:, 3]])

    u1, den1 = _edge_kernel(h1.reshape(2 * NP, D), als1, ald1, src, dst)

    b1 = jnp.stack([b_o1, b_s1]).reshape(2, 1, D)
    w2 = jnp.concatenate([W_o2, W_s2], axis=1)
    am2 = _amat([as_o2, ad_o2, as_s2, ad_s2])
    h2, al2 = _t2_call(u1.reshape(2, NP, D), den1.reshape(2, 16, NP),
                       b1, w2, am2)

    als2 = jnp.concatenate([al2[:, 0], al2[:, 2]])
    ald2 = jnp.concatenate([al2[:, 1], al2[:, 3]])

    u2, den2 = _edge_kernel(h2.reshape(2 * NP, D), als2, ald2, src, dst)

    b2 = jnp.stack([b_o2, b_s2]).reshape(2, 1, D)
    out = _t3_call(u2.reshape(2, NP, D), den2.reshape(2, 16, NP),
                   b2, W_pred, b_pred.reshape(1, D))
    return out[:N]

# --- scband reference (transcript-rebuilt; emitter-appended) ---
"""Pipeline reference for scband-encoder-55748675502365 (READ-ONLY COPY).

The authoritative reference and input builder live on the scoring server;
editing this copy changes nothing except your own understanding.
"""

import jax, jax.numpy as jnp
import numpy as np

N, E, D_IN, H1, H2, EMB = 10000, 320000, 128, 128, 128, 128


def gat_conv(x, src, dst, W, a_src, a_dst, b):
    # Faithful PyG GATConv (heads=1, add_self_loops=True, negative_slope=0.2)
    n = x.shape[0]
    h = x @ W
    loop = jnp.arange(n, dtype=src.dtype)
    s = jnp.concatenate([src, loop])
    d = jnp.concatenate([dst, loop])
    al_src = (h * a_src).sum(-1)
    al_dst = (h * a_dst).sum(-1)
    alpha = al_src[s] + al_dst[d]
    alpha = jnp.where(alpha > 0, alpha, 0.2 * alpha)  # leaky_relu(0.2)
    amax = jax.ops.segment_max(alpha, d, num_segments=n)
    alpha = jnp.exp(alpha - amax[d])
    denom = jax.ops.segment_sum(alpha, d, num_segments=n)
    alpha = alpha / (denom[d] + 1e-16)
    out = jax.ops.segment_sum(h[s] * alpha[:, None], d, num_segments=n)
    return out + b


def setup_inputs(seed: int = 0):
    key = jax.random.key(seed)
    ks = jax.random.split(key, 24)

    def glorot(k, shape):
        fan = shape[0] if len(shape) > 1 else shape[-1]
        return jax.random.normal(k, shape, dtype=jnp.float32) * (1.0 / np.sqrt(fan))

    inp = {}
    inp['x'] = jax.random.normal(ks[0], (N, D_IN), dtype=jnp.float32)
    inp['edge_index_o'] = jax.random.randint(ks[1], (2, E), 0, N, dtype=jnp.int32)
    inp['edge_index_s'] = jax.random.randint(ks[2], (2, E), 0, N, dtype=jnp.int32)
    inp['W_o1'] = glorot(ks[3], (D_IN, H1)); inp['as_o1'] = glorot(ks[4], (H1,)); inp['ad_o1'] = glorot(ks[5], (H1,)); inp['b_o1'] = jnp.zeros((H1,), jnp.float32)
    inp['W_s1'] = glorot(ks[6], (D_IN, H1)); inp['as_s1'] = glorot(ks[7], (H1,)); inp['ad_s1'] = glorot(ks[8], (H1,)); inp['b_s1'] = jnp.zeros((H1,), jnp.float32)
    inp['W_o2'] = glorot(ks[9], (2 * H1, H2)); inp['as_o2'] = glorot(ks[10], (H2,)); inp['ad_o2'] = glorot(ks[11], (H2,)); inp['b_o2'] = jnp.zeros((H2,), jnp.float32)
    inp['W_s2'] = glorot(ks[12], (2 * H1, H2)); inp['as_s2'] = glorot(ks[13], (H2,)); inp['ad_s2'] = glorot(ks[14], (H2,)); inp['b_s2'] = jnp.zeros((H2,), jnp.float32)
    inp['W_pred'] = glorot(ks[15], (2 * H2, EMB)); inp['b_pred'] = jnp.zeros((EMB,), jnp.float32)
    return inp


def reference(x, edge_index_o, edge_index_s, W_o1, as_o1, ad_o1, b_o1, W_s1, as_s1, ad_s1, b_s1, W_o2, as_o2, ad_o2, b_o2, W_s2, as_s2, ad_s2, b_s2, W_pred, b_pred):
    so, do = edge_index_o[0], edge_index_o[1]
    ss, ds = edge_index_s[0], edge_index_s[1]
    # dropout is identity in eval mode (training=False)
    x1_o = jax.nn.relu(gat_conv(x, so, do, W_o1, as_o1, ad_o1, b_o1))
    x1_s = jax.nn.relu(gat_conv(x, ss, ds, W_s1, as_s1, ad_s1, b_s1))
    x1 = jnp.concatenate([x1_o, x1_s], axis=1)
    x2_o = gat_conv(x1, so, do, W_o2, as_o2, ad_o2, b_o2)
    x2_s = gat_conv(x1, ss, ds, W_s2, as_s2, ad_s2, b_s2)
    x2 = jnp.concatenate([x2_o, x2_s], axis=1)
    return x2 @ W_pred + b_pred

if __name__ == "__main__":
    import jax
    _d = setup_inputs()
    print(jax.jit(kernel)(*tuple(_d.values())))

</pallas_src>

<mosaic_0001>
#map = affine_map<(d0, d1) -> (0, 0)>
#map1 = affine_map<(d0, d1) -> (0)>
module attributes {stable_mosaic.version = 14 : i64} {
  func.func @_edge_body(%arg0: i32, %arg1: i32, %arg2: memref<20480x128xf32, #tpu.memory_space<hbm>>, %arg3: memref<20480xf32, #tpu.memory_space<hbm>>, %arg4: memref<20480xf32, #tpu.memory_space<hbm>>, %arg5: memref<32x20736xi32, #tpu.memory_space<hbm>>, %arg6: memref<32x20736xi32, #tpu.memory_space<hbm>>, %arg7: memref<20480x128xf32, #tpu.memory_space<hbm>>, %arg8: memref<32x10240xf32, #tpu.memory_space<hbm>>, %arg9: memref<10240x128xf32, #tpu.memory_space<vmem_shared>>, %arg10: memref<10240xf32, #tpu.memory_space<vmem>>, %arg11: memref<10240xf32, #tpu.memory_space<vmem>>, %arg12: memref<10240xf32, #tpu.memory_space<vmem>>, %arg13: memref<768xi32, #tpu.memory_space<vmem>>, %arg14: memref<768xi32, #tpu.memory_space<vmem>>, %arg15: memref<64xi32, #tpu.memory_space<vmem>>, %arg16: memref<64xi32, #tpu.memory_space<vmem>>, %arg17: memref<64xi32, #tpu.memory_space<vmem>>, %arg18: memref<64xf32, #tpu.memory_space<vmem>>, %arg19: memref<64x128xf32, #tpu.memory_space<vmem>>, %arg20: memref<64x128xf32, #tpu.memory_space<vmem>>, %arg21: memref<!tpu.dma_semaphore, #tpu.memory_space<semaphore_mem>>, %arg22: memref<!tpu.dma_semaphore, #tpu.memory_space<semaphore_mem>>) attributes {dimension_semantics = [#tpu.dimension_semantics<core_parallel>, #tpu.dimension_semantics<subcore_parallel>], iteration_bounds = array<i64: 2, 16>, scalar_prefetch = 0 : i64, scratch_operands = 14 : i64, tpu.core_type = #tpu.core_type<sc_vector_subcore>, window_params = [{transform_indices = #map}, {transform_indices = #map1}, {transform_indices = #map1}, {transform_indices = #map}, {transform_indices = #map}, {transform_indices = #map}, {transform_indices = #map}]} {
    %mul3A = arith.constant 16 : i32
    %mul3A_0 = arith.muli %arg0, %mul3A : i32
    %add3A = arith.addi %mul3A_0, %arg1 : i32
    %mul3A_1 = arith.constant 10240 : i32
    %mul3A_2 = arith.muli %arg0, %mul3A_1 : i32
    "tpu.region"() ({
      %run_scoped3A = tpu.sem_alloc : memref<!tpu.dma_semaphore, #tpu.memory_space<semaphore_mem>>
      %dma_start3A = tpu.memref_slice %arg3[%mul3A_2] : memref<20480xf32, #tpu.memory_space<hbm>> -> memref<10240xf32, #tpu.memory_space<hbm>>
      %dma_start3A_34 = tpu.memref_slice %arg3[%mul3A_2] : memref<20480xf32, #tpu.memory_space<hbm>> -> memref<10240xf32, #tpu.memory_space<hbm>>
      tpu.enqueue_dma source(%dma_start3A_34 : memref<10240xf32, #tpu.memory_space<hbm>>) target(%arg10 : memref<10240xf32, #tpu.memory_space<vmem>>) target_semaphore(%run_scoped3A : memref<!tpu.dma_semaphore, #tpu.memory_space<semaphore_mem>>)
      %dma_wait3A_35 = tpu.memref_slice %arg3[%mul3A_2] : memref<20480xf32, #tpu.memory_space<hbm>> -> memref<10240xf32, #tpu.memory_space<hbm>>
      %dma_wait3A_36 = tpu.memref_slice %arg3[%mul3A_2] : memref<20480xf32, #tpu.memory_space<hbm>> -> memref<10240xf32, #tpu.memory_space<hbm>>
      tpu.wait_dma2 semaphore(%run_scoped3A : memref<!tpu.dma_semaphore, #tpu.memory_space<semaphore_mem>>) src(%dma_wait3A_36 : memref<10240xf32, #tpu.memory_space<hbm>>) dst(%arg10 : memref<10240xf32, #tpu.memory_space<vmem>>)
      tpu.yield
    }) : () -> ()
    "tpu.region"() ({
      %run_scoped3A = tpu.sem_alloc : memref<!tpu.dma_semaphore, #tpu.memory_space<semaphore_mem>>
      %dma_start3A = tpu.memref_slice %arg4[%mul3A_2] : memref<20480xf32, #tpu.memory_space<hbm>> -> memref<10240xf32, #tpu.memory_space<hbm>>
      %dma_start3A_34 = tpu.memref_slice %arg4[%mul3A_2] : memref<20480xf32, #tpu.memory_space<hbm>> -> memref<10240xf32, #tpu.memory_space<hbm>>
      tpu.enqueue_dma source(%dma_start3A_34 : memref<10240xf32, #tpu.memory_space<hbm>>) target(%arg11 : memref<10240xf32, #tpu.memory_space<vmem>>) target_semaphore(%run_scoped3A : memref<!tpu.dma_semaphore, #tpu.memory_space<semaphore_mem>>)
      %dma_wait3A_35 = tpu.memref_slice %arg4[%mul3A_2] : memref<20480xf32, #tpu.memory_space<hbm>> -> memref<10240xf32, #tpu.memory_space<hbm>>
      %dma_wait3A_36 = tpu.memref_slice %arg4[%mul3A_2] : memref<20480xf32, #tpu.memory_space<hbm>> -> memref<10240xf32, #tpu.memory_space<hbm>>
      tpu.wait_dma2 semaphore(%run_scoped3A : memref<!tpu.dma_semaphore, #tpu.memory_space<semaphore_mem>>) src(%dma_wait3A_36 : memref<10240xf32, #tpu.memory_space<hbm>>) dst(%arg11 : memref<10240xf32, #tpu.memory_space<vmem>>)
      tpu.yield
    }) : () -> ()
    %broadcast_in_dim3A = arith.constant 0.000000e+00 : f32
    %broadcast_in_dim3A_3 = vector.broadcast %broadcast_in_dim3A : f32 to vector<16xf32>
    %scan3A = arith.constant 0 : i32
    %scan3A_4 = arith.constant 64 : i32
    %scan3A_5 = arith.addi %scan3A, %scan3A_4 : i32
    %scan3A_6 = arith.constant 1 : i32
    scf.for %scan3A_34 = %scan3A to %scan3A_5 step %scan3A_6  : i32 {
      %mul3A_35 = arith.constant 1 : i32
      %mul3A_36 = arith.muli %scan3A_34, %mul3A_35 : i32
      %add3A_37 = arith.constant 0 : i32
      %add3A_38 = arith.addi %add3A_37, %mul3A_36 : i32
      %swap3A = arith.index_cast %add3A_38 : i32 to index
      %swap3A_39 = arith.constant 0 : index
      %swap3A_40 = tpu.vector_load %arg19[%swap3A, %swap3A_39] {strides = array<i32>} : memref<64x128xf32, #tpu.memory_space<vmem>>, vector<16xf32>,
      tpu.vector_store %arg19[%swap3A, %swap3A_39], %broadcast_in_dim3A_3 {strides = array<i32>} : memref<64x128xf32, #tpu.memory_space<vmem>>, vector<16xf32>,
      %swap3A_41 = arith.index_cast %add3A_38 : i32 to index
      %swap3A_42 = arith.constant 16 : index
      %swap3A_43 = tpu.vector_load %arg19[%swap3A_41, %swap3A_42] {strides = array<i32>} : memref<64x128xf32, #tpu.memory_space<vmem>>, vector<16xf32>,
      tpu.vector_store %arg19[%swap3A_41, %swap3A_42], %broadcast_in_dim3A_3 {strides = array<i32>} : memref<64x128xf32, #tpu.memory_space<vmem>>, vector<16xf32>,
      %swap3A_44 = arith.index_cast %add3A_38 : i32 to index
      %swap3A_45 = arith.constant 32 : index
      %swap3A_46 = tpu.vector_load %arg19[%swap3A_44, %swap3A_45] {strides = array<i32>} : memref<64x128xf32, #tpu.memory_space<vmem>>, vector<16xf32>,
      tpu.vector_store %arg19[%swap3A_44, %swap3A_45], %broadcast_in_dim3A_3 {strides = array<i32>} : memref<64x128xf32, #tpu.memory_space<vmem>>, vector<16xf32>,
      %swap3A_47 = arith.index_cast %add3A_38 : i32 to index
      %swap3A_48 = arith.constant 48 : index
      %swap3A_49 = tpu.vector_load %arg19[%swap3A_47, %swap3A_48] {strides = array<i32>} : memref<64x128xf32, #tpu.memory_space<vmem>>, vector<16xf32>,
      tpu.vector_store %arg19[%swap3A_47, %swap3A_48], %broadcast_in_dim3A_3 {strides = array<i32>} : memref<64x128xf32, #tpu.memory_space<vmem>>, vector<16xf32>,
      %swap3A_50 = arith.index_cast %add3A_38 : i32 to index
      %swap3A_51 = arith.constant 64 : index
      %swap3A_52 = tpu.vector_load %arg19[%swap3A_50, %swap3A_51] {strides = array<i32>} : memref<64x128xf32, #tpu.memory_space<vmem>>, vector<16xf32>,
      tpu.vector_store %arg19[%swap3A_50, %swap3A_51], %broadcast_in_dim3A_3 {strides = array<i32>} : memref<64x128xf32, #tpu.memory_space<vmem>>, vector<16xf32>,
      %swap3A_53 = arith.index_cast %add3A_38 : i32 to index
      %swap3A_54 = arith.constant 80 : index
      %swap3A_55 = tpu.vector_load %arg19[%swap3A_53, %swap3A_54] {strides = array<i32>} : memref<64x128xf32, #tpu.memory_space<vmem>>, vector<16xf32>,
      tpu.vector_store %arg19[%swap3A_53, %swap3A_54], %broadcast_in_dim3A_3 {strides = array<i32>} : memref<64x128xf32, #tpu.memory_space<vmem>>, vector<16xf32>,
      %swap3A_56 = arith.index_cast %add3A_38 : i32 to index
      %swap3A_57 = arith.constant 96 : index
      %swap3A_58 = tpu.vector_load %arg19[%swap3A_56, %swap3A_57] {strides = array<i32>} : memref<64x128xf32, #tpu.memory_space<vmem>>, vector<16xf32>,
      tpu.vector_store %arg19[%swap3A_56, %swap3A_57], %broadcast_in_dim3A_3 {strides = array<i32>} : memref<64x128xf32, #tpu.memory_space<vmem>>, vector<16xf32>,
      %swap3A_59 = arith.index_cast %add3A_38 : i32 to index
      %swap3A_60 = arith.constant 112 : index
      %swap3A_61 = tpu.vector_load %arg19[%swap3A_59, %swap3A_60] {strides = array<i32>} : memref<64x128xf32, #tpu.memory_space<vmem>>, vector<16xf32>,
      tpu.vector_store %arg19[%swap3A_59, %swap3A_60], %broadcast_in_dim3A_3 {strides = array<i32>} : memref<64x128xf32, #tpu.memory_space<vmem>>, vector<16xf32>,
    }
    %scan3A_7 = arith.constant 64 : i32
    %scan3A_8 = arith.constant 0 : i32
    %scan3A_9 = arith.constant 640 : i32
    %scan3A_10 = arith.addi %scan3A_8, %scan3A_9 : i32
    %scan3A_11 = arith.constant 1 : i32
    scf.for %scan3A_34 = %scan3A_8 to %scan3A_10 step %scan3A_11  : i32 {
      %mul3A_35 = arith.constant 1 : i32
      %mul3A_36 = arith.muli %scan3A_34, %mul3A_35 : i32
      %add3A_37 = arith.constant 0 : i32
      %add3A_38 = arith.addi %add3A_37, %mul3A_36 : i32
      %mul3A_39 = arith.constant 16 : i32
      %mul3A_40 = arith.muli %add3A_38, %mul3A_39 : i32
      %swap3A = arith.index_cast %mul3A_40 : i32 to index
      %swap3A_41 = tpu.vector_load %arg12[%swap3A] {strides = array<i32>} : memref<10240xf32, #tpu.memory_space<vmem>>, vector<16xf32>,
      tpu.vector_store %arg12[%swap3A], %broadcast_in_dim3A_3 {strides = array<i32>} : memref<10240xf32, #tpu.memory_space<vmem>>, vector<16xf32>,
    }
    %scan3A_12 = arith.constant 640 : i32
    %scan3A_13 = arith.constant 0 : i32
    %scan3A_14 = arith.constant 10 : i32
    %scan3A_15 = arith.addi %scan3A_13, %scan3A_14 : i32
    %scan3A_16 = arith.constant 1 : i32
    scf.for %scan3A_34 = %scan3A_13 to %scan3A_15 step %scan3A_16  : i32 {
      %mul3A_35 = arith.constant 1 : i32
      %mul3A_36 = arith.muli %scan3A_34, %mul3A_35 : i32
      %add3A_37 = arith.constant 0 : i32
      %add3A_38 = arith.addi %add3A_37, %mul3A_36 : i32
      %mul3A_39 = arith.constant 640 : i32
      %mul3A_40 = arith.muli %arg1, %mul3A_39 : i32
      %mul3A_41 = arith.constant 64 : i32
      %mul3A_42 = arith.muli %add3A_38, %mul3A_41 : i32
      %add3A_43 = arith.addi %mul3A_40, %mul3A_42 : i32
      "tpu.region"() ({
        %run_scoped3A = tpu.sem_alloc : memref<!tpu.dma_semaphore, #tpu.memory_space<semaphore_mem>>
        %dma_start3A = arith.constant 0 : i32
        %dma_start3A_44 = tpu.memref_slice %arg9[%add3A_43, %dma_start3A] : memref<10240x128xf32, #tpu.memory_space<vmem_shared>> -> memref<64x128xf32, #tpu.memory_space<vmem_shared>>
        %dma_start3A_45 = arith.constant 0 : i32
        %dma_start3A_46 = tpu.memref_slice %arg9[%add3A_43, %dma_start3A_45] : memref<10240x128xf32, #tpu.memory_space<vmem_shared>> -> memref<64x128xf32, #tpu.memory_space<vmem_shared>>
        tpu.enqueue_dma source(%arg19 : memref<64x128xf32, #tpu.memory_space<vmem>>) target(%dma_start3A_46 : memref<64x128xf32, #tpu.memory_space<vmem_shared>>) target_semaphore(%run_scoped3A : memref<!tpu.dma_semaphore, #tpu.memory_space<semaphore_mem>>)
        %dma_wait3A_47 = arith.constant 0 : i32
        %dma_wait3A_48 = tpu.memref_slice %arg9[%add3A_43, %dma_wait3A_47] : memref<10240x128xf32, #tpu.memory_space<vmem_shared>> -> memref<64x128xf32, #tpu.memory_space<vmem_shared>>
        %dma_wait3A_49 = arith.constant 0 : i32
        %dma_wait3A_50 = tpu.memref_slice %arg9[%add3A_43, %dma_wait3A_49] : memref<10240x128xf32, #tpu.memory_space<vmem_shared>> -> memref<64x128xf32, #tpu.memory_space<vmem_shared>>
        tpu.wait_dma2 semaphore(%run_scoped3A : memref<!tpu.dma_semaphore, #tpu.memory_space<semaphore_mem>>) src(%arg19 : memref<64x128xf32, #tpu.memory_space<vmem>>) dst(%dma_wait3A_50 : memref<64x128xf32, #tpu.memory_space<vmem_shared>>)
        tpu.yield
      }) : () -> ()
    }
    %scan3A_17 = arith.constant 10 : i32
    %barrier3A = arith.constant 0 : index
    tpu.barrier barrier_id(%barrier3A)
    %scan3A_18 = arith.constant 0 : i32
    %scan3A_19 = arith.constant 27 : i32
    %scan3A_20 = arith.addi %scan3A_18, %scan3A_19 : i32
    %scan3A_21 = arith.constant 1 : i32
    scf.for %scan3A_34 = %scan3A_18 to %scan3A_20 step %scan3A_21  : i32 {
      %mul3A_35 = arith.constant 1 : i32
      %mul3A_36 = arith.muli %scan3A_34, %mul3A_35 : i32
      %add3A_37 = arith.constant 0 : i32
      %add3A_38 = arith.addi %add3A_37, %mul3A_36 : i32
      %mul3A_39 = arith.constant 12 : i32
      %mul3A_40 = arith.muli %add3A_38, %mul3A_39 : i32
      %mul3A_41 = arith.constant 64 : i32
      %mul3A_42 = arith.muli %mul3A_40, %mul3A_41 : i32
      "tpu.region"() ({
        %run_scoped3A = tpu.sem_alloc : memref<!tpu.dma_semaphore, #tpu.memory_space<semaphore_mem>>
        %dma_start3A = tpu.memref_slice %arg5[%add3A, %mul3A_42] : memref<32x20736xi32, #tpu.memory_space<hbm>> -> memref<1x768xi32, #tpu.memory_space<hbm>>
        %dma_start3A_48 = tpu.memref_squeeze %dma_start3A : memref<1x768xi32, #tpu.memory_space<hbm>> -> memref<768xi32, #tpu.memory_space<hbm>>
        %dma_start3A_49 = tpu.memref_slice %arg5[%add3A, %mul3A_42] : memref<32x20736xi32, #tpu.memory_space<hbm>> -> memref<1x768xi32, #tpu.memory_space<hbm>>
        %dma_start3A_50 = tpu.memref_squeeze %dma_start3A_49 : memref<1x768xi32, #tpu.memory_space<hbm>> -> memref<768xi32, #tpu.memory_space<hbm>>
        tpu.enqueue_dma source(%dma_start3A_50 : memref<768xi32, #tpu.memory_space<hbm>>) target(%arg13 : memref<768xi32, #tpu.memory_space<vmem>>) target_semaphore(%run_scoped3A : memref<!tpu.dma_semaphore, #tpu.memory_space<semaphore_mem>>)
        %dma_wait3A_51 = tpu.memref_slice %arg5[%add3A, %mul3A_42] : memref<32x20736xi32, #tpu.memory_space<hbm>> -> memref<1x768xi32, #tpu.memory_space<hbm>>
        %dma_wait3A_52 = tpu.memref_squeeze %dma_wait3A_51 : memref<1x768xi32, #tpu.memory_space<hbm>> -> memref<768xi32, #tpu.memory_space<hbm>>
        %dma_wait3A_53 = tpu.memref_slice %arg5[%add3A, %mul3A_42] : memref<32x20736xi32, #tpu.memory_space<hbm>> -> memref<1x768xi32, #tpu.memory_space<hbm>>
        %dma_wait3A_54 = tpu.memref_squeeze %dma_wait3A_53 : memref<1x768xi32, #tpu.memory_space<hbm>> -> memref<768xi32, #tpu.memory_space<hbm>>
        tpu.wait_dma2 semaphore(%run_scoped3A : memref<!tpu.dma_semaphore, #tpu.memory_space<semaphore_mem>>) src(%dma_wait3A_54 : memref<768xi32, #tpu.memory_space<hbm>>) dst(%arg13 : memref<768xi32, #tpu.memory_space<vmem>>)
        tpu.yield
      }) : () -> ()
      "tpu.region"() ({
        %run_scoped3A = tpu.sem_alloc : memref<!tpu.dma_semaphore, #tpu.memory_space<semaphore_mem>>
        %dma_start3A = tpu.memref_slice %arg6[%add3A, %mul3A_42] : memref<32x20736xi32, #tpu.memory_space<hbm>> -> memref<1x768xi32, #tpu.memory_space<hbm>>
        %dma_start3A_48 = tpu.memref_squeeze %dma_start3A : memref<1x768xi32, #tpu.memory_space<hbm>> -> memref<768xi32, #tpu.memory_space<hbm>>
        %dma_start3A_49 = tpu.memref_slice %arg6[%add3A, %mul3A_42] : memref<32x20736xi32, #tpu.memory_space<hbm>> -> memref<1x768xi32, #tpu.memory_space<hbm>>
        %dma_start3A_50 = tpu.memref_squeeze %dma_start3A_49 : memref<1x768xi32, #tpu.memory_space<hbm>> -> memref<768xi32, #tpu.memory_space<hbm>>
        tpu.enqueue_dma source(%dma_start3A_50 : memref<768xi32, #tpu.memory_space<hbm>>) target(%arg14 : memref<768xi32, #tpu.memory_space<vmem>>) target_semaphore(%run_scoped3A : memref<!tpu.dma_semaphore, #tpu.memory_space<semaphore_mem>>)
        %dma_wait3A_51 = tpu.memref_slice %arg6[%add3A, %mul3A_42] : memref<32x20736xi32, #tpu.memory_space<hbm>> -> memref<1x768xi32, #tpu.memory_space<hbm>>
        %dma_wait3A_52 = tpu.memref_squeeze %dma_wait3A_51 : memref<1x768xi32, #tpu.memory_space<hbm>> -> memref<768xi32, #tpu.memory_space<hbm>>
        %dma_wait3A_53 = tpu.memref_slice %arg6[%add3A, %mul3A_42] : memref<32x20736xi32, #tpu.memory_space<hbm>> -> memref<1x768xi32, #tpu.memory_space<hbm>>
        %dma_wait3A_54 = tpu.memref_squeeze %dma_wait3A_53 : memref<1x768xi32, #tpu.memory_space<hbm>> -> memref<768xi32, #tpu.memory_space<hbm>>
        tpu.wait_dma2 semaphore(%run_scoped3A : memref<!tpu.dma_semaphore, #tpu.memory_space<semaphore_mem>>) src(%dma_wait3A_54 : memref<768xi32, #tpu.memory_space<hbm>>) dst(%arg14 : memref<768xi32, #tpu.memory_space<vmem>>)
        tpu.yield
      }) : () -> ()
      %scan3A_43 = arith.constant 0 : i32
      %scan3A_44 = arith.constant 6 : i32
      %scan3A_45 = arith.addi %scan3A_43, %scan3A_44 : i32
      %scan3A_46 = arith.constant 1 : i32
      scf.for %scan3A_48 = %scan3A_43 to %scan3A_45 step %scan3A_46  : i32 {
        %mul3A_49 = arith.constant 1 : i32
        %mul3A_50 = arith.muli %scan3A_48, %mul3A_49 : i32
        %add3A_51 = arith.constant 0 : i32
        %add3A_52 = arith.addi %add3A_51, %mul3A_50 : i32
        %mul3A_53 = arith.constant 2 : i32
        %mul3A_54 = arith.muli %add3A_52, %mul3A_53 : i32
        %add3A_55 = arith.constant 0 : i32
        %add3A_56 = arith.addi %mul3A_54, %add3A_55 : i32
        %mul3A_57 = arith.constant 64 : i32
        %mul3A_58 = arith.muli %add3A_56, %mul3A_57 : i32
        %mul3A_59 = arith.constant 12 : i32
        %mul3A_60 = arith.muli %add3A_38, %mul3A_59 : i32
        %add3A_61 = arith.addi %mul3A_60, %add3A_56 : i32
        %add3A_62 = arith.constant 0 : i32
        %add3A_63 = arith.addi %mul3A_58, %add3A_62 : i32
        %get3A = arith.index_cast %add3A_63 : i32 to index
        %get3A_64 = tpu.vector_load %arg13[%get3A] {strides = array<i32>} : memref<768xi32, #tpu.memory_space<vmem>>, vector<16xi32>,
        %add3A_65 = vector.broadcast %mul3A_2 : i32 to vector<16xi32>
        %add3A_66 = arith.addi %get3A_64, %add3A_65 : vector<16xi32>
        %swap3A = arith.constant 0 : index
        %swap3A_67 = tpu.vector_load %arg15[%swap3A] {strides = array<i32>} : memref<64xi32, #tpu.memory_space<vmem>>, vector<16xi32>,
        tpu.vector_store %arg15[%swap3A], %add3A_66 {strides = array<i32>} : memref<64xi32, #tpu.memory_space<vmem>>, vector<16xi32>,
        %add3A_68 = arith.constant 16 : i32
        %add3A_69 = arith.addi %mul3A_58, %add3A_68 : i32
        %get3A_70 = arith.index_cast %add3A_69 : i32 to index
        %get3A_71 = tpu.vector_load %arg13[%get3A_70] {strides = array<i32>} : memref<768xi32, #tpu.memory_space<vmem>>, vector<16xi32>,
        %add3A_72 = vector.broadcast %mul3A_2 : i32 to vector<16xi32>
        %add3A_73 = arith.addi %get3A_71, %add3A_72 : vector<16xi32>
        %swap3A_74 = arith.constant 16 : index
        %swap3A_75 = tpu.vector_load %arg15[%swap3A_74] {strides = array<i32>} : memref<64xi32, #tpu.memory_space<vmem>>, vector<16xi32>,
        tpu.vector_store %arg15[%swap3A_74], %add3A_73 {strides = array<i32>} : memref<64xi32, #tpu.memory_space<vmem>>, vector<16xi32>,
        %add3A_76 = arith.constant 32 : i32
        %add3A_77 = arith.addi %mul3A_58, %add3A_76 : i32
        %get3A_78 = arith.index_cast %add3A_77 : i32 to index
        %get3A_79 = tpu.vector_load %arg13[%get3A_78] {strides = array<i32>} : memref<768xi32, #tpu.memory_space<vmem>>, vector<16xi32>,
        %add3A_80 = vector.broadcast %mul3A_2 : i32 to vector<16xi32>
        %add3A_81 = arith.addi %get3A_79, %add3A_80 : vector<16xi32>
        %swap3A_82 = arith.constant 32 : index
        %swap3A_83 = tpu.vector_load %arg15[%swap3A_82] {strides = array<i32>} : memref<64xi32, #tpu.memory_space<vmem>>, vector<16xi32>,
        tpu.vector_store %arg15[%swap3A_82], %add3A_81 {strides = array<i32>} : memref<64xi32, #tpu.memory_space<vmem>>, vector<16xi32>,
        %add3A_84 = arith.constant 48 : i32
        %add3A_85 = arith.addi %mul3A_58, %add3A_84 : i32
        %get3A_86 = arith.index_cast %add3A_85 : i32 to index
        %get3A_87 = tpu.vector_load %arg13[%get3A_86] {strides = array<i32>} : memref<768xi32, #tpu.memory_space<vmem>>, vector<16xi32>,
        %add3A_88 = vector.broadcast %mul3A_2 : i32 to vector<16xi32>
        %add3A_89 = arith.addi %get3A_87, %add3A_88 : vector<16xi32>
        %swap3A_90 = arith.constant 48 : index
        %swap3A_91 = tpu.vector_load %arg15[%swap3A_90] {strides = array<i32>} : memref<64xi32, #tpu.memory_space<vmem>>, vector<16xi32>,
        tpu.vector_store %arg15[%swap3A_90], %add3A_89 {strides = array<i32>} : memref<64xi32, #tpu.memory_space<vmem>>, vector<16xi32>,
        %ge3A = arith.constant 2 : i32
        %ge3A_92 = arith.cmpi sge, %add3A_61, %ge3A : i32
        %convert_element_type3A = arith.extui %ge3A_92 : i1 to i32
        %cond3A = arith.constant 0 : i32
        %cond3A_93 = arith.cmpi ne, %convert_element_type3A, %cond3A : i32
        scf.if %cond3A_93 {
          %dma_wait3A_331 = arith.constant 0 : i32
          %dma_wait3A_332 = arith.constant 0 : i32
          %dma_wait3A_333 = tpu.memref_slice %arg9[%dma_wait3A_331, %dma_wait3A_332] : memref<10240x128xf32, #tpu.memory_space<vmem_shared>> -> memref<10240x128xf32, #tpu.memory_space<vmem_shared>>
          tpu.wait_indirect_dma semaphore(%arg22 : memref<!tpu.dma_semaphore, #tpu.memory_space<semaphore_mem>>) src(%arg19 : memref<64x128xf32, #tpu.memory_space<vmem>>) dst(%dma_wait3A_333 : memref<10240x128xf32, #tpu.memory_space<vmem_shared>>)
        } else {
        }
        %dma_start3A = arith.constant 0 : i32
        %dma_start3A_94 = arith.constant 0 : i32
        %dma_start3A_95 = tpu.memref_slice %arg2[%dma_start3A, %dma_start3A_94] : memref<20480x128xf32, #tpu.memory_space<hbm>> -> memref<20480x128xf32, #tpu.memory_space<hbm>>
        tpu.enqueue_indirect_dma source(%dma_start3A_95 : memref<20480x128xf32, #tpu.memory_space<hbm>>) target(%arg19 : memref<64x128xf32, #tpu.memory_space<vmem>>) offsets(%arg15 : memref<64xi32, #tpu.memory_space<vmem>>) semaphore(%arg21 : memref<!tpu.dma_semaphore, #tpu.memory_space<semaphore_mem>>)
        %add3A_96 = arith.constant 0 : i32
        %add3A_97 = arith.addi %mul3A_58, %add3A_96 : i32
        %get3A_98 = arith.index_cast %add3A_97 : i32 to index
        %get3A_99 = tpu.vector_load %arg13[%get3A_98] {strides = array<i32>} : memref<768xi32, #tpu.memory_space<vmem>>, vector<16xi32>,
        %get3A_100 = arith.index_cast %add3A_97 : i32 to index
        %get3A_101 = tpu.vector_load %arg14[%get3A_100] {strides = array<i32>} : memref<768xi32, #tpu.memory_space<vmem>>, vector<16xi32>,
        %swap3A_102 = arith.constant 0 : index
        %swap3A_103 = tpu.vector_load %arg16[%swap3A_102] {strides = array<i32>} : memref<64xi32, #tpu.memory_space<vmem>>, vector<16xi32>,
        tpu.vector_store %arg16[%swap3A_102], %get3A_101 {strides = array<i32>} : memref<64xi32, #tpu.memory_space<vmem>>, vector<16xi32>,
        %gather3A = tpu.vector_load_idx %arg10[%get3A_99] : memref<10240xf32, #tpu.memory_space<vmem>>[vector<16xi32>], vector<16xf32>,
        %gather3A_104 = tpu.vector_load_idx %arg11[%get3A_101] : memref<10240xf32, #tpu.memory_space<vmem>>[vector<16xi32>], vector<16xf32>,
        %add3A_105 = arith.addf %gather3A, %gather3A_104 : vector<16xf32>
        %gt3A = arith.constant 0.000000e+00 : f32
        %gt3A_106 = vector.broadcast %gt3A : f32 to vector<16xf32>
        %gt3A_107 = arith.cmpf ogt, %add3A_105, %gt3A_106 : vector<16xf32>
        %mul3A_108 = arith.constant 2.000000e-01 : f32
        %mul3A_109 = vector.broadcast %mul3A_108 : f32 to vector<16xf32>
        %mul3A_110 = arith.mulf %mul3A_109, %add3A_105 : vector<16xf32>
        %select_n3A = arith.select %gt3A_107, %add3A_105, %mul3A_110 : vector<16xi1>, vector<16xf32>
        %exp3A = math.exp %select_n3A : vector<16xf32>
        %swap3A_111 = arith.constant 0 : index
        %swap3A_112 = tpu.vector_load %arg18[%swap3A_111] {strides = array<i32>} : memref<64xf32, #tpu.memory_space<vmem>>, vector<16xf32>,
        tpu.vector_store %arg18[%swap3A_111], %exp3A {strides = array<i32>} : memref<64xf32, #tpu.memory_space<vmem>>, vector<16xf32>,
        tpu.vector_store_idx %arg12[%get3A_101], %exp3A {add = true} : memref<10240xf32, #tpu.memory_space<vmem>>[vector<16xi32>], vector<16xf32>,
        %add3A_113 = arith.constant 16 : i32
        %add3A_114 = arith.addi %mul3A_58, %add3A_113 : i32
        %get3A_115 = arith.index_cast %add3A_114 : i32 to index
        %get3A_116 = tpu.vector_load %arg13[%get3A_115] {strides = array<i32>} : memref<768xi32, #tpu.memory_space<vmem>>, vector<16xi32>,
        %get3A_117 = arith.index_cast %add3A_114 : i32 to index
        %get3A_118 = tpu.vector_load %arg14[%get3A_117] {strides = array<i32>} : memref<768xi32, #tpu.memory_space<vmem>>, vector<16xi32>,
        %swap3A_119 = arith.constant 16 : index
        %swap3A_120 = tpu.vector_load %arg16[%swap3A_119] {strides = array<i32>} : memref<64xi32, #tpu.memory_space<vmem>>, vector<16xi32>,
        tpu.vector_store %arg16[%swap3A_119], %get3A_118 {strides = array<i32>} : memref<64xi32, #tpu.memory_space<vmem>>, vector<16xi32>,
        %gather3A_121 = tpu.vector_load_idx %arg10[%get3A_116] : memref<10240xf32, #tpu.memory_space<vmem>>[vector<16xi32>], vector<16xf32>,
        %gather3A_122 = tpu.vector_load_idx %arg11[%get3A_118] : memref<10240xf32, #tpu.memory_space<vmem>>[vector<16xi32>], vector<16xf32>,
        %add3A_123 = arith.addf %gather3A_121, %gather3A_122 : vector<16xf32>
        %gt3A_124 = arith.constant 0.000000e+00 : f32
        %gt3A_125 = vector.broadcast %gt3A_124 : f32 to vector<16xf32>
        %gt3A_126 = arith.cmpf ogt, %add3A_123, %gt3A_125 : vector<16xf32>
        %mul3A_127 = arith.constant 2.000000e-01 : f32
        %mul3A_128 = vector.broadcast %mul3A_127 : f32 to vector<16xf32>
        %mul3A_129 = arith.mulf %mul3A_128, %add3A_123 : vector<16xf32>
        %select_n3A_130 = arith.select %gt3A_126, %add3A_123, %mul3A_129 : vector<16xi1>, vector<16xf32>
        %exp3A_131 = math.exp %select_n3A_130 : vector<16xf32>
        %swap3A_132 = arith.constant 16 : index
        %swap3A_133 = tpu.vector_load %arg18[%swap3A_132] {strides = array<i32>} : memref<64xf32, #tpu.memory_space<vmem>>, vector<16xf32>,
        tpu.vector_store %arg18[%swap3A_132], %exp3A_131 {strides = array<i32>} : memref<64xf32, #tpu.memory_space<vmem>>, vector<16xf32>,
        tpu.vector_store_idx %arg12[%get3A_118], %exp3A_131 {add = true} : memref<10240xf32, #tpu.memory_space<vmem>>[vector<16xi32>], vector<16xf32>,
        %add3A_134 = arith.constant 32 : i32
        %add3A_135 = arith.addi %mul3A_58, %add3A_134 : i32
        %get3A_136 = arith.index_cast %add3A_135 : i32 to index
        %get3A_137 = tpu.vector_load %arg13[%get3A_136] {strides = array<i32>} : memref<768xi32, #tpu.memory_space<vmem>>, vector<16xi32>,
        %get3A_138 = arith.index_cast %add3A_135 : i32 to index
        %get3A_139 = tpu.vector_load %arg14[%get3A_138] {strides = array<i32>} : memref<768xi32, #tpu.memory_space<vmem>>, vector<16xi32>,
        %swap3A_140 = arith.constant 32 : index
        %swap3A_141 = tpu.vector_load %arg16[%swap3A_140] {strides = array<i32>} : memref<64xi32, #tpu.memory_space<vmem>>, vector<16xi32>,
        tpu.vector_store %arg16[%swap3A_140], %get3A_139 {strides = array<i32>} : memref<64xi32, #tpu.memory_space<vmem>>, vector<16xi32>,
        %gather3A_142 = tpu.vector_load_idx %arg10[%get3A_137] : memref<10240xf32, #tpu.memory_space<vmem>>[vector<16xi32>], vector<16xf32>,
        %gather3A_143 = tpu.vector_load_idx %arg11[%get3A_139] : memref<10240xf32, #tpu.memory_space<vmem>>[vector<16xi32>], vector<16xf32>,
        %add3A_144 = arith.addf %gather3A_142, %gather3A_143 : vector<16xf32>
        %gt3A_145 = arith.constant 0.000000e+00 : f32
        %gt3A_146 = vector.broadcast %gt3A_145 : f32 to vector<16xf32>
        %gt3A_147 = arith.cmpf ogt, %add3A_144, %gt3A_146 : vector<16xf32>
        %mul3A_148 = arith.constant 2.000000e-01 : f32
        %mul3A_149 = vector.broadcast %mul3A_148 : f32 to vector<16xf32>
        %mul3A_150 = arith.mulf %mul3A_149, %add3A_144 : vector<16xf32>
        %select_n3A_151 = arith.select %gt3A_147, %add3A_144, %mul3A_150 : vector<16xi1>, vector<16xf32>
        %exp3A_152 = math.exp %select_n3A_151 : vector<16xf32>
        %swap3A_153 = arith.constant 32 : index
        %swap3A_154 = tpu.vector_load %arg18[%swap3A_153] {strides = array<i32>} : memref<64xf32, #tpu.memory_space<vmem>>, vector<16xf32>,
        tpu.vector_store %arg18[%swap3A_153], %exp3A_152 {strides = array<i32>} : memref<64xf32, #tpu.memory_space<vmem>>, vector<16xf32>,
        tpu.vector_store_idx %arg12[%get3A_139], %exp3A_152 {add = true} : memref<10240xf32, #tpu.memory_space<vmem>>[vector<16xi32>], vector<16xf32>,
        %add3A_155 = arith.constant 48 : i32
        %add3A_156 = arith.addi %mul3A_58, %add3A_155 : i32
        %get3A_157 = arith.index_cast %add3A_156 : i32 to index
        %get3A_158 = tpu.vector_load %arg13[%get3A_157] {strides = array<i32>} : memref<768xi32, #tpu.memory_space<vmem>>, vector<16xi32>,
        %get3A_159 = arith.index_cast %add3A_156 : i32 to index
        %get3A_160 = tpu.vector_load %arg14[%get3A_159] {strides = array<i32>} : memref<768xi32, #tpu.memory_space<vmem>>, vector<16xi32>,
        %swap3A_161 = arith.constant 48 : index
        %swap3A_162 = tpu.vector_load %arg16[%swap3A_161] {strides = array<i32>} : memref<64xi32, #tpu.memory_space<vmem>>, vector<16xi32>,
        tpu.vector_store %arg16[%swap3A_161], %get3A_160 {strides = array<i32>} : memref<64xi32, #tpu.memory_space<vmem>>, vector<16xi32>,
        %gather3A_163 = tpu.vector_load_idx %arg10[%get3A_158] : memref<10240xf32, #tpu.memory_space<vmem>>[vector<16xi32>], vector<16xf32>,
        %gather3A_164 = tpu.vector_load_idx %arg11[%get3A_160] : memref<10240xf32, #tpu.memory_space<vmem>>[vector<16xi32>], vector<16xf32>,
        %add3A_165 = arith.addf %gather3A_163, %gather3A_164 : vector<16xf32>
        %gt3A_166 = arith.constant 0.000000e+00 : f32
        %gt3A_167 = vector.broadcast %gt3A_166 : f32 to vector<16xf32>
        %gt3A_168 = arith.cmpf ogt, %add3A_165, %gt3A_167 : vector<16xf32>
        %mul3A_169 = arith.constant 2.000000e-01 : f32
        %mul3A_170 = vector.broadcast %mul3A_169 : f32 to vector<16xf32>
        %mul3A_171 = arith.mulf %mul3A_170, %add3A_165 : vector<16xf32>
        %select_n3A_172 = arith.select %gt3A_168, %add3A_165, %mul3A_171 : vector<16xi1>, vector<16xf32>
        %exp3A_173 = math.exp %select_n3A_172 : vector<16xf32>
        %swap3A_174 = arith.constant 48 : index
        %swap3A_175 = tpu.vector_load %arg18[%swap3A_174] {strides = array<i32>} : memref<64xf32, #tpu.memory_space<vmem>>, vector<16xf32>,
        tpu.vector_store %arg18[%swap3A_174], %exp3A_173 {strides = array<i32>} : memref<64xf32, #tpu.memory_space<vmem>>, vector<16xf32>,
        tpu.vector_store_idx %arg12[%get3A_160], %exp3A_173 {add = true} : memref<10240xf32, #tpu.memory_space<vmem>>[vector<16xi32>], vector<16xf32>,
        %dma_wait3A_176 = arith.constant 0 : i32
        %dma_wait3A_177 = arith.constant 0 : i32
        %dma_wait3A_178 = tpu.memref_slice %arg2[%dma_wait3A_176, %dma_wait3A_177] : memref<20480x128xf32, #tpu.memory_space<hbm>> -> memref<20480x128xf32, #tpu.memory_space<hbm>>
        tpu.wait_indirect_dma semaphore(%arg21 : memref<!tpu.dma_semaphore, #tpu.memory_space<semaphore_mem>>) src(%dma_wait3A_178 : memref<20480x128xf32, #tpu.memory_space<hbm>>) dst(%arg19 : memref<64x128xf32, #tpu.memory_space<vmem>>)
        %scan3A_179 = arith.constant 0 : i32
        %scan3A_180 = arith.constant 64 : i32
        %scan3A_181 = arith.addi %scan3A_179, %scan3A_180 : i32
        %scan3A_182 = arith.constant 8 : i32
        scf.for %scan3A_331 = %scan3A_179 to %scan3A_181 step %scan3A_182  : i32 {
          %mul3A_332 = arith.constant 1 : i32
          %mul3A_333 = arith.muli %scan3A_331, %mul3A_332 : i32
          %add3A_334 = arith.constant 0 : i32
          %add3A_335 = arith.addi %add3A_334, %mul3A_333 : i32
          %broadcast_in_dim3A_336 = vector.broadcast %add3A_335 : i32 to vector<16xi32>
          %gather3A_337 = tpu.vector_load_idx %arg18[%broadcast_in_dim3A_336] : memref<64xf32, #tpu.memory_space<vmem>>[vector<16xi32>], vector<16xf32>,
          %get3A_338 = arith.index_cast %add3A_335 : i32 to index
          %get3A_339 = arith.constant 0 : index
          %get3A_340 = tpu.vector_load %arg19[%get3A_338, %get3A_339] {strides = array<i32>} : memref<64x128xf32, #tpu.memory_space<vmem>>, vector<16xf32>,
          %mul3A_341 = arith.mulf %get3A_340, %gather3A_337 : vector<16xf32>
          %swap3A_342 = arith.index_cast %add3A_335 : i32 to index
          %swap3A_343 = arith.constant 0 : index
          %swap3A_344 = tpu.vector_load %arg19[%swap3A_342, %swap3A_343] {strides = array<i32>} : memref<64x128xf32, #tpu.memory_space<vmem>>, vector<16xf32>,
          tpu.vector_store %arg19[%swap3A_342, %swap3A_343], %mul3A_341 {strides = array<i32>} : memref<64x128xf32, #tpu.memory_space<vmem>>, vector<16xf32>,
          %get3A_345 = arith.index_cast %add3A_335 : i32 to index
          %get3A_346 = arith.constant 16 : index
          %get3A_347 = tpu.vector_load %arg19[%get3A_345, %get3A_346] {strides = array<i32>} : memref<64x128xf32, #tpu.memory_space<vmem>>, vector<16xf32>,
          %mul3A_348 = arith.mulf %get3A_347, %gather3A_337 : vector<16xf32>
          %swap3A_349 = arith.index_cast %add3A_335 : i32 to index
          %swap3A_350 = arith.constant 16 : index
          %swap3A_351 = tpu.vector_load %arg19[%swap3A_349, %swap3A_350] {strides = array<i32>} : memref<64x128xf32, #tpu.memory_space<vmem>>, vector<16xf32>,
          tpu.vector_store %arg19[%swap3A_349, %swap3A_350], %mul3A_348 {strides = array<i32>} : memref<64x128xf32, #tpu.memory_space<vmem>>, vector<16xf32>,
          %get3A_352 = arith.index_cast %add3A_335 : i32 to index
          %get3A_353 = arith.constant 32 : index
          %get3A_354 = tpu.vector_load %arg19[%get3A_352, %get3A_353] {strides = array<i32>} : memref<64x128xf32, #tpu.memory_space<vmem>>, vector<16xf32>,
          %mul3A_355 = arith.mulf %get3A_354, %gather3A_337 : vector<16xf32>
          %swap3A_356 = arith.index_cast %add3A_335 : i32 to index
          %swap3A_357 = arith.constant 32 : index
          %swap3A_358 = tpu.vector_load %arg19[%swap3A_356, %swap3A_357] {strides = array<i32>} : memref<64x128xf32, #tpu.memory_space<vmem>>, vector<16xf32>,
          tpu.vector_store %arg19[%swap3A_356, %swap3A_357], %mul3A_355 {strides = array<i32>} : memref<64x128xf32, #tpu.memory_space<vmem>>, vector<16xf32>,
          %get3A_359 = arith.index_cast %add3A_335 : i32 to index
          %get3A_360 = arith.constant 48 : index
          %get3A_361 = tpu.vector_load %arg19[%get3A_359, %get3A_360] {strides = array<i32>} : memref<64x128xf32, #tpu.memory_space<vmem>>, vector<16xf32>,
          %mul3A_362 = arith.mulf %get3A_361, %gather3A_337 : vector<16xf32>
          %swap3A_363 = arith.index_cast %add3A_335 : i32 to index
          %swap3A_364 = arith.constant 48 : index
          %swap3A_365 = tpu.vector_load %arg19[%swap3A_363, %swap3A_364] {strides = array<i32>} : memref<64x128xf32, #tpu.memory_space<vmem>>, vector<16xf32>,
          tpu.vector_store %arg19[%swap3A_363, %swap3A_364], %mul3A_362 {strides = array<i32>} : memref<64x128xf32, #tpu.memory_space<vmem>>, vector<16xf32>,
          %get3A_366 = arith.index_cast %add3A_335 : i32 to index
          %get3A_367 = arith.constant 64 : index
          %get3A_368 = tpu.vector_load %arg19[%get3A_366, %get3A_367] {strides = array<i32>} : memref<64x128xf32, #tpu.memory_space<vmem>>, vector<16xf32>,
          %mul3A_369 = arith.mulf %get3A_368, %gather3A_337 : vector<16xf32>
          %swap3A_370 = arith.index_cast %add3A_335 : i32 to index
          %swap3A_371 = arith.constant 64 : index
          %swap3A_372 = tpu.vector_load %arg19[%swap3A_370, %swap3A_371] {strides = array<i32>} : memref<64x128xf32, #tpu.memory_space<vmem>>, vector<16xf32>,
          tpu.vector_store %arg19[%swap3A_370, %swap3A_371], %mul3A_369 {strides = array<i32>} : memref<64x128xf32, #tpu.memory_space<vmem>>, vector<16xf32>,
          %get3A_373 = arith.index_cast %add3A_335 : i32 to index
          %get3A_374 = arith.constant 80 : index
          %get3A_375 = tpu.vector_load %arg19[%get3A_373, %get3A_374] {strides = array<i32>} : memref<64x128xf32, #tpu.memory_space<vmem>>, vector<16xf32>,
          %mul3A_376 = arith.mulf %get3A_375, %gather3A_337 : vector<16xf32>
          %swap3A_377 = arith.index_cast %add3A_335 : i32 to index
          %swap3A_378 = arith.constant 80 : index
          %swap3A_379 = tpu.vector_load %arg19[%swap3A_377, %swap3A_378] {strides = array<i32>} : memref<64x128xf32, #tpu.memory_space<vmem>>, vector<16xf32>,
          tpu.vector_store %arg19[%swap3A_377, %swap3A_378], %mul3A_376 {strides = array<i32>} : memref<64x128xf32, #tpu.memory_space<vmem>>, vector<16xf32>,
          %get3A_380 = arith.index_cast %add3A_335 : i32 to index
          %get3A_381 = arith.constant 96 : index
          %get3A_382 = tpu.vector_load %arg19[%get3A_380, %get3A_381] {strides = array<i32>} : memref<64x128xf32, #tpu.memory_space<vmem>>, vector<16xf32>,
          %mul3A_383 = arith.mulf %get3A_382, %gather3A_337 : vector<16xf32>
          %swap3A_384 = arith.index_cast %add3A_335 : i32 to index
          %swap3A_385 = arith.constant 96 : index
          %swap3A_386 = tpu.vector_load %arg19[%swap3A_384, %swap3A_385] {strides = array<i32>} : memref<64x128xf32, #tpu.memory_space<vmem>>, vector<16xf32>,
          tpu.vector_store %arg19[%swap3A_384, %swap3A_385], %mul3A_383 {strides = array<i32>} : memref<64x128xf32, #tpu.memory_space<vmem>>, vector<16xf32>,
          %get3A_387 = arith.index_cast %add3A_335 : i32 to index
          %get3A_388 = arith.constant 112 : index
          %get3A_389 = tpu.vector_load %arg19[%get3A_387, %get3A_388] {strides = array<i32>} : memref<64x128xf32, #tpu.memory_space<vmem>>, vector<16xf32>,
          %mul3A_390 = arith.mulf %get3A_389, %gather3A_337 : vector<16xf32>
          %swap3A_391 = arith.index_cast %add3A_335 : i32 to index
          %swap3A_392 = arith.constant 112 : index
          %swap3A_393 = tpu.vector_load %arg19[%swap3A_391, %swap3A_392] {strides = array<i32>} : memref<64x128xf32, #tpu.memory_space<vmem>>, vector<16xf32>,
          tpu.vector_store %arg19[%swap3A_391, %swap3A_392], %mul3A_390 {strides = array<i32>} : memref<64x128xf32, #tpu.memory_space<vmem>>, vector<16xf32>,
          %scan3A_394 = arith.constant 1 : i32
          %scan3A_395 = arith.addi %scan3A_331, %scan3A_394 : i32
          %mul3A_396 = arith.constant 1 : i32
          %mul3A_397 = arith.muli %scan3A_395, %mul3A_396 : i32
          %add3A_398 = arith.constant 0 : i32
          %add3A_399 = arith.addi %add3A_398, %mul3A_397 : i32
          %broadcast_in_dim3A_400 = vector.broadcast %add3A_399 : i32 to vector<16xi32>
          %gather3A_401 = tpu.vector_load_idx %arg18[%broadcast_in_dim3A_400] : memref<64xf32, #tpu.memory_space<vmem>>[vector<16xi32>], vector<16xf32>,
          %get3A_402 = arith.index_cast %add3A_399 : i32 to index
          %get3A_403 = arith.constant 0 : index
          %get3A_404 = tpu.vector_load %arg19[%get3A_402, %get3A_403] {strides = array<i32>} : memref<64x128xf32, #tpu.memory_space<vmem>>, vector<16xf32>,
          %mul3A_405 = arith.mulf %get3A_404, %gather3A_401 : vector<16xf32>
          %swap3A_406 = arith.index_cast %add3A_399 : i32 to index
          %swap3A_407 = arith.constant 0 : index
          %swap3A_408 = tpu.vector_load %arg19[%swap3A_406, %swap3A_407] {strides = array<i32>} : memref<64x128xf32, #tpu.memory_space<vmem>>, vector<16xf32>,
          tpu.vector_store %arg19[%swap3A_406, %swap3A_407], %mul3A_405 {strides = array<i32>} : memref<64x128xf32, #tpu.memory_space<vmem>>, vector<16xf32>,
          %get3A_409 = arith.index_cast %add3A_399 : i32 to index
          %get3A_410 = arith.constant 16 : index
          %get3A_411 = tpu.vector_load %arg19[%get3A_409, %get3A_410] {strides = array<i32>} : memref<64x128xf32, #tpu.memory_space<vmem>>, vector<16xf32>,
          %mul3A_412 = arith.mulf %get3A_411, %gather3A_401 : vector<16xf32>
          %swap3A_413 = arith.index_cast %add3A_399 : i32 to index
          %swap3A_414 = arith.constant 16 : index
          %swap3A_415 = tpu.vector_load %arg19[%swap3A_413, %swap3A_414] {strides = array<i32>} : memref<64x128xf32, #tpu.memory_space<vmem>>, vector<16xf32>,
          tpu.vector_store %arg19[%swap3A_413, %swap3A_414], %mul3A_412 {strides = array<i32>} : memref<64x128xf32, #tpu.memory_space<vmem>>, vector<16xf32>,
          %get3A_416 = arith.index_cast %add3A_399 : i32 to index
          %get3A_417 = arith.constant 32 : index
          %get3A_418 = tpu.vector_load %arg19[%get3A_416, %get3A_417] {strides = array<i32>} : memref<64x128xf32, #tpu.memory_space<vmem>>, vector<16xf32>,
          %mul3A_419 = arith.mulf %get3A_418, %gather3A_401 : vector<16xf32>
          %swap3A_420 = arith.index_cast %add3A_399 : i32 to index
          %swap3A_421 = arith.constant 32 : index
          %swap3A_422 = tpu.vector_load %arg19[%swap3A_420, %swap3A_421] {strides = array<i32>} : memref<64x128xf32, #tpu.memory_space<vmem>>, vector<16xf32>,
          tpu.vector_store %arg19[%swap3A_420, %swap3A_421], %mul3A_419 {strides = array<i32>} : memref<64x128xf32, #tpu.memory_space<vmem>>, vector<16xf32>,
          %get3A_423 = arith.index_cast %add3A_399 : i32 to index
          %get3A_424 = arith.constant 48 : index
          %get3A_425 = tpu.vector_load %arg19[%get3A_423, %get3A_424] {strides = array<i32>} : memref<64x128xf32, #tpu.memory_space<vmem>>, vector<16xf32>,
          %mul3A_426 = arith.mulf %get3A_425, %gather3A_401 : vector<16xf32>
          %swap3A_427 = arith.index_cast %add3A_399 : i32 to index
          %swap3A_428 = arith.constant 48 : index
          %swap3A_429 = tpu.vector_load %arg19[%swap3A_427, %swap3A_428] {strides = array<i32>} : memref<64x128xf32, #tpu.memory_space<vmem>>, vector<16xf32>,
          tpu.vector_store %arg19[%swap3A_427, %swap3A_428], %mul3A_426 {strides = array<i32>} : memref<64x128xf32, #tpu.memory_space<vmem>>, vector<16xf32>,
          %get3A_430 = arith.index_cast %add3A_399 : i32 to index
          %get3A_431 = arith.constant 64 : index
          %get3A_432 = tpu.vector_load %arg19[%get3A_430, %get3A_431] {strides = array<i32>} : memref<64x128xf32, #tpu.memory_space<vmem>>, vector<16xf32>,
          %mul3A_433 = arith.mulf %get3A_432, %gather3A_401 : vector<16xf32>
          %swap3A_434 = arith.index_cast %add3A_399 : i32 to index
          %swap3A_435 = arith.constant 64 : index
          %swap3A_436 = tpu.vector_load %arg19[%swap3A_434, %swap3A_435] {strides = array<i32>} : memref<64x128xf32, #tpu.memory_space<vmem>>, vector<16xf32>,
          tpu.vector_store %arg19[%swap3A_434, %swap3A_435], %mul3A_433 {strides = array<i32>} : memref<64x128xf32, #tpu.memory_space<vmem>>, vector<16xf32>,
          %get3A_437 = arith.index_cast %add3A_399 : i32 to index
          %get3A_438 = arith.constant 80 : index
          %get3A_439 = tpu.vector_load %arg19[%get3A_437, %get3A_438] {strides = array<i32>} : memref<64x128xf32, #tpu.memory_space<vmem>>, vector<16xf32>,
          %mul3A_440 = arith.mulf %get3A_439, %gather3A_401 : vector<16xf32>
          %swap3A_441 = arith.index_cast %add3A_399 : i32 to index
          %swap3A_442 = arith.constant 80 : index
          %swap3A_443 = tpu.vector_load %arg19[%swap3A_441, %swap3A_442] {strides = array<i32>} : memref<64x128xf32, #tpu.memory_space<vmem>>, vector<16xf32>,
          tpu.vector_store %arg19[%swap3A_441, %swap3A_442], %mul3A_440 {strides = array<i32>} : memref<64x128xf32, #tpu.memory_space<vmem>>, vector<16xf32>,
          %get3A_444 = arith.index_cast %add3A_399 : i32 to index
          %get3A_445 = arith.constant 96 : index
          %get3A_446 = tpu.vector_load %arg19[%get3A_444, %get3A_445] {strides = array<i32>} : memref<64x128xf32, #tpu.memory_space<vmem>>, vector<16xf32>,
          %mul3A_447 = arith.mulf %get3A_446, %gather3A_401 : vector<16xf32>
          %swap3A_448 = arith.index_cast %add3A_399 : i32 to index
          %swap3A_449 = arith.constant 96 : index
          %swap3A_450 = tpu.vector_load %arg19[%swap3A_448, %swap3A_449] {strides = array<i32>} : memref<64x128xf32, #tpu.memory_space<vmem>>, vector<16xf32>,
          tpu.vector_store %arg19[%swap3A_448, %swap3A_449], %mul3A_447 {strides = array<i32>} : memref<64x128xf32, #tpu.memory_space<vmem>>, vector<16xf32>,
          %get3A_451 = arith.index_cast %add3A_399 : i32 to index
          %get3A_452 = arith.constant 112 : index
          %get3A_453 = tpu.vector_load %arg19[%get3A_451, %get3A_452] {strides = array<i32>} : memref<64x128xf32, #tpu.memory_space<vmem>>, vector<16xf32>,
          %mul3A_454 = arith.mulf %get3A_453, %gather3A_401 : vector<16xf32>
          %swap3A_455 = arith.index_cast %add3A_399 : i32 to index
          %swap3A_456 = arith.constant 112 : index
          %swap3A_457 = tpu.vector_load %arg19[%swap3A_455, %swap3A_456] {strides = array<i32>} : memref<64x128xf32, #tpu.memory_space<vmem>>, vector<16xf32>,
          tpu.vector_store %arg19[%swap3A_455, %swap3A_456], %mul3A_454 {strides = array<i32>} : memref<64x128xf32, #tpu.memory_space<vmem>>, vector<16xf32>,
          %scan3A_458 = arith.constant 2 : i32
          %scan3A_459 = arith.addi %scan3A_331, %scan3A_458 : i32
          %mul3A_460 = arith.constant 1 : i32
          %mul3A_461 = arith.muli %scan3A_459, %mul3A_460 : i32
          %add3A_462 = arith.constant 0 : i32
          %add3A_463 = arith.addi %add3A_462, %mul3A_461 : i32
          %broadcast_in_dim3A_464 = vector.broadcast %add3A_463 : i32 to vector<16xi32>
          %gather3A_465 = tpu.vector_load_idx %arg18[%broadcast_in_dim3A_464] : memref<64xf32, #tpu.memory_space<vmem>>[vector<16xi32>], vector<16xf32>,
          %get3A_466 = arith.index_cast %add3A_463 : i32 to index
          %get3A_467 = arith.constant 0 : index
          %get3A_468 = tpu.vector_load %arg19[%get3A_466, %get3A_467] {strides = array<i32>} : memref<64x128xf32, #tpu.memory_space<vmem>>, vector<16xf32>,
          %mul3A_469 = arith.mulf %get3A_468, %gather3A_465 : vector<16xf32>
          %swap3A_470 = arith.index_cast %add3A_463 : i32 to index
          %swap3A_471 = arith.constant 0 : index
          %swap3A_472 = tpu.vector_load %arg19[%swap3A_470, %swap3A_471] {strides = array<i32>} : memref<64x128xf32, #tpu.memory_space<vmem>>, vector<16xf32>,
          tpu.vector_store %arg19[%swap3A_470, %swap3A_471], %mul3A_469 {strides = array<i32>} : memref<64x128xf32, #tpu.memory_space<vmem>>, vector<16xf32>,
          %get3A_473 = arith.index_cast %add3A_463 : i32 to index
          %get3A_474 = arith.constant 16 : index
          %get3A_475 = tpu.vector_load %arg19[%get3A_473, %get3A_474] {strides = array<i32>} : memref<64x128xf32, #tpu.memory_space<vmem>>, vector<16xf32>,
          %mul3A_476 = arith.mulf %get3A_475, %gather3A_465 : vector<16xf32>
          %swap3A_477 = arith.index_cast %add3A_463 : i32 to index
          %swap3A_478 = arith.constant 16 : index
          %swap3A_479 = tpu.vector_load %arg19[%swap3A_477, %swap3A_478] {strides = array<i32>} : memref<64x128xf32, #tpu.memory_space<vmem>>, vector<16xf32>,
          tpu.vector_store %arg19[%swap3A_477, %swap3A_478], %mul3A_476 {strides = array<i32>} : memref<64x128xf32, #tpu.memory_space<vmem>>, vector<16xf32>,
          %get3A_480 = arith.index_cast %add3A_463 : i32 to index
          %get3A_481 = arith.constant 32 : index
          %get3A_482 = tpu.vector_load %arg19[%get3A_480, %get3A_481] {strides = array<i32>} : memref<64x128xf32, #tpu.memory_space<vmem>>, vector<16xf32>,
          %mul3A_483 = arith.mulf %get3A_482, %gather3A_465 : vector<16xf32>
          %swap3A_484 = arith.index_cast %add3A_463 : i32 to index
          %swap3A_485 = arith.constant 32 : index
          %swap3A_486 = tpu.vector_load %arg19[%swap3A_484, %swap3A_485] {strides = array<i32>} : memref<64x128xf32, #tpu.memory_space<vmem>>, vector<16xf32>,
          tpu.vector_store %arg19[%swap3A_484, %swap3A_485], %mul3A_483 {strides = array<i32>} : memref<64x128xf32, #tpu.memory_space<vmem>>, vector<16xf32>,
          %get3A_487 = arith.index_cast %add3A_463 : i32 to index
          %get3A_488 = arith.constant 48 : index
          %get3A_489 = tpu.vector_load %arg19[%get3A_487, %get3A_488] {strides = array<i32>} : memref<64x128xf32, #tpu.memory_space<vmem>>, vector<16xf32>,
          %mul3A_490 = arith.mulf %get3A_489, %gather3A_465 : vector<16xf32>
          %swap3A_491 = arith.index_cast %add3A_463 : i32 to index
          %swap3A_492 = arith.constant 48 : index
          %swap3A_493 = tpu.vector_load %arg19[%swap3A_491, %swap3A_492] {strides = array<i32>} : memref<64x128xf32, #tpu.memory_space<vmem>>, vector<16xf32>,
          tpu.vector_store %arg19[%swap3A_491, %swap3A_492], %mul3A_490 {strides = array<i32>} : memref<64x128xf32, #tpu.memory_space<vmem>>, vector<16xf32>,
          %get3A_494 = arith.index_cast %add3A_463 : i32 to index
          %get3A_495 = arith.constant 64 : index
          %get3A_496 = tpu.vector_load %arg19[%get3A_494, %get3A_495] {strides = array<i32>} : memref<64x128xf32, #tpu.memory_space<vmem>>, vector<16xf32>,
          %mul3A_497 = arith.mulf %get3A_496, %gather3A_465 : vector<16xf32>
          %swap3A_498 = arith.index_cast %add3A_463 : i32 to index
          %swap3A_499 = arith.constant 64 : index
          %swap3A_500 = tpu.vector_load %arg19[%swap3A_498, %swap3A_499] {strides = array<i32>} : memref<64x128xf32, #tpu.memory_space<vmem>>, vector<16xf32>,
          tpu.vector_store %arg19[%swap3A_498, %swap3A_499], %mul3A_497 {strides = array<i32>} : memref<64x128xf32, #tpu.memory_space<vmem>>, vector<16xf32>,
          %get3A_501 = arith.index_cast %add3A_463 : i32 to index
          %get3A_502 = arith.constant 80 : index
          %get3A_503 = tpu.vector_load %arg19[%get3A_501, %get3A_502] {strides = array<i32>} : memref<64x128xf32, #tpu.memory_space<vmem>>, vector<16xf32>,
          %mul3A_504 = arith.mulf %get3A_503, %gather3A_465 : vector<16xf32>
          %swap3A_505 = arith.index_cast %add3A_463 : i32 to index
          %swap3A_506 = arith.constant 80 : index
          %swap3A_507 = tpu.vector_load %arg19[%swap3A_505, %swap3A_506] {strides = array<i32>} : memref<64x128xf32, #tpu.memory_space<vmem>>, vector<16xf32>,
          tpu.vector_store %arg19[%swap3A_505, %swap3A_506], %mul3A_504 {strides = array<i32>} : memref<64x128xf32, #tpu.memory_space<vmem>>, vector<16xf32>,
          %get3A_508 = arith.index_cast %add3A_463 : i32 to index
          %get3A_509 = arith.constant 96 : index
          %get3A_510 = tpu.vector_load %arg19[%get3A_508, %get3A_509] {strides = array<i32>} : memref<64x128xf32, #tpu.memory_space<vmem>>, vector<16xf32>,
          %mul3A_511 = arith.mulf %get3A_510, %gather3A_465 : vector<16xf32>
          %swap3A_512 = arith.index_cast %add3A_463 : i32 to index
          %swap3A_513 = arith.constant 96 : index
          %swap3A_514 = tpu.vector_load %arg19[%swap3A_512, %swap3A_513] {strides = array<i32>} : memref<64x128xf32, #tpu.memory_space<vmem>>, vector<16xf32>,
          tpu.vector_store %arg19[%swap3A_512, %swap3A_513], %mul3A_511 {strides = array<i32>} : memref<64x128xf32, #tpu.memory_space<vmem>>, vector<16xf32>,
          %get3A_515 = arith.index_cast %add3A_463 : i32 to index
          %get3A_516 = arith.constant 112 : index
          %get3A_517 = tpu.vector_load %arg19[%get3A_515, %get3A_516] {strides = array<i32>} : memref<64x128xf32, #tpu.memory_space<vmem>>, vector<16xf32>,
          %mul3A_518 = arith.mulf %get3A_517, %gather3A_465 : vector<16xf32>
          %swap3A_519 = arith.index_cast %add3A_463 : i32 to index
          %swap3A_520 = arith.constant 112 : index
          %swap3A_521 = tpu.vector_load %arg19[%swap3A_519, %swap3A_520] {strides = array<i32>} : memref<64x128xf32, #tpu.memory_space<vmem>>, vector<16xf32>,
          tpu.vector_store %arg19[%swap3A_519, %swap3A_520], %mul3A_518 {strides = array<i32>} : memref<64x128xf32, #tpu.memory_space<vmem>>, vector<16xf32>,
          %scan3A_522 = arith.constant 3 : i32
          %scan3A_523 = arith.addi %scan3A_331, %scan3A_522 : i32
          %mul3A_524 = arith.constant 1 : i32
          %mul3A_525 = arith.muli %scan3A_523, %mul3A_524 : i32
          %add3A_526 = arith.constant 0 : i32
          %add3A_527 = arith.addi %add3A_526, %mul3A_525 : i32
          %broadcast_in_dim3A_528 = vector.broadcast %add3A_527 : i32 to vector<16xi32>
          %gather3A_529 = tpu.vector_load_idx %arg18[%broadcast_in_dim3A_528] : memref<64xf32, #tpu.memory_space<vmem>>[vector<16xi32>], vector<16xf32>,
          %get3A_530 = arith.index_cast %add3A_527 : i32 to index
          %get3A_531 = arith.constant 0 : index
          %get3A_532 = tpu.vector_load %arg19[%get3A_530, %get3A_531] {strides = array<i32>} : memref<64x128xf32, #tpu.memory_space<vmem>>, vector<16xf32>,
          %mul3A_533 = arith.mulf %get3A_532, %gather3A_529 : vector<16xf32>
          %swap3A_534 = arith.index_cast %add3A_527 : i32 to index
          %swap3A_535 = arith.constant 0 : index
          %swap3A_536 = tpu.vector_load %arg19[%swap3A_534, %swap3A_535] {strides = array<i32>} : memref<64x128xf32, #tpu.memory_space<vmem>>, vector<16xf32>,
          tpu.vector_store %arg19[%swap3A_534, %swap3A_535], %mul3A_533 {strides = array<i32>} : memref<64x128xf32, #tpu.memory_space<vmem>>, vector<16xf32>,
          %get3A_537 = arith.index_cast %add3A_527 : i32 to index
          %get3A_538 = arith.constant 16 : index
          %get3A_539 = tpu.vector_load %arg19[%get3A_537, %get3A_538] {strides = array<i32>} : memref<64x128xf32, #tpu.memory_space<vmem>>, vector<16xf32>,
          %mul3A_540 = arith.mulf %get3A_539, %gather3A_529 : vector<16xf32>
          %swap3A_541 = arith.index_cast %add3A_527 : i32 to index
          %swap3A_542 = arith.constant 16 : index
          %swap3A_543 = tpu.vector_load %arg19[%swap3A_541, %swap3A_542] {strides = array<i32>} : memref<64x128xf32, #tpu.memory_space<vmem>>, vector<16xf32>,
          tpu.vector_store %arg19[%swap3A_541, %swap3A_542], %mul3A_540 {strides = array<i32>} : memref<64x128xf32, #tpu.memory_space<vmem>>, vector<16xf32>,
          %get3A_544 = arith.index_cast %add3A_527 : i32 to index
          %get3A_545 = arith.constant 32 : index
          %get3A_546 = tpu.vector_load %arg19[%get3A_544, %get3A_545] {strides = array<i32>} : memref<64x128xf32, #tpu.memory_space<vmem>>, vector<16xf32>,
          %mul3A_547 = arith.mulf %get3A_546, %gather3A_529 : vector<16xf32>
          %swap3A_548 = arith.index_cast %add3A_527 : i32 to index
          %swap3A_549 = arith.constant 32 : index
          %swap3A_550 = tpu.vector_load %arg19[%swap3A_548, %swap3A_549] {strides = array<i32>} : memref<64x128xf32, #tpu.memory_space<vmem>>, vector<16xf32>,
          tpu.vector_store %arg19[%swap3A_548, %swap3A_549], %mul3A_547 {strides = array<i32>} : memref<64x128xf32, #tpu.memory_space<vmem>>, vector<16xf32>,
          %get3A_551 = arith.index_cast %add3A_527 : i32 to index
          %get3A_552 = arith.constant 48 : index
          %get3A_553 = tpu.vector_load %arg19[%get3A_551, %get3A_552] {strides = array<i32>} : memref<64x128xf32, #tpu.memory_space<vmem>>, vector<16xf32>,
          %mul3A_554 = arith.mulf %get3A_553, %gather3A_529 : vector<16xf32>
          %swap3A_555 = arith.index_cast %add3A_527 : i32 to index
          %swap3A_556 = arith.constant 48 : index
          %swap3A_557 = tpu.vector_load %arg19[%swap3A_555, %swap3A_556] {strides = array<i32>} : memref<64x128xf32, #tpu.memory_space<vmem>>, vector<16xf32>,
          tpu.vector_store %arg19[%swap3A_555, %swap3A_556], %mul3A_554 {strides = array<i32>} : memref<64x128xf32, #tpu.memory_space<vmem>>, vector<16xf32>,
          %get3A_558 = arith.index_cast %add3A_527 : i32 to index
          %get3A_559 = arith.constant 64 : index
          %get3A_560 = tpu.vector_load %arg19[%get3A_558, %get3A_559] {strides = array<i32>} : memref<64x128xf32, #tpu.memory_space<vmem>>, vector<16xf32>,
          %mul3A_561 = arith.mulf %get3A_560, %gather3A_529 : vector<16xf32>
          %swap3A_562 = arith.index_cast %add3A_527 : i32 to index
          %swap3A_563 = arith.constant 64 : index
          %swap3A_564 = tpu.vector_load %arg19[%swap3A_562, %swap3A_563] {strides = array<i32>} : memref<64x128xf32, #tpu.memory_space<vmem>>, vector<16xf32>,
          tpu.vector_store %arg19[%swap3A_562, %swap3A_563], %mul3A_561 {strides = array<i32>} : memref<64x128xf32, #tpu.memory_space<vmem>>, vector<16xf32>,
          %get3A_565 = arith.index_cast %add3A_527 : i32 to index
          %get3A_566 = arith.constant 80 : index
          %get3A_567 = tpu.vector_load %arg19[%get3A_565, %get3A_566] {strides = array<i32>} : memref<64x128xf32, #tpu.memory_space<vmem>>, vector<16xf32>,
          %mul3A_568 = arith.mulf %get3A_567, %gather3A_529 : vector<16xf32>
          %swap3A_569 = arith.index_cast %add3A_527 : i32 to index
          %swap3A_570 = arith.constant 80 : index
          %swap3A_571 = tpu.vector_load %arg19[%swap3A_569, %swap3A_570] {strides = array<i32>} : memref<64x128xf32, #tpu.memory_space<vmem>>, vector<16xf32>,
          tpu.vector_store %arg19[%swap3A_569, %swap3A_570], %mul3A_568 {strides = array<i32>} : memref<64x128xf32, #tpu.memory_space<vmem>>, vector<16xf32>,
          %get3A_572 = arith.index_cast %add3A_527 : i32 to index
          %get3A_573 = arith.constant 96 : index
          %get3A_574 = tpu.vector_load %arg19[%get3A_572, %get3A_573] {strides = array<i32>} : memref<64x128xf32, #tpu.memory_space<vmem>>, vector<16xf32>,
          %mul3A_575 = arith.mulf %get3A_574, %gather3A_529 : vector<16xf32>
          %swap3A_576 = arith.index_cast %add3A_527 : i32 to index
          %swap3A_577 = arith.constant 96 : index
          %swap3A_578 = tpu.vector_load %arg19[%swap3A_576, %swap3A_577] {strides = array<i32>} : memref<64x128xf32, #tpu.memory_space<vmem>>, vector<16xf32>,
          tpu.vector_store %arg19[%swap3A_576, %swap3A_577], %mul3A_575 {strides = array<i32>} : memref<64x128xf32, #tpu.memory_space<vmem>>, vector<16xf32>,
          %get3A_579 = arith.index_cast %add3A_527 : i32 to index
          %get3A_580 = arith.constant 112 : index
          %get3A_581 = tpu.vector_load %arg19[%get3A_579, %get3A_580] {strides = array<i32>} : memref<64x128xf32, #tpu.memory_space<vmem>>, vector<16xf32>,
          %mul3A_582 = arith.mulf %get3A_581, %gather3A_529 : vector<16xf32>
          %swap3A_583 = arith.index_cast %add3A_527 : i32 to index
          %swap3A_584 = arith.constant 112 : index
          %swap3A_585 = tpu.vector_load %arg19[%swap3A_583, %swap3A_584] {strides = array<i32>} : memref<64x128xf32, #tpu.memory_space<vmem>>, vector<16xf32>,
          tpu.vector_store %arg19[%swap3A_583, %swap3A_584], %mul3A_582 {strides = array<i32>} : memref<64x128xf32, #tpu.memory_space<vmem>>, vector<16xf32>,
          %scan3A_586 = arith.constant 4 : i32
          %scan3A_587 = arith.addi %scan3A_331, %scan3A_586 : i32
          %mul3A_588 = arith.constant 1 : i32
          %mul3A_589 = arith.muli %scan3A_587, %mul3A_588 : i32
          %add3A_590 = arith.constant 0 : i32
          %add3A_591 = arith.addi %add3A_590, %mul3A_589 : i32
          %broadcast_in_dim3A_592 = vector.broadcast %add3A_591 : i32 to vector<16xi32>
          %gather3A_593 = tpu.vector_load_idx %arg18[%broadcast_in_dim3A_592] : memref<64xf32, #tpu.memory_space<vmem>>[vector<16xi32>], vector<16xf32>,
          %get3A_594 = arith.index_cast %add3A_591 : i32 to index
          %get3A_595 = arith.constant 0 : index
          %get3A_596 = tpu.vector_load %arg19[%get3A_594, %get3A_595] {strides = array<i32>} : memref<64x128xf32, #tpu.memory_space<vmem>>, vector<16xf32>,
          %mul3A_597 = arith.mulf %get3A_596, %gather3A_593 : vector<16xf32>
          %swap3A_598 = arith.index_cast %add3A_591 : i32 to index
          %swap3A_599 = arith.constant 0 : index
          %swap3A_600 = tpu.vector_load %arg19[%swap3A_598, %swap3A_599] {strides = array<i32>} : memref<64x128xf32, #tpu.memory_space<vmem>>, vector<16xf32>,
          tpu.vector_store %arg19[%swap3A_598, %swap3A_599], %mul3A_597 {strides = array<i32>} : memref<64x128xf32, #tpu.memory_space<vmem>>, vector<16xf32>,
          %get3A_601 = arith.index_cast %add3A_591 : i32 to index
          %get3A_602 = arith.constant 16 : index
          %get3A_603 = tpu.vector_load %arg19[%get3A_601, %get3A_602] {strides = array<i32>} : memref<64x128xf32, #tpu.memory_space<vmem>>, vector<16xf32>,
          %mul3A_604 = arith.mulf %get3A_603, %gather3A_593 : vector<16xf32>
          %swap3A_605 = arith.index_cast %add3A_591 : i32 to index
          %swap3A_606 = arith.constant 16 : index
          %swap3A_607 = tpu.vector_load %arg19[%swap3A_605, %swap3A_606] {strides = array<i32>} : memref<64x128xf32, #tpu.memory_space<vmem>>, vector<16xf32>,
          tpu.vector_store %arg19[%swap3A_605, %swap3A_606], %mul3A_604 {strides = array<i32>} : memref<64x128xf32, #tpu.memory_space<vmem>>, vector<16xf32>,
          %get3A_608 = arith.index_cast %add3A_591 : i32 to index
          %get3A_609 = arith.constant 32 : index
          %get3A_610 = tpu.vector_load %arg19[%get3A_608, %get3A_609] {strides = array<i32>} : memref<64x128xf32, #tpu.memory_space<vmem>>, vector<16xf32>,
          %mul3A_611 = arith.mulf %get3A_610, %gather3A_593 : vector<16xf32>
          %swap3A_612 = arith.index_cast %add3A_591 : i32 to index
          %swap3A_613 = arith.constant 32 : index
          %swap3A_614 = tpu.vector_load %arg19[%swap3A_612, %swap3A_613] {strides = array<i32>} : memref<64x128xf32, #tpu.memory_space<vmem>>, vector<16xf32>,
          tpu.vector_store %arg19[%swap3A_612, %swap3A_613], %mul3A_611 {strides = array<i32>} : memref<64x128xf32, #tpu.memory_space<vmem>>, vector<16xf32>,
          %get3A_615 = arith.index_cast %add3A_591 : i32 to index
          %get3A_616 = arith.constant 48 : index
          %get3A_617 = tpu.vector_load %arg19[%get3A_615, %get3A_616] {strides = array<i32>} : memref<64x128xf32, #tpu.memory_space<vmem>>, vector<16xf32>,
          %mul3A_618 = arith.mulf %get3A_617, %gather3A_593 : vector<16xf32>
          %swap3A_619 = arith.index_cast %add3A_591 : i32 to index
          %swap3A_620 = arith.constant 48 : index
          %swap3A_621 = tpu.vector_load %arg19[%swap3A_619, %swap3A_620] {strides = array<i32>} : memref<64x128xf32, #tpu.memory_space<vmem>>, vector<16xf32>,
          tpu.vector_store %arg19[%swap3A_619, %swap3A_620], %mul3A_618 {strides = array<i32>} : memref<64x128xf32, #tpu.memory_space<vmem>>, vector<16xf32>,
          %get3A_622 = arith.index_cast %add3A_591 : i32 to index
          %get3A_623 = arith.constant 64 : index
          %get3A_624 = tpu.vector_load %arg19[%get3A_622, %get3A_623] {strides = array<i32>} : memref<64x128xf32, #tpu.memory_space<vmem>>, vector<16xf32>,
          %mul3A_625 = arith.mulf %get3A_624, %gather3A_593 : vector<16xf32>
          %swap3A_626 = arith.index_cast %add3A_591 : i32 to index
          %swap3A_627 = arith.constant 64 : index
          %swap3A_628 = tpu.vector_load %arg19[%swap3A_626, %swap3A_627] {strides = array<i32>} : memref<64x128xf32, #tpu.memory_space<vmem>>, vector<16xf32>,
          tpu.vector_store %arg19[%swap3A_626, %swap3A_627], %mul3A_625 {strides = array<i32>} : memref<64x128xf32, #tpu.memory_space<vmem>>, vector<16xf32>,
          %get3A_629 = arith.index_cast %add3A_591 : i32 to index
          %get3A_630 = arith.constant 80 : index
          %get3A_631 = tpu.vector_load %arg19[%get3A_629, %get3A_630] {strides = array<i32>} : memref<64x128xf32, #tpu.memory_space<vmem>>, vector<16xf32>,
          %mul3A_632 = arith.mulf %get3A_631, %gather3A_593 : vector<16xf32>
          %swap3A_633 = arith.index_cast %add3A_591 : i32 to index
          %swap3A_634 = arith.constant 80 : index
          %swap3A_635 = tpu.vector_load %arg19[%swap3A_633, %swap3A_634] {strides = array<i32>} : memref<64x128xf32, #tpu.memory_space<vmem>>, vector<16xf32>,
          tpu.vector_store %arg19[%swap3A_633, %swap3A_634], %mul3A_632 {strides = array<i32>} : memref<64x128xf32, #tpu.memory_space<vmem>>, vector<16xf32>,
          %get3A_636 = arith.index_cast %add3A_591 : i32 to index
          %get3A_637 = arith.constant 96 : index
          %get3A_638 = tpu.vector_load %arg19[%get3A_636, %get3A_637] {strides = array<i32>} : memref<64x128xf32, #tpu.memory_space<vmem>>, vector<16xf32>,
          %mul3A_639 = arith.mulf %get3A_638, %gather3A_593 : vector<16xf32>
          %swap3A_640 = arith.index_cast %add3A_591 : i32 to index
          %swap3A_641 = arith.constant 96 : index
          %swap3A_642 = tpu.vector_load %arg19[%swap3A_640, %swap3A_641] {strides = array<i32>} : memref<64x128xf32, #tpu.memory_space<vmem>>, vector<16xf32>,
          tpu.vector_store %arg19[%swap3A_640, %swap3A_641], %mul3A_639 {strides = array<i32>} : memref<64x128xf32, #tpu.memory_space<vmem>>, vector<16xf32>,
          %get3A_643 = arith.index_cast %add3A_591 : i32 to index
          %get3A_644 = arith.constant 112 : index
          %get3A_645 = tpu.vector_load %arg19[%get3A_643, %get3A_644] {strides = array<i32>} : memref<64x128xf32, #tpu.memory_space<vmem>>, vector<16xf32>,
          %mul3A_646 = arith.mulf %get3A_645, %gather3A_593 : vector<16xf32>
          %swap3A_647 = arith.index_cast %add3A_591 : i32 to index
          %swap3A_648 = arith.constant 112 : index
          %swap3A_649 = tpu.vector_load %arg19[%swap3A_647, %swap3A_648] {strides = array<i32>} : memref<64x128xf32, #tpu.memory_space<vmem>>, vector<16xf32>,
          tpu.vector_store %arg19[%swap3A_647, %swap3A_648], %mul3A_646 {strides = array<i32>} : memref<64x128xf32, #tpu.memory_space<vmem>>, vector<16xf32>,
          %scan3A_650 = arith.constant 5 : i32
          %scan3A_651 = arith.addi %scan3A_331, %scan3A_650 : i32
          %mul3A_652 = arith.constant 1 : i32
          %mul3A_653 = arith.muli %scan3A_651, %mul3A_652 : i32
          %add3A_654 = arith.constant 0 : i32
          %add3A_655 = arith.addi %add3A_654, %mul3A_653 : i32
          %broadcast_in_dim3A_656 = vector.broadcast %add3A_655 : i32 to vector<16xi32>
          %gather3A_657 = tpu.vector_load_idx %arg18[%broadcast_in_dim3A_656] : memref<64xf32, #tpu.memory_space<vmem>>[vector<16xi32>], vector<16xf32>,
          %get3A_658 = arith.index_cast %add3A_655 : i32 to index
          %get3A_659 = arith.constant 0 : index
          %get3A_660 = tpu.vector_load %arg19[%get3A_658, %get3A_659] {strides = array<i32>} : memref<64x128xf32, #tpu.memory_space<vmem>>, vector<16xf32>,
          %mul3A_661 = arith.mulf %get3A_660, %gather3A_657 : vector<16xf32>
          %swap3A_662 = arith.index_cast %add3A_655 : i32 to index
          %swap3A_663 = arith.constant 0 : index
          %swap3A_664 = tpu.vector_load %arg19[%swap3A_662, %swap3A_663] {strides = array<i32>} : memref<64x128xf32, #tpu.memory_space<vmem>>, vector<16xf32>,
          tpu.vector_store %arg19[%swap3A_662, %swap3A_663], %mul3A_661 {strides = array<i32>} : memref<64x128xf32, #tpu.memory_space<vmem>>, vector<16xf32>,
          %get3A_665 = arith.index_cast %add3A_655 : i32 to index
          %get3A_666 = arith.constant 16 : index
          %get3A_667 = tpu.vector_load %arg19[%get3A_665, %get3A_666] {strides = array<i32>} : memref<64x128xf32, #tpu.memory_space<vmem>>, vector<16xf32>,
          %mul3A_668 = arith.mulf %get3A_667, %gather3A_657 : vector<16xf32>
          %swap3A_669 = arith.index_cast %add3A_655 : i32 to index
          %swap3A_670 = arith.constant 16 : index
          %swap3A_671 = tpu.vector_load %arg19[%swap3A_669, %swap3A_670] {strides = array<i32>} : memref<64x128xf32, #tpu.memory_space<vmem>>, vector<16xf32>,
          tpu.vector_store %arg19[%swap3A_669, %swap3A_670], %mul3A_668 {strides = array<i32>} : memref<64x128xf32, #tpu.memory_space<vmem>>, vector<16xf32>,
          %get3A_672 = arith.index_cast %add3A_655 : i32 to index
          %get3A_673 = arith.constant 32 : index
          %get3A_674 = tpu.vector_load %arg19[%get3A_672, %get3A_673] {strides = array<i32>} : memref<64x128xf32, #tpu.memory_space<vmem>>, vector<16xf32>,
          %mul3A_675 = arith.mulf %get3A_674, %gather3A_657 : vector<16xf32>
          %swap3A_676 = arith.index_cast %add3A_655 : i32 to index
          %swap3A_677 = arith.constant 32 : index
          %swap3A_678 = tpu.vector_load %arg19[%swap3A_676, %swap3A_677] {strides = array<i32>} : memref<64x128xf32, #tpu.memory_space<vmem>>, vector<16xf32>,
          tpu.vector_store %arg19[%swap3A_676, %swap3A_677], %mul3A_675 {strides = array<i32>} : memref<64x128xf32, #tpu.memory_space<vmem>>, vector<16xf32>,
          %get3A_679 = arith.index_cast %add3A_655 : i32 to index
          %get3A_680 = arith.constant 48 : index
          %get3A_681 = tpu.vector_load %arg19[%get3A_679, %get3A_680] {strides = array<i32>} : memref<64x128xf32, #tpu.memory_space<vmem>>, vector<16xf32>,
          %mul3A_682 = arith.mulf %get3A_681, %gather3A_657 : vector<16xf32>
          %swap3A_683 = arith.index_cast %add3A_655 : i32 to index
          %swap3A_684 = arith.constant 48 : index
          %swap3A_685 = tpu.vector_load %arg19[%swap3A_683, %swap3A_684] {strides = array<i32>} : memref<64x128xf32, #tpu.memory_space<vmem>>, vector<16xf32>,
          tpu.vector_store %arg19[%swap3A_683, %swap3A_684], %mul3A_682 {strides = array<i32>} : memref<64x128xf32, #tpu.memory_space<vmem>>, vector<16xf32>,
          %get3A_686 = arith.index_cast %add3A_655 : i32 to index
          %get3A_687 = arith.constant 64 : index
          %get3A_688 = tpu.vector_load %arg19[%get3A_686, %get3A_687] {strides = array<i32>} : memref<64x128xf32, #tpu.memory_space<vmem>>, vector<16xf32>,
          %mul3A_689 = arith.mulf %get3A_688, %gather3A_657 : vector<16xf32>
          %swap3A_690 = arith.index_cast %add3A_655 : i32 to index
          %swap3A_691 = arith.constant 64 : index
          %swap3A_692 = tpu.vector_load %arg19[%swap3A_690, %swap3A_691] {strides = array<i32>} : memref<64x128xf32, #tpu.memory_space<vmem>>, vector<16xf32>,
          tpu.vector_store %arg19[%swap3A_690, %swap3A_691], %mul3A_689 {strides = array<i32>} : memref<64x128xf32, #tpu.memory_space<vmem>>, vector<16xf32>,
          %get3A_693 = arith.index_cast %add3A_655 : i32 to index
          %get3A_694 = arith.constant 80 : index
          %get3A_695 = tpu.vector_load %arg19[%get3A_693, %get3A_694] {strides = array<i32>} : memref<64x128xf32, #tpu.memory_space<vmem>>, vector<16xf32>,
          %mul3A_696 = arith.mulf %get3A_695, %gather3A_657 : vector<16xf32>
          %swap3A_697 = arith.index_cast %add3A_655 : i32 to index
          %swap3A_698 = arith.constant 80 : index
          %swap3A_699 = tpu.vector_load %arg19[%swap3A_697, %swap3A_698] {strides = array<i32>} : memref<64x128xf32, #tpu.memory_space<vmem>>, vector<16xf32>,
          tpu.vector_store %arg19[%swap3A_697, %swap3A_698], %mul3A_696 {strides = array<i32>} : memref<64x128xf32, #tpu.memory_space<vmem>>, vector<16xf32>,
          %get3A_700 = arith.index_cast %add3A_655 : i32 to index
          %get3A_701 = arith.constant 96 : index
          %get3A_702 = tpu.vector_load %arg19[%get3A_700, %get3A_701] {strides = array<i32>} : memref<64x128xf32, #tpu.memory_space<vmem>>, vector<16xf32>,
          %mul3A_703 = arith.mulf %get3A_702, %gather3A_657 : vector<16xf32>
          %swap3A_704 = arith.index_cast %add3A_655 : i32 to index
          %swap3A_705 = arith.constant 96 : index
          %swap3A_706 = tpu.vector_load %arg19[%swap3A_704, %swap3A_705] {strides = array<i32>} : memref<64x128xf32, #tpu.memory_space<vmem>>, vector<16xf32>,
          tpu.vector_store %arg19[%swap3A_704, %swap3A_705], %mul3A_703 {strides = array<i32>} : memref<64x128xf32, #tpu.memory_space<vmem>>, vector<16xf32>,
          %get3A_707 = arith.index_cast %add3A_655 : i32 to index
          %get3A_708 = arith.constant 112 : index
          %get3A_709 = tpu.vector_load %arg19[%get3A_707, %get3A_708] {strides = array<i32>} : memref<64x128xf32, #tpu.memory_space<vmem>>, vector<16xf32>,
          %mul3A_710 = arith.mulf %get3A_709, %gather3A_657 : vector<16xf32>
          %swap3A_711 = arith.index_cast %add3A_655 : i32 to index
          %swap3A_712 = arith.constant 112 : index
          %swap3A_713 = tpu.vector_load %arg19[%swap3A_711, %swap3A_712] {strides = array<i32>} : memref<64x128xf32, #tpu.memory_space<vmem>>, vector<16xf32>,
          tpu.vector_store %arg19[%swap3A_711, %swap3A_712], %mul3A_710 {strides = array<i32>} : memref<64x128xf32, #tpu.memory_space<vmem>>, vector<16xf32>,
          %scan3A_714 = arith.constant 6 : i32
          %scan3A_715 = arith.addi %scan3A_331, %scan3A_714 : i32
          %mul3A_716 = arith.constant 1 : i32
          %mul3A_717 = arith.muli %scan3A_715, %mul3A_716 : i32
          %add3A_718 = arith.constant 0 : i32
          %add3A_719 = arith.addi %add3A_718, %mul3A_717 : i32
          %broadcast_in_dim3A_720 = vector.broadcast %add3A_719 : i32 to vector<16xi32>
          %gather3A_721 = tpu.vector_load_idx %arg18[%broadcast_in_dim3A_720] : memref<64xf32, #tpu.memory_space<vmem>>[vector<16xi32>], vector<16xf32>,
          %get3A_722 = arith.index_cast %add3A_719 : i32 to index
          %get3A_723 = arith.constant 0 : index
          %get3A_724 = tpu.vector_load %arg19[%get3A_722, %get3A_723] {strides = array<i32>} : memref<64x128xf32, #tpu.memory_space<vmem>>, vector<16xf32>,
          %mul3A_725 = arith.mulf %get3A_724, %gather3A_721 : vector<16xf32>
          %swap3A_726 = arith.index_cast %add3A_719 : i32 to index
          %swap3A_727 = arith.constant 0 : index
          %swap3A_728 = tpu.vector_load %arg19[%swap3A_726, %swap3A_727] {strides = array<i32>} : memref<64x128xf32, #tpu.memory_space<vmem>>, vector<16xf32>,
          tpu.vector_store %arg19[%swap3A_726, %swap3A_727], %mul3A_725 {strides = array<i32>} : memref<64x128xf32, #tpu.memory_space<vmem>>, vector<16xf32>,
          %get3A_729 = arith.index_cast %add3A_719 : i32 to index
          %get3A_730 = arith.constant 16 : index
          %get3A_731 = tpu.vector_load %arg19[%get3A_729, %get3A_730] {strides = array<i32>} : memref<64x128xf32, #tpu.memory_space<vmem>>, vector<16xf32>,
          %mul3A_732 = arith.mulf %get3A_731, %gather3A_721 : vector<16xf32>
          %swap3A_733 = arith.index_cast %add3A_719 : i32 to index
          %swap3A_734 = arith.constant 16 : index
          %swap3A_735 = tpu.vector_load %arg19[%swap3A_733, %swap3A_734] {strides = array<i32>} : memref<64x128xf32, #tpu.memory_space<vmem>>, vector<16xf32>,
          tpu.vector_store %arg19[%swap3A_733, %swap3A_734], %mul3A_732 {strides = array<i32>} : memref<64x128xf32, #tpu.memory_space<vmem>>, vector<16xf32>,
          %get3A_736 = arith.index_cast %add3A_719 : i32 to index
          %get3A_737 = arith.constant 32 : index
          %get3A_738 = tpu.vector_load %arg19[%get3A_736, %get3A_737] {strides = array<i32>} : memref<64x128xf32, #tpu.memory_space<vmem>>, vector<16xf32>,
          %mul3A_739 = arith.mulf %get3A_738, %gather3A_721 : vector<16xf32>
          %swap3A_740 = arith.index_cast %add3A_719 : i32 to index
          %swap3A_741 = arith.constant 32 : index
          %swap3A_742 = tpu.vector_load %arg19[%swap3A_740, %swap3A_741] {strides = array<i32>} : memref<64x128xf32, #tpu.memory_space<vmem>>, vector<16xf32>,
          tpu.vector_store %arg19[%swap3A_740, %swap3A_741], %mul3A_739 {strides = array<i32>} : memref<64x128xf32, #tpu.memory_space<vmem>>, vector<16xf32>,
          %get3A_743 = arith.index_cast %add3A_719 : i32 to index
          %get3A_744 = arith.constant 48 : index
          %get3A_745 = tpu.vector_load %arg19[%get3A_743, %get3A_744] {strides = array<i32>} : memref<64x128xf32, #tpu.memory_space<vmem>>, vector<16xf32>,
          %mul3A_746 = arith.mulf %get3A_745, %gather3A_721 : vector<16xf32>
          %swap3A_747 = arith.index_cast %add3A_719 : i32 to index
          %swap3A_748 = arith.constant 48 : index
          %swap3A_749 = tpu.vector_load %arg19[%swap3A_747, %swap3A_748] {strides = array<i32>} : memref<64x128xf32, #tpu.memory_space<vmem>>, vector<16xf32>,
          tpu.vector_store %arg19[%swap3A_747, %swap3A_748], %mul3A_746 {strides = array<i32>} : memref<64x128xf32, #tpu.memory_space<vmem>>, vector<16xf32>,
          %get3A_750 = arith.index_cast %add3A_719 : i32 to index
          %get3A_751 = arith.constant 64 : index
          %get3A_752 = tpu.vector_load %arg19[%get3A_750, %get3A_751] {strides = array<i32>} : memref<64x128xf32, #tpu.memory_space<vmem>>, vector<16xf32>,
          %mul3A_753 = arith.mulf %get3A_752, %gather3A_721 : vector<16xf32>
          %swap3A_754 = arith.index_cast %add3A_719 : i32 to index
          %swap3A_755 = arith.constant 64 : index
          %swap3A_756 = tpu.vector_load %arg19[%swap3A_754, %swap3A_755] {strides = array<i32>} : memref<64x128xf32, #tpu.memory_space<vmem>>, vector<16xf32>,
          tpu.vector_store %arg19[%swap3A_754, %swap3A_755], %mul3A_753 {strides = array<i32>} : memref<64x128xf32, #tpu.memory_space<vmem>>, vector<16xf32>,
          %get3A_757 = arith.index_cast %add3A_719 : i32 to index
          %get3A_758 = arith.constant 80 : index
          %get3A_759 = tpu.vector_load %arg19[%get3A_757, %get3A_758] {strides = array<i32>} : memref<64x128xf32, #tpu.memory_space<vmem>>, vector<16xf32>,
          %mul3A_760 = arith.mulf %get3A_759, %gather3A_721 : vector<16xf32>
          %swap3A_761 = arith.index_cast %add3A_719 : i32 to index
          %swap3A_762 = arith.constant 80 : index
          %swap3A_763 = tpu.vector_load %arg19[%swap3A_761, %swap3A_762] {strides = array<i32>} : memref<64x128xf32, #tpu.memory_space<vmem>>, vector<16xf32>,
          tpu.vector_store %arg19[%swap3A_761, %swap3A_762], %mul3A_760 {strides = array<i32>} : memref<64x128xf32, #tpu.memory_space<vmem>>, vector<16xf32>,
          %get3A_764 = arith.index_cast %add3A_719 : i32 to index
          %get3A_765 = arith.constant 96 : index
          %get3A_766 = tpu.vector_load %arg19[%get3A_764, %get3A_765] {strides = array<i32>} : memref<64x128xf32, #tpu.memory_space<vmem>>, vector<16xf32>,
          %mul3A_767 = arith.mulf %get3A_766, %gather3A_721 : vector<16xf32>
          %swap3A_768 = arith.index_cast %add3A_719 : i32 to index
          %swap3A_769 = arith.constant 96 : index
          %swap3A_770 = tpu.vector_load %arg19[%swap3A_768, %swap3A_769] {strides = array<i32>} : memref<64x128xf32, #tpu.memory_space<vmem>>, vector<16xf32>,
          tpu.vector_store %arg19[%swap3A_768, %swap3A_769], %mul3A_767 {strides = array<i32>} : memref<64x128xf32, #tpu.memory_space<vmem>>, vector<16xf32>,
          %get3A_771 = arith.index_cast %add3A_719 : i32 to index
          %get3A_772 = arith.constant 112 : index
          %get3A_773 = tpu.vector_load %arg19[%get3A_771, %get3A_772] {strides = array<i32>} : memref<64x128xf32, #tpu.memory_space<vmem>>, vector<16xf32>,
          %mul3A_774 = arith.mulf %get3A_773, %gather3A_721 : vector<16xf32>
          %swap3A_775 = arith.index_cast %add3A_719 : i32 to index
          %swap3A_776 = arith.constant 112 : index
          %swap3A_777 = tpu.vector_load %arg19[%swap3A_775, %swap3A_776] {strides = array<i32>} : memref<64x128xf32, #tpu.memory_space<vmem>>, vector<16xf32>,
          tpu.vector_store %arg19[%swap3A_775, %swap3A_776], %mul3A_774 {strides = array<i32>} : memref<64x128xf32, #tpu.memory_space<vmem>>, vector<16xf32>,
          %scan3A_778 = arith.constant 7 : i32
          %scan3A_779 = arith.addi %scan3A_331, %scan3A_778 : i32
          %mul3A_780 = arith.constant 1 : i32
          %mul3A_781 = arith.muli %scan3A_779, %mul3A_780 : i32
          %add3A_782 = arith.constant 0 : i32
          %add3A_783 = arith.addi %add3A_782, %mul3A_781 : i32
          %broadcast_in_dim3A_784 = vector.broadcast %add3A_783 : i32 to vector<16xi32>
          %gather3A_785 = tpu.vector_load_idx %arg18[%broadcast_in_dim3A_784] : memref<64xf32, #tpu.memory_space<vmem>>[vector<16xi32>], vector<16xf32>,
          %get3A_786 = arith.index_cast %add3A_783 : i32 to index
          %get3A_787 = arith.constant 0 : index
          %get3A_788 = tpu.vector_load %arg19[%get3A_786, %get3A_787] {strides = array<i32>} : memref<64x128xf32, #tpu.memory_space<vmem>>, vector<16xf32>,
          %mul3A_789 = arith.mulf %get3A_788, %gather3A_785 : vector<16xf32>
          %swap3A_790 = arith.index_cast %add3A_783 : i32 to index
          %swap3A_791 = arith.constant 0 : index
          %swap3A_792 = tpu.vector_load %arg19[%swap3A_790, %swap3A_791] {strides = array<i32>} : memref<64x128xf32, #tpu.memory_space<vmem>>, vector<16xf32>,
          tpu.vector_store %arg19[%swap3A_790, %swap3A_791], %mul3A_789 {strides = array<i32>} : memref<64x128xf32, #tpu.memory_space<vmem>>, vector<16xf32>,
          %get3A_793 = arith.index_cast %add3A_783 : i32 to index
          %get3A_794 = arith.constant 16 : index
          %get3A_795 = tpu.vector_load %arg19[%get3A_793, %get3A_794] {strides = array<i32>} : memref<64x128xf32, #tpu.memory_space<vmem>>, vector<16xf32>,
          %mul3A_796 = arith.mulf %get3A_795, %gather3A_785 : vector<16xf32>
          %swap3A_797 = arith.index_cast %add3A_783 : i32 to index
          %swap3A_798 = arith.constant 16 : index
          %swap3A_799 = tpu.vector_load %arg19[%swap3A_797, %swap3A_798] {strides = array<i32>} : memref<64x128xf32, #tpu.memory_space<vmem>>, vector<16xf32>,
          tpu.vector_store %arg19[%swap3A_797, %swap3A_798], %mul3A_796 {strides = array<i32>} : memref<64x128xf32, #tpu.memory_space<vmem>>, vector<16xf32>,
          %get3A_800 = arith.index_cast %add3A_783 : i32 to index
          %get3A_801 = arith.constant 32 : index
          %get3A_802 = tpu.vector_load %arg19[%get3A_800, %get3A_801] {strides = array<i32>} : memref<64x128xf32, #tpu.memory_space<vmem>>, vector<16xf32>,
          %mul3A_803 = arith.mulf %get3A_802, %gather3A_785 : vector<16xf32>
          %swap3A_804 = arith.index_cast %add3A_783 : i32 to index
          %swap3A_805 = arith.constant 32 : index
          %swap3A_806 = tpu.vector_load %arg19[%swap3A_804, %swap3A_805] {strides = array<i32>} : memref<64x128xf32, #tpu.memory_space<vmem>>, vector<16xf32>,
          tpu.vector_store %arg19[%swap3A_804, %swap3A_805], %mul3A_803 {strides = array<i32>} : memref<64x128xf32, #tpu.memory_space<vmem>>, vector<16xf32>,
          %get3A_807 = arith.index_cast %add3A_783 : i32 to index
          %get3A_808 = arith.constant 48 : index
          %get3A_809 = tpu.vector_load %arg19[%get3A_807, %get3A_808] {strides = array<i32>} : memref<64x128xf32, #tpu.memory_space<vmem>>, vector<16xf32>,
          %mul3A_810 = arith.mulf %get3A_809, %gather3A_785 : vector<16xf32>
          %swap3A_811 = arith.index_cast %add3A_783 : i32 to index
          %swap3A_812 = arith.constant 48 : index
          %swap3A_813 = tpu.vector_load %arg19[%swap3A_811, %swap3A_812] {strides = array<i32>} : memref<64x128xf32, #tpu.memory_space<vmem>>, vector<16xf32>,
          tpu.vector_store %arg19[%swap3A_811, %swap3A_812], %mul3A_810 {strides = array<i32>} : memref<64x128xf32, #tpu.memory_space<vmem>>, vector<16xf32>,
          %get3A_814 = arith.index_cast %add3A_783 : i32 to index
          %get3A_815 = arith.constant 64 : index
          %get3A_816 = tpu.vector_load %arg19[%get3A_814, %get3A_815] {strides = array<i32>} : memref<64x128xf32, #tpu.memory_space<vmem>>, vector<16xf32>,
          %mul3A_817 = arith.mulf %get3A_816, %gather3A_785 : vector<16xf32>
          %swap3A_818 = arith.index_cast %add3A_783 : i32 to index
          %swap3A_819 = arith.constant 64 : index
          %swap3A_820 = tpu.vector_load %arg19[%swap3A_818, %swap3A_819] {strides = array<i32>} : memref<64x128xf32, #tpu.memory_space<vmem>>, vector<16xf32>,
          tpu.vector_store %arg19[%swap3A_818, %swap3A_819], %mul3A_817 {strides = array<i32>} : memref<64x128xf32, #tpu.memory_space<vmem>>, vector<16xf32>,
          %get3A_821 = arith.index_cast %add3A_783 : i32 to index
          %get3A_822 = arith.constant 80 : index
          %get3A_823 = tpu.vector_load %arg19[%get3A_821, %get3A_822] {strides = array<i32>} : memref<64x128xf32, #tpu.memory_space<vmem>>, vector<16xf32>,
          %mul3A_824 = arith.mulf %get3A_823, %gather3A_785 : vector<16xf32>
          %swap3A_825 = arith.index_cast %add3A_783 : i32 to index
          %swap3A_826 = arith.constant 80 : index
          %swap3A_827 = tpu.vector_load %arg19[%swap3A_825, %swap3A_826] {strides = array<i32>} : memref<64x128xf32, #tpu.memory_space<vmem>>, vector<16xf32>,
          tpu.vector_store %arg19[%swap3A_825, %swap3A_826], %mul3A_824 {strides = array<i32>} : memref<64x128xf32, #tpu.memory_space<vmem>>, vector<16xf32>,
          %get3A_828 = arith.index_cast %add3A_783 : i32 to index
          %get3A_829 = arith.constant 96 : index
          %get3A_830 = tpu.vector_load %arg19[%get3A_828, %get3A_829] {strides = array<i32>} : memref<64x128xf32, #tpu.memory_space<vmem>>, vector<16xf32>,
          %mul3A_831 = arith.mulf %get3A_830, %gather3A_785 : vector<16xf32>
          %swap3A_832 = arith.index_cast %add3A_783 : i32 to index
          %swap3A_833 = arith.constant 96 : index
          %swap3A_834 = tpu.vector_load %arg19[%swap3A_832, %swap3A_833] {strides = array<i32>} : memref<64x128xf32, #tpu.memory_space<vmem>>, vector<16xf32>,
          tpu.vector_store %arg19[%swap3A_832, %swap3A_833], %mul3A_831 {strides = array<i32>} : memref<64x128xf32, #tpu.memory_space<vmem>>, vector<16xf32>,
          %get3A_835 = arith.index_cast %add3A_783 : i32 to index
          %get3A_836 = arith.constant 112 : index
          %get3A_837 = tpu.vector_load %arg19[%get3A_835, %get3A_836] {strides = array<i32>} : memref<64x128xf32, #tpu.memory_space<vmem>>, vector<16xf32>,
          %mul3A_838 = arith.mulf %get3A_837, %gather3A_785 : vector<16xf32>
          %swap3A_839 = arith.index_cast %add3A_783 : i32 to index
          %swap3A_840 = arith.constant 112 : index
          %swap3A_841 = tpu.vector_load %arg19[%swap3A_839, %swap3A_840] {strides = array<i32>} : memref<64x128xf32, #tpu.memory_space<vmem>>, vector<16xf32>,
          tpu.vector_store %arg19[%swap3A_839, %swap3A_840], %mul3A_838 {strides = array<i32>} : memref<64x128xf32, #tpu.memory_space<vmem>>, vector<16xf32>,
        }
        %scan3A_183 = arith.constant 64 : i32
        %dma_start3A_184 = arith.constant 0 : i32
        %dma_start3A_185 = arith.constant 0 : i32
        %dma_start3A_186 = tpu.memref_slice %arg9[%dma_start3A_184, %dma_start3A_185] : memref<10240x128xf32, #tpu.memory_space<vmem_shared>> -> memref<10240x128xf32, #tpu.memory_space<vmem_shared>>
        tpu.enqueue_indirect_dma source(%arg19 : memref<64x128xf32, #tpu.memory_space<vmem>>) target(%dma_start3A_186 : memref<10240x128xf32, #tpu.memory_space<vmem_shared>>) offsets(%arg16 : memref<64xi32, #tpu.memory_space<vmem>>) semaphore(%arg22 : memref<!tpu.dma_semaphore, #tpu.memory_space<semaphore_mem>>) {add = true}
        %mul3A_187 = arith.constant 2 : i32
        %mul3A_188 = arith.muli %add3A_52, %mul3A_187 : i32
        %add3A_189 = arith.constant 1 : i32
        %add3A_190 = arith.addi %mul3A_188, %add3A_189 : i32
        %mul3A_191 = arith.constant 64 : i32
        %mul3A_192 = arith.muli %add3A_190, %mul3A_191 : i32
        %mul3A_193 = arith.constant 12 : i32
        %mul3A_194 = arith.muli %add3A_38, %mul3A_193 : i32
        %add3A_195 = arith.addi %mul3A_194, %add3A_190 : i32
        %add3A_196 = arith.constant 0 : i32
        %add3A_197 = arith.addi %mul3A_192, %add3A_196 : i32
        %get3A_198 = arith.index_cast %add3A_197 : i32 to index
        %get3A_199 = tpu.vector_load %arg13[%get3A_198] {strides = array<i32>} : memref<768xi32, #tpu.memory_space<vmem>>, vector<16xi32>,
        %add3A_200 = vector.broadcast %mul3A_2 : i32 to vector<16xi32>
        %add3A_201 = arith.addi %get3A_199, %add3A_200 : vector<16xi32>
        %swap3A_202 = arith.constant 0 : index
        %swap3A_203 = tpu.vector_load %arg15[%swap3A_202] {strides = array<i32>} : memref<64xi32, #tpu.memory_space<vmem>>, vector<16xi32>,
        tpu.vector_store %arg15[%swap3A_202], %add3A_201 {strides = array<i32>} : memref<64xi32, #tpu.memory_space<vmem>>, vector<16xi32>,
        %add3A_204 = arith.constant 16 : i32
        %add3A_205 = arith.addi %mul3A_192, %add3A_204 : i32
        %get3A_206 = arith.index_cast %add3A_205 : i32 to index
        %get3A_207 = tpu.vector_load %arg13[%get3A_206] {strides = array<i32>} : memref<768xi32, #tpu.memory_space<vmem>>, vector<16xi32>,
        %add3A_208 = vector.broadcast %mul3A_2 : i32 to vector<16xi32>
        %add3A_209 = arith.addi %get3A_207, %add3A_208 : vector<16xi32>
        %swap3A_210 = arith.constant 16 : index
        %swap3A_211 = tpu.vector_load %arg15[%swap3A_210] {strides = array<i32>} : memref<64xi32, #tpu.memory_space<vmem>>, vector<16xi32>,
        tpu.vector_store %arg15[%swap3A_210], %add3A_209 {strides = array<i32>} : memref<64xi32, #tpu.memory_space<vmem>>, vector<16xi32>,
        %add3A_212 = arith.constant 32 : i32
        %add3A_213 = arith.addi %mul3A_192, %add3A_212 : i32
        %get3A_214 = arith.index_cast %add3A_213 : i32 to index
        %get3A_215 = tpu.vector_load %arg13[%get3A_214] {strides = array<i32>} : memref<768xi32, #tpu.memory_space<vmem>>, vector<16xi32>,
        %add3A_216 = vector.broadcast %mul3A_2 : i32 to vector<16xi32>
        %add3A_217 = arith.addi %get3A_215, %add3A_216 : vector<16xi32>
        %swap3A_218 = arith.constant 32 : index
        %swap3A_219 = tpu.vector_load %arg15[%swap3A_218] {strides = array<i32>} : memref<64xi32, #tpu.memory_space<vmem>>, vector<16xi32>,
        tpu.vector_store %arg15[%swap3A_218], %add3A_217 {strides = array<i32>} : memref<64xi32, #tpu.memory_space<vmem>>, vector<16xi32>,
        %add3A_220 = arith.constant 48 : i32
        %add3A_221 = arith.addi %mul3A_192, %add3A_220 : i32
        %get3A_222 = arith.index_cast %add3A_221 : i32 to index
        %get3A_223 = tpu.vector_load %arg13[%get3A_222] {strides = array<i32>} : memref<768xi32, #tpu.memory_space<vmem>>, vector<16xi32>,
        %add3A_224 = vector.broadcast %mul3A_2 : i32 to vector<16xi32>
        %add3A_225 = arith.addi %get3A_223, %add3A_224 : vector<16xi32>
        %swap3A_226 = arith.constant 48 : index
        %swap3A_227 = tpu.vector_load %arg15[%swap3A_226] {strides = array<i32>} : memref<64xi32, #tpu.memory_space<vmem>>, vector<16xi32>,
        tpu.vector_store %arg15[%swap3A_226], %add3A_225 {strides = array<i32>} : memref<64xi32, #tpu.memory_space<vmem>>, vector<16xi32>,
        %ge3A_228 = arith.constant 2 : i32
        %ge3A_229 = arith.cmpi sge, %add3A_195, %ge3A_228 : i32
        %convert_element_type3A_230 = arith.extui %ge3A_229 : i1 to i32
        %cond3A_231 = arith.constant 0 : i32
        %cond3A_232 = arith.cmpi ne, %convert_element_type3A_230, %cond3A_231 : i32
        scf.if %cond3A_232 {
          %dma_wait3A_331 = arith.constant 0 : i32
          %dma_wait3A_332 = arith.constant 0 : i32
          %dma_wait3A_333 = tpu.memref_slice %arg9[%dma_wait3A_331, %dma_wait3A_332] : memref<10240x128xf32, #tpu.memory_space<vmem_shared>> -> memref<10240x128xf32, #tpu.memory_space<vmem_shared>>
          tpu.wait_indirect_dma semaphore(%arg22 : memref<!tpu.dma_semaphore, #tpu.memory_space<semaphore_mem>>) src(%arg20 : memref<64x128xf32, #tpu.memory_space<vmem>>) dst(%dma_wait3A_333 : memref<10240x128xf32, #tpu.memory_space<vmem_shared>>)
        } else {
        }
        %dma_start3A_233 = arith.constant 0 : i32
        %dma_start3A_234 = arith.constant 0 : i32
        %dma_start3A_235 = tpu.memref_slice %arg2[%dma_start3A_233, %dma_start3A_234] : memref<20480x128xf32, #tpu.memory_space<hbm>> -> memref<20480x128xf32, #tpu.memory_space<hbm>>
        tpu.enqueue_indirect_dma source(%dma_start3A_235 : memref<20480x128xf32, #tpu.memory_space<hbm>>) target(%arg20 : memref<64x128xf32, #tpu.memory_space<vmem>>) offsets(%arg15 : memref<64xi32, #tpu.memory_space<vmem>>) semaphore(%arg21 : memref<!tpu.dma_semaphore, #tpu.memory_space<semaphore_mem>>)
        %add3A_236 = arith.constant 0 : i32
        %add3A_237 = arith.addi %mul3A_192, %add3A_236 : i32
        %get3A_238 = arith.index_cast %add3A_237 : i32 to index
        %get3A_239 = tpu.vector_load %arg13[%get3A_238] {strides = array<i32>} : memref<768xi32, #tpu.memory_space<vmem>>, vector<16xi32>,
        %get3A_240 = arith.index_cast %add3A_237 : i32 to index
        %get3A_241 = tpu.vector_load %arg14[%get3A_240] {strides = array<i32>} : memref<768xi32, #tpu.memory_space<vmem>>, vector<16xi32>,
        %swap3A_242 = arith.constant 0 : index
        %swap3A_243 = tpu.vector_load %arg17[%swap3A_242] {strides = array<i32>} : memref<64xi32, #tpu.memory_space<vmem>>, vector<16xi32>,
        tpu.vector_store %arg17[%swap3A_242], %get3A_241 {strides = array<i32>} : memref<64xi32, #tpu.memory_space<vmem>>, vector<16xi32>,
        %gather3A_244 = tpu.vector_load_idx %arg10[%get3A_239] : memref<10240xf32, #tpu.memory_space<vmem>>[vector<16xi32>], vector<16xf32>,
        %gather3A_245 = tpu.vector_load_idx %arg11[%get3A_241] : memref<10240xf32, #tpu.memory_space<vmem>>[vector<16xi32>], vector<16xf32>,
        %add3A_246 = arith.addf %gather3A_244, %gather3A_245 : vector<16xf32>
        %gt3A_247 = arith.constant 0.000000e+00 : f32
        %gt3A_248 = vector.broadcast %gt3A_247 : f32 to vector<16xf32>
        %gt3A_249 = arith.cmpf ogt, %add3A_246, %gt3A_248 : vector<16xf32>
        %mul3A_250 = arith.constant 2.000000e-01 : f32
        %mul3A_251 = vector.broadcast %mul3A_250 : f32 to vector<16xf32>
        %mul3A_252 = arith.mulf %mul3A_251, %add3A_246 : vector<16xf32>
        %select_n3A_253 = arith.select %gt3A_249, %add3A_246, %mul3A_252 : vector<16xi1>, vector<16xf32>
        %exp3A_254 = math.exp %select_n3A_253 : vector<16xf32>
        %swap3A_255 = arith.constant 0 : index
        %swap3A_256 = tpu.vector_load %arg18[%swap3A_255] {strides = array<i32>} : memref<64xf32, #tpu.memory_space<vmem>>, vector<16xf32>,
        tpu.vector_store %arg18[%swap3A_255], %exp3A_254 {strides = array<i32>} : memref<64xf32, #tpu.memory_space<vmem>>, vector<16xf32>,
        tpu.vector_store_idx %arg12[%get3A_241], %exp3A_254 {add = true} : memref<10240xf32, #tpu.memory_space<vmem>>[vector<16xi32>], vector<16xf32>,
        %add3A_257 = arith.constant 16 : i32
        %add3A_258 = arith.addi %mul3A_192, %add3A_257 : i32
        %get3A_259 = arith.index_cast %add3A_258 : i32 to index
        %get3A_260 = tpu.vector_load %arg13[%get3A_259] {strides = array<i32>} : memref<768xi32, #tpu.memory_space<vmem>>, vector<16xi32>,
        %get3A_261 = arith.index_cast %add3A_258 : i32 to index
        %get3A_262 = tpu.vector_load %arg14[%get3A_261] {strides = array<i32>} : memref<768xi32, #tpu.memory_space<vmem>>, vector<16xi32>,
        %swap3A_263 = arith.constant 16 : index
        %swap3A_264 = tpu.vector_load %arg17[%swap3A_263] {strides = array<i32>} : memref<64xi32, #tpu.memory_space<vmem>>, vector<16xi32>,
        tpu.vector_store %arg17[%swap3A_263], %get3A_262 {strides = array<i32>} : memref<64xi32, #tpu.memory_space<vmem>>, vector<16xi32>,
        %gather3A_265 = tpu.vector_load_idx %arg10[%get3A_260] : memref<10240xf32, #tpu.memory_space<vmem>>[vector<16xi32>], vector<16xf32>,
        %gather3A_266 = tpu.vector_load_idx %arg11[%get3A_262] : memref<10240xf32, #tpu.memory_space<vmem>>[vector<16xi32>], vector<16xf32>,
        %add3A_267 = arith.addf %gather3A_265, %gather3A_266 : vector<16xf32>
        %gt3A_268 = arith.constant 0.000000e+00 : f32
        %gt3A_269 = vector.broadcast %gt3A_268 : f32 to vector<16xf32>
        %gt3A_270 = arith.cmpf ogt, %add3A_267, %gt3A_269 : vector<16xf32>
        %mul3A_271 = arith.constant 2.000000e-01 : f32
        %mul3A_272 = vector.broadcast %mul3A_271 : f32 to vector<16xf32>
        %mul3A_273 = arith.mulf %mul3A_272, %add3A_267 : vector<16xf32>
        %select_n3A_274 = arith.select %gt3A_270, %add3A_267, %mul3A_273 : vector<16xi1>, vector<16xf32>
        %exp3A_275 = math.exp %select_n3A_274 : vector<16xf32>
        %swap3A_276 = arith.constant 16 : index
        %swap3A_277 = tpu.vector_load %arg18[%swap3A_276] {strides = array<i32>} : memref<64xf32, #tpu.memory_space<vmem>>, vector<16xf32>,
        tpu.vector_store %arg18[%swap3A_276], %exp3A_275 {strides = array<i32>} : memref<64xf32, #tpu.memory_space<vmem>>, vector<16xf32>,
        tpu.vector_store_idx %arg12[%get3A_262], %exp3A_275 {add = true} : memref<10240xf32, #tpu.memory_space<vmem>>[vector<16xi32>], vector<16xf32>,
        %add3A_278 = arith.constant 32 : i32
        %add3A_279 = arith.addi %mul3A_192, %add3A_278 : i32
        %get3A_280 = arith.index_cast %add3A_279 : i32 to index
        %get3A_281 = tpu.vector_load %arg13[%get3A_280] {strides = array<i32>} : memref<768xi32, #tpu.memory_space<vmem>>, vector<16xi32>,
        %get3A_282 = arith.index_cast %add3A_279 : i32 to index
        %get3A_283 = tpu.vector_load %arg14[%get3A_282] {strides = array<i32>} : memref<768xi32, #tpu.memory_space<vmem>>, vector<16xi32>,
        %swap3A_284 = arith.constant 32 : index
        %swap3A_285 = tpu.vector_load %arg17[%swap3A_284] {strides = array<i32>} : memref<64xi32, #tpu.memory_space<vmem>>, vector<16xi32>,
        tpu.vector_store %arg17[%swap3A_284], %get3A_283 {strides = array<i32>} : memref<64xi32, #tpu.memory_space<vmem>>, vector<16xi32>,
        %gather3A_286 = tpu.vector_load_idx %arg10[%get3A_281] : memref<10240xf32, #tpu.memory_space<vmem>>[vector<16xi32>], vector<16xf32>,
        %gather3A_287 = tpu.vector_load_idx %arg11[%get3A_283] : memref<10240xf32, #tpu.memory_space<vmem>>[vector<16xi32>], vector<16xf32>,
        %add3A_288 = arith.addf %gather3A_286, %gather3A_287 : vector<16xf32>
        %gt3A_289 = arith.constant 0.000000e+00 : f32
        %gt3A_290 = vector.broadcast %gt3A_289 : f32 to vector<16xf32>
        %gt3A_291 = arith.cmpf ogt, %add3A_288, %gt3A_290 : vector<16xf32>
        %mul3A_292 = arith.constant 2.000000e-01 : f32
        %mul3A_293 = vector.broadcast %mul3A_292 : f32 to vector<16xf32>
        %mul3A_294 = arith.mulf %mul3A_293, %add3A_288 : vector<16xf32>
        %select_n3A_295 = arith.select %gt3A_291, %add3A_288, %mul3A_294 : vector<16xi1>, vector<16xf32>
        %exp3A_296 = math.exp %select_n3A_295 : vector<16xf32>
        %swap3A_297 = arith.constant 32 : index
        %swap3A_298 = tpu.vector_load %arg18[%swap3A_297] {strides = array<i32>} : memref<64xf32, #tpu.memory_space<vmem>>, vector<16xf32>,
        tpu.vector_store %arg18[%swap3A_297], %exp3A_296 {strides = array<i32>} : memref<64xf32, #tpu.memory_space<vmem>>, vector<16xf32>,
        tpu.vector_store_idx %arg12[%get3A_283], %exp3A_296 {add = true} : memref<10240xf32, #tpu.memory_space<vmem>>[vector<16xi32>], vector<16xf32>,
        %add3A_299 = arith.constant 48 : i32
        %add3A_300 = arith.addi %mul3A_192, %add3A_299 : i32
        %get3A_301 = arith.index_cast %add3A_300 : i32 to index
        %get3A_302 = tpu.vector_load %arg13[%get3A_301] {strides = array<i32>} : memref<768xi32, #tpu.memory_space<vmem>>, vector<16xi32>,
        %get3A_303 = arith.index_cast %add3A_300 : i32 to index
        %get3A_304 = tpu.vector_load %arg14[%get3A_303] {strides = array<i32>} : memref<768xi32, #tpu.memory_space<vmem>>, vector<16xi32>,
        %swap3A_305 = arith.constant 48 : index
        %swap3A_306 = tpu.vector_load %arg17[%swap3A_305] {strides = array<i32>} : memref<64xi32, #tpu.memory_space<vmem>>, vector<16xi32>,
        tpu.vector_store %arg17[%swap3A_305], %get3A_304 {strides = array<i32>} : memref<64xi32, #tpu.memory_space<vmem>>, vector<16xi32>,
        %gather3A_307 = tpu.vector_load_idx %arg10[%get3A_302] : memref<10240xf32, #tpu.memory_space<vmem>>[vector<16xi32>], vector<16xf32>,
        %gather3A_308 = tpu.vector_load_idx %arg11[%get3A_304] : memref<10240xf32, #tpu.memory_space<vmem>>[vector<16xi32>], vector<16xf32>,
        %add3A_309 = arith.addf %gather3A_307, %gather3A_308 : vector<16xf32>
        %gt3A_310 = arith.constant 0.000000e+00 : f32
        %gt3A_311 = vector.broadcast %gt3A_310 : f32 to vector<16xf32>
        %gt3A_312 = arith.cmpf ogt, %add3A_309, %gt3A_311 : vector<16xf32>
        %mul3A_313 = arith.constant 2.000000e-01 : f32
        %mul3A_314 = vector.broadcast %mul3A_313 : f32 to vector<16xf32>
        %mul3A_315 = arith.mulf %mul3A_314, %add3A_309 : vector<16xf32>
        %select_n3A_316 = arith.select %gt3A_312, %add3A_309, %mul3A_315 : vector<16xi1>, vector<16xf32>
        %exp3A_317 = math.exp %select_n3A_316 : vector<16xf32>
        %swap3A_318 = arith.constant 48 : index
        %swap3A_319 = tpu.vector_load %arg18[%swap3A_318] {strides = array<i32>} : memref<64xf32, #tpu.memory_space<vmem>>, vector<16xf32>,
        tpu.vector_store %arg18[%swap3A_318], %exp3A_317 {strides = array<i32>} : memref<64xf32, #tpu.memory_space<vmem>>, vector<16xf32>,
        tpu.vector_store_idx %arg12[%get3A_304], %exp3A_317 {add = true} : memref<10240xf32, #tpu.memory_space<vmem>>[vector<16xi32>], vector<16xf32>,
        %dma_wait3A_320 = arith.constant 0 : i32
        %dma_wait3A_321 = arith.constant 0 : i32
        %dma_wait3A_322 = tpu.memref_slice %arg2[%dma_wait3A_320, %dma_wait3A_321] : memref<20480x128xf32, #tpu.memory_space<hbm>> -> memref<20480x128xf32, #tpu.memory_space<hbm>>
        tpu.wait_indirect_dma semaphore(%arg21 : memref<!tpu.dma_semaphore, #tpu.memory_space<semaphore_mem>>) src(%dma_wait3A_322 : memref<20480x128xf32, #tpu.memory_space<hbm>>) dst(%arg20 : memref<64x128xf32, #tpu.memory_space<vmem>>)
        %scan3A_323 = arith.constant 0 : i32
        %scan3A_324 = arith.constant 64 : i32
        %scan3A_325 = arith.addi %scan3A_323, %scan3A_324 : i32
        %scan3A_326 = arith.constant 8 : i32
        scf.for %scan3A_331 = %scan3A_323 to %scan3A_325 step %scan3A_326  : i32 {
          %mul3A_332 = arith.constant 1 : i32
          %mul3A_333 = arith.muli %scan3A_331, %mul3A_332 : i32
          %add3A_334 = arith.constant 0 : i32
          %add3A_335 = arith.addi %add3A_334, %mul3A_333 : i32
          %broadcast_in_dim3A_336 = vector.broadcast %add3A_335 : i32 to vector<16xi32>
          %gather3A_337 = tpu.vector_load_idx %arg18[%broadcast_in_dim3A_336] : memref<64xf32, #tpu.memory_space<vmem>>[vector<16xi32>], vector<16xf32>,
          %get3A_338 = arith.index_cast %add3A_335 : i32 to index
          %get3A_339 = arith.constant 0 : index
          %get3A_340 = tpu.vector_load %arg20[%get3A_338, %get3A_339] {strides = array<i32>} : memref<64x128xf32, #tpu.memory_space<vmem>>, vector<16xf32>,
          %mul3A_341 = arith.mulf %get3A_340, %gather3A_337 : vector<16xf32>
          %swap3A_342 = arith.index_cast %add3A_335 : i32 to index
          %swap3A_343 = arith.constant 0 : index
          %swap3A_344 = tpu.vector_load %arg20[%swap3A_342, %swap3A_343] {strides = array<i32>} : memref<64x128xf32, #tpu.memory_space<vmem>>, vector<16xf32>,
          tpu.vector_store %arg20[%swap3A_342, %swap3A_343], %mul3A_341 {strides = array<i32>} : memref<64x128xf32, #tpu.memory_space<vmem>>, vector<16xf32>,
          %get3A_345 = arith.index_cast %add3A_335 : i32 to index
          %get3A_346 = arith.constant 16 : index
          %get3A_347 = tpu.vector_load %arg20[%get3A_345, %get3A_346] {strides = array<i32>} : memref<64x128xf32, #tpu.memory_space<vmem>>, vector<16xf32>,
          %mul3A_348 = arith.mulf %get3A_347, %gather3A_337 : vector<16xf32>
          %swap3A_349 = arith.index_cast %add3A_335 : i32 to index
          %swap3A_350 = arith.constant 16 : index
          %swap3A_351 = tpu.vector_load %arg20[%swap3A_349, %swap3A_350] {strides = array<i32>} : memref<64x128xf32, #tpu.memory_space<vmem>>, vector<16xf32>,
          tpu.vector_store %arg20[%swap3A_349, %swap3A_350], %mul3A_348 {strides = array<i32>} : memref<64x128xf32, #tpu.memory_space<vmem>>, vector<16xf32>,
          %get3A_352 = arith.index_cast %add3A_335 : i32 to index
          %get3A_353 = arith.constant 32 : index
          %get3A_354 = tpu.vector_load %arg20[%get3A_352, %get3A_353] {strides = array<i32>} : memref<64x128xf32, #tpu.memory_space<vmem>>, vector<16xf32>,
          %mul3A_355 = arith.mulf %get3A_354, %gather3A_337 : vector<16xf32>
          %swap3A_356 = arith.index_cast %add3A_335 : i32 to index
          %swap3A_357 = arith.constant 32 : index
          %swap3A_358 = tpu.vector_load %arg20[%swap3A_356, %swap3A_357] {strides = array<i32>} : memref<64x128xf32, #tpu.memory_space<vmem>>, vector<16xf32>,
          tpu.vector_store %arg20[%swap3A_356, %swap3A_357], %mul3A_355 {strides = array<i32>} : memref<64x128xf32, #tpu.memory_space<vmem>>, vector<16xf32>,
          %get3A_359 = arith.index_cast %add3A_335 : i32 to index
          %get3A_360 = arith.constant 48 : index
          %get3A_361 = tpu.vector_load %arg20[%get3A_359, %get3A_360] {strides = array<i32>} : memref<64x128xf32, #tpu.memory_space<vmem>>, vector<16xf32>,
          %mul3A_362 = arith.mulf %get3A_361, %gather3A_337 : vector<16xf32>
          %swap3A_363 = arith.index_cast %add3A_335 : i32 to index
          %swap3A_364 = arith.constant 48 : index
          %swap3A_365 = tpu.vector_load %arg20[%swap3A_363, %swap3A_364] {strides = array<i32>} : memref<64x128xf32, #tpu.memory_space<vmem>>, vector<16xf32>,
          tpu.vector_store %arg20[%swap3A_363, %swap3A_364], %mul3A_362 {strides = array<i32>} : memref<64x128xf32, #tpu.memory_space<vmem>>, vector<16xf32>,
          %get3A_366 = arith.index_cast %add3A_335 : i32 to index
          %get3A_367 = arith.constant 64 : index
          %get3A_368 = tpu.vector_load %arg20[%get3A_366, %get3A_367] {strides = array<i32>} : memref<64x128xf32, #tpu.memory_space<vmem>>, vector<16xf32>,
          %mul3A_369 = arith.mulf %get3A_368, %gather3A_337 : vector<16xf32>
          %swap3A_370 = arith.index_cast %add3A_335 : i32 to index
          %swap3A_371 = arith.constant 64 : index
          %swap3A_372 = tpu.vector_load %arg20[%swap3A_370, %swap3A_371] {strides = array<i32>} : memref<64x128xf32, #tpu.memory_space<vmem>>, vector<16xf32>,
          tpu.vector_store %arg20[%swap3A_370, %swap3A_371], %mul3A_369 {strides = array<i32>} : memref<64x128xf32, #tpu.memory_space<vmem>>, vector<16xf32>,
          %get3A_373 = arith.index_cast %add3A_335 : i32 to index
          %get3A_374 = arith.constant 80 : index
          %get3A_375 = tpu.vector_load %arg20[%get3A_373, %get3A_374] {strides = array<i32>} : memref<64x128xf32, #tpu.memory_space<vmem>>, vector<16xf32>,
          %mul3A_376 = arith.mulf %get3A_375, %gather3A_337 : vector<16xf32>
          %swap3A_377 = arith.index_cast %add3A_335 : i32 to index
          %swap3A_378 = arith.constant 80 : index
          %swap3A_379 = tpu.vector_load %arg20[%swap3A_377, %swap3A_378] {strides = array<i32>} : memref<64x128xf32, #tpu.memory_space<vmem>>, vector<16xf32>,
          tpu.vector_store %arg20[%swap3A_377, %swap3A_378], %mul3A_376 {strides = array<i32>} : memref<64x128xf32, #tpu.memory_space<vmem>>, vector<16xf32>,
          %get3A_380 = arith.index_cast %add3A_335 : i32 to index
          %get3A_381 = arith.constant 96 : index
          %get3A_382 = tpu.vector_load %arg20[%get3A_380, %get3A_381] {strides = array<i32>} : memref<64x128xf32, #tpu.memory_space<vmem>>, vector<16xf32>,
          %mul3A_383 = arith.mulf %get3A_382, %gather3A_337 : vector<16xf32>
          %swap3A_384 = arith.index_cast %add3A_335 : i32 to index
          %swap3A_385 = arith.constant 96 : index
          %swap3A_386 = tpu.vector_load %arg20[%swap3A_384, %swap3A_385] {strides = array<i32>} : memref<64x128xf32, #tpu.memory_space<vmem>>, vector<16xf32>,
          tpu.vector_store %arg20[%swap3A_384, %swap3A_385], %mul3A_383 {strides = array<i32>} : memref<64x128xf32, #tpu.memory_space<vmem>>, vector<16xf32>,
          %get3A_387 = arith.index_cast %add3A_335 : i32 to index
          %get3A_388 = arith.constant 112 : index
          %get3A_389 = tpu.vector_load %arg20[%get3A_387, %get3A_388] {strides = array<i32>} : memref<64x128xf32, #tpu.memory_space<vmem>>, vector<16xf32>,
          %mul3A_390 = arith.mulf %get3A_389, %gather3A_337 : vector<16xf32>
          %swap3A_391 = arith.index_cast %add3A_335 : i32 to index
          %swap3A_392 = arith.constant 112 : index
          %swap3A_393 = tpu.vector_load %arg20[%swap3A_391, %swap3A_392] {strides = array<i32>} : memref<64x128xf32, #tpu.memory_space<vmem>>, vector<16xf32>,
          tpu.vector_store %arg20[%swap3A_391, %swap3A_392], %mul3A_390 {strides = array<i32>} : memref<64x128xf32, #tpu.memory_space<vmem>>, vector<16xf32>,
          %scan3A_394 = arith.constant 1 : i32
          %scan3A_395 = arith.addi %scan3A_331, %scan3A_394 : i32
          %mul3A_396 = arith.constant 1 : i32
          %mul3A_397 = arith.muli %scan3A_395, %mul3A_396 : i32
          %add3A_398 = arith.constant 0 : i32
          %add3A_399 = arith.addi %add3A_398, %mul3A_397 : i32
          %broadcast_in_dim3A_400 = vector.broadcast %add3A_399 : i32 to vector<16xi32>
          %gather3A_401 = tpu.vector_load_idx %arg18[%broadcast_in_dim3A_400] : memref<64xf32, #tpu.memory_space<vmem>>[vector<16xi32>], vector<16xf32>,
          %get3A_402 = arith.index_cast %add3A_399 : i32 to index
          %get3A_403 = arith.constant 0 : index
          %get3A_404 = tpu.vector_load %arg20[%get3A_402, %get3A_403] {strides = array<i32>} : memref<64x128xf32, #tpu.memory_space<vmem>>, vector<16xf32>,
          %mul3A_405 = arith.mulf %get3A_404, %gather3A_401 : vector<16xf32>
          %swap3A_406 = arith.index_cast %add3A_399 : i32 to index
          %swap3A_407 = arith.constant 0 : index
          %swap3A_408 = tpu.vector_load %arg20[%swap3A_406, %swap3A_407] {strides = array<i32>} : memref<64x128xf32, #tpu.memory_space<vmem>>, vector<16xf32>,
          tpu.vector_store %arg20[%swap3A_406, %swap3A_407], %mul3A_405 {strides = array<i32>} : memref<64x128xf32, #tpu.memory_space<vmem>>, vector<16xf32>,
          %get3A_409 = arith.index_cast %add3A_399 : i32 to index
          %get3A_410 = arith.constant 16 : index
          %get3A_411 = tpu.vector_load %arg20[%get3A_409, %get3A_410] {strides = array<i32>} : memref<64x128xf32, #tpu.memory_space<vmem>>, vector<16xf32>,
          %mul3A_412 = arith.mulf %get3A_411, %gather3A_401 : vector<16xf32>
          %swap3A_413 = arith.index_cast %add3A_399 : i32 to index
          %swap3A_414 = arith.constant 16 : index
          %swap3A_415 = tpu.vector_load %arg20[%swap3A_413, %swap3A_414] {strides = array<i32>} : memref<64x128xf32, #tpu.memory_space<vmem>>, vector<16xf32>,
          tpu.vector_store %arg20[%swap3A_413, %swap3A_414], %mul3A_412 {strides = array<i32>} : memref<64x128xf32, #tpu.memory_space<vmem>>, vector<16xf32>,
          %get3A_416 = arith.index_cast %add3A_399 : i32 to index
          %get3A_417 = arith.constant 32 : index
          %get3A_418 = tpu.vector_load %arg20[%get3A_416, %get3A_417] {strides = array<i32>} : memref<64x128xf32, #tpu.memory_space<vmem>>, vector<16xf32>,
          %mul3A_419 = arith.mulf %get3A_418, %gather3A_401 : vector<16xf32>
          %swap3A_420 = arith.index_cast %add3A_399 : i32 to index
          %swap3A_421 = arith.constant 32 : index
          %swap3A_422 = tpu.vector_load %arg20[%swap3A_420, %swap3A_421] {strides = array<i32>} : memref<64x128xf32, #tpu.memory_space<vmem>>, vector<16xf32>,
          tpu.vector_store %arg20[%swap3A_420, %swap3A_421], %mul3A_419 {strides = array<i32>} : memref<64x128xf32, #tpu.memory_space<vmem>>, vector<16xf32>,
          %get3A_423 = arith.index_cast %add3A_399 : i32 to index
          %get3A_424 = arith.constant 48 : index
          %get3A_425 = tpu.vector_load %arg20[%get3A_423, %get3A_424] {strides = array<i32>} : memref<64x128xf32, #tpu.memory_space<vmem>>, vector<16xf32>,
          %mul3A_426 = arith.mulf %get3A_425, %gather3A_401 : vector<16xf32>
          %swap3A_427 = arith.index_cast %add3A_399 : i32 to index
          %swap3A_428 = arith.constant 48 : index
          %swap3A_429 = tpu.vector_load %arg20[%swap3A_427, %swap3A_428] {strides = array<i32>} : memref<64x128xf32, #tpu.memory_space<vmem>>, vector<16xf32>,
          tpu.vector_store %arg20[%swap3A_427, %swap3A_428], %mul3A_426 {strides = array<i32>} : memref<64x128xf32, #tpu.memory_space<vmem>>, vector<16xf32>,
          %get3A_430 = arith.index_cast %add3A_399 : i32 to index
          %get3A_431 = arith.constant 64 : index
          %get3A_432 = tpu.vector_load %arg20[%get3A_430, %get3A_431] {strides = array<i32>} : memref<64x128xf32, #tpu.memory_space<vmem>>, vector<16xf32>,
          %mul3A_433 = arith.mulf %get3A_432, %gather3A_401 : vector<16xf32>
          %swap3A_434 = arith.index_cast %add3A_399 : i32 to index
          %swap3A_435 = arith.constant 64 : index
          %swap3A_436 = tpu.vector_load %arg20[%swap3A_434, %swap3A_435] {strides = array<i32>} : memref<64x128xf32, #tpu.memory_space<vmem>>, vector<16xf32>,
          tpu.vector_store %arg20[%swap3A_434, %swap3A_435], %mul3A_433 {strides = array<i32>} : memref<64x128xf32, #tpu.memory_space<vmem>>, vector<16xf32>,
          %get3A_437 = arith.index_cast %add3A_399 : i32 to index
          %get3A_438 = arith.constant 80 : index
          %get3A_439 = tpu.vector_load %arg20[%get3A_437, %get3A_438] {strides = array<i32>} : memref<64x128xf32, #tpu.memory_space<vmem>>, vector<16xf32>,
          %mul3A_440 = arith.mulf %get3A_439, %gather3A_401 : vector<16xf32>
          %swap3A_441 = arith.index_cast %add3A_399 : i32 to index
          %swap3A_442 = arith.constant 80 : index
          %swap3A_443 = tpu.vector_load %arg20[%swap3A_441, %swap3A_442] {strides = array<i32>} : memref<64x128xf32, #tpu.memory_space<vmem>>, vector<16xf32>,
          tpu.vector_store %arg20[%swap3A_441, %swap3A_442], %mul3A_440 {strides = array<i32>} : memref<64x128xf32, #tpu.memory_space<vmem>>, vector<16xf32>,
          %get3A_444 = arith.index_cast %add3A_399 : i32 to index
          %get3A_445 = arith.constant 96 : index
          %get3A_446 = tpu.vector_load %arg20[%get3A_444, %get3A_445] {strides = array<i32>} : memref<64x128xf32, #tpu.memory_space<vmem>>, vector<16xf32>,
          %mul3A_447 = arith.mulf %get3A_446, %gather3A_401 : vector<16xf32>
          %swap3A_448 = arith.index_cast %add3A_399 : i32 to index
          %swap3A_449 = arith.constant 96 : index
          %swap3A_450 = tpu.vector_load %arg20[%swap3A_448, %swap3A_449] {strides = array<i32>} : memref<64x128xf32, #tpu.memory_space<vmem>>, vector<16xf32>,
          tpu.vector_store %arg20[%swap3A_448, %swap3A_449], %mul3A_447 {strides = array<i32>} : memref<64x128xf32, #tpu.memory_space<vmem>>, vector<16xf32>,
          %get3A_451 = arith.index_cast %add3A_399 : i32 to index
          %get3A_452 = arith.constant 112 : index
          %get3A_453 = tpu.vector_load %arg20[%get3A_451, %get3A_452] {strides = array<i32>} : memref<64x128xf32, #tpu.memory_space<vmem>>, vector<16xf32>,
          %mul3A_454 = arith.mulf %get3A_453, %gather3A_401 : vector<16xf32>
          %swap3A_455 = arith.index_cast %add3A_399 : i32 to index
          %swap3A_456 = arith.constant 112 : index
          %swap3A_457 = tpu.vector_load %arg20[%swap3A_455, %swap3A_456] {strides = array<i32>} : memref<64x128xf32, #tpu.memory_space<vmem>>, vector<16xf32>,
          tpu.vector_store %arg20[%swap3A_455, %swap3A_456], %mul3A_454 {strides = array<i32>} : memref<64x128xf32, #tpu.memory_space<vmem>>, vector<16xf32>,
          %scan3A_458 = arith.constant 2 : i32
          %scan3A_459 = arith.addi %scan3A_331, %scan3A_458 : i32
          %mul3A_460 = arith.constant 1 : i32
          %mul3A_461 = arith.muli %scan3A_459, %mul3A_460 : i32
          %add3A_462 = arith.constant 0 : i32
          %add3A_463 = arith.addi %add3A_462, %mul3A_461 : i32
          %broadcast_in_dim3A_464 = vector.broadcast %add3A_463 : i32 to vector<16xi32>
          %gather3A_465 = tpu.vector_load_idx %arg18[%broadcast_in_dim3A_464] : memref<64xf32, #tpu.memory_space<vmem>>[vector<16xi32>], vector<16xf32>,
          %get3A_466 = arith.index_cast %add3A_463 : i32 to index
          %get3A_467 = arith.constant 0 : index
          %get3A_468 = tpu.vector_load %arg20[%get3A_466, %get3A_467] {strides = array<i32>} : memref<64x128xf32, #tpu.memory_space<vmem>>, vector<16xf32>,
          %mul3A_469 = arith.mulf %get3A_468, %gather3A_465 : vector<16xf32>
          %swap3A_470 = arith.index_cast %add3A_463 : i32 to index
          %swap3A_471 = arith.constant 0 : index
          %swap3A_472 = tpu.vector_load %arg20[%swap3A_470, %swap3A_471] {strides = array<i32>} : memref<64x128xf32, #tpu.memory_space<vmem>>, vector<16xf32>,
          tpu.vector_store %arg20[%swap3A_470, %swap3A_471], %mul3A_469 {strides = array<i32>} : memref<64x128xf32, #tpu.memory_space<vmem>>, vector<16xf32>,
          %get3A_473 = arith.index_cast %add3A_463 : i32 to index
          %get3A_474 = arith.constant 16 : index
          %get3A_475 = tpu.vector_load %arg20[%get3A_473, %get3A_474] {strides = array<i32>} : memref<64x128xf32, #tpu.memory_space<vmem>>, vector<16xf32>,
          %mul3A_476 = arith.mulf %get3A_475, %gather3A_465 : vector<16xf32>
          %swap3A_477 = arith.index_cast %add3A_463 : i32 to index
          %swap3A_478 = arith.constant 16 : index
          %swap3A_479 = tpu.vector_load %arg20[%swap3A_477, %swap3A_478] {strides = array<i32>} : memref<64x128xf32, #tpu.memory_space<vmem>>, vector<16xf32>,
          tpu.vector_store %arg20[%swap3A_477, %swap3A_478], %mul3A_476 {strides = array<i32>} : memref<64x128xf32, #tpu.memory_space<vmem>>, vector<16xf32>,
          %get3A_480 = arith.index_cast %add3A_463 : i32 to index
          %get3A_481 = arith.constant 32 : index
          %get3A_482 = tpu.vector_load %arg20[%get3A_480, %get3A_481] {strides = array<i32>} : memref<64x128xf32, #tpu.memory_space<vmem>>, vector<16xf32>,
          %mul3A_483 = arith.mulf %get3A_482, %gather3A_465 : vector<16xf32>
          %swap3A_484 = arith.index_cast %add3A_463 : i32 to index
          %swap3A_485 = arith.constant 32 : index
          %swap3A_486 = tpu.vector_load %arg20[%swap3A_484, %swap3A_485] {strides = array<i32>} : memref<64x128xf32, #tpu.memory_space<vmem>>, vector<16xf32>,
          tpu.vector_store %arg20[%swap3A_484, %swap3A_485], %mul3A_483 {strides = array<i32>} : memref<64x128xf32, #tpu.memory_space<vmem>>, vector<16xf32>,
          %get3A_487 = arith.index_cast %add3A_463 : i32 to index
          %get3A_488 = arith.constant 48 : index
          %get3A_489 = tpu.vector_load %arg20[%get3A_487, %get3A_488] {strides = array<i32>} : memref<64x128xf32, #tpu.memory_space<vmem>>, vector<16xf32>,
          %mul3A_490 = arith.mulf %get3A_489, %gather3A_465 : vector<16xf32>
          %swap3A_491 = arith.index_cast %add3A_463 : i32 to index
          %swap3A_492 = arith.constant 48 : index
          %swap3A_493 = tpu.vector_load %arg20[%swap3A_491, %swap3A_492] {strides = array<i32>} : memref<64x128xf32, #tpu.memory_space<vmem>>, vector<16xf32>,
          tpu.vector_store %arg20[%swap3A_491, %swap3A_492], %mul3A_490 {strides = array<i32>} : memref<64x128xf32, #tpu.memory_space<vmem>>, vector<16xf32>,
          %get3A_494 = arith.index_cast %add3A_463 : i32 to index
          %get3A_495 = arith.constant 64 : index
          %get3A_496 = tpu.vector_load %arg20[%get3A_494, %get3A_495] {strides = array<i32>} : memref<64x128xf32, #tpu.memory_space<vmem>>, vector<16xf32>,
          %mul3A_497 = arith.mulf %get3A_496, %gather3A_465 : vector<16xf32>
          %swap3A_498 = arith.index_cast %add3A_463 : i32 to index
          %swap3A_499 = arith.constant 64 : index
          %swap3A_500 = tpu.vector_load %arg20[%swap3A_498, %swap3A_499] {strides = array<i32>} : memref<64x128xf32, #tpu.memory_space<vmem>>, vector<16xf32>,
          tpu.vector_store %arg20[%swap3A_498, %swap3A_499], %mul3A_497 {strides = array<i32>} : memref<64x128xf32, #tpu.memory_space<vmem>>, vector<16xf32>,
          %get3A_501 = arith.index_cast %add3A_463 : i32 to index
          %get3A_502 = arith.constant 80 : index
          %get3A_503 = tpu.vector_load %arg20[%get3A_501, %get3A_502] {strides = array<i32>} : memref<64x128xf32, #tpu.memory_space<vmem>>, vector<16xf32>,
          %mul3A_504 = arith.mulf %get3A_503, %gather3A_465 : vector<16xf32>
          %swap3A_505 = arith.index_cast %add3A_463 : i32 to index
          %swap3A_506 = arith.constant 80 : index
          %swap3A_507 = tpu.vector_load %arg20[%swap3A_505, %swap3A_506] {strides = array<i32>} : memref<64x128xf32, #tpu.memory_space<vmem>>, vector<16xf32>,
          tpu.vector_store %arg20[%swap3A_505, %swap3A_506], %mul3A_504 {strides = array<i32>} : memref<64x128xf32, #tpu.memory_space<vmem>>, vector<16xf32>,
          %get3A_508 = arith.index_cast %add3A_463 : i32 to index
          %get3A_509 = arith.constant 96 : index
          %get3A_510 = tpu.vector_load %arg20[%get3A_508, %get3A_509] {strides = array<i32>} : memref<64x128xf32, #tpu.memory_space<vmem>>, vector<16xf32>,
          %mul3A_511 = arith.mulf %get3A_510, %gather3A_465 : vector<16xf32>
          %swap3A_512 = arith.index_cast %add3A_463 : i32 to index
          %swap3A_513 = arith.constant 96 : index
          %swap3A_514 = tpu.vector_load %arg20[%swap3A_512, %swap3A_513] {strides = array<i32>} : memref<64x128xf32, #tpu.memory_space<vmem>>, vector<16xf32>,
          tpu.vector_store %arg20[%swap3A_512, %swap3A_513], %mul3A_511 {strides = array<i32>} : memref<64x128xf32, #tpu.memory_space<vmem>>, vector<16xf32>,
          %get3A_515 = arith.index_cast %add3A_463 : i32 to index
          %get3A_516 = arith.constant 112 : index
          %get3A_517 = tpu.vector_load %arg20[%get3A_515, %get3A_516] {strides = array<i32>} : memref<64x128xf32, #tpu.memory_space<vmem>>, vector<16xf32>,
          %mul3A_518 = arith.mulf %get3A_517, %gather3A_465 : vector<16xf32>
          %swap3A_519 = arith.index_cast %add3A_463 : i32 to index
          %swap3A_520 = arith.constant 112 : index
          %swap3A_521 = tpu.vector_load %arg20[%swap3A_519, %swap3A_520] {strides = array<i32>} : memref<64x128xf32, #tpu.memory_space<vmem>>, vector<16xf32>,
          tpu.vector_store %arg20[%swap3A_519, %swap3A_520], %mul3A_518 {strides = array<i32>} : memref<64x128xf32, #tpu.memory_space<vmem>>, vector<16xf32>,
          %scan3A_522 = arith.constant 3 : i32
          %scan3A_523 = arith.addi %scan3A_331, %scan3A_522 : i32
          %mul3A_524 = arith.constant 1 : i32
          %mul3A_525 = arith.muli %scan3A_523, %mul3A_524 : i32
          %add3A_526 = arith.constant 0 : i32
          %add3A_527 = arith.addi %add3A_526, %mul3A_525 : i32
          %broadcast_in_dim3A_528 = vector.broadcast %add3A_527 : i32 to vector<16xi32>
          %gather3A_529 = tpu.vector_load_idx %arg18[%broadcast_in_dim3A_528] : memref<64xf32, #tpu.memory_space<vmem>>[vector<16xi32>], vector<16xf32>,
          %get3A_530 = arith.index_cast %add3A_527 : i32 to index
          %get3A_531 = arith.constant 0 : index
          %get3A_532 = tpu.vector_load %arg20[%get3A_530, %get3A_531] {strides = array<i32>} : memref<64x128xf32, #tpu.memory_space<vmem>>, vector<16xf32>,
          %mul3A_533 = arith.mulf %get3A_532, %gather3A_529 : vector<16xf32>
          %swap3A_534 = arith.index_cast %add3A_527 : i32 to index
          %swap3A_535 = arith.constant 0 : index
          %swap3A_536 = tpu.vector_load %arg20[%swap3A_534, %swap3A_535] {strides = array<i32>} : memref<64x128xf32, #tpu.memory_space<vmem>>, vector<16xf32>,
          tpu.vector_store %arg20[%swap3A_534, %swap3A_535], %mul3A_533 {strides = array<i32>} : memref<64x128xf32, #tpu.memory_space<vmem>>, vector<16xf32>,
          %get3A_537 = arith.index_cast %add3A_527 : i32 to index
          %get3A_538 = arith.constant 16 : index
          %get3A_539 = tpu.vector_load %arg20[%get3A_537, %get3A_538] {strides = array<i32>} : memref<64x128xf32, #tpu.memory_space<vmem>>, vector<16xf32>,
          %mul3A_540 = arith.mulf %get3A_539, %gather3A_529 : vector<16xf32>
          %swap3A_541 = arith.index_cast %add3A_527 : i32 to index
          %swap3A_542 = arith.constant 16 : index
          %swap3A_543 = tpu.vector_load %arg20[%swap3A_541, %swap3A_542] {strides = array<i32>} : memref<64x128xf32, #tpu.memory_space<vmem>>, vector<16xf32>,
          tpu.vector_store %arg20[%swap3A_541, %swap3A_542], %mul3A_540 {strides = array<i32>} : memref<64x128xf32, #tpu.memory_space<vmem>>, vector<16xf32>,
          %get3A_544 = arith.index_cast %add3A_527 : i32 to index
          %get3A_545 = arith.constant 32 : index
          %get3A_546 = tpu.vector_load %arg20[%get3A_544, %get3A_545] {strides = array<i32>} : memref<64x128xf32, #tpu.memory_space<vmem>>, vector<16xf32>,
          %mul3A_547 = arith.mulf %get3A_546, %gather3A_529 : vector<16xf32>
          %swap3A_548 = arith.index_cast %add3A_527 : i32 to index
          %swap3A_549 = arith.constant 32 : index
          %swap3A_550 = tpu.vector_load %arg20[%swap3A_548, %swap3A_549] {strides = array<i32>} : memref<64x128xf32, #tpu.memory_space<vmem>>, vector<16xf32>,
          tpu.vector_store %arg20[%swap3A_548, %swap3A_549], %mul3A_547 {strides = array<i32>} : memref<64x128xf32, #tpu.memory_space<vmem>>, vector<16xf32>,
          %get3A_551 = arith.index_cast %add3A_527 : i32 to index
          %get3A_552 = arith.constant 48 : index
          %get3A_553 = tpu.vector_load %arg20[%get3A_551, %get3A_552] {strides = array<i32>} : memref<64x128xf32, #tpu.memory_space<vmem>>, vector<16xf32>,
          %mul3A_554 = arith.mulf %get3A_553, %gather3A_529 : vector<16xf32>
          %swap3A_555 = arith.index_cast %add3A_527 : i32 to index
          %swap3A_556 = arith.constant 48 : index
          %swap3A_557 = tpu.vector_load %arg20[%swap3A_555, %swap3A_556] {strides = array<i32>} : memref<64x128xf32, #tpu.memory_space<vmem>>, vector<16xf32>,
          tpu.vector_store %arg20[%swap3A_555, %swap3A_556], %mul3A_554 {strides = array<i32>} : memref<64x128xf32, #tpu.memory_space<vmem>>, vector<16xf32>,
          %get3A_558 = arith.index_cast %add3A_527 : i32 to index
          %get3A_559 = arith.constant 64 : index
          %get3A_560 = tpu.vector_load %arg20[%get3A_558, %get3A_559] {strides = array<i32>} : memref<64x128xf32, #tpu.memory_space<vmem>>, vector<16xf32>,
          %mul3A_561 = arith.mulf %get3A_560, %gather3A_529 : vector<16xf32>
          %swap3A_562 = arith.index_cast %add3A_527 : i32 to index
          %swap3A_563 = arith.constant 64 : index
          %swap3A_564 = tpu.vector_load %arg20[%swap3A_562, %swap3A_563] {strides = array<i32>} : memref<64x128xf32, #tpu.memory_space<vmem>>, vector<16xf32>,
          tpu.vector_store %arg20[%swap3A_562, %swap3A_563], %mul3A_561 {strides = array<i32>} : memref<64x128xf32, #tpu.memory_space<vmem>>, vector<16xf32>,
          %get3A_565 = arith.index_cast %add3A_527 : i32 to index
          %get3A_566 = arith.constant 80 : index
          %get3A_567 = tpu.vector_load %arg20[%get3A_565, %get3A_566] {strides = array<i32>} : memref<64x128xf32, #tpu.memory_space<vmem>>, vector<16xf32>,
          %mul3A_568 = arith.mulf %get3A_567, %gather3A_529 : vector<16xf32>
          %swap3A_569 = arith.index_cast %add3A_527 : i32 to index
          %swap3A_570 = arith.constant 80 : index
          %swap3A_571 = tpu.vector_load %arg20[%swap3A_569, %swap3A_570] {strides = array<i32>} : memref<64x128xf32, #tpu.memory_space<vmem>>, vector<16xf32>,
          tpu.vector_store %arg20[%swap3A_569, %swap3A_570], %mul3A_568 {strides = array<i32>} : memref<64x128xf32, #tpu.memory_space<vmem>>, vector<16xf32>,
          %get3A_572 = arith.index_cast %add3A_527 : i32 to index
          %get3A_573 = arith.constant 96 : index
          %get3A_574 = tpu.vector_load %arg20[%get3A_572, %get3A_573] {strides = array<i32>} : memref<64x128xf32, #tpu.memory_space<vmem>>, vector<16xf32>,
          %mul3A_575 = arith.mulf %get3A_574, %gather3A_529 : vector<16xf32>
          %swap3A_576 = arith.index_cast %add3A_527 : i32 to index
          %swap3A_577 = arith.constant 96 : index
          %swap3A_578 = tpu.vector_load %arg20[%swap3A_576, %swap3A_577] {strides = array<i32>} : memref<64x128xf32, #tpu.memory_space<vmem>>, vector<16xf32>,
          tpu.vector_store %arg20[%swap3A_576, %swap3A_577], %mul3A_575 {strides = array<i32>} : memref<64x128xf32, #tpu.memory_space<vmem>>, vector<16xf32>,
          %get3A_579 = arith.index_cast %add3A_527 : i32 to index
          %get3A_580 = arith.constant 112 : index
          %get3A_581 = tpu.vector_load %arg20[%get3A_579, %get3A_580] {strides = array<i32>} : memref<64x128xf32, #tpu.memory_space<vmem>>, vector<16xf32>,
          %mul3A_582 = arith.mulf %get3A_581, %gather3A_529 : vector<16xf32>
          %swap3A_583 = arith.index_cast %add3A_527 : i32 to index
          %swap3A_584 = arith.constant 112 : index
          %swap3A_585 = tpu.vector_load %arg20[%swap3A_583, %swap3A_584] {strides = array<i32>} : memref<64x128xf32, #tpu.memory_space<vmem>>, vector<16xf32>,
          tpu.vector_store %arg20[%swap3A_583, %swap3A_584], %mul3A_582 {strides = array<i32>} : memref<64x128xf32, #tpu.memory_space<vmem>>, vector<16xf32>,
          %scan3A_586 = arith.constant 4 : i32
          %scan3A_587 = arith.addi %scan3A_331, %scan3A_586 : i32
          %mul3A_588 = arith.constant 1 : i32
          %mul3A_589 = arith.muli %scan3A_587, %mul3A_588 : i32
          %add3A_590 = arith.constant 0 : i32
          %add3A_591 = arith.addi %add3A_590, %mul3A_589 : i32
          %broadcast_in_dim3A_592 = vector.broadcast %add3A_591 : i32 to vector<16xi32>
          %gather3A_593 = tpu.vector_load_idx %arg18[%broadcast_in_dim3A_592] : memref<64xf32, #tpu.memory_space<vmem>>[vector<16xi32>], vector<16xf32>,
          %get3A_594 = arith.index_cast %add3A_591 : i32 to index
          %get3A_595 = arith.constant 0 : index
          %get3A_596 = tpu.vector_load %arg20[%get3A_594, %get3A_595] {strides = array<i32>} : memref<64x128xf32, #tpu.memory_space<vmem>>, vector<16xf32>,
          %mul3A_597 = arith.mulf %get3A_596, %gather3A_593 : vector<16xf32>
          %swap3A_598 = arith.index_cast %add3A_591 : i32 to index
          %swap3A_599 = arith.constant 0 : index
          %swap3A_600 = tpu.vector_load %arg20[%swap3A_598, %swap3A_599] {strides = array<i32>} : memref<64x128xf32, #tpu.memory_space<vmem>>, vector<16xf32>,
          tpu.vector_store %arg20[%swap3A_598, %swap3A_599], %mul3A_597 {strides = array<i32>} : memref<64x128xf32, #tpu.memory_space<vmem>>, vector<16xf32>,
          %get3A_601 = arith.index_cast %add3A_591 : i32 to index
          %get3A_602 = arith.constant 16 : index
          %get3A_603 = tpu.vector_load %arg20[%get3A_601, %get3A_602] {strides = array<i32>} : memref<64x128xf32, #tpu.memory_space<vmem>>, vector<16xf32>,
          %mul3A_604 = arith.mulf %get3A_603, %gather3A_593 : vector<16xf32>
          %swap3A_605 = arith.index_cast %add3A_591 : i32 to index
          %swap3A_606 = arith.constant 16 : index
          %swap3A_607 = tpu.vector_load %arg20[%swap3A_605, %swap3A_606] {strides = array<i32>} : memref<64x128xf32, #tpu.memory_space<vmem>>, vector<16xf32>,
          tpu.vector_store %arg20[%swap3A_605, %swap3A_606], %mul3A_604 {strides = array<i32>} : memref<64x128xf32, #tpu.memory_space<vmem>>, vector<16xf32>,
          %get3A_608 = arith.index_cast %add3A_591 : i32 to index
          %get3A_609 = arith.constant 32 : index
          %get3A_610 = tpu.vector_load %arg20[%get3A_608, %get3A_609] {strides = array<i32>} : memref<64x128xf32, #tpu.memory_space<vmem>>, vector<16xf32>,
          %mul3A_611 = arith.mulf %get3A_610, %gather3A_593 : vector<16xf32>
          %swap3A_612 = arith.index_cast %add3A_591 : i32 to index
          %swap3A_613 = arith.constant 32 : index
          %swap3A_614 = tpu.vector_load %arg20[%swap3A_612, %swap3A_613] {strides = array<i32>} : memref<64x128xf32, #tpu.memory_space<vmem>>, vector<16xf32>,
          tpu.vector_store %arg20[%swap3A_612, %swap3A_613], %mul3A_611 {strides = array<i32>} : memref<64x128xf32, #tpu.memory_space<vmem>>, vector<16xf32>,
          %get3A_615 = arith.index_cast %add3A_591 : i32 to index
          %get3A_616 = arith.constant 48 : index
          %get3A_617 = tpu.vector_load %arg20[%get3A_615, %get3A_616] {strides = array<i32>} : memref<64x128xf32, #tpu.memory_space<vmem>>, vector<16xf32>,
          %mul3A_618 = arith.mulf %get3A_617, %gather3A_593 : vector<16xf32>
          %swap3A_619 = arith.index_cast %add3A_591 : i32 to index
          %swap3A_620 = arith.constant 48 : index
          %swap3A_621 = tpu.vector_load %arg20[%swap3A_619, %swap3A_620] {strides = array<i32>} : memref<64x128xf32, #tpu.memory_space<vmem>>, vector<16xf32>,
          tpu.vector_store %arg20[%swap3A_619, %swap3A_620], %mul3A_618 {strides = array<i32>} : memref<64x128xf32, #tpu.memory_space<vmem>>, vector<16xf32>,
          %get3A_622 = arith.index_cast %add3A_591 : i32 to index
          %get3A_623 = arith.constant 64 : index
          %get3A_624 = tpu.vector_load %arg20[%get3A_622, %get3A_623] {strides = array<i32>} : memref<64x128xf32, #tpu.memory_space<vmem>>, vector<16xf32>,
          %mul3A_625 = arith.mulf %get3A_624, %gather3A_593 : vector<16xf32>
          %swap3A_626 = arith.index_cast %add3A_591 : i32 to index
          %swap3A_627 = arith.constant 64 : index
          %swap3A_628 = tpu.vector_load %arg20[%swap3A_626, %swap3A_627] {strides = array<i32>} : memref<64x128xf32, #tpu.memory_space<vmem>>, vector<16xf32>,
          tpu.vector_store %arg20[%swap3A_626, %swap3A_627], %mul3A_625 {strides = array<i32>} : memref<64x128xf32, #tpu.memory_space<vmem>>, vector<16xf32>,
          %get3A_629 = arith.index_cast %add3A_591 : i32 to index
          %get3A_630 = arith.constant 80 : index
          %get3A_631 = tpu.vector_load %arg20[%get3A_629, %get3A_630] {strides = array<i32>} : memref<64x128xf32, #tpu.memory_space<vmem>>, vector<16xf32>,
          %mul3A_632 = arith.mulf %get3A_631, %gather3A_593 : vector<16xf32>
          %swap3A_633 = arith.index_cast %add3A_591 : i32 to index
          %swap3A_634 = arith.constant 80 : index
          %swap3A_635 = tpu.vector_load %arg20[%swap3A_633, %swap3A_634] {strides = array<i32>} : memref<64x128xf32, #tpu.memory_space<vmem>>, vector<16xf32>,
          tpu.vector_store %arg20[%swap3A_633, %swap3A_634], %mul3A_632 {strides = array<i32>} : memref<64x128xf32, #tpu.memory_space<vmem>>, vector<16xf32>,
          %get3A_636 = arith.index_cast %add3A_591 : i32 to index
          %get3A_637 = arith.constant 96 : index
          %get3A_638 = tpu.vector_load %arg20[%get3A_636, %get3A_637] {strides = array<i32>} : memref<64x128xf32, #tpu.memory_space<vmem>>, vector<16xf32>,
          %mul3A_639 = arith.mulf %get3A_638, %gather3A_593 : vector<16xf32>
          %swap3A_640 = arith.index_cast %add3A_591 : i32 to index
          %swap3A_641 = arith.constant 96 : index
          %swap3A_642 = tpu.vector_load %arg20[%swap3A_640, %swap3A_641] {strides = array<i32>} : memref<64x128xf32, #tpu.memory_space<vmem>>, vector<16xf32>,
          tpu.vector_store %arg20[%swap3A_640, %swap3A_641], %mul3A_639 {strides = array<i32>} : memref<64x128xf32, #tpu.memory_space<vmem>>, vector<16xf32>,
          %get3A_643 = arith.index_cast %add3A_591 : i32 to index
          %get3A_644 = arith.constant 112 : index
          %get3A_645 = tpu.vector_load %arg20[%get3A_643, %get3A_644] {strides = array<i32>} : memref<64x128xf32, #tpu.memory_space<vmem>>, vector<16xf32>,
          %mul3A_646 = arith.mulf %get3A_645, %gather3A_593 : vector<16xf32>
          %swap3A_647 = arith.index_cast %add3A_591 : i32 to index
          %swap3A_648 = arith.constant 112 : index
          %swap3A_649 = tpu.vector_load %arg20[%swap3A_647, %swap3A_648] {strides = array<i32>} : memref<64x128xf32, #tpu.memory_space<vmem>>, vector<16xf32>,
          tpu.vector_store %arg20[%swap3A_647, %swap3A_648], %mul3A_646 {strides = array<i32>} : memref<64x128xf32, #tpu.memory_space<vmem>>, vector<16xf32>,
          %scan3A_650 = arith.constant 5 : i32
          %scan3A_651 = arith.addi %scan3A_331, %scan3A_650 : i32
          %mul3A_652 = arith.constant 1 : i32
          %mul3A_653 = arith.muli %scan3A_651, %mul3A_652 : i32
          %add3A_654 = arith.constant 0 : i32
          %add3A_655 = arith.addi %add3A_654, %mul3A_653 : i32
          %broadcast_in_dim3A_656 = vector.broadcast %add3A_655 : i32 to vector<16xi32>
          %gather3A_657 = tpu.vector_load_idx %arg18[%broadcast_in_dim3A_656] : memref<64xf32, #tpu.memory_space<vmem>>[vector<16xi32>], vector<16xf32>,
          %get3A_658 = arith.index_cast %add3A_655 : i32 to index
          %get3A_659 = arith.constant 0 : index
          %get3A_660 = tpu.vector_load %arg20[%get3A_658, %get3A_659] {strides = array<i32>} : memref<64x128xf32, #tpu.memory_space<vmem>>, vector<16xf32>,
          %mul3A_661 = arith.mulf %get3A_660, %gather3A_657 : vector<16xf32>
          %swap3A_662 = arith.index_cast %add3A_655 : i32 to index
          %swap3A_663 = arith.constant 0 : index
          %swap3A_664 = tpu.vector_load %arg20[%swap3A_662, %swap3A_663] {strides = array<i32>} : memref<64x128xf32, #tpu.memory_space<vmem>>, vector<16xf32>,
          tpu.vector_store %arg20[%swap3A_662, %swap3A_663], %mul3A_661 {strides = array<i32>} : memref<64x128xf32, #tpu.memory_space<vmem>>, vector<16xf32>,
          %get3A_665 = arith.index_cast %add3A_655 : i32 to index
          %get3A_666 = arith.constant 16 : index
          %get3A_667 = tpu.vector_load %arg20[%get3A_665, %get3A_666] {strides = array<i32>} : memref<64x128xf32, #tpu.memory_space<vmem>>, vector<16xf32>,
          %mul3A_668 = arith.mulf %get3A_667, %gather3A_657 : vector<16xf32>
          %swap3A_669 = arith.index_cast %add3A_655 : i32 to index
          %swap3A_670 = arith.constant 16 : index
          %swap3A_671 = tpu.vector_load %arg20[%swap3A_669, %swap3A_670] {strides = array<i32>} : memref<64x128xf32, #tpu.memory_space<vmem>>, vector<16xf32>,
          tpu.vector_store %arg20[%swap3A_669, %swap3A_670], %mul3A_668 {strides = array<i32>} : memref<64x128xf32, #tpu.memory_space<vmem>>, vector<16xf32>,
          %get3A_672 = arith.index_cast %add3A_655 : i32 to index
          %get3A_673 = arith.constant 32 : index
          %get3A_674 = tpu.vector_load %arg20[%get3A_672, %get3A_673] {strides = array<i32>} : memref<64x128xf32, #tpu.memory_space<vmem>>, vector<16xf32>,
          %mul3A_675 = arith.mulf %get3A_674, %gather3A_657 : vector<16xf32>
          %swap3A_676 = arith.index_cast %add3A_655 : i32 to index
          %swap3A_677 = arith.constant 32 : index
          %swap3A_678 = tpu.vector_load %arg20[%swap3A_676, %swap3A_677] {strides = array<i32>} : memref<64x128xf32, #tpu.memory_space<vmem>>, vector<16xf32>,
          tpu.vector_store %arg20[%swap3A_676, %swap3A_677], %mul3A_675 {strides = array<i32>} : memref<64x128xf32, #tpu.memory_space<vmem>>, vector<16xf32>,
          %get3A_679 = arith.index_cast %add3A_655 : i32 to index
          %get3A_680 = arith.constant 48 : index
          %get3A_681 = tpu.vector_load %arg20[%get3A_679, %get3A_680] {strides = array<i32>} : memref<64x128xf32, #tpu.memory_space<vmem>>, vector<16xf32>,
          %mul3A_682 = arith.mulf %get3A_681, %gather3A_657 : vector<16xf32>
          %swap3A_683 = arith.index_cast %add3A_655 : i32 to index
          %swap3A_684 = arith.constant 48 : index
          %swap3A_685 = tpu.vector_load %arg20[%swap3A_683, %swap3A_684] {strides = array<i32>} : memref<64x128xf32, #tpu.memory_space<vmem>>, vector<16xf32>,
          tpu.vector_store %arg20[%swap3A_683, %swap3A_684], %mul3A_682 {strides = array<i32>} : memref<64x128xf32, #tpu.memory_space<vmem>>, vector<16xf32>,
          %get3A_686 = arith.index_cast %add3A_655 : i32 to index
          %get3A_687 = arith.constant 64 : index
          %get3A_688 = tpu.vector_load %arg20[%get3A_686, %get3A_687] {strides = array<i32>} : memref<64x128xf32, #tpu.memory_space<vmem>>, vector<16xf32>,
          %mul3A_689 = arith.mulf %get3A_688, %gather3A_657 : vector<16xf32>
          %swap3A_690 = arith.index_cast %add3A_655 : i32 to index
          %swap3A_691 = arith.constant 64 : index
          %swap3A_692 = tpu.vector_load %arg20[%swap3A_690, %swap3A_691] {strides = array<i32>} : memref<64x128xf32, #tpu.memory_space<vmem>>, vector<16xf32>,
          tpu.vector_store %arg20[%swap3A_690, %swap3A_691], %mul3A_689 {strides = array<i32>} : memref<64x128xf32, #tpu.memory_space<vmem>>, vector<16xf32>,
          %get3A_693 = arith.index_cast %add3A_655 : i32 to index
          %get3A_694 = arith.constant 80 : index
          %get3A_695 = tpu.vector_load %arg20[%get3A_693, %get3A_694] {strides = array<i32>} : memref<64x128xf32, #tpu.memory_space<vmem>>, vector<16xf32>,
          %mul3A_696 = arith.mulf %get3A_695, %gather3A_657 : vector<16xf32>
          %swap3A_697 = arith.index_cast %add3A_655 : i32 to index
          %swap3A_698 = arith.constant 80 : index
          %swap3A_699 = tpu.vector_load %arg20[%swap3A_697, %swap3A_698] {strides = array<i32>} : memref<64x128xf32, #tpu.memory_space<vmem>>, vector<16xf32>,
          tpu.vector_store %arg20[%swap3A_697, %swap3A_698], %mul3A_696 {strides = array<i32>} : memref<64x128xf32, #tpu.memory_space<vmem>>, vector<16xf32>,
          %get3A_700 = arith.index_cast %add3A_655 : i32 to index
          %get3A_701 = arith.constant 96 : index
          %get3A_702 = tpu.vector_load %arg20[%get3A_700, %get3A_701] {strides = array<i32>} : memref<64x128xf32, #tpu.memory_space<vmem>>, vector<16xf32>,
          %mul3A_703 = arith.mulf %get3A_702, %gather3A_657 : vector<16xf32>
          %swap3A_704 = arith.index_cast %add3A_655 : i32 to index
          %swap3A_705 = arith.constant 96 : index
          %swap3A_706 = tpu.vector_load %arg20[%swap3A_704, %swap3A_705] {strides = array<i32>} : memref<64x128xf32, #tpu.memory_space<vmem>>, vector<16xf32>,
          tpu.vector_store %arg20[%swap3A_704, %swap3A_705], %mul3A_703 {strides = array<i32>} : memref<64x128xf32, #tpu.memory_space<vmem>>, vector<16xf32>,
          %get3A_707 = arith.index_cast %add3A_655 : i32 to index
          %get3A_708 = arith.constant 112 : index
          %get3A_709 = tpu.vector_load %arg20[%get3A_707, %get3A_708] {strides = array<i32>} : memref<64x128xf32, #tpu.memory_space<vmem>>, vector<16xf32>,
          %mul3A_710 = arith.mulf %get3A_709, %gather3A_657 : vector<16xf32>
          %swap3A_711 = arith.index_cast %add3A_655 : i32 to index
          %swap3A_712 = arith.constant 112 : index
          %swap3A_713 = tpu.vector_load %arg20[%swap3A_711, %swap3A_712] {strides = array<i32>} : memref<64x128xf32, #tpu.memory_space<vmem>>, vector<16xf32>,
          tpu.vector_store %arg20[%swap3A_711, %swap3A_712], %mul3A_710 {strides = array<i32>} : memref<64x128xf32, #tpu.memory_space<vmem>>, vector<16xf32>,
          %scan3A_714 = arith.constant 6 : i32
          %scan3A_715 = arith.addi %scan3A_331, %scan3A_714 : i32
          %mul3A_716 = arith.constant 1 : i32
          %mul3A_717 = arith.muli %scan3A_715, %mul3A_716 : i32
          %add3A_718 = arith.constant 0 : i32
          %add3A_719 = arith.addi %add3A_718, %mul3A_717 : i32
          %broadcast_in_dim3A_720 = vector.broadcast %add3A_719 : i32 to vector<16xi32>
          %gather3A_721 = tpu.vector_load_idx %arg18[%broadcast_in_dim3A_720] : memref<64xf32, #tpu.memory_space<vmem>>[vector<16xi32>], vector<16xf32>,
          %get3A_722 = arith.index_cast %add3A_719 : i32 to index
          %get3A_723 = arith.constant 0 : index
          %get3A_724 = tpu.vector_load %arg20[%get3A_722, %get3A_723] {strides = array<i32>} : memref<64x128xf32, #tpu.memory_space<vmem>>, vector<16xf32>,
          %mul3A_725 = arith.mulf %get3A_724, %gather3A_721 : vector<16xf32>
          %swap3A_726 = arith.index_cast %add3A_719 : i32 to index
          %swap3A_727 = arith.constant 0 : index
          %swap3A_728 = tpu.vector_load %arg20[%swap3A_726, %swap3A_727] {strides = array<i32>} : memref<64x128xf32, #tpu.memory_space<vmem>>, vector<16xf32>,
          tpu.vector_store %arg20[%swap3A_726, %swap3A_727], %mul3A_725 {strides = array<i32>} : memref<64x128xf32, #tpu.memory_space<vmem>>, vector<16xf32>,
          %get3A_729 = arith.index_cast %add3A_719 : i32 to index
          %get3A_730 = arith.constant 16 : index
          %get3A_731 = tpu.vector_load %arg20[%get3A_729, %get3A_730] {strides = array<i32>} : memref<64x128xf32, #tpu.memory_space<vmem>>, vector<16xf32>,
          %mul3A_732 = arith.mulf %get3A_731, %gather3A_721 : vector<16xf32>
          %swap3A_733 = arith.index_cast %add3A_719 : i32 to index
          %swap3A_734 = arith.constant 16 : index
          %swap3A_735 = tpu.vector_load %arg20[%swap3A_733, %swap3A_734] {strides = array<i32>} : memref<64x128xf32, #tpu.memory_space<vmem>>, vector<16xf32>,
          tpu.vector_store %arg20[%swap3A_733, %swap3A_734], %mul3A_732 {strides = array<i32>} : memref<64x128xf32, #tpu.memory_space<vmem>>, vector<16xf32>,
          %get3A_736 = arith.index_cast %add3A_719 : i32 to index
          %get3A_737 = arith.constant 32 : index
          %get3A_738 = tpu.vector_load %arg20[%get3A_736, %get3A_737] {strides = array<i32>} : memref<64x128xf32, #tpu.memory_space<vmem>>, vector<16xf32>,
          %mul3A_739 = arith.mulf %get3A_738, %gather3A_721 : vector<16xf32>
          %swap3A_740 = arith.index_cast %add3A_719 : i32 to index
          %swap3A_741 = arith.constant 32 : index
          %swap3A_742 = tpu.vector_load %arg20[%swap3A_740, %swap3A_741] {strides = array<i32>} : memref<64x128xf32, #tpu.memory_space<vmem>>, vector<16xf32>,
          tpu.vector_store %arg20[%swap3A_740, %swap3A_741], %mul3A_739 {strides = array<i32>} : memref<64x128xf32, #tpu.memory_space<vmem>>, vector<16xf32>,
          %get3A_743 = arith.index_cast %add3A_719 : i32 to index
          %get3A_744 = arith.constant 48 : index
          %get3A_745 = tpu.vector_load %arg20[%get3A_743, %get3A_744] {strides = array<i32>} : memref<64x128xf32, #tpu.memory_space<vmem>>, vector<16xf32>,
          %mul3A_746 = arith.mulf %get3A_745, %gather3A_721 : vector<16xf32>
          %swap3A_747 = arith.index_cast %add3A_719 : i32 to index
          %swap3A_748 = arith.constant 48 : index
          %swap3A_749 = tpu.vector_load %arg20[%swap3A_747, %swap3A_748] {strides = array<i32>} : memref<64x128xf32, #tpu.memory_space<vmem>>, vector<16xf32>,
          tpu.vector_store %arg20[%swap3A_747, %swap3A_748], %mul3A_746 {strides = array<i32>} : memref<64x128xf32, #tpu.memory_space<vmem>>, vector<16xf32>,
          %get3A_750 = arith.index_cast %add3A_719 : i32 to index
          %get3A_751 = arith.constant 64 : index
          %get3A_752 = tpu.vector_load %arg20[%get3A_750, %get3A_751] {strides = array<i32>} : memref<64x128xf32, #tpu.memory_space<vmem>>, vector<16xf32>,
          %mul3A_753 = arith.mulf %get3A_752, %gather3A_721 : vector<16xf32>
          %swap3A_754 = arith.index_cast %add3A_719 : i32 to index
          %swap3A_755 = arith.constant 64 : index
          %swap3A_756 = tpu.vector_load %arg20[%swap3A_754, %swap3A_755] {strides = array<i32>} : memref<64x128xf32, #tpu.memory_space<vmem>>, vector<16xf32>,
          tpu.vector_store %arg20[%swap3A_754, %swap3A_755], %mul3A_753 {strides = array<i32>} : memref<64x128xf32, #tpu.memory_space<vmem>>, vector<16xf32>,
          %get3A_757 = arith.index_cast %add3A_719 : i32 to index
          %get3A_758 = arith.constant 80 : index
          %get3A_759 = tpu.vector_load %arg20[%get3A_757, %get3A_758] {strides = array<i32>} : memref<64x128xf32, #tpu.memory_space<vmem>>, vector<16xf32>,
          %mul3A_760 = arith.mulf %get3A_759, %gather3A_721 : vector<16xf32>
          %swap3A_761 = arith.index_cast %add3A_719 : i32 to index
          %swap3A_762 = arith.constant 80 : index
          %swap3A_763 = tpu.vector_load %arg20[%swap3A_761, %swap3A_762] {strides = array<i32>} : memref<64x128xf32, #tpu.memory_space<vmem>>, vector<16xf32>,
          tpu.vector_store %arg20[%swap3A_761, %swap3A_762], %mul3A_760 {strides = array<i32>} : memref<64x128xf32, #tpu.memory_space<vmem>>, vector<16xf32>,
          %get3A_764 = arith.index_cast %add3A_719 : i32 to index
          %get3A_765 = arith.constant 96 : index
          %get3A_766 = tpu.vector_load %arg20[%get3A_764, %get3A_765] {strides = array<i32>} : memref<64x128xf32, #tpu.memory_space<vmem>>, vector<16xf32>,
          %mul3A_767 = arith.mulf %get3A_766, %gather3A_721 : vector<16xf32>
          %swap3A_768 = arith.index_cast %add3A_719 : i32 to index
          %swap3A_769 = arith.constant 96 : index
          %swap3A_770 = tpu.vector_load %arg20[%swap3A_768, %swap3A_769] {strides = array<i32>} : memref<64x128xf32, #tpu.memory_space<vmem>>, vector<16xf32>,
          tpu.vector_store %arg20[%swap3A_768, %swap3A_769], %mul3A_767 {strides = array<i32>} : memref<64x128xf32, #tpu.memory_space<vmem>>, vector<16xf32>,
          %get3A_771 = arith.index_cast %add3A_719 : i32 to index
          %get3A_772 = arith.constant 112 : index
          %get3A_773 = tpu.vector_load %arg20[%get3A_771, %get3A_772] {strides = array<i32>} : memref<64x128xf32, #tpu.memory_space<vmem>>, vector<16xf32>,
          %mul3A_774 = arith.mulf %get3A_773, %gather3A_721 : vector<16xf32>
          %swap3A_775 = arith.index_cast %add3A_719 : i32 to index
          %swap3A_776 = arith.constant 112 : index
          %swap3A_777 = tpu.vector_load %arg20[%swap3A_775, %swap3A_776] {strides = array<i32>} : memref<64x128xf32, #tpu.memory_space<vmem>>, vector<16xf32>,
          tpu.vector_store %arg20[%swap3A_775, %swap3A_776], %mul3A_774 {strides = array<i32>} : memref<64x128xf32, #tpu.memory_space<vmem>>, vector<16xf32>,
          %scan3A_778 = arith.constant 7 : i32
          %scan3A_779 = arith.addi %scan3A_331, %scan3A_778 : i32
          %mul3A_780 = arith.constant 1 : i32
          %mul3A_781 = arith.muli %scan3A_779, %mul3A_780 : i32
          %add3A_782 = arith.constant 0 : i32
          %add3A_783 = arith.addi %add3A_782, %mul3A_781 : i32
          %broadcast_in_dim3A_784 = vector.broadcast %add3A_783 : i32 to vector<16xi32>
          %gather3A_785 = tpu.vector_load_idx %arg18[%broadcast_in_dim3A_784] : memref<64xf32, #tpu.memory_space<vmem>>[vector<16xi32>], vector<16xf32>,
          %get3A_786 = arith.index_cast %add3A_783 : i32 to index
          %get3A_787 = arith.constant 0 : index
          %get3A_788 = tpu.vector_load %arg20[%get3A_786, %get3A_787] {strides = array<i32>} : memref<64x128xf32, #tpu.memory_space<vmem>>, vector<16xf32>,
          %mul3A_789 = arith.mulf %get3A_788, %gather3A_785 : vector<16xf32>
          %swap3A_790 = arith.index_cast %add3A_783 : i32 to index
          %swap3A_791 = arith.constant 0 : index
          %swap3A_792 = tpu.vector_load %arg20[%swap3A_790, %swap3A_791] {strides = array<i32>} : memref<64x128xf32, #tpu.memory_space<vmem>>, vector<16xf32>,
          tpu.vector_store %arg20[%swap3A_790, %swap3A_791], %mul3A_789 {strides = array<i32>} : memref<64x128xf32, #tpu.memory_space<vmem>>, vector<16xf32>,
          %get3A_793 = arith.index_cast %add3A_783 : i32 to index
          %get3A_794 = arith.constant 16 : index
          %get3A_795 = tpu.vector_load %arg20[%get3A_793, %get3A_794] {strides = array<i32>} : memref<64x128xf32, #tpu.memory_space<vmem>>, vector<16xf32>,
          %mul3A_796 = arith.mulf %get3A_795, %gather3A_785 : vector<16xf32>
          %swap3A_797 = arith.index_cast %add3A_783 : i32 to index
          %swap3A_798 = arith.constant 16 : index
          %swap3A_799 = tpu.vector_load %arg20[%swap3A_797, %swap3A_798] {strides = array<i32>} : memref<64x128xf32, #tpu.memory_space<vmem>>, vector<16xf32>,
          tpu.vector_store %arg20[%swap3A_797, %swap3A_798], %mul3A_796 {strides = array<i32>} : memref<64x128xf32, #tpu.memory_space<vmem>>, vector<16xf32>,
          %get3A_800 = arith.index_cast %add3A_783 : i32 to index
          %get3A_801 = arith.constant 32 : index
          %get3A_802 = tpu.vector_load %arg20[%get3A_800, %get3A_801] {strides = array<i32>} : memref<64x128xf32, #tpu.memory_space<vmem>>, vector<16xf32>,
          %mul3A_803 = arith.mulf %get3A_802, %gather3A_785 : vector<16xf32>
          %swap3A_804 = arith.index_cast %add3A_783 : i32 to index
          %swap3A_805 = arith.constant 32 : index
          %swap3A_806 = tpu.vector_load %arg20[%swap3A_804, %swap3A_805] {strides = array<i32>} : memref<64x128xf32, #tpu.memory_space<vmem>>, vector<16xf32>,
          tpu.vector_store %arg20[%swap3A_804, %swap3A_805], %mul3A_803 {strides = array<i32>} : memref<64x128xf32, #tpu.memory_space<vmem>>, vector<16xf32>,
          %get3A_807 = arith.index_cast %add3A_783 : i32 to index
          %get3A_808 = arith.constant 48 : index
          %get3A_809 = tpu.vector_load %arg20[%get3A_807, %get3A_808] {strides = array<i32>} : memref<64x128xf32, #tpu.memory_space<vmem>>, vector<16xf32>,
          %mul3A_810 = arith.mulf %get3A_809, %gather3A_785 : vector<16xf32>
          %swap3A_811 = arith.index_cast %add3A_783 : i32 to index
          %swap3A_812 = arith.constant 48 : index
          %swap3A_813 = tpu.vector_load %arg20[%swap3A_811, %swap3A_812] {strides = array<i32>} : memref<64x128xf32, #tpu.memory_space<vmem>>, vector<16xf32>,
          tpu.vector_store %arg20[%swap3A_811, %swap3A_812], %mul3A_810 {strides = array<i32>} : memref<64x128xf32, #tpu.memory_space<vmem>>, vector<16xf32>,
          %get3A_814 = arith.index_cast %add3A_783 : i32 to index
          %get3A_815 = arith.constant 64 : index
          %get3A_816 = tpu.vector_load %arg20[%get3A_814, %get3A_815] {strides = array<i32>} : memref<64x128xf32, #tpu.memory_space<vmem>>, vector<16xf32>,
          %mul3A_817 = arith.mulf %get3A_816, %gather3A_785 : vector<16xf32>
          %swap3A_818 = arith.index_cast %add3A_783 : i32 to index
          %swap3A_819 = arith.constant 64 : index
          %swap3A_820 = tpu.vector_load %arg20[%swap3A_818, %swap3A_819] {strides = array<i32>} : memref<64x128xf32, #tpu.memory_space<vmem>>, vector<16xf32>,
          tpu.vector_store %arg20[%swap3A_818, %swap3A_819], %mul3A_817 {strides = array<i32>} : memref<64x128xf32, #tpu.memory_space<vmem>>, vector<16xf32>,
          %get3A_821 = arith.index_cast %add3A_783 : i32 to index
          %get3A_822 = arith.constant 80 : index
          %get3A_823 = tpu.vector_load %arg20[%get3A_821, %get3A_822] {strides = array<i32>} : memref<64x128xf32, #tpu.memory_space<vmem>>, vector<16xf32>,
          %mul3A_824 = arith.mulf %get3A_823, %gather3A_785 : vector<16xf32>
          %swap3A_825 = arith.index_cast %add3A_783 : i32 to index
          %swap3A_826 = arith.constant 80 : index
          %swap3A_827 = tpu.vector_load %arg20[%swap3A_825, %swap3A_826] {strides = array<i32>} : memref<64x128xf32, #tpu.memory_space<vmem>>, vector<16xf32>,
          tpu.vector_store %arg20[%swap3A_825, %swap3A_826], %mul3A_824 {strides = array<i32>} : memref<64x128xf32, #tpu.memory_space<vmem>>, vector<16xf32>,
          %get3A_828 = arith.index_cast %add3A_783 : i32 to index
          %get3A_829 = arith.constant 96 : index
          %get3A_830 = tpu.vector_load %arg20[%get3A_828, %get3A_829] {strides = array<i32>} : memref<64x128xf32, #tpu.memory_space<vmem>>, vector<16xf32>,
          %mul3A_831 = arith.mulf %get3A_830, %gather3A_785 : vector<16xf32>
          %swap3A_832 = arith.index_cast %add3A_783 : i32 to index
          %swap3A_833 = arith.constant 96 : index
          %swap3A_834 = tpu.vector_load %arg20[%swap3A_832, %swap3A_833] {strides = array<i32>} : memref<64x128xf32, #tpu.memory_space<vmem>>, vector<16xf32>,
          tpu.vector_store %arg20[%swap3A_832, %swap3A_833], %mul3A_831 {strides = array<i32>} : memref<64x128xf32, #tpu.memory_space<vmem>>, vector<16xf32>,
          %get3A_835 = arith.index_cast %add3A_783 : i32 to index
          %get3A_836 = arith.constant 112 : index
          %get3A_837 = tpu.vector_load %arg20[%get3A_835, %get3A_836] {strides = array<i32>} : memref<64x128xf32, #tpu.memory_space<vmem>>, vector<16xf32>,
          %mul3A_838 = arith.mulf %get3A_837, %gather3A_785 : vector<16xf32>
          %swap3A_839 = arith.index_cast %add3A_783 : i32 to index
          %swap3A_840 = arith.constant 112 : index
          %swap3A_841 = tpu.vector_load %arg20[%swap3A_839, %swap3A_840] {strides = array<i32>} : memref<64x128xf32, #tpu.memory_space<vmem>>, vector<16xf32>,
          tpu.vector_store %arg20[%swap3A_839, %swap3A_840], %mul3A_838 {strides = array<i32>} : memref<64x128xf32, #tpu.memory_space<vmem>>, vector<16xf32>,
        }
        %scan3A_327 = arith.constant 64 : i32
        %dma_start3A_328 = arith.constant 0 : i32
        %dma_start3A_329 = arith.constant 0 : i32
        %dma_start3A_330 = tpu.memref_slice %arg9[%dma_start3A_328, %dma_start3A_329] : memref<10240x128xf32, #tpu.memory_space<vmem_shared>> -> memref<10240x128xf32, #tpu.memory_space<vmem_shared>>
        tpu.enqueue_indirect_dma source(%arg20 : memref<64x128xf32, #tpu.memory_space<vmem>>) target(%dma_start3A_330 : memref<10240x128xf32, #tpu.memory_space<vmem_shared>>) offsets(%arg17 : memref<64xi32, #tpu.memory_space<vmem>>) semaphore(%arg22 : memref<!tpu.dma_semaphore, #tpu.memory_space<semaphore_mem>>) {add = true}
      }
      %scan3A_47 = arith.constant 6 : i32
    }
    %scan3A_22 = arith.constant 27 : i32
    %dma_wait3A = arith.constant 0 : i32
    %dma_wait3A_23 = arith.constant 0 : i32
    %dma_wait3A_24 = tpu.memref_slice %arg9[%dma_wait3A, %dma_wait3A_23] : memref<10240x128xf32, #tpu.memory_space<vmem_shared>> -> memref<10240x128xf32, #tpu.memory_space<vmem_shared>>
    tpu.wait_indirect_dma semaphore(%arg22 : memref<!tpu.dma_semaphore, #tpu.memory_space<semaphore_mem>>) src(%arg19 : memref<64x128xf32, #tpu.memory_space<vmem>>) dst(%dma_wait3A_24 : memref<10240x128xf32, #tpu.memory_space<vmem_shared>>)
    %dma_wait3A_25 = arith.constant 0 : i32
    %dma_wait3A_26 = arith.constant 0 : i32
    %dma_wait3A_27 = tpu.memref_slice %arg9[%dma_wait3A_25, %dma_wait3A_26] : memref<10240x128xf32, #tpu.memory_space<vmem_shared>> -> memref<10240x128xf32, #tpu.memory_space<vmem_shared>>
    tpu.wait_indirect_dma semaphore(%arg22 : memref<!tpu.dma_semaphore, #tpu.memory_space<semaphore_mem>>) src(%arg20 : memref<64x128xf32, #tpu.memory_space<vmem>>) dst(%dma_wait3A_27 : memref<10240x128xf32, #tpu.memory_space<vmem_shared>>)
    %barrier3A_28 = arith.constant 0 : index
    tpu.barrier barrier_id(%barrier3A_28)
    %scan3A_29 = arith.constant 0 : i32
    %scan3A_30 = arith.constant 10 : i32
    %scan3A_31 = arith.addi %scan3A_29, %scan3A_30 : i32
    %scan3A_32 = arith.constant 1 : i32
    scf.for %scan3A_34 = %scan3A_29 to %scan3A_31 step %scan3A_32  : i32 {
      %mul3A_35 = arith.constant 1 : i32
      %mul3A_36 = arith.muli %scan3A_34, %mul3A_35 : i32
      %add3A_37 = arith.constant 0 : i32
      %add3A_38 = arith.addi %add3A_37, %mul3A_36 : i32
      %mul3A_39 = arith.constant 640 : i32
      %mul3A_40 = arith.muli %arg1, %mul3A_39 : i32
      %mul3A_41 = arith.constant 64 : i32
      %mul3A_42 = arith.muli %add3A_38, %mul3A_41 : i32
      %add3A_43 = arith.addi %mul3A_40, %mul3A_42 : i32
      "tpu.region"() ({
        %run_scoped3A = tpu.sem_alloc : memref<!tpu.dma_semaphore, #tpu.memory_space<semaphore_mem>>
        %dma_start3A = arith.constant 0 : i32
        %dma_start3A_45 = tpu.memref_slice %arg9[%add3A_43, %dma_start3A] : memref<10240x128xf32, #tpu.memory_space<vmem_shared>> -> memref<64x128xf32, #tpu.memory_space<vmem_shared>>
        %dma_start3A_46 = arith.constant 0 : i32
        %dma_start3A_47 = tpu.memref_slice %arg9[%add3A_43, %dma_start3A_46] : memref<10240x128xf32, #tpu.memory_space<vmem_shared>> -> memref<64x128xf32, #tpu.memory_space<vmem_shared>>
        tpu.enqueue_dma source(%dma_start3A_47 : memref<64x128xf32, #tpu.memory_space<vmem_shared>>) target(%arg19 : memref<64x128xf32, #tpu.memory_space<vmem>>) target_semaphore(%run_scoped3A : memref<!tpu.dma_semaphore, #tpu.memory_space<semaphore_mem>>)
        %dma_wait3A_48 = arith.constant 0 : i32
        %dma_wait3A_49 = tpu.memref_slice %arg9[%add3A_43, %dma_wait3A_48] : memref<10240x128xf32, #tpu.memory_space<vmem_shared>> -> memref<64x128xf32, #tpu.memory_space<vmem_shared>>
        %dma_wait3A_50 = arith.constant 0 : i32
        %dma_wait3A_51 = tpu.memref_slice %arg9[%add3A_43, %dma_wait3A_50] : memref<10240x128xf32, #tpu.memory_space<vmem_shared>> -> memref<64x128xf32, #tpu.memory_space<vmem_shared>>
        tpu.wait_dma2 semaphore(%run_scoped3A : memref<!tpu.dma_semaphore, #tpu.memory_space<semaphore_mem>>) src(%dma_wait3A_51 : memref<64x128xf32, #tpu.memory_space<vmem_shared>>) dst(%arg19 : memref<64x128xf32, #tpu.memory_space<vmem>>)
        tpu.yield
      }) : () -> ()
      %add3A_44 = arith.addi %mul3A_2, %add3A_43 : i32
      "tpu.region"() ({
        %run_scoped3A = tpu.sem_alloc : memref<!tpu.dma_semaphore, #tpu.memory_space<semaphore_mem>>
        %dma_start3A = arith.constant 0 : i32
        %dma_start3A_45 = tpu.memref_slice %arg7[%add3A_44, %dma_start3A] : memref<20480x128xf32, #tpu.memory_space<hbm>> -> memref<64x128xf32, #tpu.memory_space<hbm>>
        %dma_start3A_46 = arith.constant 0 : i32
        %dma_start3A_47 = tpu.memref_slice %arg7[%add3A_44, %dma_start3A_46] : memref<20480x128xf32, #tpu.memory_space<hbm>> -> memref<64x128xf32, #tpu.memory_space<hbm>>
        tpu.enqueue_dma source(%arg19 : memref<64x128xf32, #tpu.memory_space<vmem>>) target(%dma_start3A_47 : memref<64x128xf32, #tpu.memory_space<hbm>>) target_semaphore(%run_scoped3A : memref<!tpu.dma_semaphore, #tpu.memory_space<semaphore_mem>>)
        %dma_wait3A_48 = arith.constant 0 : i32
        %dma_wait3A_49 = tpu.memref_slice %arg7[%add3A_44, %dma_wait3A_48] : memref<20480x128xf32, #tpu.memory_space<hbm>> -> memref<64x128xf32, #tpu.memory_space<hbm>>
        %dma_wait3A_50 = arith.constant 0 : i32
        %dma_wait3A_51 = tpu.memref_slice %arg7[%add3A_44, %dma_wait3A_50] : memref<20480x128xf32, #tpu.memory_space<hbm>> -> memref<64x128xf32, #tpu.memory_space<hbm>>
        tpu.wait_dma2 semaphore(%run_scoped3A : memref<!tpu.dma_semaphore, #tpu.memory_space<semaphore_mem>>) src(%arg19 : memref<64x128xf32, #tpu.memory_space<vmem>>) dst(%dma_wait3A_51 : memref<64x128xf32, #tpu.memory_space<hbm>>)
        tpu.yield
      }) : () -> ()
    }
    %scan3A_33 = arith.constant 10 : i32
    "tpu.region"() ({
      %run_scoped3A = tpu.sem_alloc : memref<!tpu.dma_semaphore, #tpu.memory_space<semaphore_mem>>
      %dma_start3A = arith.constant 0 : i32
      %dma_start3A_34 = tpu.memref_slice %arg8[%add3A, %dma_start3A] : memref<32x10240xf32, #tpu.memory_space<hbm>> -> memref<1x10240xf32, #tpu.memory_space<hbm>>
      %dma_start3A_35 = tpu.memref_squeeze %dma_start3A_34 : memref<1x10240xf32, #tpu.memory_space<hbm>> -> memref<10240xf32, #tpu.memory_space<hbm>>
      %dma_start3A_36 = arith.constant 0 : i32
      %dma_start3A_37 = tpu.memref_slice %arg8[%add3A, %dma_start3A_36] : memref<32x10240xf32, #tpu.memory_space<hbm>> -> memref<1x10240xf32, #tpu.memory_space<hbm>>
      %dma_start3A_38 = tpu.memref_squeeze %dma_start3A_37 : memref<1x10240xf32, #tpu.memory_space<hbm>> -> memref<10240xf32, #tpu.memory_space<hbm>>
      tpu.enqueue_dma source(%arg12 : memref<10240xf32, #tpu.memory_space<vmem>>) target(%dma_start3A_38 : memref<10240xf32, #tpu.memory_space<hbm>>) target_semaphore(%run_scoped3A : memref<!tpu.dma_semaphore, #tpu.memory_space<semaphore_mem>>)
      %dma_wait3A_39 = arith.constant 0 : i32
      %dma_wait3A_40 = tpu.memref_slice %arg8[%add3A, %dma_wait3A_39] : memref<32x10240xf32, #tpu.memory_space<hbm>> -> memref<1x10240xf32, #tpu.memory_space<hbm>>
      %dma_wait3A_41 = tpu.memref_squeeze %dma_wait3A_40 : memref<1x10240xf32, #tpu.memory_space<hbm>> -> memref<10240xf32, #tpu.memory_space<hbm>>
      %dma_wait3A_42 = arith.constant 0 : i32
      %dma_wait3A_43 = tpu.memref_slice %arg8[%add3A, %dma_wait3A_42] : memref<32x10240xf32, #tpu.memory_space<hbm>> -> memref<1x10240xf32, #tpu.memory_space<hbm>>
      %dma_wait3A_44 = tpu.memref_squeeze %dma_wait3A_43 : memref<1x10240xf32, #tpu.memory_space<hbm>> -> memref<10240xf32, #tpu.memory_space<hbm>>
      tpu.wait_dma2 semaphore(%run_scoped3A : memref<!tpu.dma_semaphore, #tpu.memory_space<semaphore_mem>>) src(%arg12 : memref<10240xf32, #tpu.memory_space<vmem>>) dst(%dma_wait3A_44 : memref<10240xf32, #tpu.memory_space<hbm>>)
      tpu.yield
    }) : () -> ()
    return
  }
}

#map = affine_map<(d0, d1) -> (0, 0)>
#map1 = affine_map<(d0, d1) -> (0)>
module attributes {stable_mosaic.version = 14 : i64} {
  func.func @_edge_body(%arg0: i32, %arg1: i32, %arg2: memref<20480x128xf32, #tpu.memory_space<hbm>>, %arg3: memref<20480xf32, #tpu.memory_space<hbm>>, %arg4: memref<20480xf32, #tpu.memory_space<hbm>>, %arg5: memref<32x20736xi32, #tpu.memory_space<hbm>>, %arg6: memref<32x20736xi32, #tpu.memory_space<hbm>>, %arg7: memref<20480x128xf32, #tpu.memory_space<hbm>>, %arg8: memref<32x10240xf32, #tpu.memory_space<hbm>>, %arg9: memref<10240x128xf32, #tpu.memory_space<vmem_shared>>, %arg10: memref<10240xf32, #tpu.memory_space<vmem>>, %arg11: memref<10240xf32, #tpu.memory_space<vmem>>, %arg12: memref<10240xf32, #tpu.memory_space<vmem>>, %arg13: memref<768xi32, #tpu.memory_space<vmem>>, %arg14: memref<768xi32, #tpu.memory_space<vmem>>, %arg15: memref<64xi32, #tpu.memory_space<vmem>>, %arg16: memref<64xi32, #tpu.memory_space<vmem>>, %arg17: memref<64xi32, #tpu.memory_space<vmem>>, %arg18: memref<64xf32, #tpu.memory_space<vmem>>, %arg19: memref<64x128xf32, #tpu.memory_space<vmem>>, %arg20: memref<64x128xf32, #tpu.memory_space<vmem>>, %arg21: memref<!tpu.dma_semaphore, #tpu.memory_space<semaphore_mem>>, %arg22: memref<!tpu.dma_semaphore, #tpu.memory_space<semaphore_mem>>) attributes {dimension_semantics = [#tpu.dimension_semantics<core_parallel>, #tpu.dimension_semantics<subcore_parallel>], iteration_bounds = array<i64: 2, 16>, scalar_prefetch = 0 : i64, scratch_operands = 14 : i64, tpu.core_type = #tpu.core_type<sc_vector_subcore>, window_params = [{transform_indices = #map}, {transform_indices = #map1}, {transform_indices = #map1}, {transform_indices = #map}, {transform_indices = #map}, {transform_indices = #map}, {transform_indices = #map}]} {
    %mul3A = arith.constant 16 : i32
    %mul3A_0 = arith.muli %arg0, %mul3A : i32
    %add3A = arith.addi %mul3A_0, %arg1 : i32
    %mul3A_1 = arith.constant 10240 : i32
    %mul3A_2 = arith.muli %arg0, %mul3A_1 : i32
    "tpu.region"() ({
      %run_scoped3A = tpu.sem_alloc : memref<!tpu.dma_semaphore, #tpu.memory_space<semaphore_mem>>
      %dma_start3A = tpu.memref_slice %arg3[%mul3A_2] : memref<20480xf32, #tpu.memory_space<hbm>> -> memref<10240xf32, #tpu.memory_space<hbm>>
      %dma_start3A_34 = tpu.memref_slice %arg3[%mul3A_2] : memref<20480xf32, #tpu.memory_space<hbm>> -> memref<10240xf32, #tpu.memory_space<hbm>>
      tpu.enqueue_dma source(%dma_start3A_34 : memref<10240xf32, #tpu.memory_space<hbm>>) target(%arg10 : memref<10240xf32, #tpu.memory_space<vmem>>) target_semaphore(%run_scoped3A : memref<!tpu.dma_semaphore, #tpu.memory_space<semaphore_mem>>)
      %dma_wait3A_35 = tpu.memref_slice %arg3[%mul3A_2] : memref<20480xf32, #tpu.memory_space<hbm>> -> memref<10240xf32, #tpu.memory_space<hbm>>
      %dma_wait3A_36 = tpu.memref_slice %arg3[%mul3A_2] : memref<20480xf32, #tpu.memory_space<hbm>> -> memref<10240xf32, #tpu.memory_space<hbm>>
      tpu.wait_dma2 semaphore(%run_scoped3A : memref<!tpu.dma_semaphore, #tpu.memory_space<semaphore_mem>>) src(%dma_wait3A_36 : memref<10240xf32, #tpu.memory_space<hbm>>) dst(%arg10 : memref<10240xf32, #tpu.memory_space<vmem>>)
      tpu.yield
    }) : () -> ()
    "tpu.region"() ({
      %run_scoped3A = tpu.sem_alloc : memref<!tpu.dma_semaphore, #tpu.memory_space<semaphore_mem>>
      %dma_start3A = tpu.memref_slice %arg4[%mul3A_2] : memref<20480xf32, #tpu.memory_space<hbm>> -> memref<10240xf32, #tpu.memory_space<hbm>>
      %dma_start3A_34 = tpu.memref_slice %arg4[%mul3A_2] : memref<20480xf32, #tpu.memory_space<hbm>> -> memref<10240xf32, #tpu.memory_space<hbm>>
      tpu.enqueue_dma source(%dma_start3A_34 : memref<10240xf32, #tpu.memory_space<hbm>>) target(%arg11 : memref<10240xf32, #tpu.memory_space<vmem>>) target_semaphore(%run_scoped3A : memref<!tpu.dma_semaphore, #tpu.memory_space<semaphore_mem>>)
      %dma_wait3A_35 = tpu.memref_slice %arg4[%mul3A_2] : memref<20480xf32, #tpu.memory_space<hbm>> -> memref<10240xf32, #tpu.memory_space<hbm>>
      %dma_wait3A_36 = tpu.memref_slice %arg4[%mul3A_2] : memref<20480xf32, #tpu.memory_space<hbm>> -> memref<10240xf32, #tpu.memory_space<hbm>>
      tpu.wait_dma2 semaphore(%run_scoped3A : memref<!tpu.dma_semaphore, #tpu.memory_space<semaphore_mem>>) src(%dma_wait3A_36 : memref<10240xf32, #tpu.memory_space<hbm>>) dst(%arg11 : memref<10240xf32, #tpu.memory_space<vmem>>)
      tpu.yield
    }) : () -> ()
    %broadcast_in_dim3A = arith.constant 0.000000e+00 : f32
    %broadcast_in_dim3A_3 = vector.broadcast %broadcast_in_dim3A : f32 to vector<16xf32>
    %scan3A = arith.constant 0 : i32
    %scan3A_4 = arith.constant 64 : i32
    %scan3A_5 = arith.addi %scan3A, %scan3A_4 : i32
    %scan3A_6 = arith.constant 1 : i32
    scf.for %scan3A_34 = %scan3A to %scan3A_5 step %scan3A_6  : i32 {
      %mul3A_35 = arith.constant 1 : i32
      %mul3A_36 = arith.muli %scan3A_34, %mul3A_35 : i32
      %add3A_37 = arith.constant 0 : i32
      %add3A_38 = arith.addi %add3A_37, %mul3A_36 : i32
      %swap3A = arith.index_cast %add3A_38 : i32 to index
      %swap3A_39 = arith.constant 0 : index
      %swap3A_40 = tpu.vector_load %arg19[%swap3A, %swap3A_39] {strides = array<i32>} : memref<64x128xf32, #tpu.memory_space<vmem>>, vector<16xf32>,
      tpu.vector_store %arg19[%swap3A, %swap3A_39], %broadcast_in_dim3A_3 {strides = array<i32>} : memref<64x128xf32, #tpu.memory_space<vmem>>, vector<16xf32>,
      %swap3A_41 = arith.index_cast %add3A_38 : i32 to index
      %swap3A_42 = arith.constant 16 : index
      %swap3A_43 = tpu.vector_load %arg19[%swap3A_41, %swap3A_42] {strides = array<i32>} : memref<64x128xf32, #tpu.memory_space<vmem>>, vector<16xf32>,
      tpu.vector_store %arg19[%swap3A_41, %swap3A_42], %broadcast_in_dim3A_3 {strides = array<i32>} : memref<64x128xf32, #tpu.memory_space<vmem>>, vector<16xf32>,
      %swap3A_44 = arith.index_cast %add3A_38 : i32 to index
      %swap3A_45 = arith.constant 32 : index
      %swap3A_46 = tpu.vector_load %arg19[%swap3A_44, %swap3A_45] {strides = array<i32>} : memref<64x128xf32, #tpu.memory_space<vmem>>, vector<16xf32>,
      tpu.vector_store %arg19[%swap3A_44, %swap3A_45], %broadcast_in_dim3A_3 {strides = array<i32>} : memref<64x128xf32, #tpu.memory_space<vmem>>, vector<16xf32>,
      %swap3A_47 = arith.index_cast %add3A_38 : i32 to index
      %swap3A_48 = arith.constant 48 : index
      %swap3A_49 = tpu.vector_load %arg19[%swap3A_47, %swap3A_48] {strides = array<i32>} : memref<64x128xf32, #tpu.memory_space<vmem>>, vector<16xf32>,
      tpu.vector_store %arg19[%swap3A_47, %swap3A_48], %broadcast_in_dim3A_3 {strides = array<i32>} : memref<64x128xf32, #tpu.memory_space<vmem>>, vector<16xf32>,
      %swap3A_50 = arith.index_cast %add3A_38 : i32 to index
      %swap3A_51 = arith.constant 64 : index
      %swap3A_52 = tpu.vector_load %arg19[%swap3A_50, %swap3A_51] {strides = array<i32>} : memref<64x128xf32, #tpu.memory_space<vmem>>, vector<16xf32>,
      tpu.vector_store %arg19[%swap3A_50, %swap3A_51], %broadcast_in_dim3A_3 {strides = array<i32>} : memref<64x128xf32, #tpu.memory_space<vmem>>, vector<16xf32>,
      %swap3A_53 = arith.index_cast %add3A_38 : i32 to index
      %swap3A_54 = arith.constant 80 : index
      %swap3A_55 = tpu.vector_load %arg19[%swap3A_53, %swap3A_54] {strides = array<i32>} : memref<64x128xf32, #tpu.memory_space<vmem>>, vector<16xf32>,
      tpu.vector_store %arg19[%swap3A_53, %swap3A_54], %broadcast_in_dim3A_3 {strides = array<i32>} : memref<64x128xf32, #tpu.memory_space<vmem>>, vector<16xf32>,
      %swap3A_56 = arith.index_cast %add3A_38 : i32 to index
      %swap3A_57 = arith.constant 96 : index
      %swap3A_58 = tpu.vector_load %arg19[%swap3A_56, %swap3A_57] {strides = array<i32>} : memref<64x128xf32, #tpu.memory_space<vmem>>, vector<16xf32>,
      tpu.vector_store %arg19[%swap3A_56, %swap3A_57], %broadcast_in_dim3A_3 {strides = array<i32>} : memref<64x128xf32, #tpu.memory_space<vmem>>, vector<16xf32>,
      %swap3A_59 = arith.index_cast %add3A_38 : i32 to index
      %swap3A_60 = arith.constant 112 : index
      %swap3A_61 = tpu.vector_load %arg19[%swap3A_59, %swap3A_60] {strides = array<i32>} : memref<64x128xf32, #tpu.memory_space<vmem>>, vector<16xf32>,
      tpu.vector_store %arg19[%swap3A_59, %swap3A_60], %broadcast_in_dim3A_3 {strides = array<i32>} : memref<64x128xf32, #tpu.memory_space<vmem>>, vector<16xf32>,
    }
    %scan3A_7 = arith.constant 64 : i32
    %scan3A_8 = arith.constant 0 : i32
    %scan3A_9 = arith.constant 640 : i32
    %scan3A_10 = arith.addi %scan3A_8, %scan3A_9 : i32
    %scan3A_11 = arith.constant 1 : i32
    scf.for %scan3A_34 = %scan3A_8 to %scan3A_10 step %scan3A_11  : i32 {
      %mul3A_35 = arith.constant 1 : i32
      %mul3A_36 = arith.muli %scan3A_34, %mul3A_35 : i32
      %add3A_37 = arith.constant 0 : i32
      %add3A_38 = arith.addi %add3A_37, %mul3A_36 : i32
      %mul3A_39 = arith.constant 16 : i32
      %mul3A_40 = arith.muli %add3A_38, %mul3A_39 : i32
      %swap3A = arith.index_cast %mul3A_40 : i32 to index
      %swap3A_41 = tpu.vector_load %arg12[%swap3A] {strides = array<i32>} : memref<10240xf32, #tpu.memory_space<vmem>>, vector<16xf32>,
      tpu.vector_store %arg12[%swap3A], %broadcast_in_dim3A_3 {strides = array<i32>} : memref<10240xf32, #tpu.memory_space<vmem>>, vector<16xf32>,
    }
    %scan3A_12 = arith.constant 640 : i32
    %scan3A_13 = arith.constant 0 : i32
    %scan3A_14 = arith.constant 10 : i32
    %scan3A_15 = arith.addi %scan3A_13, %scan3A_14 : i32
    %scan3A_16 = arith.constant 1 : i32
    scf.for %scan3A_34 = %scan3A_13 to %scan3A_15 step %scan3A_16  : i32 {
      %mul3A_35 = arith.constant 1 : i32
      %mul3A_36 = arith.muli %scan3A_34, %mul3A_35 : i32
      %add3A_37 = arith.constant 0 : i32
      %add3A_38 = arith.addi %add3A_37, %mul3A_36 : i32
      %mul3A_39 = arith.constant 640 : i32
      %mul3A_40 = arith.muli %arg1, %mul3A_39 : i32
      %mul3A_41 = arith.constant 64 : i32
      %mul3A_42 = arith.muli %add3A_38, %mul3A_41 : i32
      %add3A_43 = arith.addi %mul3A_40, %mul3A_42 : i32
      "tpu.region"() ({
        %run_scoped3A = tpu.sem_alloc : memref<!tpu.dma_semaphore, #tpu.memory_space<semaphore_mem>>
        %dma_start3A = arith.constant 0 : i32
        %dma_start3A_44 = tpu.memref_slice %arg9[%add3A_43, %dma_start3A] : memref<10240x128xf32, #tpu.memory_space<vmem_shared>> -> memref<64x128xf32, #tpu.memory_space<vmem_shared>>
        %dma_start3A_45 = arith.constant 0 : i32
        %dma_start3A_46 = tpu.memref_slice %arg9[%add3A_43, %dma_start3A_45] : memref<10240x128xf32, #tpu.memory_space<vmem_shared>> -> memref<64x128xf32, #tpu.memory_space<vmem_shared>>
        tpu.enqueue_dma source(%arg19 : memref<64x128xf32, #tpu.memory_space<vmem>>) target(%dma_start3A_46 : memref<64x128xf32, #tpu.memory_space<vmem_shared>>) target_semaphore(%run_scoped3A : memref<!tpu.dma_semaphore, #tpu.memory_space<semaphore_mem>>)
        %dma_wait3A_47 = arith.constant 0 : i32
        %dma_wait3A_48 = tpu.memref_slice %arg9[%add3A_43, %dma_wait3A_47] : memref<10240x128xf32, #tpu.memory_space<vmem_shared>> -> memref<64x128xf32, #tpu.memory_space<vmem_shared>>
        %dma_wait3A_49 = arith.constant 0 : i32
        %dma_wait3A_50 = tpu.memref_slice %arg9[%add3A_43, %dma_wait3A_49] : memref<10240x128xf32, #tpu.memory_space<vmem_shared>> -> memref<64x128xf32, #tpu.memory_space<vmem_shared>>
        tpu.wait_dma2 semaphore(%run_scoped3A : memref<!tpu.dma_semaphore, #tpu.memory_space<semaphore_mem>>) src(%arg19 : memref<64x128xf32, #tpu.memory_space<vmem>>) dst(%dma_wait3A_50 : memref<64x128xf32, #tpu.memory_space<vmem_shared>>)
        tpu.yield
      }) : () -> ()
    }
    %scan3A_17 = arith.constant 10 : i32
    %barrier3A = arith.constant 0 : index
    tpu.barrier barrier_id(%barrier3A)
    %scan3A_18 = arith.constant 0 : i32
    %scan3A_19 = arith.constant 27 : i32
    %scan3A_20 = arith.addi %scan3A_18, %scan3A_19 : i32
    %scan3A_21 = arith.constant 1 : i32
    scf.for %scan3A_34 = %scan3A_18 to %scan3A_20 step %scan3A_21  : i32 {
      %mul3A_35 = arith.constant 1 : i32
      %mul3A_36 = arith.muli %scan3A_34, %mul3A_35 : i32
      %add3A_37 = arith.constant 0 : i32
      %add3A_38 = arith.addi %add3A_37, %mul3A_36 : i32
      %mul3A_39 = arith.constant 12 : i32
      %mul3A_40 = arith.muli %add3A_38, %mul3A_39 : i32
      %mul3A_41 = arith.constant 64 : i32
      %mul3A_42 = arith.muli %mul3A_40, %mul3A_41 : i32
      "tpu.region"() ({
        %run_scoped3A = tpu.sem_alloc : memref<!tpu.dma_semaphore, #tpu.memory_space<semaphore_mem>>
        %dma_start3A = tpu.memref_slice %arg5[%add3A, %mul3A_42] : memref<32x20736xi32, #tpu.memory_space<hbm>> -> memref<1x768xi32, #tpu.memory_space<hbm>>
        %dma_start3A_48 = tpu.memref_squeeze %dma_start3A : memref<1x768xi32, #tpu.memory_space<hbm>> -> memref<768xi32, #tpu.memory_space<hbm>>
        %dma_start3A_49 = tpu.memref_slice %arg5[%add3A, %mul3A_42] : memref<32x20736xi32, #tpu.memory_space<hbm>> -> memref<1x768xi32, #tpu.memory_space<hbm>>
        %dma_start3A_50 = tpu.memref_squeeze %dma_start3A_49 : memref<1x768xi32, #tpu.memory_space<hbm>> -> memref<768xi32, #tpu.memory_space<hbm>>
        tpu.enqueue_dma source(%dma_start3A_50 : memref<768xi32, #tpu.memory_space<hbm>>) target(%arg13 : memref<768xi32, #tpu.memory_space<vmem>>) target_semaphore(%run_scoped3A : memref<!tpu.dma_semaphore, #tpu.memory_space<semaphore_mem>>)
        %dma_wait3A_51 = tpu.memref_slice %arg5[%add3A, %mul3A_42] : memref<32x20736xi32, #tpu.memory_space<hbm>> -> memref<1x768xi32, #tpu.memory_space<hbm>>
        %dma_wait3A_52 = tpu.memref_squeeze %dma_wait3A_51 : memref<1x768xi32, #tpu.memory_space<hbm>> -> memref<768xi32, #tpu.memory_space<hbm>>
        %dma_wait3A_53 = tpu.memref_slice %arg5[%add3A, %mul3A_42] : memref<32x20736xi32, #tpu.memory_space<hbm>> -> memref<1x768xi32, #tpu.memory_space<hbm>>
        %dma_wait3A_54 = tpu.memref_squeeze %dma_wait3A_53 : memref<1x768xi32, #tpu.memory_space<hbm>> -> memref<768xi32, #tpu.memory_space<hbm>>
        tpu.wait_dma2 semaphore(%run_scoped3A : memref<!tpu.dma_semaphore, #tpu.memory_space<semaphore_mem>>) src(%dma_wait3A_54 : memref<768xi32, #tpu.memory_space<hbm>>) dst(%arg13 : memref<768xi32, #tpu.memory_space<vmem>>)
        tpu.yield
      }) : () -> ()
      "tpu.region"() ({
        %run_scoped3A = tpu.sem_alloc : memref<!tpu.dma_semaphore, #tpu.memory_space<semaphore_mem>>
        %dma_start3A = tpu.memref_slice %arg6[%add3A, %mul3A_42] : memref<32x20736xi32, #tpu.memory_space<hbm>> -> memref<1x768xi32, #tpu.memory_space<hbm>>
        %dma_start3A_48 = tpu.memref_squeeze %dma_start3A : memref<1x768xi32, #tpu.memory_space<hbm>> -> memref<768xi32, #tpu.memory_space<hbm>>
        %dma_start3A_49 = tpu.memref_slice %arg6[%add3A, %mul3A_42] : memref<32x20736xi32, #tpu.memory_space<hbm>> -> memref<1x768xi32, #tpu.memory_space<hbm>>
        %dma_start3A_50 = tpu.memref_squeeze %dma_start3A_49 : memref<1x768xi32, #tpu.memory_space<hbm>> -> memref<768xi32, #tpu.memory_space<hbm>>
        tpu.enqueue_dma source(%dma_start3A_50 : memref<768xi32, #tpu.memory_space<hbm>>) target(%arg14 : memref<768xi32, #tpu.memory_space<vmem>>) target_semaphore(%run_scoped3A : memref<!tpu.dma_semaphore, #tpu.memory_space<semaphore_mem>>)
        %dma_wait3A_51 = tpu.memref_slice %arg6[%add3A, %mul3A_42] : memref<32x20736xi32, #tpu.memory_space<hbm>> -> memref<1x768xi32, #tpu.memory_space<hbm>>
        %dma_wait3A_52 = tpu.memref_squeeze %dma_wait3A_51 : memref<1x768xi32, #tpu.memory_space<hbm>> -> memref<768xi32, #tpu.memory_space<hbm>>
        %dma_wait3A_53 = tpu.memref_slice %arg6[%add3A, %mul3A_42] : memref<32x20736xi32, #tpu.memory_space<hbm>> -> memref<1x768xi32, #tpu.memory_space<hbm>>
        %dma_wait3A_54 = tpu.memref_squeeze %dma_wait3A_53 : memref<1x768xi32, #tpu.memory_space<hbm>> -> memref<768xi32, #tpu.memory_space<hbm>>
        tpu.wait_dma2 semaphore(%run_scoped3A : memref<!tpu.dma_semaphore, #tpu.memory_space<semaphore_mem>>) src(%dma_wait3A_54 : memref<768xi32, #tpu.memory_space<hbm>>) dst(%arg14 : memref<768xi32, #tpu.memory_space<vmem>>)
        tpu.yield
      }) : () -> ()
      %scan3A_43 = arith.constant 0 : i32
      %scan3A_44 = arith.constant 6 : i32
      %scan3A_45 = arith.addi %scan3A_43, %scan3A_44 : i32
      %scan3A_46 = arith.constant 1 : i32
      scf.for %scan3A_48 = %scan3A_43 to %scan3A_45 step %scan3A_46  : i32 {
        %mul3A_49 = arith.constant 1 : i32
        %mul3A_50 = arith.muli %scan3A_48, %mul3A_49 : i32
        %add3A_51 = arith.constant 0 : i32
        %add3A_52 = arith.addi %add3A_51, %mul3A_50 : i32
        %mul3A_53 = arith.constant 2 : i32
        %mul3A_54 = arith.muli %add3A_52, %mul3A_53 : i32
        %add3A_55 = arith.constant 0 : i32
        %add3A_56 = arith.addi %mul3A_54, %add3A_55 : i32
        %mul3A_57 = arith.constant 64 : i32
        %mul3A_58 = arith.muli %add3A_56, %mul3A_57 : i32
        %mul3A_59 = arith.constant 12 : i32
        %mul3A_60 = arith.muli %add3A_38, %mul3A_59 : i32
        %add3A_61 = arith.addi %mul3A_60, %add3A_56 : i32
        %add3A_62 = arith.constant 0 : i32
        %add3A_63 = arith.addi %mul3A_58, %add3A_62 : i32
        %get3A = arith.index_cast %add3A_63 : i32 to index
        %get3A_64 = tpu.vector_load %arg13[%get3A] {strides = array<i32>} : memref<768xi32, #tpu.memory_space<vmem>>, vector<16xi32>,
        %add3A_65 = vector.broadcast %mul3A_2 : i32 to vector<16xi32>
        %add3A_66 = arith.addi %get3A_64, %add3A_65 : vector<16xi32>
        %swap3A = arith.constant 0 : index
        %swap3A_67 = tpu.vector_load %arg15[%swap3A] {strides = array<i32>} : memref<64xi32, #tpu.memory_space<vmem>>, vector<16xi32>,
        tpu.vector_store %arg15[%swap3A], %add3A_66 {strides = array<i32>} : memref<64xi32, #tpu.memory_space<vmem>>, vector<16xi32>,
        %add3A_68 = arith.constant 16 : i32
        %add3A_69 = arith.addi %mul3A_58, %add3A_68 : i32
        %get3A_70 = arith.index_cast %add3A_69 : i32 to index
        %get3A_71 = tpu.vector_load %arg13[%get3A_70] {strides = array<i32>} : memref<768xi32, #tpu.memory_space<vmem>>, vector<16xi32>,
        %add3A_72 = vector.broadcast %mul3A_2 : i32 to vector<16xi32>
        %add3A_73 = arith.addi %get3A_71, %add3A_72 : vector<16xi32>
        %swap3A_74 = arith.constant 16 : index
        %swap3A_75 = tpu.vector_load %arg15[%swap3A_74] {strides = array<i32>} : memref<64xi32, #tpu.memory_space<vmem>>, vector<16xi32>,
        tpu.vector_store %arg15[%swap3A_74], %add3A_73 {strides = array<i32>} : memref<64xi32, #tpu.memory_space<vmem>>, vector<16xi32>,
        %add3A_76 = arith.constant 32 : i32
        %add3A_77 = arith.addi %mul3A_58, %add3A_76 : i32
        %get3A_78 = arith.index_cast %add3A_77 : i32 to index
        %get3A_79 = tpu.vector_load %arg13[%get3A_78] {strides = array<i32>} : memref<768xi32, #tpu.memory_space<vmem>>, vector<16xi32>,
        %add3A_80 = vector.broadcast %mul3A_2 : i32 to vector<16xi32>
        %add3A_81 = arith.addi %get3A_79, %add3A_80 : vector<16xi32>
        %swap3A_82 = arith.constant 32 : index
        %swap3A_83 = tpu.vector_load %arg15[%swap3A_82] {strides = array<i32>} : memref<64xi32, #tpu.memory_space<vmem>>, vector<16xi32>,
        tpu.vector_store %arg15[%swap3A_82], %add3A_81 {strides = array<i32>} : memref<64xi32, #tpu.memory_space<vmem>>, vector<16xi32>,
        %add3A_84 = arith.constant 48 : i32
        %add3A_85 = arith.addi %mul3A_58, %add3A_84 : i32
        %get3A_86 = arith.index_cast %add3A_85 : i32 to index
        %get3A_87 = tpu.vector_load %arg13[%get3A_86] {strides = array<i32>} : memref<768xi32, #tpu.memory_space<vmem>>, vector<16xi32>,
        %add3A_88 = vector.broadcast %mul3A_2 : i32 to vector<16xi32>
        %add3A_89 = arith.addi %get3A_87, %add3A_88 : vector<16xi32>
        %swap3A_90 = arith.constant 48 : index
        %swap3A_91 = tpu.vector_load %arg15[%swap3A_90] {strides = array<i32>} : memref<64xi32, #tpu.memory_space<vmem>>, vector<16xi32>,
        tpu.vector_store %arg15[%swap3A_90], %add3A_89 {strides = array<i32>} : memref<64xi32, #tpu.memory_space<vmem>>, vector<16xi32>,
        %ge3A = arith.constant 2 : i32
        %ge3A_92 = arith.cmpi sge, %add3A_61, %ge3A : i32
        %convert_element_type3A = arith.extui %ge3A_92 : i1 to i32
        %cond3A = arith.constant 0 : i32
        %cond3A_93 = arith.cmpi ne, %convert_element_type3A, %cond3A : i32
        scf.if %cond3A_93 {
          %dma_wait3A_331 = arith.constant 0 : i32
          %dma_wait3A_332 = arith.constant 0 : i32
          %dma_wait3A_333 = tpu.memref_slice %arg9[%dma_wait3A_331, %dma_wait3A_332] : memref<10240x128xf32, #tpu.memory_space<vmem_shared>> -> memref<10240x128xf32, #tpu.memory_space<vmem_shared>>
          tpu.wait_indirect_dma semaphore(%arg22 : memref<!tpu.dma_semaphore, #tpu.memory_space<semaphore_mem>>) src(%arg19 : memref<64x128xf32, #tpu.memory_space<vmem>>) dst(%dma_wait3A_333 : memref<10240x128xf32, #tpu.memory_space<vmem_shared>>)
        } else {
        }
        %dma_start3A = arith.constant 0 : i32
        %dma_start3A_94 = arith.constant 0 : i32
        %dma_start3A_95 = tpu.memref_slice %arg2[%dma_start3A, %dma_start3A_94] : memref<20480x128xf32, #tpu.memory_space<hbm>> -> memref<20480x128xf32, #tpu.memory_space<hbm>>
        tpu.enqueue_indirect_dma source(%dma_start3A_95 : memref<20480x128xf32, #tpu.memory_space<hbm>>) target(%arg19 : memref<64x128xf32, #tpu.memory_space<vmem>>) offsets(%arg15 : memref<64xi32, #tpu.memory_space<vmem>>) semaphore(%arg21 : memref<!tpu.dma_semaphore, #tpu.memory_space<semaphore_mem>>)
        %add3A_96 = arith.constant 0 : i32
        %add3A_97 = arith.addi %mul3A_58, %add3A_96 : i32
        %get3A_98 = arith.index_cast %add3A_97 : i32 to index
        %get3A_99 = tpu.vector_load %arg13[%get3A_98] {strides = array<i32>} : memref<768xi32, #tpu.memory_space<vmem>>, vector<16xi32>,
        %get3A_100 = arith.index_cast %add3A_97 : i32 to index
        %get3A_101 = tpu.vector_load %arg14[%get3A_100] {strides = array<i32>} : memref<768xi32, #tpu.memory_space<vmem>>, vector<16xi32>,
        %swap3A_102 = arith.constant 0 : index
        %swap3A_103 = tpu.vector_load %arg16[%swap3A_102] {strides = array<i32>} : memref<64xi32, #tpu.memory_space<vmem>>, vector<16xi32>,
        tpu.vector_store %arg16[%swap3A_102], %get3A_101 {strides = array<i32>} : memref<64xi32, #tpu.memory_space<vmem>>, vector<16xi32>,
        %gather3A = tpu.vector_load_idx %arg10[%get3A_99] : memref<10240xf32, #tpu.memory_space<vmem>>[vector<16xi32>], vector<16xf32>,
        %gather3A_104 = tpu.vector_load_idx %arg11[%get3A_101] : memref<10240xf32, #tpu.memory_space<vmem>>[vector<16xi32>], vector<16xf32>,
        %add3A_105 = arith.addf %gather3A, %gather3A_104 : vector<16xf32>
        %gt3A = arith.constant 0.000000e+00 : f32
        %gt3A_106 = vector.broadcast %gt3A : f32 to vector<16xf32>
        %gt3A_107 = arith.cmpf ogt, %add3A_105, %gt3A_106 : vector<16xf32>
        %mul3A_108 = arith.constant 2.000000e-01 : f32
        %mul3A_109 = vector.broadcast %mul3A_108 : f32 to vector<16xf32>
        %mul3A_110 = arith.mulf %mul3A_109, %add3A_105 : vector<16xf32>
        %select_n3A = arith.select %gt3A_107, %add3A_105, %mul3A_110 : vector<16xi1>, vector<16xf32>
        %exp3A = math.exp %select_n3A : vector<16xf32>
        %swap3A_111 = arith.constant 0 : index
        %swap3A_112 = tpu.vector_load %arg18[%swap3A_111] {strides = array<i32>} : memref<64xf32, #tpu.memory_space<vmem>>, vector<16xf32>,
        tpu.vector_store %arg18[%swap3A_111], %exp3A {strides = array<i32>} : memref<64xf32, #tpu.memory_space<vmem>>, vector<16xf32>,
        tpu.vector_store_idx %arg12[%get3A_101], %exp3A {add = true} : memref<10240xf32, #tpu.memory_space<vmem>>[vector<16xi32>], vector<16xf32>,
        %add3A_113 = arith.constant 16 : i32
        %add3A_114 = arith.addi %mul3A_58, %add3A_113 : i32
        %get3A_115 = arith.index_cast %add3A_114 : i32 to index
        %get3A_116 = tpu.vector_load %arg13[%get3A_115] {strides = array<i32>} : memref<768xi32, #tpu.memory_space<vmem>>, vector<16xi32>,
        %get3A_117 = arith.index_cast %add3A_114 : i32 to index
        %get3A_118 = tpu.vector_load %arg14[%get3A_117] {strides = array<i32>} : memref<768xi32, #tpu.memory_space<vmem>>, vector<16xi32>,
        %swap3A_119 = arith.constant 16 : index
        %swap3A_120 = tpu.vector_load %arg16[%swap3A_119] {strides = array<i32>} : memref<64xi32, #tpu.memory_space<vmem>>, vector<16xi32>,
        tpu.vector_store %arg16[%swap3A_119], %get3A_118 {strides = array<i32>} : memref<64xi32, #tpu.memory_space<vmem>>, vector<16xi32>,
        %gather3A_121 = tpu.vector_load_idx %arg10[%get3A_116] : memref<10240xf32, #tpu.memory_space<vmem>>[vector<16xi32>], vector<16xf32>,
        %gather3A_122 = tpu.vector_load_idx %arg11[%get3A_118] : memref<10240xf32, #tpu.memory_space<vmem>>[vector<16xi32>], vector<16xf32>,
        %add3A_123 = arith.addf %gather3A_121, %gather3A_122 : vector<16xf32>
        %gt3A_124 = arith.constant 0.000000e+00 : f32
        %gt3A_125 = vector.broadcast %gt3A_124 : f32 to vector<16xf32>
        %gt3A_126 = arith.cmpf ogt, %add3A_123, %gt3A_125 : vector<16xf32>
        %mul3A_127 = arith.constant 2.000000e-01 : f32
        %mul3A_128 = vector.broadcast %mul3A_127 : f32 to vector<16xf32>
        %mul3A_129 = arith.mulf %mul3A_128, %add3A_123 : vector<16xf32>
        %select_n3A_130 = arith.select %gt3A_126, %add3A_123, %mul3A_129 : vector<16xi1>, vector<16xf32>
        %exp3A_131 = math.exp %select_n3A_130 : vector<16xf32>
        %swap3A_132 = arith.constant 16 : index
        %swap3A_133 = tpu.vector_load %arg18[%swap3A_132] {strides = array<i32>} : memref<64xf32, #tpu.memory_space<vmem>>, vector<16xf32>,
        tpu.vector_store %arg18[%swap3A_132], %exp3A_131 {strides = array<i32>} : memref<64xf32, #tpu.memory_space<vmem>>, vector<16xf32>,
        tpu.vector_store_idx %arg12[%get3A_118], %exp3A_131 {add = true} : memref<10240xf32, #tpu.memory_space<vmem>>[vector<16xi32>], vector<16xf32>,
        %add3A_134 = arith.constant 32 : i32
        %add3A_135 = arith.addi %mul3A_58, %add3A_134 : i32
        %get3A_136 = arith.index_cast %add3A_135 : i32 to index
        %get3A_137 = tpu.vector_load %arg13[%get3A_136] {strides = array<i32>} : memref<768xi32, #tpu.memory_space<vmem>>, vector<16xi32>,
        %get3A_138 = arith.index_cast %add3A_135 : i32 to index
        %get3A_139 = tpu.vector_load %arg14[%get3A_138] {strides = array<i32>} : memref<768xi32, #tpu.memory_space<vmem>>, vector<16xi32>,
        %swap3A_140 = arith.constant 32 : index
        %swap3A_141 = tpu.vector_load %arg16[%swap3A_140] {strides = array<i32>} : memref<64xi32, #tpu.memory_space<vmem>>, vector<16xi32>,
        tpu.vector_store %arg16[%swap3A_140], %get3A_139 {strides = array<i32>} : memref<64xi32, #tpu.memory_space<vmem>>, vector<16xi32>,
        %gather3A_142 = tpu.vector_load_idx %arg10[%get3A_137] : memref<10240xf32, #tpu.memory_space<vmem>>[vector<16xi32>], vector<16xf32>,
        %gather3A_143 = tpu.vector_load_idx %arg11[%get3A_139] : memref<10240xf32, #tpu.memory_space<vmem>>[vector<16xi32>], vector<16xf32>,
        %add3A_144 = arith.addf %gather3A_142, %gather3A_143 : vector<16xf32>
        %gt3A_145 = arith.constant 0.000000e+00 : f32
        %gt3A_146 = vector.broadcast %gt3A_145 : f32 to vector<16xf32>
        %gt3A_147 = arith.cmpf ogt, %add3A_144, %gt3A_146 : vector<16xf32>
        %mul3A_148 = arith.constant 2.000000e-01 : f32
        %mul3A_149 = vector.broadcast %mul3A_148 : f32 to vector<16xf32>
        %mul3A_150 = arith.mulf %mul3A_149, %add3A_144 : vector<16xf32>
        %select_n3A_151 = arith.select %gt3A_147, %add3A_144, %mul3A_150 : vector<16xi1>, vector<16xf32>
        %exp3A_152 = math.exp %select_n3A_151 : vector<16xf32>
        %swap3A_153 = arith.constant 32 : index
        %swap3A_154 = tpu.vector_load %arg18[%swap3A_153] {strides = array<i32>} : memref<64xf32, #tpu.memory_space<vmem>>, vector<16xf32>,
        tpu.vector_store %arg18[%swap3A_153], %exp3A_152 {strides = array<i32>} : memref<64xf32, #tpu.memory_space<vmem>>, vector<16xf32>,
        tpu.vector_store_idx %arg12[%get3A_139], %exp3A_152 {add = true} : memref<10240xf32, #tpu.memory_space<vmem>>[vector<16xi32>], vector<16xf32>,
        %add3A_155 = arith.constant 48 : i32
        %add3A_156 = arith.addi %mul3A_58, %add3A_155 : i32
        %get3A_157 = arith.index_cast %add3A_156 : i32 to index
        %get3A_158 = tpu.vector_load %arg13[%get3A_157] {strides = array<i32>} : memref<768xi32, #tpu.memory_space<vmem>>, vector<16xi32>,
        %get3A_159 = arith.index_cast %add3A_156 : i32 to index
        %get3A_160 = tpu.vector_load %arg14[%get3A_159] {strides = array<i32>} : memref<768xi32, #tpu.memory_space<vmem>>, vector<16xi32>,
        %swap3A_161 = arith.constant 48 : index
        %swap3A_162 = tpu.vector_load %arg16[%swap3A_161] {strides = array<i32>} : memref<64xi32, #tpu.memory_space<vmem>>, vector<16xi32>,
        tpu.vector_store %arg16[%swap3A_161], %get3A_160 {strides = array<i32>} : memref<64xi32, #tpu.memory_space<vmem>>, vector<16xi32>,
        %gather3A_163 = tpu.vector_load_idx %arg10[%get3A_158] : memref<10240xf32, #tpu.memory_space<vmem>>[vector<16xi32>], vector<16xf32>,
        %gather3A_164 = tpu.vector_load_idx %arg11[%get3A_160] : memref<10240xf32, #tpu.memory_space<vmem>>[vector<16xi32>], vector<16xf32>,
        %add3A_165 = arith.addf %gather3A_163, %gather3A_164 : vector<16xf32>
        %gt3A_166 = arith.constant 0.000000e+00 : f32
        %gt3A_167 = vector.broadcast %gt3A_166 : f32 to vector<16xf32>
        %gt3A_168 = arith.cmpf ogt, %add3A_165, %gt3A_167 : vector<16xf32>
        %mul3A_169 = arith.constant 2.000000e-01 : f32
        %mul3A_170 = vector.broadcast %mul3A_169 : f32 to vector<16xf32>
        %mul3A_171 = arith.mulf %mul3A_170, %add3A_165 : vector<16xf32>
        %select_n3A_172 = arith.select %gt3A_168, %add3A_165, %mul3A_171 : vector<16xi1>, vector<16xf32>
        %exp3A_173 = math.exp %select_n3A_172 : vector<16xf32>
        %swap3A_174 = arith.constant 48 : index
        %swap3A_175 = tpu.vector_load %arg18[%swap3A_174] {strides = array<i32>} : memref<64xf32, #tpu.memory_space<vmem>>, vector<16xf32>,
        tpu.vector_store %arg18[%swap3A_174], %exp3A_173 {strides = array<i32>} : memref<64xf32, #tpu.memory_space<vmem>>, vector<16xf32>,
        tpu.vector_store_idx %arg12[%get3A_160], %exp3A_173 {add = true} : memref<10240xf32, #tpu.memory_space<vmem>>[vector<16xi32>], vector<16xf32>,
        %dma_wait3A_176 = arith.constant 0 : i32
        %dma_wait3A_177 = arith.constant 0 : i32
        %dma_wait3A_178 = tpu.memref_slice %arg2[%dma_wait3A_176, %dma_wait3A_177] : memref<20480x128xf32, #tpu.memory_space<hbm>> -> memref<20480x128xf32, #tpu.memory_space<hbm>>
        tpu.wait_indirect_dma semaphore(%arg21 : memref<!tpu.dma_semaphore, #tpu.memory_space<semaphore_mem>>) src(%dma_wait3A_178 : memref<20480x128xf32, #tpu.memory_space<hbm>>) dst(%arg19 : memref<64x128xf32, #tpu.memory_space<vmem>>)
        %scan3A_179 = arith.constant 0 : i32
        %scan3A_180 = arith.constant 64 : i32
        %scan3A_181 = arith.addi %scan3A_179, %scan3A_180 : i32
        %scan3A_182 = arith.constant 8 : i32
        scf.for %scan3A_331 = %scan3A_179 to %scan3A_181 step %scan3A_182  : i32 {
          %mul3A_332 = arith.constant 1 : i32
          %mul3A_333 = arith.muli %scan3A_331, %mul3A_332 : i32
          %add3A_334 = arith.constant 0 : i32
          %add3A_335 = arith.addi %add3A_334, %mul3A_333 : i32
          %broadcast_in_dim3A_336 = vector.broadcast %add3A_335 : i32 to vector<16xi32>
          %gather3A_337 = tpu.vector_load_idx %arg18[%broadcast_in_dim3A_336] : memref<64xf32, #tpu.memory_space<vmem>>[vector<16xi32>], vector<16xf32>,
          %get3A_338 = arith.index_cast %add3A_335 : i32 to index
          %get3A_339 = arith.constant 0 : index
          %get3A_340 = tpu.vector_load %arg19[%get3A_338, %get3A_339] {strides = array<i32>} : memref<64x128xf32, #tpu.memory_space<vmem>>, vector<16xf32>,
          %mul3A_341 = arith.mulf %get3A_340, %gather3A_337 : vector<16xf32>
          %swap3A_342 = arith.index_cast %add3A_335 : i32 to index
          %swap3A_343 = arith.constant 0 : index
          %swap3A_344 = tpu.vector_load %arg19[%swap3A_342, %swap3A_343] {strides = array<i32>} : memref<64x128xf32, #tpu.memory_space<vmem>>, vector<16xf32>,
          tpu.vector_store %arg19[%swap3A_342, %swap3A_343], %mul3A_341 {strides = array<i32>} : memref<64x128xf32, #tpu.memory_space<vmem>>, vector<16xf32>,
          %get3A_345 = arith.index_cast %add3A_335 : i32 to index
          %get3A_346 = arith.constant 16 : index
          %get3A_347 = tpu.vector_load %arg19[%get3A_345, %get3A_346] {strides = array<i32>} : memref<64x128xf32, #tpu.memory_space<vmem>>, vector<16xf32>,
          %mul3A_348 = arith.mulf %get3A_347, %gather3A_337 : vector<16xf32>
          %swap3A_349 = arith.index_cast %add3A_335 : i32 to index
          %swap3A_350 = arith.constant 16 : index
          %swap3A_351 = tpu.vector_load %arg19[%swap3A_349, %swap3A_350] {strides = array<i32>} : memref<64x128xf32, #tpu.memory_space<vmem>>, vector<16xf32>,
          tpu.vector_store %arg19[%swap3A_349, %swap3A_350], %mul3A_348 {strides = array<i32>} : memref<64x128xf32, #tpu.memory_space<vmem>>, vector<16xf32>,
          %get3A_352 = arith.index_cast %add3A_335 : i32 to index
          %get3A_353 = arith.constant 32 : index
          %get3A_354 = tpu.vector_load %arg19[%get3A_352, %get3A_353] {strides = array<i32>} : memref<64x128xf32, #tpu.memory_space<vmem>>, vector<16xf32>,
          %mul3A_355 = arith.mulf %get3A_354, %gather3A_337 : vector<16xf32>
          %swap3A_356 = arith.index_cast %add3A_335 : i32 to index
          %swap3A_357 = arith.constant 32 : index
          %swap3A_358 = tpu.vector_load %arg19[%swap3A_356, %swap3A_357] {strides = array<i32>} : memref<64x128xf32, #tpu.memory_space<vmem>>, vector<16xf32>,
          tpu.vector_store %arg19[%swap3A_356, %swap3A_357], %mul3A_355 {strides = array<i32>} : memref<64x128xf32, #tpu.memory_space<vmem>>, vector<16xf32>,
          %get3A_359 = arith.index_cast %add3A_335 : i32 to index
          %get3A_360 = arith.constant 48 : index
          %get3A_361 = tpu.vector_load %arg19[%get3A_359, %get3A_360] {strides = array<i32>} : memref<64x128xf32, #tpu.memory_space<vmem>>, vector<16xf32>,
          %mul3A_362 = arith.mulf %get3A_361, %gather3A_337 : vector<16xf32>
          %swap3A_363 = arith.index_cast %add3A_335 : i32 to index
          %swap3A_364 = arith.constant 48 : index
          %swap3A_365 = tpu.vector_load %arg19[%swap3A_363, %swap3A_364] {strides = array<i32>} : memref<64x128xf32, #tpu.memory_space<vmem>>, vector<16xf32>,
          tpu.vector_store %arg19[%swap3A_363, %swap3A_364], %mul3A_362 {strides = array<i32>} : memref<64x128xf32, #tpu.memory_space<vmem>>, vector<16xf32>,
          %get3A_366 = arith.index_cast %add3A_335 : i32 to index
          %get3A_367 = arith.constant 64 : index
          %get3A_368 = tpu.vector_load %arg19[%get3A_366, %get3A_367] {strides = array<i32>} : memref<64x128xf32, #tpu.memory_space<vmem>>, vector<16xf32>,
          %mul3A_369 = arith.mulf %get3A_368, %gather3A_337 : vector<16xf32>
          %swap3A_370 = arith.index_cast %add3A_335 : i32 to index
          %swap3A_371 = arith.constant 64 : index
          %swap3A_372 = tpu.vector_load %arg19[%swap3A_370, %swap3A_371] {strides = array<i32>} : memref<64x128xf32, #tpu.memory_space<vmem>>, vector<16xf32>,
          tpu.vector_store %arg19[%swap3A_370, %swap3A_371], %mul3A_369 {strides = array<i32>} : memref<64x128xf32, #tpu.memory_space<vmem>>, vector<16xf32>,
          %get3A_373 = arith.index_cast %add3A_335 : i32 to index
          %get3A_374 = arith.constant 80 : index
          %get3A_375 = tpu.vector_load %arg19[%get3A_373, %get3A_374] {strides = array<i32>} : memref<64x128xf32, #tpu.memory_space<vmem>>, vector<16xf32>,
          %mul3A_376 = arith.mulf %get3A_375, %gather3A_337 : vector<16xf32>
          %swap3A_377 = arith.index_cast %add3A_335 : i32 to index
          %swap3A_378 = arith.constant 80 : index
          %swap3A_379 = tpu.vector_load %arg19[%swap3A_377, %swap3A_378] {strides = array<i32>} : memref<64x128xf32, #tpu.memory_space<vmem>>, vector<16xf32>,
          tpu.vector_store %arg19[%swap3A_377, %swap3A_378], %mul3A_376 {strides = array<i32>} : memref<64x128xf32, #tpu.memory_space<vmem>>, vector<16xf32>,
          %get3A_380 = arith.index_cast %add3A_335 : i32 to index
          %get3A_381 = arith.constant 96 : index
          %get3A_382 = tpu.vector_load %arg19[%get3A_380, %get3A_381] {strides = array<i32>} : memref<64x128xf32, #tpu.memory_space<vmem>>, vector<16xf32>,
          %mul3A_383 = arith.mulf %get3A_382, %gather3A_337 : vector<16xf32>
          %swap3A_384 = arith.index_cast %add3A_335 : i32 to index
          %swap3A_385 = arith.constant 96 : index
          %swap3A_386 = tpu.vector_load %arg19[%swap3A_384, %swap3A_385] {strides = array<i32>} : memref<64x128xf32, #tpu.memory_space<vmem>>, vector<16xf32>,
          tpu.vector_store %arg19[%swap3A_384, %swap3A_385], %mul3A_383 {strides = array<i32>} : memref<64x128xf32, #tpu.memory_space<vmem>>, vector<16xf32>,
          %get3A_387 = arith.index_cast %add3A_335 : i32 to index
          %get3A_388 = arith.constant 112 : index
          %get3A_389 = tpu.vector_load %arg19[%get3A_387, %get3A_388] {strides = array<i32>} : memref<64x128xf32, #tpu.memory_space<vmem>>, vector<16xf32>,
          %mul3A_390 = arith.mulf %get3A_389, %gather3A_337 : vector<16xf32>
          %swap3A_391 = arith.index_cast %add3A_335 : i32 to index
          %swap3A_392 = arith.constant 112 : index
          %swap3A_393 = tpu.vector_load %arg19[%swap3A_391, %swap3A_392] {strides = array<i32>} : memref<64x128xf32, #tpu.memory_space<vmem>>, vector<16xf32>,
          tpu.vector_store %arg19[%swap3A_391, %swap3A_392], %mul3A_390 {strides = array<i32>} : memref<64x128xf32, #tpu.memory_space<vmem>>, vector<16xf32>,
          %scan3A_394 = arith.constant 1 : i32
          %scan3A_395 = arith.addi %scan3A_331, %scan3A_394 : i32
          %mul3A_396 = arith.constant 1 : i32
          %mul3A_397 = arith.muli %scan3A_395, %mul3A_396 : i32
          %add3A_398 = arith.constant 0 : i32
          %add3A_399 = arith.addi %add3A_398, %mul3A_397 : i32
          %broadcast_in_dim3A_400 = vector.broadcast %add3A_399 : i32 to vector<16xi32>
          %gather3A_401 = tpu.vector_load_idx %arg18[%broadcast_in_dim3A_400] : memref<64xf32, #tpu.memory_space<vmem>>[vector<16xi32>], vector<16xf32>,
          %get3A_402 = arith.index_cast %add3A_399 : i32 to index
          %get3A_403 = arith.constant 0 : index
          %get3A_404 = tpu.vector_load %arg19[%get3A_402, %get3A_403] {strides = array<i32>} : memref<64x128xf32, #tpu.memory_space<vmem>>, vector<16xf32>,
          %mul3A_405 = arith.mulf %get3A_404, %gather3A_401 : vector<16xf32>
          %swap3A_406 = arith.index_cast %add3A_399 : i32 to index
          %swap3A_407 = arith.constant 0 : index
          %swap3A_408 = tpu.vector_load %arg19[%swap3A_406, %swap3A_407] {strides = array<i32>} : memref<64x128xf32, #tpu.memory_space<vmem>>, vector<16xf32>,
          tpu.vector_store %arg19[%swap3A_406, %swap3A_407], %mul3A_405 {strides = array<i32>} : memref<64x128xf32, #tpu.memory_space<vmem>>, vector<16xf32>,
          %get3A_409 = arith.index_cast %add3A_399 : i32 to index
          %get3A_410 = arith.constant 16 : index
          %get3A_411 = tpu.vector_load %arg19[%get3A_409, %get3A_410] {strides = array<i32>} : memref<64x128xf32, #tpu.memory_space<vmem>>, vector<16xf32>,
          %mul3A_412 = arith.mulf %get3A_411, %gather3A_401 : vector<16xf32>
          %swap3A_413 = arith.index_cast %add3A_399 : i32 to index
          %swap3A_414 = arith.constant 16 : index
          %swap3A_415 = tpu.vector_load %arg19[%swap3A_413, %swap3A_414] {strides = array<i32>} : memref<64x128xf32, #tpu.memory_space<vmem>>, vector<16xf32>,
          tpu.vector_store %arg19[%swap3A_413, %swap3A_414], %mul3A_412 {strides = array<i32>} : memref<64x128xf32, #tpu.memory_space<vmem>>, vector<16xf32>,
          %get3A_416 = arith.index_cast %add3A_399 : i32 to index
          %get3A_417 = arith.constant 32 : index
          %get3A_418 = tpu.vector_load %arg19[%get3A_416, %get3A_417] {strides = array<i32>} : memref<64x128xf32, #tpu.memory_space<vmem>>, vector<16xf32>,
          %mul3A_419 = arith.mulf %get3A_418, %gather3A_401 : vector<16xf32>
          %swap3A_420 = arith.index_cast %add3A_399 : i32 to index
          %swap3A_421 = arith.constant 32 : index
          %swap3A_422 = tpu.vector_load %arg19[%swap3A_420, %swap3A_421] {strides = array<i32>} : memref<64x128xf32, #tpu.memory_space<vmem>>, vector<16xf32>,
          tpu.vector_store %arg19[%swap3A_420, %swap3A_421], %mul3A_419 {strides = array<i32>} : memref<64x128xf32, #tpu.memory_space<vmem>>, vector<16xf32>,
          %get3A_423 = arith.index_cast %add3A_399 : i32 to index
          %get3A_424 = arith.constant 48 : index
          %get3A_425 = tpu.vector_load %arg19[%get3A_423, %get3A_424] {strides = array<i32>} : memref<64x128xf32, #tpu.memory_space<vmem>>, vector<16xf32>,
          %mul3A_426 = arith.mulf %get3A_425, %gather3A_401 : vector<16xf32>
          %swap3A_427 = arith.index_cast %add3A_399 : i32 to index
          %swap3A_428 = arith.constant 48 : index
          %swap3A_429 = tpu.vector_load %arg19[%swap3A_427, %swap3A_428] {strides = array<i32>} : memref<64x128xf32, #tpu.memory_space<vmem>>, vector<16xf32>,
          tpu.vector_store %arg19[%swap3A_427, %swap3A_428], %mul3A_426 {strides = array<i32>} : memref<64x128xf32, #tpu.memory_space<vmem>>, vector<16xf32>,
          %get3A_430 = arith.index_cast %add3A_399 : i32 to index
          %get3A_431 = arith.constant 64 : index
          %get3A_432 = tpu.vector_load %arg19[%get3A_430, %get3A_431] {strides = array<i32>} : memref<64x128xf32, #tpu.memory_space<vmem>>, vector<16xf32>,
          %mul3A_433 = arith.mulf %get3A_432, %gather3A_401 : vector<16xf32>
          %swap3A_434 = arith.index_cast %add3A_399 : i32 to index
          %swap3A_435 = arith.constant 64 : index
          %swap3A_436 = tpu.vector_load %arg19[%swap3A_434, %swap3A_435] {strides = array<i32>} : memref<64x128xf32, #tpu.memory_space<vmem>>, vector<16xf32>,
          tpu.vector_store %arg19[%swap3A_434, %swap3A_435], %mul3A_433 {strides = array<i32>} : memref<64x128xf32, #tpu.memory_space<vmem>>, vector<16xf32>,
          %get3A_437 = arith.index_cast %add3A_399 : i32 to index
          %get3A_438 = arith.constant 80 : index
          %get3A_439 = tpu.vector_load %arg19[%get3A_437, %get3A_438] {strides = array<i32>} : memref<64x128xf32, #tpu.memory_space<vmem>>, vector<16xf32>,
          %mul3A_440 = arith.mulf %get3A_439, %gather3A_401 : vector<16xf32>
          %swap3A_441 = arith.index_cast %add3A_399 : i32 to index
          %swap3A_442 = arith.constant 80 : index
          %swap3A_443 = tpu.vector_load %arg19[%swap3A_441, %swap3A_442] {strides = array<i32>} : memref<64x128xf32, #tpu.memory_space<vmem>>, vector<16xf32>,
          tpu.vector_store %arg19[%swap3A_441, %swap3A_442], %mul3A_440 {strides = array<i32>} : memref<64x128xf32, #tpu.memory_space<vmem>>, vector<16xf32>,
          %get3A_444 = arith.index_cast %add3A_399 : i32 to index
          %get3A_445 = arith.constant 96 : index
          %get3A_446 = tpu.vector_load %arg19[%get3A_444, %get3A_445] {strides = array<i32>} : memref<64x128xf32, #tpu.memory_space<vmem>>, vector<16xf32>,
          %mul3A_447 = arith.mulf %get3A_446, %gather3A_401 : vector<16xf32>
          %swap3A_448 = arith.index_cast %add3A_399 : i32 to index
          %swap3A_449 = arith.constant 96 : index
          %swap3A_450 = tpu.vector_load %arg19[%swap3A_448, %swap3A_449] {strides = array<i32>} : memref<64x128xf32, #tpu.memory_space<vmem>>, vector<16xf32>,
          tpu.vector_store %arg19[%swap3A_448, %swap3A_449], %mul3A_447 {strides = array<i32>} : memref<64x128xf32, #tpu.memory_space<vmem>>, vector<16xf32>,
          %get3A_451 = arith.index_cast %add3A_399 : i32 to index
          %get3A_452 = arith.constant 112 : index
          %get3A_453 = tpu.vector_load %arg19[%get3A_451, %get3A_452] {strides = array<i32>} : memref<64x128xf32, #tpu.memory_space<vmem>>, vector<16xf32>,
          %mul3A_454 = arith.mulf %get3A_453, %gather3A_401 : vector<16xf32>
          %swap3A_455 = arith.index_cast %add3A_399 : i32 to index
          %swap3A_456 = arith.constant 112 : index
          %swap3A_457 = tpu.vector_load %arg19[%swap3A_455, %swap3A_456] {strides = array<i32>} : memref<64x128xf32, #tpu.memory_space<vmem>>, vector<16xf32>,
          tpu.vector_store %arg19[%swap3A_455, %swap3A_456], %mul3A_454 {strides = array<i32>} : memref<64x128xf32, #tpu.memory_space<vmem>>, vector<16xf32>,
          %scan3A_458 = arith.constant 2 : i32
          %scan3A_459 = arith.addi %scan3A_331, %scan3A_458 : i32
          %mul3A_460 = arith.constant 1 : i32
          %mul3A_461 = arith.muli %scan3A_459, %mul3A_460 : i32
          %add3A_462 = arith.constant 0 : i32
          %add3A_463 = arith.addi %add3A_462, %mul3A_461 : i32
          %broadcast_in_dim3A_464 = vector.broadcast %add3A_463 : i32 to vector<16xi32>
          %gather3A_465 = tpu.vector_load_idx %arg18[%broadcast_in_dim3A_464] : memref<64xf32, #tpu.memory_space<vmem>>[vector<16xi32>], vector<16xf32>,
          %get3A_466 = arith.index_cast %add3A_463 : i32 to index
          %get3A_467 = arith.constant 0 : index
          %get3A_468 = tpu.vector_load %arg19[%get3A_466, %get3A_467] {strides = array<i32>} : memref<64x128xf32, #tpu.memory_space<vmem>>, vector<16xf32>,
          %mul3A_469 = arith.mulf %get3A_468, %gather3A_465 : vector<16xf32>
          %swap3A_470 = arith.index_cast %add3A_463 : i32 to index
          %swap3A_471 = arith.constant 0 : index
          %swap3A_472 = tpu.vector_load %arg19[%swap3A_470, %swap3A_471] {strides = array<i32>} : memref<64x128xf32, #tpu.memory_space<vmem>>, vector<16xf32>,
          tpu.vector_store %arg19[%swap3A_470, %swap3A_471], %mul3A_469 {strides = array<i32>} : memref<64x128xf32, #tpu.memory_space<vmem>>, vector<16xf32>,
          %get3A_473 = arith.index_cast %add3A_463 : i32 to index
          %get3A_474 = arith.constant 16 : index
          %get3A_475 = tpu.vector_load %arg19[%get3A_473, %get3A_474] {strides = array<i32>} : memref<64x128xf32, #tpu.memory_space<vmem>>, vector<16xf32>,
          %mul3A_476 = arith.mulf %get3A_475, %gather3A_465 : vector<16xf32>
          %swap3A_477 = arith.index_cast %add3A_463 : i32 to index
          %swap3A_478 = arith.constant 16 : index
          %swap3A_479 = tpu.vector_load %arg19[%swap3A_477, %swap3A_478] {strides = array<i32>} : memref<64x128xf32, #tpu.memory_space<vmem>>, vector<16xf32>,
          tpu.vector_store %arg19[%swap3A_477, %swap3A_478], %mul3A_476 {strides = array<i32>} : memref<64x128xf32, #tpu.memory_space<vmem>>, vector<16xf32>,
          %get3A_480 = arith.index_cast %add3A_463 : i32 to index
          %get3A_481 = arith.constant 32 : index
          %get3A_482 = tpu.vector_load %arg19[%get3A_480, %get3A_481] {strides = array<i32>} : memref<64x128xf32, #tpu.memory_space<vmem>>, vector<16xf32>,
          %mul3A_483 = arith.mulf %get3A_482, %gather3A_465 : vector<16xf32>
          %swap3A_484 = arith.index_cast %add3A_463 : i32 to index
          %swap3A_485 = arith.constant 32 : index
          %swap3A_486 = tpu.vector_load %arg19[%swap3A_484, %swap3A_485] {strides = array<i32>} : memref<64x128xf32, #tpu.memory_space<vmem>>, vector<16xf32>,
          tpu.vector_store %arg19[%swap3A_484, %swap3A_485], %mul3A_483 {strides = array<i32>} : memref<64x128xf32, #tpu.memory_space<vmem>>, vector<16xf32>,
          %get3A_487 = arith.index_cast %add3A_463 : i32 to index
          %get3A_488 = arith.constant 48 : index
          %get3A_489 = tpu.vector_load %arg19[%get3A_487, %get3A_488] {strides = array<i32>} : memref<64x128xf32, #tpu.memory_space<vmem>>, vector<16xf32>,
          %mul3A_490 = arith.mulf %get3A_489, %gather3A_465 : vector<16xf32>
          %swap3A_491 = arith.index_cast %add3A_463 : i32 to index
          %swap3A_492 = arith.constant 48 : index
          %swap3A_493 = tpu.vector_load %arg19[%swap3A_491, %swap3A_492] {strides = array<i32>} : memref<64x128xf32, #tpu.memory_space<vmem>>, vector<16xf32>,
          tpu.vector_store %arg19[%swap3A_491, %swap3A_492], %mul3A_490 {strides = array<i32>} : memref<64x128xf32, #tpu.memory_space<vmem>>, vector<16xf32>,
          %get3A_494 = arith.index_cast %add3A_463 : i32 to index
          %get3A_495 = arith.constant 64 : index
          %get3A_496 = tpu.vector_load %arg19[%get3A_494, %get3A_495] {strides = array<i32>} : memref<64x128xf32, #tpu.memory_space<vmem>>, vector<16xf32>,
          %mul3A_497 = arith.mulf %get3A_496, %gather3A_465 : vector<16xf32>
          %swap3A_498 = arith.index_cast %add3A_463 : i32 to index
          %swap3A_499 = arith.constant 64 : index
          %swap3A_500 = tpu.vector_load %arg19[%swap3A_498, %swap3A_499] {strides = array<i32>} : memref<64x128xf32, #tpu.memory_space<vmem>>, vector<16xf32>,
          tpu.vector_store %arg19[%swap3A_498, %swap3A_499], %mul3A_497 {strides = array<i32>} : memref<64x128xf32, #tpu.memory_space<vmem>>, vector<16xf32>,
          %get3A_501 = arith.index_cast %add3A_463 : i32 to index
          %get3A_502 = arith.constant 80 : index
          %get3A_503 = tpu.vector_load %arg19[%get3A_501, %get3A_502] {strides = array<i32>} : memref<64x128xf32, #tpu.memory_space<vmem>>, vector<16xf32>,
          %mul3A_504 = arith.mulf %get3A_503, %gather3A_465 : vector<16xf32>
          %swap3A_505 = arith.index_cast %add3A_463 : i32 to index
          %swap3A_506 = arith.constant 80 : index
          %swap3A_507 = tpu.vector_load %arg19[%swap3A_505, %swap3A_506] {strides = array<i32>} : memref<64x128xf32, #tpu.memory_space<vmem>>, vector<16xf32>,
          tpu.vector_store %arg19[%swap3A_505, %swap3A_506], %mul3A_504 {strides = array<i32>} : memref<64x128xf32, #tpu.memory_space<vmem>>, vector<16xf32>,
          %get3A_508 = arith.index_cast %add3A_463 : i32 to index
          %get3A_509 = arith.constant 96 : index
          %get3A_510 = tpu.vector_load %arg19[%get3A_508, %get3A_509] {strides = array<i32>} : memref<64x128xf32, #tpu.memory_space<vmem>>, vector<16xf32>,
          %mul3A_511 = arith.mulf %get3A_510, %gather3A_465 : vector<16xf32>
          %swap3A_512 = arith.index_cast %add3A_463 : i32 to index
          %swap3A_513 = arith.constant 96 : index
          %swap3A_514 = tpu.vector_load %arg19[%swap3A_512, %swap3A_513] {strides = array<i32>} : memref<64x128xf32, #tpu.memory_space<vmem>>, vector<16xf32>,
          tpu.vector_store %arg19[%swap3A_512, %swap3A_513], %mul3A_511 {strides = array<i32>} : memref<64x128xf32, #tpu.memory_space<vmem>>, vector<16xf32>,
          %get3A_515 = arith.index_cast %add3A_463 : i32 to index
          %get3A_516 = arith.constant 112 : index
          %get3A_517 = tpu.vector_load %arg19[%get3A_515, %get3A_516] {strides = array<i32>} : memref<64x128xf32, #tpu.memory_space<vmem>>, vector<16xf32>,
          %mul3A_518 = arith.mulf %get3A_517, %gather3A_465 : vector<16xf32>
          %swap3A_519 = arith.index_cast %add3A_463 : i32 to index
          %swap3A_520 = arith.constant 112 : index
          %swap3A_521 = tpu.vector_load %arg19[%swap3A_519, %swap3A_520] {strides = array<i32>} : memref<64x128xf32, #tpu.memory_space<vmem>>, vector<16xf32>,
          tpu.vector_store %arg19[%swap3A_519, %swap3A_520], %mul3A_518 {strides = array<i32>} : memref<64x128xf32, #tpu.memory_space<vmem>>, vector<16xf32>,
          %scan3A_522 = arith.constant 3 : i32
          %scan3A_523 = arith.addi %scan3A_331, %scan3A_522 : i32
          %mul3A_524 = arith.constant 1 : i32
          %mul3A_525 = arith.muli %scan3A_523, %mul3A_524 : i32
          %add3A_526 = arith.constant 0 : i32
          %add3A_527 = arith.addi %add3A_526, %mul3A_525 : i32
          %broadcast_in_dim3A_528 = vector.broadcast %add3A_527 : i32 to vector<16xi32>
          %gather3A_529 = tpu.vector_load_idx %arg18[%broadcast_in_dim3A_528] : memref<64xf32, #tpu.memory_space<vmem>>[vector<16xi32>], vector<16xf32>,
          %get3A_530 = arith.index_cast %add3A_527 : i32 to index
          %get3A_531 = arith.constant 0 : index
          %get3A_532 = tpu.vector_load %arg19[%get3A_530, %get3A_531] {strides = array<i32>} : memref<64x128xf32, #tpu.memory_space<vmem>>, vector<16xf32>,
          %mul3A_533 = arith.mulf %get3A_532, %gather3A_529 : vector<16xf32>
          %swap3A_534 = arith.index_cast %add3A_527 : i32 to index
          %swap3A_535 = arith.constant 0 : index
          %swap3A_536 = tpu.vector_load %arg19[%swap3A_534, %swap3A_535] {strides = array<i32>} : memref<64x128xf32, #tpu.memory_space<vmem>>, vector<16xf32>,
          tpu.vector_store %arg19[%swap3A_534, %swap3A_535], %mul3A_533 {strides = array<i32>} : memref<64x128xf32, #tpu.memory_space<vmem>>, vector<16xf32>,
          %get3A_537 = arith.index_cast %add3A_527 : i32 to index
          %get3A_538 = arith.constant 16 : index
          %get3A_539 = tpu.vector_load %arg19[%get3A_537, %get3A_538] {strides = array<i32>} : memref<64x128xf32, #tpu.memory_space<vmem>>, vector<16xf32>,
          %mul3A_540 = arith.mulf %get3A_539, %gather3A_529 : vector<16xf32>
          %swap3A_541 = arith.index_cast %add3A_527 : i32 to index
          %swap3A_542 = arith.constant 16 : index
          %swap3A_543 = tpu.vector_load %arg19[%swap3A_541, %swap3A_542] {strides = array<i32>} : memref<64x128xf32, #tpu.memory_space<vmem>>, vector<16xf32>,
          tpu.vector_store %arg19[%swap3A_541, %swap3A_542], %mul3A_540 {strides = array<i32>} : memref<64x128xf32, #tpu.memory_space<vmem>>, vector<16xf32>,
          %get3A_544 = arith.index_cast %add3A_527 : i32 to index
          %get3A_545 = arith.constant 32 : index
          %get3A_546 = tpu.vector_load %arg19[%get3A_544, %get3A_545] {strides = array<i32>} : memref<64x128xf32, #tpu.memory_space<vmem>>, vector<16xf32>,
          %mul3A_547 = arith.mulf %get3A_546, %gather3A_529 : vector<16xf32>
          %swap3A_548 = arith.index_cast %add3A_527 : i32 to index
          %swap3A_549 = arith.constant 32 : index
          %swap3A_550 = tpu.vector_load %arg19[%swap3A_548, %swap3A_549] {strides = array<i32>} : memref<64x128xf32, #tpu.memory_space<vmem>>, vector<16xf32>,
          tpu.vector_store %arg19[%swap3A_548, %swap3A_549], %mul3A_547 {strides = array<i32>} : memref<64x128xf32, #tpu.memory_space<vmem>>, vector<16xf32>,
          %get3A_551 = arith.index_cast %add3A_527 : i32 to index
          %get3A_552 = arith.constant 48 : index
          %get3A_553 = tpu.vector_load %arg19[%get3A_551, %get3A_552] {strides = array<i32>} : memref<64x128xf32, #tpu.memory_space<vmem>>, vector<16xf32>,
          %mul3A_554 = arith.mulf %get3A_553, %gather3A_529 : vector<16xf32>
          %swap3A_555 = arith.index_cast %add3A_527 : i32 to index
          %swap3A_556 = arith.constant 48 : index
          %swap3A_557 = tpu.vector_load %arg19[%swap3A_555, %swap3A_556] {strides = array<i32>} : memref<64x128xf32, #tpu.memory_space<vmem>>, vector<16xf32>,
          tpu.vector_store %arg19[%swap3A_555, %swap3A_556], %mul3A_554 {strides = array<i32>} : memref<64x128xf32, #tpu.memory_space<vmem>>, vector<16xf32>,
          %get3A_558 = arith.index_cast %add3A_527 : i32 to index
          %get3A_559 = arith.constant 64 : index
          %get3A_560 = tpu.vector_load %arg19[%get3A_558, %get3A_559] {strides = array<i32>} : memref<64x128xf32, #tpu.memory_space<vmem>>, vector<16xf32>,
          %mul3A_561 = arith.mulf %get3A_560, %gather3A_529 : vector<16xf32>
          %swap3A_562 = arith.index_cast %add3A_527 : i32 to index
          %swap3A_563 = arith.constant 64 : index
          %swap3A_564 = tpu.vector_load %arg19[%swap3A_562, %swap3A_563] {strides = array<i32>} : memref<64x128xf32, #tpu.memory_space<vmem>>, vector<16xf32>,
          tpu.vector_store %arg19[%swap3A_562, %swap3A_563], %mul3A_561 {strides = array<i32>} : memref<64x128xf32, #tpu.memory_space<vmem>>, vector<16xf32>,
          %get3A_565 = arith.index_cast %add3A_527 : i32 to index
          %get3A_566 = arith.constant 80 : index
          %get3A_567 = tpu.vector_load %arg19[%get3A_565, %get3A_566] {strides = array<i32>} : memref<64x128xf32, #tpu.memory_space<vmem>>, vector<16xf32>,
          %mul3A_568 = arith.mulf %get3A_567, %gather3A_529 : vector<16xf32>
          %swap3A_569 = arith.index_cast %add3A_527 : i32 to index
          %swap3A_570 = arith.constant 80 : index
          %swap3A_571 = tpu.vector_load %arg19[%swap3A_569, %swap3A_570] {strides = array<i32>} : memref<64x128xf32, #tpu.memory_space<vmem>>, vector<16xf32>,
          tpu.vector_store %arg19[%swap3A_569, %swap3A_570], %mul3A_568 {strides = array<i32>} : memref<64x128xf32, #tpu.memory_space<vmem>>, vector<16xf32>,
          %get3A_572 = arith.index_cast %add3A_527 : i32 to index
          %get3A_573 = arith.constant 96 : index
          %get3A_574 = tpu.vector_load %arg19[%get3A_572, %get3A_573] {strides = array<i32>} : memref<64x128xf32, #tpu.memory_space<vmem>>, vector<16xf32>,
          %mul3A_575 = arith.mulf %get3A_574, %gather3A_529 : vector<16xf32>
          %swap3A_576 = arith.index_cast %add3A_527 : i32 to index
          %swap3A_577 = arith.constant 96 : index
          %swap3A_578 = tpu.vector_load %arg19[%swap3A_576, %swap3A_577] {strides = array<i32>} : memref<64x128xf32, #tpu.memory_space<vmem>>, vector<16xf32>,
          tpu.vector_store %arg19[%swap3A_576, %swap3A_577], %mul3A_575 {strides = array<i32>} : memref<64x128xf32, #tpu.memory_space<vmem>>, vector<16xf32>,
          %get3A_579 = arith.index_cast %add3A_527 : i32 to index
          %get3A_580 = arith.constant 112 : index
          %get3A_581 = tpu.vector_load %arg19[%get3A_579, %get3A_580] {strides = array<i32>} : memref<64x128xf32, #tpu.memory_space<vmem>>, vector<16xf32>,
          %mul3A_582 = arith.mulf %get3A_581, %gather3A_529 : vector<16xf32>
          %swap3A_583 = arith.index_cast %add3A_527 : i32 to index
          %swap3A_584 = arith.constant 112 : index
          %swap3A_585 = tpu.vector_load %arg19[%swap3A_583, %swap3A_584] {strides = array<i32>} : memref<64x128xf32, #tpu.memory_space<vmem>>, vector<16xf32>,
          tpu.vector_store %arg19[%swap3A_583, %swap3A_584], %mul3A_582 {strides = array<i32>} : memref<64x128xf32, #tpu.memory_space<vmem>>, vector<16xf32>,
          %scan3A_586 = arith.constant 4 : i32
          %scan3A_587 = arith.addi %scan3A_331, %scan3A_586 : i32
          %mul3A_588 = arith.constant 1 : i32
          %mul3A_589 = arith.muli %scan3A_587, %mul3A_588 : i32
          %add3A_590 = arith.constant 0 : i32
          %add3A_591 = arith.addi %add3A_590, %mul3A_589 : i32
          %broadcast_in_dim3A_592 = vector.broadcast %add3A_591 : i32 to vector<16xi32>
          %gather3A_593 = tpu.vector_load_idx %arg18[%broadcast_in_dim3A_592] : memref<64xf32, #tpu.memory_space<vmem>>[vector<16xi32>], vector<16xf32>,
          %get3A_594 = arith.index_cast %add3A_591 : i32 to index
          %get3A_595 = arith.constant 0 : index
          %get3A_596 = tpu.vector_load %arg19[%get3A_594, %get3A_595] {strides = array<i32>} : memref<64x128xf32, #tpu.memory_space<vmem>>, vector<16xf32>,
          %mul3A_597 = arith.mulf %get3A_596, %gather3A_593 : vector<16xf32>
          %swap3A_598 = arith.index_cast %add3A_591 : i32 to index
          %swap3A_599 = arith.constant 0 : index
          %swap3A_600 = tpu.vector_load %arg19[%swap3A_598, %swap3A_599] {strides = array<i32>} : memref<64x128xf32, #tpu.memory_space<vmem>>, vector<16xf32>,
          tpu.vector_store %arg19[%swap3A_598, %swap3A_599], %mul3A_597 {strides = array<i32>} : memref<64x128xf32, #tpu.memory_space<vmem>>, vector<16xf32>,
          %get3A_601 = arith.index_cast %add3A_591 : i32 to index
          %get3A_602 = arith.constant 16 : index
          %get3A_603 = tpu.vector_load %arg19[%get3A_601, %get3A_602] {strides = array<i32>} : memref<64x128xf32, #tpu.memory_space<vmem>>, vector<16xf32>,
          %mul3A_604 = arith.mulf %get3A_603, %gather3A_593 : vector<16xf32>
          %swap3A_605 = arith.index_cast %add3A_591 : i32 to index
          %swap3A_606 = arith.constant 16 : index
          %swap3A_607 = tpu.vector_load %arg19[%swap3A_605, %swap3A_606] {strides = array<i32>} : memref<64x128xf32, #tpu.memory_space<vmem>>, vector<16xf32>,
          tpu.vector_store %arg19[%swap3A_605, %swap3A_606], %mul3A_604 {strides = array<i32>} : memref<64x128xf32, #tpu.memory_space<vmem>>, vector<16xf32>,
          %get3A_608 = arith.index_cast %add3A_591 : i32 to index
          %get3A_609 = arith.constant 32 : index
          %get3A_610 = tpu.vector_load %arg19[%get3A_608, %get3A_609] {strides = array<i32>} : memref<64x128xf32, #tpu.memory_space<vmem>>, vector<16xf32>,
          %mul3A_611 = arith.mulf %get3A_610, %gather3A_593 : vector<16xf32>
          %swap3A_612 = arith.index_cast %add3A_591 : i32 to index
          %swap3A_613 = arith.constant 32 : index
          %swap3A_614 = tpu.vector_load %arg19[%swap3A_612, %swap3A_613] {strides = array<i32>} : memref<64x128xf32, #tpu.memory_space<vmem>>, vector<16xf32>,
          tpu.vector_store %arg19[%swap3A_612, %swap3A_613], %mul3A_611 {strides = array<i32>} : memref<64x128xf32, #tpu.memory_space<vmem>>, vector<16xf32>,
          %get3A_615 = arith.index_cast %add3A_591 : i32 to index
          %get3A_616 = arith.constant 48 : index
          %get3A_617 = tpu.vector_load %arg19[%get3A_615, %get3A_616] {strides = array<i32>} : memref<64x128xf32, #tpu.memory_space<vmem>>, vector<16xf32>,
          %mul3A_618 = arith.mulf %get3A_617, %gather3A_593 : vector<16xf32>
          %swap3A_619 = arith.index_cast %add3A_591 : i32 to index
          %swap3A_620 = arith.constant 48 : index
          %swap3A_621 = tpu.vector_load %arg19[%swap3A_619, %swap3A_620] {strides = array<i32>} : memref<64x128xf32, #tpu.memory_space<vmem>>, vector<16xf32>,
          tpu.vector_store %arg19[%swap3A_619, %swap3A_620], %mul3A_618 {strides = array<i32>} : memref<64x128xf32, #tpu.memory_space<vmem>>, vector<16xf32>,
          %get3A_622 = arith.index_cast %add3A_591 : i32 to index
          %get3A_623 = arith.constant 64 : index
          %get3A_624 = tpu.vector_load %arg19[%get3A_622, %get3A_623] {strides = array<i32>} : memref<64x128xf32, #tpu.memory_space<vmem>>, vector<16xf32>,
          %mul3A_625 = arith.mulf %get3A_624, %gather3A_593 : vector<16xf32>
          %swap3A_626 = arith.index_cast %add3A_591 : i32 to index
          %swap3A_627 = arith.constant 64 : index
          %swap3A_628 = tpu.vector_load %arg19[%swap3A_626, %swap3A_627] {strides = array<i32>} : memref<64x128xf32, #tpu.memory_space<vmem>>, vector<16xf32>,
          tpu.vector_store %arg19[%swap3A_626, %swap3A_627], %mul3A_625 {strides = array<i32>} : memref<64x128xf32, #tpu.memory_space<vmem>>, vector<16xf32>,
          %get3A_629 = arith.index_cast %add3A_591 : i32 to index
          %get3A_630 = arith.constant 80 : index
          %get3A_631 = tpu.vector_load %arg19[%get3A_629, %get3A_630] {strides = array<i32>} : memref<64x128xf32, #tpu.memory_space<vmem>>, vector<16xf32>,
          %mul3A_632 = arith.mulf %get3A_631, %gather3A_593 : vector<16xf32>
          %swap3A_633 = arith.index_cast %add3A_591 : i32 to index
          %swap3A_634 = arith.constant 80 : index
          %swap3A_635 = tpu.vector_load %arg19[%swap3A_633, %swap3A_634] {strides = array<i32>} : memref<64x128xf32, #tpu.memory_space<vmem>>, vector<16xf32>,
          tpu.vector_store %arg19[%swap3A_633, %swap3A_634], %mul3A_632 {strides = array<i32>} : memref<64x128xf32, #tpu.memory_space<vmem>>, vector<16xf32>,
          %get3A_636 = arith.index_cast %add3A_591 : i32 to index
          %get3A_637 = arith.constant 96 : index
          %get3A_638 = tpu.vector_load %arg19[%get3A_636, %get3A_637] {strides = array<i32>} : memref<64x128xf32, #tpu.memory_space<vmem>>, vector<16xf32>,
          %mul3A_639 = arith.mulf %get3A_638, %gather3A_593 : vector<16xf32>
          %swap3A_640 = arith.index_cast %add3A_591 : i32 to index
          %swap3A_641 = arith.constant 96 : index
          %swap3A_642 = tpu.vector_load %arg19[%swap3A_640, %swap3A_641] {strides = array<i32>} : memref<64x128xf32, #tpu.memory_space<vmem>>, vector<16xf32>,
          tpu.vector_store %arg19[%swap3A_640, %swap3A_641], %mul3A_639 {strides = array<i32>} : memref<64x128xf32, #tpu.memory_space<vmem>>, vector<16xf32>,
          %get3A_643 = arith.index_cast %add3A_591 : i32 to index
          %get3A_644 = arith.constant 112 : index
          %get3A_645 = tpu.vector_load %arg19[%get3A_643, %get3A_644] {strides = array<i32>} : memref<64x128xf32, #tpu.memory_space<vmem>>, vector<16xf32>,
          %mul3A_646 = arith.mulf %get3A_645, %gather3A_593 : vector<16xf32>
          %swap3A_647 = arith.index_cast %add3A_591 : i32 to index
          %swap3A_648 = arith.constant 112 : index
          %swap3A_649 = tpu.vector_load %arg19[%swap3A_647, %swap3A_648] {strides = array<i32>} : memref<64x128xf32, #tpu.memory_space<vmem>>, vector<16xf32>,
          tpu.vector_store %arg19[%swap3A_647, %swap3A_648], %mul3A_646 {strides = array<i32>} : memref<64x128xf32, #tpu.memory_space<vmem>>, vector<16xf32>,
          %scan3A_650 = arith.constant 5 : i32
          %scan3A_651 = arith.addi %scan3A_331, %scan3A_650 : i32
          %mul3A_652 = arith.constant 1 : i32
          %mul3A_653 = arith.muli %scan3A_651, %mul3A_652 : i32
          %add3A_654 = arith.constant 0 : i32
          %add3A_655 = arith.addi %add3A_654, %mul3A_653 : i32
          %broadcast_in_dim3A_656 = vector.broadcast %add3A_655 : i32 to vector<16xi32>
          %gather3A_657 = tpu.vector_load_idx %arg18[%broadcast_in_dim3A_656] : memref<64xf32, #tpu.memory_space<vmem>>[vector<16xi32>], vector<16xf32>,
          %get3A_658 = arith.index_cast %add3A_655 : i32 to index
          %get3A_659 = arith.constant 0 : index
          %get3A_660 = tpu.vector_load %arg19[%get3A_658, %get3A_659] {strides = array<i32>} : memref<64x128xf32, #tpu.memory_space<vmem>>, vector<16xf32>,
          %mul3A_661 = arith.mulf %get3A_660, %gather3A_657 : vector<16xf32>
          %swap3A_662 = arith.index_cast %add3A_655 : i32 to index
          %swap3A_663 = arith.constant 0 : index
          %swap3A_664 = tpu.vector_load %arg19[%swap3A_662, %swap3A_663] {strides = array<i32>} : memref<64x128xf32, #tpu.memory_space<vmem>>, vector<16xf32>,
          tpu.vector_store %arg19[%swap3A_662, %swap3A_663], %mul3A_661 {strides = array<i32>} : memref<64x128xf32, #tpu.memory_space<vmem>>, vector<16xf32>,
          %get3A_665 = arith.index_cast %add3A_655 : i32 to index
          %get3A_666 = arith.constant 16 : index
          %get3A_667 = tpu.vector_load %arg19[%get3A_665, %get3A_666] {strides = array<i32>} : memref<64x128xf32, #tpu.memory_space<vmem>>, vector<16xf32>,
          %mul3A_668 = arith.mulf %get3A_667, %gather3A_657 : vector<16xf32>
          %swap3A_669 = arith.index_cast %add3A_655 : i32 to index
          %swap3A_670 = arith.constant 16 : index
          %swap3A_671 = tpu.vector_load %arg19[%swap3A_669, %swap3A_670] {strides = array<i32>} : memref<64x128xf32, #tpu.memory_space<vmem>>, vector<16xf32>,
          tpu.vector_store %arg19[%swap3A_669, %swap3A_670], %mul3A_668 {strides = array<i32>} : memref<64x128xf32, #tpu.memory_space<vmem>>, vector<16xf32>,
          %get3A_672 = arith.index_cast %add3A_655 : i32 to index
          %get3A_673 = arith.constant 32 : index
          %get3A_674 = tpu.vector_load %arg19[%get3A_672, %get3A_673] {strides = array<i32>} : memref<64x128xf32, #tpu.memory_space<vmem>>, vector<16xf32>,
          %mul3A_675 = arith.mulf %get3A_674, %gather3A_657 : vector<16xf32>
          %swap3A_676 = arith.index_cast %add3A_655 : i32 to index
          %swap3A_677 = arith.constant 32 : index
          %swap3A_678 = tpu.vector_load %arg19[%swap3A_676, %swap3A_677] {strides = array<i32>} : memref<64x128xf32, #tpu.memory_space<vmem>>, vector<16xf32>,
          tpu.vector_store %arg19[%swap3A_676, %swap3A_677], %mul3A_675 {strides = array<i32>} : memref<64x128xf32, #tpu.memory_space<vmem>>, vector<16xf32>,
          %get3A_679 = arith.index_cast %add3A_655 : i32 to index
          %get3A_680 = arith.constant 48 : index
          %get3A_681 = tpu.vector_load %arg19[%get3A_679, %get3A_680] {strides = array<i32>} : memref<64x128xf32, #tpu.memory_space<vmem>>, vector<16xf32>,
          %mul3A_682 = arith.mulf %get3A_681, %gather3A_657 : vector<16xf32>
          %swap3A_683 = arith.index_cast %add3A_655 : i32 to index
          %swap3A_684 = arith.constant 48 : index
          %swap3A_685 = tpu.vector_load %arg19[%swap3A_683, %swap3A_684] {strides = array<i32>} : memref<64x128xf32, #tpu.memory_space<vmem>>, vector<16xf32>,
          tpu.vector_store %arg19[%swap3A_683, %swap3A_684], %mul3A_682 {strides = array<i32>} : memref<64x128xf32, #tpu.memory_space<vmem>>, vector<16xf32>,
          %get3A_686 = arith.index_cast %add3A_655 : i32 to index
          %get3A_687 = arith.constant 64 : index
          %get3A_688 = tpu.vector_load %arg19[%get3A_686, %get3A_687] {strides = array<i32>} : memref<64x128xf32, #tpu.memory_space<vmem>>, vector<16xf32>,
          %mul3A_689 = arith.mulf %get3A_688, %gather3A_657 : vector<16xf32>
          %swap3A_690 = arith.index_cast %add3A_655 : i32 to index
          %swap3A_691 = arith.constant 64 : index
          %swap3A_692 = tpu.vector_load %arg19[%swap3A_690, %swap3A_691] {strides = array<i32>} : memref<64x128xf32, #tpu.memory_space<vmem>>, vector<16xf32>,
          tpu.vector_store %arg19[%swap3A_690, %swap3A_691], %mul3A_689 {strides = array<i32>} : memref<64x128xf32, #tpu.memory_space<vmem>>, vector<16xf32>,
          %get3A_693 = arith.index_cast %add3A_655 : i32 to index
          %get3A_694 = arith.constant 80 : index
          %get3A_695 = tpu.vector_load %arg19[%get3A_693, %get3A_694] {strides = array<i32>} : memref<64x128xf32, #tpu.memory_space<vmem>>, vector<16xf32>,
          %mul3A_696 = arith.mulf %get3A_695, %gather3A_657 : vector<16xf32>
          %swap3A_697 = arith.index_cast %add3A_655 : i32 to index
          %swap3A_698 = arith.constant 80 : index
          %swap3A_699 = tpu.vector_load %arg19[%swap3A_697, %swap3A_698] {strides = array<i32>} : memref<64x128xf32, #tpu.memory_space<vmem>>, vector<16xf32>,
          tpu.vector_store %arg19[%swap3A_697, %swap3A_698], %mul3A_696 {strides = array<i32>} : memref<64x128xf32, #tpu.memory_space<vmem>>, vector<16xf32>,
          %get3A_700 = arith.index_cast %add3A_655 : i32 to index
          %get3A_701 = arith.constant 96 : index
          %get3A_702 = tpu.vector_load %arg19[%get3A_700, %get3A_701] {strides = array<i32>} : memref<64x128xf32, #tpu.memory_space<vmem>>, vector<16xf32>,
          %mul3A_703 = arith.mulf %get3A_702, %gather3A_657 : vector<16xf32>
          %swap3A_704 = arith.index_cast %add3A_655 : i32 to index
          %swap3A_705 = arith.constant 96 : index
          %swap3A_706 = tpu.vector_load %arg19[%swap3A_704, %swap3A_705] {strides = array<i32>} : memref<64x128xf32, #tpu.memory_space<vmem>>, vector<16xf32>,
          tpu.vector_store %arg19[%swap3A_704, %swap3A_705], %mul3A_703 {strides = array<i32>} : memref<64x128xf32, #tpu.memory_space<vmem>>, vector<16xf32>,
          %get3A_707 = arith.index_cast %add3A_655 : i32 to index
          %get3A_708 = arith.constant 112 : index
          %get3A_709 = tpu.vector_load %arg19[%get3A_707, %get3A_708] {strides = array<i32>} : memref<64x128xf32, #tpu.memory_space<vmem>>, vector<16xf32>,
          %mul3A_710 = arith.mulf %get3A_709, %gather3A_657 : vector<16xf32>
          %swap3A_711 = arith.index_cast %add3A_655 : i32 to index
          %swap3A_712 = arith.constant 112 : index
          %swap3A_713 = tpu.vector_load %arg19[%swap3A_711, %swap3A_712] {strides = array<i32>} : memref<64x128xf32, #tpu.memory_space<vmem>>, vector<16xf32>,
          tpu.vector_store %arg19[%swap3A_711, %swap3A_712], %mul3A_710 {strides = array<i32>} : memref<64x128xf32, #tpu.memory_space<vmem>>, vector<16xf32>,
          %scan3A_714 = arith.constant 6 : i32
          %scan3A_715 = arith.addi %scan3A_331, %scan3A_714 : i32
          %mul3A_716 = arith.constant 1 : i32
          %mul3A_717 = arith.muli %scan3A_715, %mul3A_716 : i32
          %add3A_718 = arith.constant 0 : i32
          %add3A_719 = arith.addi %add3A_718, %mul3A_717 : i32
          %broadcast_in_dim3A_720 = vector.broadcast %add3A_719 : i32 to vector<16xi32>
          %gather3A_721 = tpu.vector_load_idx %arg18[%broadcast_in_dim3A_720] : memref<64xf32, #tpu.memory_space<vmem>>[vector<16xi32>], vector<16xf32>,
          %get3A_722 = arith.index_cast %add3A_719 : i32 to index
          %get3A_723 = arith.constant 0 : index
          %get3A_724 = tpu.vector_load %arg19[%get3A_722, %get3A_723] {strides = array<i32>} : memref<64x128xf32, #tpu.memory_space<vmem>>, vector<16xf32>,
          %mul3A_725 = arith.mulf %get3A_724, %gather3A_721 : vector<16xf32>
          %swap3A_726 = arith.index_cast %add3A_719 : i32 to index
          %swap3A_727 = arith.constant 0 : index
          %swap3A_728 = tpu.vector_load %arg19[%swap3A_726, %swap3A_727] {strides = array<i32>} : memref<64x128xf32, #tpu.memory_space<vmem>>, vector<16xf32>,
          tpu.vector_store %arg19[%swap3A_726, %swap3A_727], %mul3A_725 {strides = array<i32>} : memref<64x128xf32, #tpu.memory_space<vmem>>, vector<16xf32>,
          %get3A_729 = arith.index_cast %add3A_719 : i32 to index
          %get3A_730 = arith.constant 16 : index
          %get3A_731 = tpu.vector_load %arg19[%get3A_729, %get3A_730] {strides = array<i32>} : memref<64x128xf32, #tpu.memory_space<vmem>>, vector<16xf32>,
          %mul3A_732 = arith.mulf %get3A_731, %gather3A_721 : vector<16xf32>
          %swap3A_733 = arith.index_cast %add3A_719 : i32 to index
          %swap3A_734 = arith.constant 16 : index
          %swap3A_735 = tpu.vector_load %arg19[%swap3A_733, %swap3A_734] {strides = array<i32>} : memref<64x128xf32, #tpu.memory_space<vmem>>, vector<16xf32>,
          tpu.vector_store %arg19[%swap3A_733, %swap3A_734], %mul3A_732 {strides = array<i32>} : memref<64x128xf32, #tpu.memory_space<vmem>>, vector<16xf32>,
          %get3A_736 = arith.index_cast %add3A_719 : i32 to index
          %get3A_737 = arith.constant 32 : index
          %get3A_738 = tpu.vector_load %arg19[%get3A_736, %get3A_737] {strides = array<i32>} : memref<64x128xf32, #tpu.memory_space<vmem>>, vector<16xf32>,
          %mul3A_739 = arith.mulf %get3A_738, %gather3A_721 : vector<16xf32>
          %swap3A_740 = arith.index_cast %add3A_719 : i32 to index
          %swap3A_741 = arith.constant 32 : index
          %swap3A_742 = tpu.vector_load %arg19[%swap3A_740, %swap3A_741] {strides = array<i32>} : memref<64x128xf32, #tpu.memory_space<vmem>>, vector<16xf32>,
          tpu.vector_store %arg19[%swap3A_740, %swap3A_741], %mul3A_739 {strides = array<i32>} : memref<64x128xf32, #tpu.memory_space<vmem>>, vector<16xf32>,
          %get3A_743 = arith.index_cast %add3A_719 : i32 to index
          %get3A_744 = arith.constant 48 : index
          %get3A_745 = tpu.vector_load %arg19[%get3A_743, %get3A_744] {strides = array<i32>} : memref<64x128xf32, #tpu.memory_space<vmem>>, vector<16xf32>,
          %mul3A_746 = arith.mulf %get3A_745, %gather3A_721 : vector<16xf32>
          %swap3A_747 = arith.index_cast %add3A_719 : i32 to index
          %swap3A_748 = arith.constant 48 : index
          %swap3A_749 = tpu.vector_load %arg19[%swap3A_747, %swap3A_748] {strides = array<i32>} : memref<64x128xf32, #tpu.memory_space<vmem>>, vector<16xf32>,
          tpu.vector_store %arg19[%swap3A_747, %swap3A_748], %mul3A_746 {strides = array<i32>} : memref<64x128xf32, #tpu.memory_space<vmem>>, vector<16xf32>,
          %get3A_750 = arith.index_cast %add3A_719 : i32 to index
          %get3A_751 = arith.constant 64 : index
          %get3A_752 = tpu.vector_load %arg19[%get3A_750, %get3A_751] {strides = array<i32>} : memref<64x128xf32, #tpu.memory_space<vmem>>, vector<16xf32>,
          %mul3A_753 = arith.mulf %get3A_752, %gather3A_721 : vector<16xf32>
          %swap3A_754 = arith.index_cast %add3A_719 : i32 to index
          %swap3A_755 = arith.constant 64 : index
          %swap3A_756 = tpu.vector_load %arg19[%swap3A_754, %swap3A_755] {strides = array<i32>} : memref<64x128xf32, #tpu.memory_space<vmem>>, vector<16xf32>,
          tpu.vector_store %arg19[%swap3A_754, %swap3A_755], %mul3A_753 {strides = array<i32>} : memref<64x128xf32, #tpu.memory_space<vmem>>, vector<16xf32>,
          %get3A_757 = arith.index_cast %add3A_719 : i32 to index
          %get3A_758 = arith.constant 80 : index
          %get3A_759 = tpu.vector_load %arg19[%get3A_757, %get3A_758] {strides = array<i32>} : memref<64x128xf32, #tpu.memory_space<vmem>>, vector<16xf32>,
          %mul3A_760 = arith.mulf %get3A_759, %gather3A_721 : vector<16xf32>
          %swap3A_761 = arith.index_cast %add3A_719 : i32 to index
          %swap3A_762 = arith.constant 80 : index
          %swap3A_763 = tpu.vector_load %arg19[%swap3A_761, %swap3A_762] {strides = array<i32>} : memref<64x128xf32, #tpu.memory_space<vmem>>, vector<16xf32>,
          tpu.vector_store %arg19[%swap3A_761, %swap3A_762], %mul3A_760 {strides = array<i32>} : memref<64x128xf32, #tpu.memory_space<vmem>>, vector<16xf32>,
          %get3A_764 = arith.index_cast %add3A_719 : i32 to index
          %get3A_765 = arith.constant 96 : index
          %get3A_766 = tpu.vector_load %arg19[%get3A_764, %get3A_765] {strides = array<i32>} : memref<64x128xf32, #tpu.memory_space<vmem>>, vector<16xf32>,
          %mul3A_767 = arith.mulf %get3A_766, %gather3A_721 : vector<16xf32>
          %swap3A_768 = arith.index_cast %add3A_719 : i32 to index
          %swap3A_769 = arith.constant 96 : index
          %swap3A_770 = tpu.vector_load %arg19[%swap3A_768, %swap3A_769] {strides = array<i32>} : memref<64x128xf32, #tpu.memory_space<vmem>>, vector<16xf32>,
          tpu.vector_store %arg19[%swap3A_768, %swap3A_769], %mul3A_767 {strides = array<i32>} : memref<64x128xf32, #tpu.memory_space<vmem>>, vector<16xf32>,
          %get3A_771 = arith.index_cast %add3A_719 : i32 to index
          %get3A_772 = arith.constant 112 : index
          %get3A_773 = tpu.vector_load %arg19[%get3A_771, %get3A_772] {strides = array<i32>} : memref<64x128xf32, #tpu.memory_space<vmem>>, vector<16xf32>,
          %mul3A_774 = arith.mulf %get3A_773, %gather3A_721 : vector<16xf32>
          %swap3A_775 = arith.index_cast %add3A_719 : i32 to index
          %swap3A_776 = arith.constant 112 : index
          %swap3A_777 = tpu.vector_load %arg19[%swap3A_775, %swap3A_776] {strides = array<i32>} : memref<64x128xf32, #tpu.memory_space<vmem>>, vector<16xf32>,
          tpu.vector_store %arg19[%swap3A_775, %swap3A_776], %mul3A_774 {strides = array<i32>} : memref<64x128xf32, #tpu.memory_space<vmem>>, vector<16xf32>,
          %scan3A_778 = arith.constant 7 : i32
          %scan3A_779 = arith.addi %scan3A_331, %scan3A_778 : i32
          %mul3A_780 = arith.constant 1 : i32
          %mul3A_781 = arith.muli %scan3A_779, %mul3A_780 : i32
          %add3A_782 = arith.constant 0 : i32
          %add3A_783 = arith.addi %add3A_782, %mul3A_781 : i32
          %broadcast_in_dim3A_784 = vector.broadcast %add3A_783 : i32 to vector<16xi32>
          %gather3A_785 = tpu.vector_load_idx %arg18[%broadcast_in_dim3A_784] : memref<64xf32, #tpu.memory_space<vmem>>[vector<16xi32>], vector<16xf32>,
          %get3A_786 = arith.index_cast %add3A_783 : i32 to index
          %get3A_787 = arith.constant 0 : index
          %get3A_788 = tpu.vector_load %arg19[%get3A_786, %get3A_787] {strides = array<i32>} : memref<64x128xf32, #tpu.memory_space<vmem>>, vector<16xf32>,
          %mul3A_789 = arith.mulf %get3A_788, %gather3A_785 : vector<16xf32>
          %swap3A_790 = arith.index_cast %add3A_783 : i32 to index
          %swap3A_791 = arith.constant 0 : index
          %swap3A_792 = tpu.vector_load %arg19[%swap3A_790, %swap3A_791] {strides = array<i32>} : memref<64x128xf32, #tpu.memory_space<vmem>>, vector<16xf32>,
          tpu.vector_store %arg19[%swap3A_790, %swap3A_791], %mul3A_789 {strides = array<i32>} : memref<64x128xf32, #tpu.memory_space<vmem>>, vector<16xf32>,
          %get3A_793 = arith.index_cast %add3A_783 : i32 to index
          %get3A_794 = arith.constant 16 : index
          %get3A_795 = tpu.vector_load %arg19[%get3A_793, %get3A_794] {strides = array<i32>} : memref<64x128xf32, #tpu.memory_space<vmem>>, vector<16xf32>,
          %mul3A_796 = arith.mulf %get3A_795, %gather3A_785 : vector<16xf32>
          %swap3A_797 = arith.index_cast %add3A_783 : i32 to index
          %swap3A_798 = arith.constant 16 : index
          %swap3A_799 = tpu.vector_load %arg19[%swap3A_797, %swap3A_798] {strides = array<i32>} : memref<64x128xf32, #tpu.memory_space<vmem>>, vector<16xf32>,
          tpu.vector_store %arg19[%swap3A_797, %swap3A_798], %mul3A_796 {strides = array<i32>} : memref<64x128xf32, #tpu.memory_space<vmem>>, vector<16xf32>,
          %get3A_800 = arith.index_cast %add3A_783 : i32 to index
          %get3A_801 = arith.constant 32 : index
          %get3A_802 = tpu.vector_load %arg19[%get3A_800, %get3A_801] {strides = array<i32>} : memref<64x128xf32, #tpu.memory_space<vmem>>, vector<16xf32>,
          %mul3A_803 = arith.mulf %get3A_802, %gather3A_785 : vector<16xf32>
          %swap3A_804 = arith.index_cast %add3A_783 : i32 to index
          %swap3A_805 = arith.constant 32 : index
          %swap3A_806 = tpu.vector_load %arg19[%swap3A_804, %swap3A_805] {strides = array<i32>} : memref<64x128xf32, #tpu.memory_space<vmem>>, vector<16xf32>,
          tpu.vector_store %arg19[%swap3A_804, %swap3A_805], %mul3A_803 {strides = array<i32>} : memref<64x128xf32, #tpu.memory_space<vmem>>, vector<16xf32>,
          %get3A_807 = arith.index_cast %add3A_783 : i32 to index
          %get3A_808 = arith.constant 48 : index
          %get3A_809 = tpu.vector_load %arg19[%get3A_807, %get3A_808] {strides = array<i32>} : memref<64x128xf32, #tpu.memory_space<vmem>>, vector<16xf32>,
          %mul3A_810 = arith.mulf %get3A_809, %gather3A_785 : vector<16xf32>
          %swap3A_811 = arith.index_cast %add3A_783 : i32 to index
          %swap3A_812 = arith.constant 48 : index
          %swap3A_813 = tpu.vector_load %arg19[%swap3A_811, %swap3A_812] {strides = array<i32>} : memref<64x128xf32, #tpu.memory_space<vmem>>, vector<16xf32>,
          tpu.vector_store %arg19[%swap3A_811, %swap3A_812], %mul3A_810 {strides = array<i32>} : memref<64x128xf32, #tpu.memory_space<vmem>>, vector<16xf32>,
          %get3A_814 = arith.index_cast %add3A_783 : i32 to index
          %get3A_815 = arith.constant 64 : index
          %get3A_816 = tpu.vector_load %arg19[%get3A_814, %get3A_815] {strides = array<i32>} : memref<64x128xf32, #tpu.memory_space<vmem>>, vector<16xf32>,
          %mul3A_817 = arith.mulf %get3A_816, %gather3A_785 : vector<16xf32>
          %swap3A_818 = arith.index_cast %add3A_783 : i32 to index
          %swap3A_819 = arith.constant 64 : index
          %swap3A_820 = tpu.vector_load %arg19[%swap3A_818, %swap3A_819] {strides = array<i32>} : memref<64x128xf32, #tpu.memory_space<vmem>>, vector<16xf32>,
          tpu.vector_store %arg19[%swap3A_818, %swap3A_819], %mul3A_817 {strides = array<i32>} : memref<64x128xf32, #tpu.memory_space<vmem>>, vector<16xf32>,
          %get3A_821 = arith.index_cast %add3A_783 : i32 to index
          %get3A_822 = arith.constant 80 : index
          %get3A_823 = tpu.vector_load %arg19[%get3A_821, %get3A_822] {strides = array<i32>} : memref<64x128xf32, #tpu.memory_space<vmem>>, vector<16xf32>,
          %mul3A_824 = arith.mulf %get3A_823, %gather3A_785 : vector<16xf32>
          %swap3A_825 = arith.index_cast %add3A_783 : i32 to index
          %swap3A_826 = arith.constant 80 : index
          %swap3A_827 = tpu.vector_load %arg19[%swap3A_825, %swap3A_826] {strides = array<i32>} : memref<64x128xf32, #tpu.memory_space<vmem>>, vector<16xf32>,
          tpu.vector_store %arg19[%swap3A_825, %swap3A_826], %mul3A_824 {strides = array<i32>} : memref<64x128xf32, #tpu.memory_space<vmem>>, vector<16xf32>,
          %get3A_828 = arith.index_cast %add3A_783 : i32 to index
          %get3A_829 = arith.constant 96 : index
          %get3A_830 = tpu.vector_load %arg19[%get3A_828, %get3A_829] {strides = array<i32>} : memref<64x128xf32, #tpu.memory_space<vmem>>, vector<16xf32>,
          %mul3A_831 = arith.mulf %get3A_830, %gather3A_785 : vector<16xf32>
          %swap3A_832 = arith.index_cast %add3A_783 : i32 to index
          %swap3A_833 = arith.constant 96 : index
          %swap3A_834 = tpu.vector_load %arg19[%swap3A_832, %swap3A_833] {strides = array<i32>} : memref<64x128xf32, #tpu.memory_space<vmem>>, vector<16xf32>,
          tpu.vector_store %arg19[%swap3A_832, %swap3A_833], %mul3A_831 {strides = array<i32>} : memref<64x128xf32, #tpu.memory_space<vmem>>, vector<16xf32>,
          %get3A_835 = arith.index_cast %add3A_783 : i32 to index
          %get3A_836 = arith.constant 112 : index
          %get3A_837 = tpu.vector_load %arg19[%get3A_835, %get3A_836] {strides = array<i32>} : memref<64x128xf32, #tpu.memory_space<vmem>>, vector<16xf32>,
          %mul3A_838 = arith.mulf %get3A_837, %gather3A_785 : vector<16xf32>
          %swap3A_839 = arith.index_cast %add3A_783 : i32 to index
          %swap3A_840 = arith.constant 112 : index
          %swap3A_841 = tpu.vector_load %arg19[%swap3A_839, %swap3A_840] {strides = array<i32>} : memref<64x128xf32, #tpu.memory_space<vmem>>, vector<16xf32>,
          tpu.vector_store %arg19[%swap3A_839, %swap3A_840], %mul3A_838 {strides = array<i32>} : memref<64x128xf32, #tpu.memory_space<vmem>>, vector<16xf32>,
        }
        %scan3A_183 = arith.constant 64 : i32
        %dma_start3A_184 = arith.constant 0 : i32
        %dma_start3A_185 = arith.constant 0 : i32
        %dma_start3A_186 = tpu.memref_slice %arg9[%dma_start3A_184, %dma_start3A_185] : memref<10240x128xf32, #tpu.memory_space<vmem_shared>> -> memref<10240x128xf32, #tpu.memory_space<vmem_shared>>
        tpu.enqueue_indirect_dma source(%arg19 : memref<64x128xf32, #tpu.memory_space<vmem>>) target(%dma_start3A_186 : memref<10240x128xf32, #tpu.memory_space<vmem_shared>>) offsets(%arg16 : memref<64xi32, #tpu.memory_space<vmem>>) semaphore(%arg22 : memref<!tpu.dma_semaphore, #tpu.memory_space<semaphore_mem>>) {add = true}
        %mul3A_187 = arith.constant 2 : i32
        %mul3A_188 = arith.muli %add3A_52, %mul3A_187 : i32
        %add3A_189 = arith.constant 1 : i32
        %add3A_190 = arith.addi %mul3A_188, %add3A_189 : i32
        %mul3A_191 = arith.constant 64 : i32
        %mul3A_192 = arith.muli %add3A_190, %mul3A_191 : i32
        %mul3A_193 = arith.constant 12 : i32
        %mul3A_194 = arith.muli %add3A_38, %mul3A_193 : i32
        %add3A_195 = arith.addi %mul3A_194, %add3A_190 : i32
        %add3A_196 = arith.constant 0 : i32
        %add3A_197 = arith.addi %mul3A_192, %add3A_196 : i32
        %get3A_198 = arith.index_cast %add3A_197 : i32 to index
        %get3A_199 = tpu.vector_load %arg13[%get3A_198] {strides = array<i32>} : memref<768xi32, #tpu.memory_space<vmem>>, vector<16xi32>,
        %add3A_200 = vector.broadcast %mul3A_2 : i32 to vector<16xi32>
        %add3A_201 = arith.addi %get3A_199, %add3A_200 : vector<16xi32>
        %swap3A_202 = arith.constant 0 : index
        %swap3A_203 = tpu.vector_load %arg15[%swap3A_202] {strides = array<i32>} : memref<64xi32, #tpu.memory_space<vmem>>, vector<16xi32>,
        tpu.vector_store %arg15[%swap3A_202], %add3A_201 {strides = array<i32>} : memref<64xi32, #tpu.memory_space<vmem>>, vector<16xi32>,
        %add3A_204 = arith.constant 16 : i32
        %add3A_205 = arith.addi %mul3A_192, %add3A_204 : i32
        %get3A_206 = arith.index_cast %add3A_205 : i32 to index
        %get3A_207 = tpu.vector_load %arg13[%get3A_206] {strides = array<i32>} : memref<768xi32, #tpu.memory_space<vmem>>, vector<16xi32>,
        %add3A_208 = vector.broadcast %mul3A_2 : i32 to vector<16xi32>
        %add3A_209 = arith.addi %get3A_207, %add3A_208 : vector<16xi32>
        %swap3A_210 = arith.constant 16 : index
        %swap3A_211 = tpu.vector_load %arg15[%swap3A_210] {strides = array<i32>} : memref<64xi32, #tpu.memory_space<vmem>>, vector<16xi32>,
        tpu.vector_store %arg15[%swap3A_210], %add3A_209 {strides = array<i32>} : memref<64xi32, #tpu.memory_space<vmem>>, vector<16xi32>,
        %add3A_212 = arith.constant 32 : i32
        %add3A_213 = arith.addi %mul3A_192, %add3A_212 : i32
        %get3A_214 = arith.index_cast %add3A_213 : i32 to index
        %get3A_215 = tpu.vector_load %arg13[%get3A_214] {strides = array<i32>} : memref<768xi32, #tpu.memory_space<vmem>>, vector<16xi32>,
        %add3A_216 = vector.broadcast %mul3A_2 : i32 to vector<16xi32>
        %add3A_217 = arith.addi %get3A_215, %add3A_216 : vector<16xi32>
        %swap3A_218 = arith.constant 32 : index
        %swap3A_219 = tpu.vector_load %arg15[%swap3A_218] {strides = array<i32>} : memref<64xi32, #tpu.memory_space<vmem>>, vector<16xi32>,
        tpu.vector_store %arg15[%swap3A_218], %add3A_217 {strides = array<i32>} : memref<64xi32, #tpu.memory_space<vmem>>, vector<16xi32>,
        %add3A_220 = arith.constant 48 : i32
        %add3A_221 = arith.addi %mul3A_192, %add3A_220 : i32
        %get3A_222 = arith.index_cast %add3A_221 : i32 to index
        %get3A_223 = tpu.vector_load %arg13[%get3A_222] {strides = array<i32>} : memref<768xi32, #tpu.memory_space<vmem>>, vector<16xi32>,
        %add3A_224 = vector.broadcast %mul3A_2 : i32 to vector<16xi32>
        %add3A_225 = arith.addi %get3A_223, %add3A_224 : vector<16xi32>
        %swap3A_226 = arith.constant 48 : index
        %swap3A_227 = tpu.vector_load %arg15[%swap3A_226] {strides = array<i32>} : memref<64xi32, #tpu.memory_space<vmem>>, vector<16xi32>,
        tpu.vector_store %arg15[%swap3A_226], %add3A_225 {strides = array<i32>} : memref<64xi32, #tpu.memory_space<vmem>>, vector<16xi32>,
        %ge3A_228 = arith.constant 2 : i32
        %ge3A_229 = arith.cmpi sge, %add3A_195, %ge3A_228 : i32
        %convert_element_type3A_230 = arith.extui %ge3A_229 : i1 to i32
        %cond3A_231 = arith.constant 0 : i32
        %cond3A_232 = arith.cmpi ne, %convert_element_type3A_230, %cond3A_231 : i32
        scf.if %cond3A_232 {
          %dma_wait3A_331 = arith.constant 0 : i32
          %dma_wait3A_332 = arith.constant 0 : i32
          %dma_wait3A_333 = tpu.memref_slice %arg9[%dma_wait3A_331, %dma_wait3A_332] : memref<10240x128xf32, #tpu.memory_space<vmem_shared>> -> memref<10240x128xf32, #tpu.memory_space<vmem_shared>>
          tpu.wait_indirect_dma semaphore(%arg22 : memref<!tpu.dma_semaphore, #tpu.memory_space<semaphore_mem>>) src(%arg20 : memref<64x128xf32, #tpu.memory_space<vmem>>) dst(%dma_wait3A_333 : memref<10240x128xf32, #tpu.memory_space<vmem_shared>>)
        } else {
        }
        %dma_start3A_233 = arith.constant 0 : i32
        %dma_start3A_234 = arith.constant 0 : i32
        %dma_start3A_235 = tpu.memref_slice %arg2[%dma_start3A_233, %dma_start3A_234] : memref<20480x128xf32, #tpu.memory_space<hbm>> -> memref<20480x128xf32, #tpu.memory_space<hbm>>
        tpu.enqueue_indirect_dma source(%dma_start3A_235 : memref<20480x128xf32, #tpu.memory_space<hbm>>) target(%arg20 : memref<64x128xf32, #tpu.memory_space<vmem>>) offsets(%arg15 : memref<64xi32, #tpu.memory_space<vmem>>) semaphore(%arg21 : memref<!tpu.dma_semaphore, #tpu.memory_space<semaphore_mem>>)
        %add3A_236 = arith.constant 0 : i32
        %add3A_237 = arith.addi %mul3A_192, %add3A_236 : i32
        %get3A_238 = arith.index_cast %add3A_237 : i32 to index
        %get3A_239 = tpu.vector_load %arg13[%get3A_238] {strides = array<i32>} : memref<768xi32, #tpu.memory_space<vmem>>, vector<16xi32>,
        %get3A_240 = arith.index_cast %add3A_237 : i32 to index
        %get3A_241 = tpu.vector_load %arg14[%get3A_240] {strides = array<i32>} : memref<768xi32, #tpu.memory_space<vmem>>, vector<16xi32>,
        %swap3A_242 = arith.constant 0 : index
        %swap3A_243 = tpu.vector_load %arg17[%swap3A_242] {strides = array<i32>} : memref<64xi32, #tpu.memory_space<vmem>>, vector<16xi32>,
        tpu.vector_store %arg17[%swap3A_242], %get3A_241 {strides = array<i32>} : memref<64xi32, #tpu.memory_space<vmem>>, vector<16xi32>,
        %gather3A_244 = tpu.vector_load_idx %arg10[%get3A_239] : memref<10240xf32, #tpu.memory_space<vmem>>[vector<16xi32>], vector<16xf32>,
        %gather3A_245 = tpu.vector_load_idx %arg11[%get3A_241] : memref<10240xf32, #tpu.memory_space<vmem>>[vector<16xi32>], vector<16xf32>,
        %add3A_246 = arith.addf %gather3A_244, %gather3A_245 : vector<16xf32>
        %gt3A_247 = arith.constant 0.000000e+00 : f32
        %gt3A_248 = vector.broadcast %gt3A_247 : f32 to vector<16xf32>
        %gt3A_249 = arith.cmpf ogt, %add3A_246, %gt3A_248 : vector<16xf32>
        %mul3A_250 = arith.constant 2.000000e-01 : f32
        %mul3A_251 = vector.broadcast %mul3A_250 : f32 to vector<16xf32>
        %mul3A_252 = arith.mulf %mul3A_251, %add3A_246 : vector<16xf32>
        %select_n3A_253 = arith.select %gt3A_249, %add3A_246, %mul3A_252 : vector<16xi1>, vector<16xf32>
        %exp3A_254 = math.exp %select_n3A_253 : vector<16xf32>
        %swap3A_255 = arith.constant 0 : index
        %swap3A_256 = tpu.vector_load %arg18[%swap3A_255] {strides = array<i32>} : memref<64xf32, #tpu.memory_space<vmem>>, vector<16xf32>,
        tpu.vector_store %arg18[%swap3A_255], %exp3A_254 {strides = array<i32>} : memref<64xf32, #tpu.memory_space<vmem>>, vector<16xf32>,
        tpu.vector_store_idx %arg12[%get3A_241], %exp3A_254 {add = true} : memref<10240xf32, #tpu.memory_space<vmem>>[vector<16xi32>], vector<16xf32>,
        %add3A_257 = arith.constant 16 : i32
        %add3A_258 = arith.addi %mul3A_192, %add3A_257 : i32
        %get3A_259 = arith.index_cast %add3A_258 : i32 to index
        %get3A_260 = tpu.vector_load %arg13[%get3A_259] {strides = array<i32>} : memref<768xi32, #tpu.memory_space<vmem>>, vector<16xi32>,
        %get3A_261 = arith.index_cast %add3A_258 : i32 to index
        %get3A_262 = tpu.vector_load %arg14[%get3A_261] {strides = array<i32>} : memref<768xi32, #tpu.memory_space<vmem>>, vector<16xi32>,
        %swap3A_263 = arith.constant 16 : index
        %swap3A_264 = tpu.vector_load %arg17[%swap3A_263] {strides = array<i32>} : memref<64xi32, #tpu.memory_space<vmem>>, vector<16xi32>,
        tpu.vector_store %arg17[%swap3A_263], %get3A_262 {strides = array<i32>} : memref<64xi32, #tpu.memory_space<vmem>>, vector<16xi32>,
        %gather3A_265 = tpu.vector_load_idx %arg10[%get3A_260] : memref<10240xf32, #tpu.memory_space<vmem>>[vector<16xi32>], vector<16xf32>,
        %gather3A_266 = tpu.vector_load_idx %arg11[%get3A_262] : memref<10240xf32, #tpu.memory_space<vmem>>[vector<16xi32>], vector<16xf32>,
        %add3A_267 = arith.addf %gather3A_265, %gather3A_266 : vector<16xf32>
        %gt3A_268 = arith.constant 0.000000e+00 : f32
        %gt3A_269 = vector.broadcast %gt3A_268 : f32 to vector<16xf32>
        %gt3A_270 = arith.cmpf ogt, %add3A_267, %gt3A_269 : vector<16xf32>
        %mul3A_271 = arith.constant 2.000000e-01 : f32
        %mul3A_272 = vector.broadcast %mul3A_271 : f32 to vector<16xf32>
        %mul3A_273 = arith.mulf %mul3A_272, %add3A_267 : vector<16xf32>
        %select_n3A_274 = arith.select %gt3A_270, %add3A_267, %mul3A_273 : vector<16xi1>, vector<16xf32>
        %exp3A_275 = math.exp %select_n3A_274 : vector<16xf32>
        %swap3A_276 = arith.constant 16 : index
        %swap3A_277 = tpu.vector_load %arg18[%swap3A_276] {strides = array<i32>} : memref<64xf32, #tpu.memory_space<vmem>>, vector<16xf32>,
        tpu.vector_store %arg18[%swap3A_276], %exp3A_275 {strides = array<i32>} : memref<64xf32, #tpu.memory_space<vmem>>, vector<16xf32>,
        tpu.vector_store_idx %arg12[%get3A_262], %exp3A_275 {add = true} : memref<10240xf32, #tpu.memory_space<vmem>>[vector<16xi32>], vector<16xf32>,
        %add3A_278 = arith.constant 32 : i32
        %add3A_279 = arith.addi %mul3A_192, %add3A_278 : i32
        %get3A_280 = arith.index_cast %add3A_279 : i32 to index
        %get3A_281 = tpu.vector_load %arg13[%get3A_280] {strides = array<i32>} : memref<768xi32, #tpu.memory_space<vmem>>, vector<16xi32>,
        %get3A_282 = arith.index_cast %add3A_279 : i32 to index
        %get3A_283 = tpu.vector_load %arg14[%get3A_282] {strides = array<i32>} : memref<768xi32, #tpu.memory_space<vmem>>, vector<16xi32>,
        %swap3A_284 = arith.constant 32 : index
        %swap3A_285 = tpu.vector_load %arg17[%swap3A_284] {strides = array<i32>} : memref<64xi32, #tpu.memory_space<vmem>>, vector<16xi32>,
        tpu.vector_store %arg17[%swap3A_284], %get3A_283 {strides = array<i32>} : memref<64xi32, #tpu.memory_space<vmem>>, vector<16xi32>,
        %gather3A_286 = tpu.vector_load_idx %arg10[%get3A_281] : memref<10240xf32, #tpu.memory_space<vmem>>[vector<16xi32>], vector<16xf32>,
        %gather3A_287 = tpu.vector_load_idx %arg11[%get3A_283] : memref<10240xf32, #tpu.memory_space<vmem>>[vector<16xi32>], vector<16xf32>,
        %add3A_288 = arith.addf %gather3A_286, %gather3A_287 : vector<16xf32>
        %gt3A_289 = arith.constant 0.000000e+00 : f32
        %gt3A_290 = vector.broadcast %gt3A_289 : f32 to vector<16xf32>
        %gt3A_291 = arith.cmpf ogt, %add3A_288, %gt3A_290 : vector<16xf32>
        %mul3A_292 = arith.constant 2.000000e-01 : f32
        %mul3A_293 = vector.broadcast %mul3A_292 : f32 to vector<16xf32>
        %mul3A_294 = arith.mulf %mul3A_293, %add3A_288 : vector<16xf32>
        %select_n3A_295 = arith.select %gt3A_291, %add3A_288, %mul3A_294 : vector<16xi1>, vector<16xf32>
        %exp3A_296 = math.exp %select_n3A_295 : vector<16xf32>
        %swap3A_297 = arith.constant 32 : index
        %swap3A_298 = tpu.vector_load %arg18[%swap3A_297] {strides = array<i32>} : memref<64xf32, #tpu.memory_space<vmem>>, vector<16xf32>,
        tpu.vector_store %arg18[%swap3A_297], %exp3A_296 {strides = array<i32>} : memref<64xf32, #tpu.memory_space<vmem>>, vector<16xf32>,
        tpu.vector_store_idx %arg12[%get3A_283], %exp3A_296 {add = true} : memref<10240xf32, #tpu.memory_space<vmem>>[vector<16xi32>], vector<16xf32>,
        %add3A_299 = arith.constant 48 : i32
        %add3A_300 = arith.addi %mul3A_192, %add3A_299 : i32
        %get3A_301 = arith.index_cast %add3A_300 : i32 to index
        %get3A_302 = tpu.vector_load %arg13[%get3A_301] {strides = array<i32>} : memref<768xi32, #tpu.memory_space<vmem>>, vector<16xi32>,
        %get3A_303 = arith.index_cast %add3A_300 : i32 to index
        %get3A_304 = tpu.vector_load %arg14[%get3A_303] {strides = array<i32>} : memref<768xi32, #tpu.memory_space<vmem>>, vector<16xi32>,
        %swap3A_305 = arith.constant 48 : index
        %swap3A_306 = tpu.vector_load %arg17[%swap3A_305] {strides = array<i32>} : memref<64xi32, #tpu.memory_space<vmem>>, vector<16xi32>,
        tpu.vector_store %arg17[%swap3A_305], %get3A_304 {strides = array<i32>} : memref<64xi32, #tpu.memory_space<vmem>>, vector<16xi32>,
        %gather3A_307 = tpu.vector_load_idx %arg10[%get3A_302] : memref<10240xf32, #tpu.memory_space<vmem>>[vector<16xi32>], vector<16xf32>,
        %gather3A_308 = tpu.vector_load_idx %arg11[%get3A_304] : memref<10240xf32, #tpu.memory_space<vmem>>[vector<16xi32>], vector<16xf32>,
        %add3A_309 = arith.addf %gather3A_307, %gather3A_308 : vector<16xf32>
        %gt3A_310 = arith.constant 0.000000e+00 : f32
        %gt3A_311 = vector.broadcast %gt3A_310 : f32 to vector<16xf32>
        %gt3A_312 = arith.cmpf ogt, %add3A_309, %gt3A_311 : vector<16xf32>
        %mul3A_313 = arith.constant 2.000000e-01 : f32
        %mul3A_314 = vector.broadcast %mul3A_313 : f32 to vector<16xf32>
        %mul3A_315 = arith.mulf %mul3A_314, %add3A_309 : vector<16xf32>
        %select_n3A_316 = arith.select %gt3A_312, %add3A_309, %mul3A_315 : vector<16xi1>, vector<16xf32>
        %exp3A_317 = math.exp %select_n3A_316 : vector<16xf32>
        %swap3A_318 = arith.constant 48 : index
        %swap3A_319 = tpu.vector_load %arg18[%swap3A_318] {strides = array<i32>} : memref<64xf32, #tpu.memory_space<vmem>>, vector<16xf32>,
        tpu.vector_store %arg18[%swap3A_318], %exp3A_317 {strides = array<i32>} : memref<64xf32, #tpu.memory_space<vmem>>, vector<16xf32>,
        tpu.vector_store_idx %arg12[%get3A_304], %exp3A_317 {add = true} : memref<10240xf32, #tpu.memory_space<vmem>>[vector<16xi32>], vector<16xf32>,
        %dma_wait3A_320 = arith.constant 0 : i32
        %dma_wait3A_321 = arith.constant 0 : i32
        %dma_wait3A_322 = tpu.memref_slice %arg2[%dma_wait3A_320, %dma_wait3A_321] : memref<20480x128xf32, #tpu.memory_space<hbm>> -> memref<20480x128xf32, #tpu.memory_space<hbm>>
        tpu.wait_indirect_dma semaphore(%arg21 : memref<!tpu.dma_semaphore, #tpu.memory_space<semaphore_mem>>) src(%dma_wait3A_322 : memref<20480x128xf32, #tpu.memory_space<hbm>>) dst(%arg20 : memref<64x128xf32, #tpu.memory_space<vmem>>)
        %scan3A_323 = arith.constant 0 : i32
        %scan3A_324 = arith.constant 64 : i32
        %scan3A_325 = arith.addi %scan3A_323, %scan3A_324 : i32
        %scan3A_326 = arith.constant 8 : i32
        scf.for %scan3A_331 = %scan3A_323 to %scan3A_325 step %scan3A_326  : i32 {
          %mul3A_332 = arith.constant 1 : i32
          %mul3A_333 = arith.muli %scan3A_331, %mul3A_332 : i32
          %add3A_334 = arith.constant 0 : i32
          %add3A_335 = arith.addi %add3A_334, %mul3A_333 : i32
          %broadcast_in_dim3A_336 = vector.broadcast %add3A_335 : i32 to vector<16xi32>
          %gather3A_337 = tpu.vector_load_idx %arg18[%broadcast_in_dim3A_336] : memref<64xf32, #tpu.memory_space<vmem>>[vector<16xi32>], vector<16xf32>,
          %get3A_338 = arith.index_cast %add3A_335 : i32 to index
          %get3A_339 = arith.constant 0 : index
          %get3A_340 = tpu.vector_load %arg20[%get3A_338, %get3A_339] {strides = array<i32>} : memref<64x128xf32, #tpu.memory_space<vmem>>, vector<16xf32>,
          %mul3A_341 = arith.mulf %get3A_340, %gather3A_337 : vector<16xf32>
          %swap3A_342 = arith.index_cast %add3A_335 : i32 to index
          %swap3A_343 = arith.constant 0 : index
          %swap3A_344 = tpu.vector_load %arg20[%swap3A_342, %swap3A_343] {strides = array<i32>} : memref<64x128xf32, #tpu.memory_space<vmem>>, vector<16xf32>,
          tpu.vector_store %arg20[%swap3A_342, %swap3A_343], %mul3A_341 {strides = array<i32>} : memref<64x128xf32, #tpu.memory_space<vmem>>, vector<16xf32>,
          %get3A_345 = arith.index_cast %add3A_335 : i32 to index
          %get3A_346 = arith.constant 16 : index
          %get3A_347 = tpu.vector_load %arg20[%get3A_345, %get3A_346] {strides = array<i32>} : memref<64x128xf32, #tpu.memory_space<vmem>>, vector<16xf32>,
          %mul3A_348 = arith.mulf %get3A_347, %gather3A_337 : vector<16xf32>
          %swap3A_349 = arith.index_cast %add3A_335 : i32 to index
          %swap3A_350 = arith.constant 16 : index
          %swap3A_351 = tpu.vector_load %arg20[%swap3A_349, %swap3A_350] {strides = array<i32>} : memref<64x128xf32, #tpu.memory_space<vmem>>, vector<16xf32>,
          tpu.vector_store %arg20[%swap3A_349, %swap3A_350], %mul3A_348 {strides = array<i32>} : memref<64x128xf32, #tpu.memory_space<vmem>>, vector<16xf32>,
          %get3A_352 = arith.index_cast %add3A_335 : i32 to index
          %get3A_353 = arith.constant 32 : index
          %get3A_354 = tpu.vector_load %arg20[%get3A_352, %get3A_353] {strides = array<i32>} : memref<64x128xf32, #tpu.memory_space<vmem>>, vector<16xf32>,
          %mul3A_355 = arith.mulf %get3A_354, %gather3A_337 : vector<16xf32>
          %swap3A_356 = arith.index_cast %add3A_335 : i32 to index
          %swap3A_357 = arith.constant 32 : index
          %swap3A_358 = tpu.vector_load %arg20[%swap3A_356, %swap3A_357] {strides = array<i32>} : memref<64x128xf32, #tpu.memory_space<vmem>>, vector<16xf32>,
          tpu.vector_store %arg20[%swap3A_356, %swap3A_357], %mul3A_355 {strides = array<i32>} : memref<64x128xf32, #tpu.memory_space<vmem>>, vector<16xf32>,
          %get3A_359 = arith.index_cast %add3A_335 : i32 to index
          %get3A_360 = arith.constant 48 : index
          %get3A_361 = tpu.vector_load %arg20[%get3A_359, %get3A_360] {strides = array<i32>} : memref<64x128xf32, #tpu.memory_space<vmem>>, vector<16xf32>,
          %mul3A_362 = arith.mulf %get3A_361, %gather3A_337 : vector<16xf32>
          %swap3A_363 = arith.index_cast %add3A_335 : i32 to index
          %swap3A_364 = arith.constant 48 : index
          %swap3A_365 = tpu.vector_load %arg20[%swap3A_363, %swap3A_364] {strides = array<i32>} : memref<64x128xf32, #tpu.memory_space<vmem>>, vector<16xf32>,
          tpu.vector_store %arg20[%swap3A_363, %swap3A_364], %mul3A_362 {strides = array<i32>} : memref<64x128xf32, #tpu.memory_space<vmem>>, vector<16xf32>,
          %get3A_366 = arith.index_cast %add3A_335 : i32 to index
          %get3A_367 = arith.constant 64 : index
          %get3A_368 = tpu.vector_load %arg20[%get3A_366, %get3A_367] {strides = array<i32>} : memref<64x128xf32, #tpu.memory_space<vmem>>, vector<16xf32>,
          %mul3A_369 = arith.mulf %get3A_368, %gather3A_337 : vector<16xf32>
          %swap3A_370 = arith.index_cast %add3A_335 : i32 to index
          %swap3A_371 = arith.constant 64 : index
          %swap3A_372 = tpu.vector_load %arg20[%swap3A_370, %swap3A_371] {strides = array<i32>} : memref<64x128xf32, #tpu.memory_space<vmem>>, vector<16xf32>,
          tpu.vector_store %arg20[%swap3A_370, %swap3A_371], %mul3A_369 {strides = array<i32>} : memref<64x128xf32, #tpu.memory_space<vmem>>, vector<16xf32>,
          %get3A_373 = arith.index_cast %add3A_335 : i32 to index
          %get3A_374 = arith.constant 80 : index
          %get3A_375 = tpu.vector_load %arg20[%get3A_373, %get3A_374] {strides = array<i32>} : memref<64x128xf32, #tpu.memory_space<vmem>>, vector<16xf32>,
          %mul3A_376 = arith.mulf %get3A_375, %gather3A_337 : vector<16xf32>
          %swap3A_377 = arith.index_cast %add3A_335 : i32 to index
          %swap3A_378 = arith.constant 80 : index
          %swap3A_379 = tpu.vector_load %arg20[%swap3A_377, %swap3A_378] {strides = array<i32>} : memref<64x128xf32, #tpu.memory_space<vmem>>, vector<16xf32>,
          tpu.vector_store %arg20[%swap3A_377, %swap3A_378], %mul3A_376 {strides = array<i32>} : memref<64x128xf32, #tpu.memory_space<vmem>>, vector<16xf32>,
          %get3A_380 = arith.index_cast %add3A_335 : i32 to index
          %get3A_381 = arith.constant 96 : index
          %get3A_382 = tpu.vector_load %arg20[%get3A_380, %get3A_381] {strides = array<i32>} : memref<64x128xf32, #tpu.memory_space<vmem>>, vector<16xf32>,
          %mul3A_383 = arith.mulf %get3A_382, %gather3A_337 : vector<16xf32>
          %swap3A_384 = arith.index_cast %add3A_335 : i32 to index
          %swap3A_385 = arith.constant 96 : index
          %swap3A_386 = tpu.vector_load %arg20[%swap3A_384, %swap3A_385] {strides = array<i32>} : memref<64x128xf32, #tpu.memory_space<vmem>>, vector<16xf32>,
          tpu.vector_store %arg20[%swap3A_384, %swap3A_385], %mul3A_383 {strides = array<i32>} : memref<64x128xf32, #tpu.memory_space<vmem>>, vector<16xf32>,
          %get3A_387 = arith.index_cast %add3A_335 : i32 to index
          %get3A_388 = arith.constant 112 : index
          %get3A_389 = tpu.vector_load %arg20[%get3A_387, %get3A_388] {strides = array<i32>} : memref<64x128xf32, #tpu.memory_space<vmem>>, vector<16xf32>,
          %mul3A_390 = arith.mulf %get3A_389, %gather3A_337 : vector<16xf32>
          %swap3A_391 = arith.index_cast %add3A_335 : i32 to index
          %swap3A_392 = arith.constant 112 : index
          %swap3A_393 = tpu.vector_load %arg20[%swap3A_391, %swap3A_392] {strides = array<i32>} : memref<64x128xf32, #tpu.memory_space<vmem>>, vector<16xf32>,
          tpu.vector_store %arg20[%swap3A_391, %swap3A_392], %mul3A_390 {strides = array<i32>} : memref<64x128xf32, #tpu.memory_space<vmem>>, vector<16xf32>,
          %scan3A_394 = arith.constant 1 : i32
          %scan3A_395 = arith.addi %scan3A_331, %scan3A_394 : i32
          %mul3A_396 = arith.constant 1 : i32
          %mul3A_397 = arith.muli %scan3A_395, %mul3A_396 : i32
          %add3A_398 = arith.constant 0 : i32
          %add3A_399 = arith.addi %add3A_398, %mul3A_397 : i32
          %broadcast_in_dim3A_400 = vector.broadcast %add3A_399 : i32 to vector<16xi32>
          %gather3A_401 = tpu.vector_load_idx %arg18[%broadcast_in_dim3A_400] : memref<64xf32, #tpu.memory_space<vmem>>[vector<16xi32>], vector<16xf32>,
          %get3A_402 = arith.index_cast %add3A_399 : i32 to index
          %get3A_403 = arith.constant 0 : index
          %get3A_404 = tpu.vector_load %arg20[%get3A_402, %get3A_403] {strides = array<i32>} : memref<64x128xf32, #tpu.memory_space<vmem>>, vector<16xf32>,
          %mul3A_405 = arith.mulf %get3A_404, %gather3A_401 : vector<16xf32>
          %swap3A_406 = arith.index_cast %add3A_399 : i32 to index
          %swap3A_407 = arith.constant 0 : index
          %swap3A_408 = tpu.vector_load %arg20[%swap3A_406, %swap3A_407] {strides = array<i32>} : memref<64x128xf32, #tpu.memory_space<vmem>>, vector<16xf32>,
          tpu.vector_store %arg20[%swap3A_406, %swap3A_407], %mul3A_405 {strides = array<i32>} : memref<64x128xf32, #tpu.memory_space<vmem>>, vector<16xf32>,
          %get3A_409 = arith.index_cast %add3A_399 : i32 to index
          %get3A_410 = arith.constant 16 : index
          %get3A_411 = tpu.vector_load %arg20[%get3A_409, %get3A_410] {strides = array<i32>} : memref<64x128xf32, #tpu.memory_space<vmem>>, vector<16xf32>,
          %mul3A_412 = arith.mulf %get3A_411, %gather3A_401 : vector<16xf32>
          %swap3A_413 = arith.index_cast %add3A_399 : i32 to index
          %swap3A_414 = arith.constant 16 : index
          %swap3A_415 = tpu.vector_load %arg20[%swap3A_413, %swap3A_414] {strides = array<i32>} : memref<64x128xf32, #tpu.memory_space<vmem>>, vector<16xf32>,
          tpu.vector_store %arg20[%swap3A_413, %swap3A_414], %mul3A_412 {strides = array<i32>} : memref<64x128xf32, #tpu.memory_space<vmem>>, vector<16xf32>,
          %get3A_416 = arith.index_cast %add3A_399 : i32 to index
          %get3A_417 = arith.constant 32 : index
          %get3A_418 = tpu.vector_load %arg20[%get3A_416, %get3A_417] {strides = array<i32>} : memref<64x128xf32, #tpu.memory_space<vmem>>, vector<16xf32>,
          %mul3A_419 = arith.mulf %get3A_418, %gather3A_401 : vector<16xf32>
          %swap3A_420 = arith.index_cast %add3A_399 : i32 to index
          %swap3A_421 = arith.constant 32 : index
          %swap3A_422 = tpu.vector_load %arg20[%swap3A_420, %swap3A_421] {strides = array<i32>} : memref<64x128xf32, #tpu.memory_space<vmem>>, vector<16xf32>,
          tpu.vector_store %arg20[%swap3A_420, %swap3A_421], %mul3A_419 {strides = array<i32>} : memref<64x128xf32, #tpu.memory_space<vmem>>, vector<16xf32>,
          %get3A_423 = arith.index_cast %add3A_399 : i32 to index
          %get3A_424 = arith.constant 48 : index
          %get3A_425 = tpu.vector_load %arg20[%get3A_423, %get3A_424] {strides = array<i32>} : memref<64x128xf32, #tpu.memory_space<vmem>>, vector<16xf32>,
          %mul3A_426 = arith.mulf %get3A_425, %gather3A_401 : vector<16xf32>
          %swap3A_427 = arith.index_cast %add3A_399 : i32 to index
          %swap3A_428 = arith.constant 48 : index
          %swap3A_429 = tpu.vector_load %arg20[%swap3A_427, %swap3A_428] {strides = array<i32>} : memref<64x128xf32, #tpu.memory_space<vmem>>, vector<16xf32>,
          tpu.vector_store %arg20[%swap3A_427, %swap3A_428], %mul3A_426 {strides = array<i32>} : memref<64x128xf32, #tpu.memory_space<vmem>>, vector<16xf32>,
          %get3A_430 = arith.index_cast %add3A_399 : i32 to index
          %get3A_431 = arith.constant 64 : index
          %get3A_432 = tpu.vector_load %arg20[%get3A_430, %get3A_431] {strides = array<i32>} : memref<64x128xf32, #tpu.memory_space<vmem>>, vector<16xf32>,
          %mul3A_433 = arith.mulf %get3A_432, %gather3A_401 : vector<16xf32>
          %swap3A_434 = arith.index_cast %add3A_399 : i32 to index
          %swap3A_435 = arith.constant 64 : index
          %swap3A_436 = tpu.vector_load %arg20[%swap3A_434, %swap3A_435] {strides = array<i32>} : memref<64x128xf32, #tpu.memory_space<vmem>>, vector<16xf32>,
          tpu.vector_store %arg20[%swap3A_434, %swap3A_435], %mul3A_433 {strides = array<i32>} : memref<64x128xf32, #tpu.memory_space<vmem>>, vector<16xf32>,
          %get3A_437 = arith.index_cast %add3A_399 : i32 to index
          %get3A_438 = arith.constant 80 : index
          %get3A_439 = tpu.vector_load %arg20[%get3A_437, %get3A_438] {strides = array<i32>} : memref<64x128xf32, #tpu.memory_space<vmem>>, vector<16xf32>,
          %mul3A_440 = arith.mulf %get3A_439, %gather3A_401 : vector<16xf32>
          %swap3A_441 = arith.index_cast %add3A_399 : i32 to index
          %swap3A_442 = arith.constant 80 : index
          %swap3A_443 = tpu.vector_load %arg20[%swap3A_441, %swap3A_442] {strides = array<i32>} : memref<64x128xf32, #tpu.memory_space<vmem>>, vector<16xf32>,
          tpu.vector_store %arg20[%swap3A_441, %swap3A_442], %mul3A_440 {strides = array<i32>} : memref<64x128xf32, #tpu.memory_space<vmem>>, vector<16xf32>,
          %get3A_444 = arith.index_cast %add3A_399 : i32 to index
          %get3A_445 = arith.constant 96 : index
          %get3A_446 = tpu.vector_load %arg20[%get3A_444, %get3A_445] {strides = array<i32>} : memref<64x128xf32, #tpu.memory_space<vmem>>, vector<16xf32>,
          %mul3A_447 = arith.mulf %get3A_446, %gather3A_401 : vector<16xf32>
          %swap3A_448 = arith.index_cast %add3A_399 : i32 to index
          %swap3A_449 = arith.constant 96 : index
          %swap3A_450 = tpu.vector_load %arg20[%swap3A_448, %swap3A_449] {strides = array<i32>} : memref<64x128xf32, #tpu.memory_space<vmem>>, vector<16xf32>,
          tpu.vector_store %arg20[%swap3A_448, %swap3A_449], %mul3A_447 {strides = array<i32>} : memref<64x128xf32, #tpu.memory_space<vmem>>, vector<16xf32>,
          %get3A_451 = arith.index_cast %add3A_399 : i32 to index
          %get3A_452 = arith.constant 112 : index
          %get3A_453 = tpu.vector_load %arg20[%get3A_451, %get3A_452] {strides = array<i32>} : memref<64x128xf32, #tpu.memory_space<vmem>>, vector<16xf32>,
          %mul3A_454 = arith.mulf %get3A_453, %gather3A_401 : vector<16xf32>
          %swap3A_455 = arith.index_cast %add3A_399 : i32 to index
          %swap3A_456 = arith.constant 112 : index
          %swap3A_457 = tpu.vector_load %arg20[%swap3A_455, %swap3A_456] {strides = array<i32>} : memref<64x128xf32, #tpu.memory_space<vmem>>, vector<16xf32>,
          tpu.vector_store %arg20[%swap3A_455, %swap3A_456], %mul3A_454 {strides = array<i32>} : memref<64x128xf32, #tpu.memory_space<vmem>>, vector<16xf32>,
          %scan3A_458 = arith.constant 2 : i32
          %scan3A_459 = arith.addi %scan3A_331, %scan3A_458 : i32
          %mul3A_460 = arith.constant 1 : i32
          %mul3A_461 = arith.muli %scan3A_459, %mul3A_460 : i32
          %add3A_462 = arith.constant 0 : i32
          %add3A_463 = arith.addi %add3A_462, %mul3A_461 : i32
          %broadcast_in_dim3A_464 = vector.broadcast %add3A_463 : i32 to vector<16xi32>
          %gather3A_465 = tpu.vector_load_idx %arg18[%broadcast_in_dim3A_464] : memref<64xf32, #tpu.memory_space<vmem>>[vector<16xi32>], vector<16xf32>,
          %get3A_466 = arith.index_cast %add3A_463 : i32 to index
          %get3A_467 = arith.constant 0 : index
          %get3A_468 = tpu.vector_load %arg20[%get3A_466, %get3A_467] {strides = array<i32>} : memref<64x128xf32, #tpu.memory_space<vmem>>, vector<16xf32>,
          %mul3A_469 = arith.mulf %get3A_468, %gather3A_465 : vector<16xf32>
          %swap3A_470 = arith.index_cast %add3A_463 : i32 to index
          %swap3A_471 = arith.constant 0 : index
          %swap3A_472 = tpu.vector_load %arg20[%swap3A_470, %swap3A_471] {strides = array<i32>} : memref<64x128xf32, #tpu.memory_space<vmem>>, vector<16xf32>,
          tpu.vector_store %arg20[%swap3A_470, %swap3A_471], %mul3A_469 {strides = array<i32>} : memref<64x128xf32, #tpu.memory_space<vmem>>, vector<16xf32>,
          %get3A_473 = arith.index_cast %add3A_463 : i32 to index
          %get3A_474 = arith.constant 16 : index
          %get3A_475 = tpu.vector_load %arg20[%get3A_473, %get3A_474] {strides = array<i32>} : memref<64x128xf32, #tpu.memory_space<vmem>>, vector<16xf32>,
          %mul3A_476 = arith.mulf %get3A_475, %gather3A_465 : vector<16xf32>
          %swap3A_477 = arith.index_cast %add3A_463 : i32 to index
          %swap3A_478 = arith.constant 16 : index
          %swap3A_479 = tpu.vector_load %arg20[%swap3A_477, %swap3A_478] {strides = array<i32>} : memref<64x128xf32, #tpu.memory_space<vmem>>, vector<16xf32>,
          tpu.vector_store %arg20[%swap3A_477, %swap3A_478], %mul3A_476 {strides = array<i32>} : memref<64x128xf32, #tpu.memory_space<vmem>>, vector<16xf32>,
          %get3A_480 = arith.index_cast %add3A_463 : i32 to index
          %get3A_481 = arith.constant 32 : index
          %get3A_482 = tpu.vector_load %arg20[%get3A_480, %get3A_481] {strides = array<i32>} : memref<64x128xf32, #tpu.memory_space<vmem>>, vector<16xf32>,
          %mul3A_483 = arith.mulf %get3A_482, %gather3A_465 : vector<16xf32>
          %swap3A_484 = arith.index_cast %add3A_463 : i32 to index
          %swap3A_485 = arith.constant 32 : index
          %swap3A_486 = tpu.vector_load %arg20[%swap3A_484, %swap3A_485] {strides = array<i32>} : memref<64x128xf32, #tpu.memory_space<vmem>>, vector<16xf32>,
          tpu.vector_store %arg20[%swap3A_484, %swap3A_485], %mul3A_483 {strides = array<i32>} : memref<64x128xf32, #tpu.memory_space<vmem>>, vector<16xf32>,
          %get3A_487 = arith.index_cast %add3A_463 : i32 to index
          %get3A_488 = arith.constant 48 : index
          %get3A_489 = tpu.vector_load %arg20[%get3A_487, %get3A_488] {strides = array<i32>} : memref<64x128xf32, #tpu.memory_space<vmem>>, vector<16xf32>,
          %mul3A_490 = arith.mulf %get3A_489, %gather3A_465 : vector<16xf32>
          %swap3A_491 = arith.index_cast %add3A_463 : i32 to index
          %swap3A_492 = arith.constant 48 : index
          %swap3A_493 = tpu.vector_load %arg20[%swap3A_491, %swap3A_492] {strides = array<i32>} : memref<64x128xf32, #tpu.memory_space<vmem>>, vector<16xf32>,
          tpu.vector_store %arg20[%swap3A_491, %swap3A_492], %mul3A_490 {strides = array<i32>} : memref<64x128xf32, #tpu.memory_space<vmem>>, vector<16xf32>,
          %get3A_494 = arith.index_cast %add3A_463 : i32 to index
          %get3A_495 = arith.constant 64 : index
          %get3A_496 = tpu.vector_load %arg20[%get3A_494, %get3A_495] {strides = array<i32>} : memref<64x128xf32, #tpu.memory_space<vmem>>, vector<16xf32>,
          %mul3A_497 = arith.mulf %get3A_496, %gather3A_465 : vector<16xf32>
          %swap3A_498 = arith.index_cast %add3A_463 : i32 to index
          %swap3A_499 = arith.constant 64 : index
          %swap3A_500 = tpu.vector_load %arg20[%swap3A_498, %swap3A_499] {strides = array<i32>} : memref<64x128xf32, #tpu.memory_space<vmem>>, vector<16xf32>,
          tpu.vector_store %arg20[%swap3A_498, %swap3A_499], %mul3A_497 {strides = array<i32>} : memref<64x128xf32, #tpu.memory_space<vmem>>, vector<16xf32>,
          %get3A_501 = arith.index_cast %add3A_463 : i32 to index
          %get3A_502 = arith.constant 80 : index
          %get3A_503 = tpu.vector_load %arg20[%get3A_501, %get3A_502] {strides = array<i32>} : memref<64x128xf32, #tpu.memory_space<vmem>>, vector<16xf32>,
          %mul3A_504 = arith.mulf %get3A_503, %gather3A_465 : vector<16xf32>
          %swap3A_505 = arith.index_cast %add3A_463 : i32 to index
          %swap3A_506 = arith.constant 80 : index
          %swap3A_507 = tpu.vector_load %arg20[%swap3A_505, %swap3A_506] {strides = array<i32>} : memref<64x128xf32, #tpu.memory_space<vmem>>, vector<16xf32>,
          tpu.vector_store %arg20[%swap3A_505, %swap3A_506], %mul3A_504 {strides = array<i32>} : memref<64x128xf32, #tpu.memory_space<vmem>>, vector<16xf32>,
          %get3A_508 = arith.index_cast %add3A_463 : i32 to index
          %get3A_509 = arith.constant 96 : index
          %get3A_510 = tpu.vector_load %arg20[%get3A_508, %get3A_509] {strides = array<i32>} : memref<64x128xf32, #tpu.memory_space<vmem>>, vector<16xf32>,
          %mul3A_511 = arith.mulf %get3A_510, %gather3A_465 : vector<16xf32>
          %swap3A_512 = arith.index_cast %add3A_463 : i32 to index
          %swap3A_513 = arith.constant 96 : index
          %swap3A_514 = tpu.vector_load %arg20[%swap3A_512, %swap3A_513] {strides = array<i32>} : memref<64x128xf32, #tpu.memory_space<vmem>>, vector<16xf32>,
          tpu.vector_store %arg20[%swap3A_512, %swap3A_513], %mul3A_511 {strides = array<i32>} : memref<64x128xf32, #tpu.memory_space<vmem>>, vector<16xf32>,
          %get3A_515 = arith.index_cast %add3A_463 : i32 to index
          %get3A_516 = arith.constant 112 : index
          %get3A_517 = tpu.vector_load %arg20[%get3A_515, %get3A_516] {strides = array<i32>} : memref<64x128xf32, #tpu.memory_space<vmem>>, vector<16xf32>,
          %mul3A_518 = arith.mulf %get3A_517, %gather3A_465 : vector<16xf32>
          %swap3A_519 = arith.index_cast %add3A_463 : i32 to index
          %swap3A_520 = arith.constant 112 : index
          %swap3A_521 = tpu.vector_load %arg20[%swap3A_519, %swap3A_520] {strides = array<i32>} : memref<64x128xf32, #tpu.memory_space<vmem>>, vector<16xf32>,
          tpu.vector_store %arg20[%swap3A_519, %swap3A_520], %mul3A_518 {strides = array<i32>} : memref<64x128xf32, #tpu.memory_space<vmem>>, vector<16xf32>,
          %scan3A_522 = arith.constant 3 : i32
          %scan3A_523 = arith.addi %scan3A_331, %scan3A_522 : i32
          %mul3A_524 = arith.constant 1 : i32
          %mul3A_525 = arith.muli %scan3A_523, %mul3A_524 : i32
          %add3A_526 = arith.constant 0 : i32
          %add3A_527 = arith.addi %add3A_526, %mul3A_525 : i32
          %broadcast_in_dim3A_528 = vector.broadcast %add3A_527 : i32 to vector<16xi32>
          %gather3A_529 = tpu.vector_load_idx %arg18[%broadcast_in_dim3A_528] : memref<64xf32, #tpu.memory_space<vmem>>[vector<16xi32>], vector<16xf32>,
          %get3A_530 = arith.index_cast %add3A_527 : i32 to index
          %get3A_531 = arith.constant 0 : index
          %get3A_532 = tpu.vector_load %arg20[%get3A_530, %get3A_531] {strides = array<i32>} : memref<64x128xf32, #tpu.memory_space<vmem>>, vector<16xf32>,
          %mul3A_533 = arith.mulf %get3A_532, %gather3A_529 : vector<16xf32>
          %swap3A_534 = arith.index_cast %add3A_527 : i32 to index
          %swap3A_535 = arith.constant 0 : index
          %swap3A_536 = tpu.vector_load %arg20[%swap3A_534, %swap3A_535] {strides = array<i32>} : memref<64x128xf32, #tpu.memory_space<vmem>>, vector<16xf32>,
          tpu.vector_store %arg20[%swap3A_534, %swap3A_535], %mul3A_533 {strides = array<i32>} : memref<64x128xf32, #tpu.memory_space<vmem>>, vector<16xf32>,
          %get3A_537 = arith.index_cast %add3A_527 : i32 to index
          %get3A_538 = arith.constant 16 : index
          %get3A_539 = tpu.vector_load %arg20[%get3A_537, %get3A_538] {strides = array<i32>} : memref<64x128xf32, #tpu.memory_space<vmem>>, vector<16xf32>,
          %mul3A_540 = arith.mulf %get3A_539, %gather3A_529 : vector<16xf32>
          %swap3A_541 = arith.index_cast %add3A_527 : i32 to index
          %swap3A_542 = arith.constant 16 : index
          %swap3A_543 = tpu.vector_load %arg20[%swap3A_541, %swap3A_542] {strides = array<i32>} : memref<64x128xf32, #tpu.memory_space<vmem>>, vector<16xf32>,
          tpu.vector_store %arg20[%swap3A_541, %swap3A_542], %mul3A_540 {strides = array<i32>} : memref<64x128xf32, #tpu.memory_space<vmem>>, vector<16xf32>,
          %get3A_544 = arith.index_cast %add3A_527 : i32 to index
          %get3A_545 = arith.constant 32 : index
          %get3A_546 = tpu.vector_load %arg20[%get3A_544, %get3A_545] {strides = array<i32>} : memref<64x128xf32, #tpu.memory_space<vmem>>, vector<16xf32>,
          %mul3A_547 = arith.mulf %get3A_546, %gather3A_529 : vector<16xf32>
          %swap3A_548 = arith.index_cast %add3A_527 : i32 to index
          %swap3A_549 = arith.constant 32 : index
          %swap3A_550 = tpu.vector_load %arg20[%swap3A_548, %swap3A_549] {strides = array<i32>} : memref<64x128xf32, #tpu.memory_space<vmem>>, vector<16xf32>,
          tpu.vector_store %arg20[%swap3A_548, %swap3A_549], %mul3A_547 {strides = array<i32>} : memref<64x128xf32, #tpu.memory_space<vmem>>, vector<16xf32>,
          %get3A_551 = arith.index_cast %add3A_527 : i32 to index
          %get3A_552 = arith.constant 48 : index
          %get3A_553 = tpu.vector_load %arg20[%get3A_551, %get3A_552] {strides = array<i32>} : memref<64x128xf32, #tpu.memory_space<vmem>>, vector<16xf32>,
          %mul3A_554 = arith.mulf %get3A_553, %gather3A_529 : vector<16xf32>
          %swap3A_555 = arith.index_cast %add3A_527 : i32 to index
          %swap3A_556 = arith.constant 48 : index
          %swap3A_557 = tpu.vector_load %arg20[%swap3A_555, %swap3A_556] {strides = array<i32>} : memref<64x128xf32, #tpu.memory_space<vmem>>, vector<16xf32>,
          tpu.vector_store %arg20[%swap3A_555, %swap3A_556], %mul3A_554 {strides = array<i32>} : memref<64x128xf32, #tpu.memory_space<vmem>>, vector<16xf32>,
          %get3A_558 = arith.index_cast %add3A_527 : i32 to index
          %get3A_559 = arith.constant 64 : index
          %get3A_560 = tpu.vector_load %arg20[%get3A_558, %get3A_559] {strides = array<i32>} : memref<64x128xf32, #tpu.memory_space<vmem>>, vector<16xf32>,
          %mul3A_561 = arith.mulf %get3A_560, %gather3A_529 : vector<16xf32>
          %swap3A_562 = arith.index_cast %add3A_527 : i32 to index
          %swap3A_563 = arith.constant 64 : index
          %swap3A_564 = tpu.vector_load %arg20[%swap3A_562, %swap3A_563] {strides = array<i32>} : memref<64x128xf32, #tpu.memory_space<vmem>>, vector<16xf32>,
          tpu.vector_store %arg20[%swap3A_562, %swap3A_563], %mul3A_561 {strides = array<i32>} : memref<64x128xf32, #tpu.memory_space<vmem>>, vector<16xf32>,
          %get3A_565 = arith.index_cast %add3A_527 : i32 to index
          %get3A_566 = arith.constant 80 : index
          %get3A_567 = tpu.vector_load %arg20[%get3A_565, %get3A_566] {strides = array<i32>} : memref<64x128xf32, #tpu.memory_space<vmem>>, vector<16xf32>,
          %mul3A_568 = arith.mulf %get3A_567, %gather3A_529 : vector<16xf32>
          %swap3A_569 = arith.index_cast %add3A_527 : i32 to index
          %swap3A_570 = arith.constant 80 : index
          %swap3A_571 = tpu.vector_load %arg20[%swap3A_569, %swap3A_570] {strides = array<i32>} : memref<64x128xf32, #tpu.memory_space<vmem>>, vector<16xf32>,
          tpu.vector_store %arg20[%swap3A_569, %swap3A_570], %mul3A_568 {strides = array<i32>} : memref<64x128xf32, #tpu.memory_space<vmem>>, vector<16xf32>,
          %get3A_572 = arith.index_cast %add3A_527 : i32 to index
          %get3A_573 = arith.constant 96 : index
          %get3A_574 = tpu.vector_load %arg20[%get3A_572, %get3A_573] {strides = array<i32>} : memref<64x128xf32, #tpu.memory_space<vmem>>, vector<16xf32>,
          %mul3A_575 = arith.mulf %get3A_574, %gather3A_529 : vector<16xf32>
          %swap3A_576 = arith.index_cast %add3A_527 : i32 to index
          %swap3A_577 = arith.constant 96 : index
          %swap3A_578 = tpu.vector_load %arg20[%swap3A_576, %swap3A_577] {strides = array<i32>} : memref<64x128xf32, #tpu.memory_space<vmem>>, vector<16xf32>,
          tpu.vector_store %arg20[%swap3A_576, %swap3A_577], %mul3A_575 {strides = array<i32>} : memref<64x128xf32, #tpu.memory_space<vmem>>, vector<16xf32>,
          %get3A_579 = arith.index_cast %add3A_527 : i32 to index
          %get3A_580 = arith.constant 112 : index
          %get3A_581 = tpu.vector_load %arg20[%get3A_579, %get3A_580] {strides = array<i32>} : memref<64x128xf32, #tpu.memory_space<vmem>>, vector<16xf32>,
          %mul3A_582 = arith.mulf %get3A_581, %gather3A_529 : vector<16xf32>
          %swap3A_583 = arith.index_cast %add3A_527 : i32 to index
          %swap3A_584 = arith.constant 112 : index
          %swap3A_585 = tpu.vector_load %arg20[%swap3A_583, %swap3A_584] {strides = array<i32>} : memref<64x128xf32, #tpu.memory_space<vmem>>, vector<16xf32>,
          tpu.vector_store %arg20[%swap3A_583, %swap3A_584], %mul3A_582 {strides = array<i32>} : memref<64x128xf32, #tpu.memory_space<vmem>>, vector<16xf32>,
          %scan3A_586 = arith.constant 4 : i32
          %scan3A_587 = arith.addi %scan3A_331, %scan3A_586 : i32
          %mul3A_588 = arith.constant 1 : i32
          %mul3A_589 = arith.muli %scan3A_587, %mul3A_588 : i32
          %add3A_590 = arith.constant 0 : i32
          %add3A_591 = arith.addi %add3A_590, %mul3A_589 : i32
          %broadcast_in_dim3A_592 = vector.broadcast %add3A_591 : i32 to vector<16xi32>
          %gather3A_593 = tpu.vector_load_idx %arg18[%broadcast_in_dim3A_592] : memref<64xf32, #tpu.memory_space<vmem>>[vector<16xi32>], vector<16xf32>,
          %get3A_594 = arith.index_cast %add3A_591 : i32 to index
          %get3A_595 = arith.constant 0 : index
          %get3A_596 = tpu.vector_load %arg20[%get3A_594, %get3A_595] {strides = array<i32>} : memref<64x128xf32, #tpu.memory_space<vmem>>, vector<16xf32>,
          %mul3A_597 = arith.mulf %get3A_596, %gather3A_593 : vector<16xf32>
          %swap3A_598 = arith.index_cast %add3A_591 : i32 to index
          %swap3A_599 = arith.constant 0 : index
          %swap3A_600 = tpu.vector_load %arg20[%swap3A_598, %swap3A_599] {strides = array<i32>} : memref<64x128xf32, #tpu.memory_space<vmem>>, vector<16xf32>,
          tpu.vector_store %arg20[%swap3A_598, %swap3A_599], %mul3A_597 {strides = array<i32>} : memref<64x128xf32, #tpu.memory_space<vmem>>, vector<16xf32>,
          %get3A_601 = arith.index_cast %add3A_591 : i32 to index
          %get3A_602 = arith.constant 16 : index
          %get3A_603 = tpu.vector_load %arg20[%get3A_601, %get3A_602] {strides = array<i32>} : memref<64x128xf32, #tpu.memory_space<vmem>>, vector<16xf32>,
          %mul3A_604 = arith.mulf %get3A_603, %gather3A_593 : vector<16xf32>
          %swap3A_605 = arith.index_cast %add3A_591 : i32 to index
          %swap3A_606 = arith.constant 16 : index
          %swap3A_607 = tpu.vector_load %arg20[%swap3A_605, %swap3A_606] {strides = array<i32>} : memref<64x128xf32, #tpu.memory_space<vmem>>, vector<16xf32>,
          tpu.vector_store %arg20[%swap3A_605, %swap3A_606], %mul3A_604 {strides = array<i32>} : memref<64x128xf32, #tpu.memory_space<vmem>>, vector<16xf32>,
          %get3A_608 = arith.index_cast %add3A_591 : i32 to index
          %get3A_609 = arith.constant 32 : index
          %get3A_610 = tpu.vector_load %arg20[%get3A_608, %get3A_609] {strides = array<i32>} : memref<64x128xf32, #tpu.memory_space<vmem>>, vector<16xf32>,
          %mul3A_611 = arith.mulf %get3A_610, %gather3A_593 : vector<16xf32>
          %swap3A_612 = arith.index_cast %add3A_591 : i32 to index
          %swap3A_613 = arith.constant 32 : index
          %swap3A_614 = tpu.vector_load %arg20[%swap3A_612, %swap3A_613] {strides = array<i32>} : memref<64x128xf32, #tpu.memory_space<vmem>>, vector<16xf32>,
          tpu.vector_store %arg20[%swap3A_612, %swap3A_613], %mul3A_611 {strides = array<i32>} : memref<64x128xf32, #tpu.memory_space<vmem>>, vector<16xf32>,
          %get3A_615 = arith.index_cast %add3A_591 : i32 to index
          %get3A_616 = arith.constant 48 : index
          %get3A_617 = tpu.vector_load %arg20[%get3A_615, %get3A_616] {strides = array<i32>} : memref<64x128xf32, #tpu.memory_space<vmem>>, vector<16xf32>,
          %mul3A_618 = arith.mulf %get3A_617, %gather3A_593 : vector<16xf32>
          %swap3A_619 = arith.index_cast %add3A_591 : i32 to index
          %swap3A_620 = arith.constant 48 : index
          %swap3A_621 = tpu.vector_load %arg20[%swap3A_619, %swap3A_620] {strides = array<i32>} : memref<64x128xf32, #tpu.memory_space<vmem>>, vector<16xf32>,
          tpu.vector_store %arg20[%swap3A_619, %swap3A_620], %mul3A_618 {strides = array<i32>} : memref<64x128xf32, #tpu.memory_space<vmem>>, vector<16xf32>,
          %get3A_622 = arith.index_cast %add3A_591 : i32 to index
          %get3A_623 = arith.constant 64 : index
          %get3A_624 = tpu.vector_load %arg20[%get3A_622, %get3A_623] {strides = array<i32>} : memref<64x128xf32, #tpu.memory_space<vmem>>, vector<16xf32>,
          %mul3A_625 = arith.mulf %get3A_624, %gather3A_593 : vector<16xf32>
          %swap3A_626 = arith.index_cast %add3A_591 : i32 to index
          %swap3A_627 = arith.constant 64 : index
          %swap3A_628 = tpu.vector_load %arg20[%swap3A_626, %swap3A_627] {strides = array<i32>} : memref<64x128xf32, #tpu.memory_space<vmem>>, vector<16xf32>,
          tpu.vector_store %arg20[%swap3A_626, %swap3A_627], %mul3A_625 {strides = array<i32>} : memref<64x128xf32, #tpu.memory_space<vmem>>, vector<16xf32>,
          %get3A_629 = arith.index_cast %add3A_591 : i32 to index
          %get3A_630 = arith.constant 80 : index
          %get3A_631 = tpu.vector_load %arg20[%get3A_629, %get3A_630] {strides = array<i32>} : memref<64x128xf32, #tpu.memory_space<vmem>>, vector<16xf32>,
          %mul3A_632 = arith.mulf %get3A_631, %gather3A_593 : vector<16xf32>
          %swap3A_633 = arith.index_cast %add3A_591 : i32 to index
          %swap3A_634 = arith.constant 80 : index
          %swap3A_635 = tpu.vector_load %arg20[%swap3A_633, %swap3A_634] {strides = array<i32>} : memref<64x128xf32, #tpu.memory_space<vmem>>, vector<16xf32>,
          tpu.vector_store %arg20[%swap3A_633, %swap3A_634], %mul3A_632 {strides = array<i32>} : memref<64x128xf32, #tpu.memory_space<vmem>>, vector<16xf32>,
          %get3A_636 = arith.index_cast %add3A_591 : i32 to index
          %get3A_637 = arith.constant 96 : index
          %get3A_638 = tpu.vector_load %arg20[%get3A_636, %get3A_637] {strides = array<i32>} : memref<64x128xf32, #tpu.memory_space<vmem>>, vector<16xf32>,
          %mul3A_639 = arith.mulf %get3A_638, %gather3A_593 : vector<16xf32>
          %swap3A_640 = arith.index_cast %add3A_591 : i32 to index
          %swap3A_641 = arith.constant 96 : index
          %swap3A_642 = tpu.vector_load %arg20[%swap3A_640, %swap3A_641] {strides = array<i32>} : memref<64x128xf32, #tpu.memory_space<vmem>>, vector<16xf32>,
          tpu.vector_store %arg20[%swap3A_640, %swap3A_641], %mul3A_639 {strides = array<i32>} : memref<64x128xf32, #tpu.memory_space<vmem>>, vector<16xf32>,
          %get3A_643 = arith.index_cast %add3A_591 : i32 to index
          %get3A_644 = arith.constant 112 : index
          %get3A_645 = tpu.vector_load %arg20[%get3A_643, %get3A_644] {strides = array<i32>} : memref<64x128xf32, #tpu.memory_space<vmem>>, vector<16xf32>,
          %mul3A_646 = arith.mulf %get3A_645, %gather3A_593 : vector<16xf32>
          %swap3A_647 = arith.index_cast %add3A_591 : i32 to index
          %swap3A_648 = arith.constant 112 : index
          %swap3A_649 = tpu.vector_load %arg20[%swap3A_647, %swap3A_648] {strides = array<i32>} : memref<64x128xf32, #tpu.memory_space<vmem>>, vector<16xf32>,
          tpu.vector_store %arg20[%swap3A_647, %swap3A_648], %mul3A_646 {strides = array<i32>} : memref<64x128xf32, #tpu.memory_space<vmem>>, vector<16xf32>,
          %scan3A_650 = arith.constant 5 : i32
          %scan3A_651 = arith.addi %scan3A_331, %scan3A_650 : i32
          %mul3A_652 = arith.constant 1 : i32
          %mul3A_653 = arith.muli %scan3A_651, %mul3A_652 : i32
          %add3A_654 = arith.constant 0 : i32
          %add3A_655 = arith.addi %add3A_654, %mul3A_653 : i32
          %broadcast_in_dim3A_656 = vector.broadcast %add3A_655 : i32 to vector<16xi32>
          %gather3A_657 = tpu.vector_load_idx %arg18[%broadcast_in_dim3A_656] : memref<64xf32, #tpu.memory_space<vmem>>[vector<16xi32>], vector<16xf32>,
          %get3A_658 = arith.index_cast %add3A_655 : i32 to index
          %get3A_659 = arith.constant 0 : index
          %get3A_660 = tpu.vector_load %arg20[%get3A_658, %get3A_659] {strides = array<i32>} : memref<64x128xf32, #tpu.memory_space<vmem>>, vector<16xf32>,
          %mul3A_661 = arith.mulf %get3A_660, %gather3A_657 : vector<16xf32>
          %swap3A_662 = arith.index_cast %add3A_655 : i32 to index
          %swap3A_663 = arith.constant 0 : index
          %swap3A_664 = tpu.vector_load %arg20[%swap3A_662, %swap3A_663] {strides = array<i32>} : memref<64x128xf32, #tpu.memory_space<vmem>>, vector<16xf32>,
          tpu.vector_store %arg20[%swap3A_662, %swap3A_663], %mul3A_661 {strides = array<i32>} : memref<64x128xf32, #tpu.memory_space<vmem>>, vector<16xf32>,
          %get3A_665 = arith.index_cast %add3A_655 : i32 to index
          %get3A_666 = arith.constant 16 : index
          %get3A_667 = tpu.vector_load %arg20[%get3A_665, %get3A_666] {strides = array<i32>} : memref<64x128xf32, #tpu.memory_space<vmem>>, vector<16xf32>,
          %mul3A_668 = arith.mulf %get3A_667, %gather3A_657 : vector<16xf32>
          %swap3A_669 = arith.index_cast %add3A_655 : i32 to index
          %swap3A_670 = arith.constant 16 : index
          %swap3A_671 = tpu.vector_load %arg20[%swap3A_669, %swap3A_670] {strides = array<i32>} : memref<64x128xf32, #tpu.memory_space<vmem>>, vector<16xf32>,
          tpu.vector_store %arg20[%swap3A_669, %swap3A_670], %mul3A_668 {strides = array<i32>} : memref<64x128xf32, #tpu.memory_space<vmem>>, vector<16xf32>,
          %get3A_672 = arith.index_cast %add3A_655 : i32 to index
          %get3A_673 = arith.constant 32 : index
          %get3A_674 = tpu.vector_load %arg20[%get3A_672, %get3A_673] {strides = array<i32>} : memref<64x128xf32, #tpu.memory_space<vmem>>, vector<16xf32>,
          %mul3A_675 = arith.mulf %get3A_674, %gather3A_657 : vector<16xf32>
          %swap3A_676 = arith.index_cast %add3A_655 : i32 to index
          %swap3A_677 = arith.constant 32 : index
          %swap3A_678 = tpu.vector_load %arg20[%swap3A_676, %swap3A_677] {strides = array<i32>} : memref<64x128xf32, #tpu.memory_space<vmem>>, vector<16xf32>,
          tpu.vector_store %arg20[%swap3A_676, %swap3A_677], %mul3A_675 {strides = array<i32>} : memref<64x128xf32, #tpu.memory_space<vmem>>, vector<16xf32>,
          %get3A_679 = arith.index_cast %add3A_655 : i32 to index
          %get3A_680 = arith.constant 48 : index
          %get3A_681 = tpu.vector_load %arg20[%get3A_679, %get3A_680] {strides = array<i32>} : memref<64x128xf32, #tpu.memory_space<vmem>>, vector<16xf32>,
          %mul3A_682 = arith.mulf %get3A_681, %gather3A_657 : vector<16xf32>
          %swap3A_683 = arith.index_cast %add3A_655 : i32 to index
          %swap3A_684 = arith.constant 48 : index
          %swap3A_685 = tpu.vector_load %arg20[%swap3A_683, %swap3A_684] {strides = array<i32>} : memref<64x128xf32, #tpu.memory_space<vmem>>, vector<16xf32>,
          tpu.vector_store %arg20[%swap3A_683, %swap3A_684], %mul3A_682 {strides = array<i32>} : memref<64x128xf32, #tpu.memory_space<vmem>>, vector<16xf32>,
          %get3A_686 = arith.index_cast %add3A_655 : i32 to index
          %get3A_687 = arith.constant 64 : index
          %get3A_688 = tpu.vector_load %arg20[%get3A_686, %get3A_687] {strides = array<i32>} : memref<64x128xf32, #tpu.memory_space<vmem>>, vector<16xf32>,
          %mul3A_689 = arith.mulf %get3A_688, %gather3A_657 : vector<16xf32>
          %swap3A_690 = arith.index_cast %add3A_655 : i32 to index
          %swap3A_691 = arith.constant 64 : index
          %swap3A_692 = tpu.vector_load %arg20[%swap3A_690, %swap3A_691] {strides = array<i32>} : memref<64x128xf32, #tpu.memory_space<vmem>>, vector<16xf32>,
          tpu.vector_store %arg20[%swap3A_690, %swap3A_691], %mul3A_689 {strides = array<i32>} : memref<64x128xf32, #tpu.memory_space<vmem>>, vector<16xf32>,
          %get3A_693 = arith.index_cast %add3A_655 : i32 to index
          %get3A_694 = arith.constant 80 : index
          %get3A_695 = tpu.vector_load %arg20[%get3A_693, %get3A_694] {strides = array<i32>} : memref<64x128xf32, #tpu.memory_space<vmem>>, vector<16xf32>,
          %mul3A_696 = arith.mulf %get3A_695, %gather3A_657 : vector<16xf32>
          %swap3A_697 = arith.index_cast %add3A_655 : i32 to index
          %swap3A_698 = arith.constant 80 : index
          %swap3A_699 = tpu.vector_load %arg20[%swap3A_697, %swap3A_698] {strides = array<i32>} : memref<64x128xf32, #tpu.memory_space<vmem>>, vector<16xf32>,
          tpu.vector_store %arg20[%swap3A_697, %swap3A_698], %mul3A_696 {strides = array<i32>} : memref<64x128xf32, #tpu.memory_space<vmem>>, vector<16xf32>,
          %get3A_700 = arith.index_cast %add3A_655 : i32 to index
          %get3A_701 = arith.constant 96 : index
          %get3A_702 = tpu.vector_load %arg20[%get3A_700, %get3A_701] {strides = array<i32>} : memref<64x128xf32, #tpu.memory_space<vmem>>, vector<16xf32>,
          %mul3A_703 = arith.mulf %get3A_702, %gather3A_657 : vector<16xf32>
          %swap3A_704 = arith.index_cast %add3A_655 : i32 to index
          %swap3A_705 = arith.constant 96 : index
          %swap3A_706 = tpu.vector_load %arg20[%swap3A_704, %swap3A_705] {strides = array<i32>} : memref<64x128xf32, #tpu.memory_space<vmem>>, vector<16xf32>,
          tpu.vector_store %arg20[%swap3A_704, %swap3A_705], %mul3A_703 {strides = array<i32>} : memref<64x128xf32, #tpu.memory_space<vmem>>, vector<16xf32>,
          %get3A_707 = arith.index_cast %add3A_655 : i32 to index
          %get3A_708 = arith.constant 112 : index
          %get3A_709 = tpu.vector_load %arg20[%get3A_707, %get3A_708] {strides = array<i32>} : memref<64x128xf32, #tpu.memory_space<vmem>>, vector<16xf32>,
          %mul3A_710 = arith.mulf %get3A_709, %gather3A_657 : vector<16xf32>
          %swap3A_711 = arith.index_cast %add3A_655 : i32 to index
          %swap3A_712 = arith.constant 112 : index
          %swap3A_713 = tpu.vector_load %arg20[%swap3A_711, %swap3A_712] {strides = array<i32>} : memref<64x128xf32, #tpu.memory_space<vmem>>, vector<16xf32>,
          tpu.vector_store %arg20[%swap3A_711, %swap3A_712], %mul3A_710 {strides = array<i32>} : memref<64x128xf32, #tpu.memory_space<vmem>>, vector<16xf32>,
          %scan3A_714 = arith.constant 6 : i32
          %scan3A_715 = arith.addi %scan3A_331, %scan3A_714 : i32
          %mul3A_716 = arith.constant 1 : i32
          %mul3A_717 = arith.muli %scan3A_715, %mul3A_716 : i32
          %add3A_718 = arith.constant 0 : i32
          %add3A_719 = arith.addi %add3A_718, %mul3A_717 : i32
          %broadcast_in_dim3A_720 = vector.broadcast %add3A_719 : i32 to vector<16xi32>
          %gather3A_721 = tpu.vector_load_idx %arg18[%broadcast_in_dim3A_720] : memref<64xf32, #tpu.memory_space<vmem>>[vector<16xi32>], vector<16xf32>,
          %get3A_722 = arith.index_cast %add3A_719 : i32 to index
          %get3A_723 = arith.constant 0 : index
          %get3A_724 = tpu.vector_load %arg20[%get3A_722, %get3A_723] {strides = array<i32>} : memref<64x128xf32, #tpu.memory_space<vmem>>, vector<16xf32>,
          %mul3A_725 = arith.mulf %get3A_724, %gather3A_721 : vector<16xf32>
          %swap3A_726 = arith.index_cast %add3A_719 : i32 to index
          %swap3A_727 = arith.constant 0 : index
          %swap3A_728 = tpu.vector_load %arg20[%swap3A_726, %swap3A_727] {strides = array<i32>} : memref<64x128xf32, #tpu.memory_space<vmem>>, vector<16xf32>,
          tpu.vector_store %arg20[%swap3A_726, %swap3A_727], %mul3A_725 {strides = array<i32>} : memref<64x128xf32, #tpu.memory_space<vmem>>, vector<16xf32>,
          %get3A_729 = arith.index_cast %add3A_719 : i32 to index
          %get3A_730 = arith.constant 16 : index
          %get3A_731 = tpu.vector_load %arg20[%get3A_729, %get3A_730] {strides = array<i32>} : memref<64x128xf32, #tpu.memory_space<vmem>>, vector<16xf32>,
          %mul3A_732 = arith.mulf %get3A_731, %gather3A_721 : vector<16xf32>
          %swap3A_733 = arith.index_cast %add3A_719 : i32 to index
          %swap3A_734 = arith.constant 16 : index
          %swap3A_735 = tpu.vector_load %arg20[%swap3A_733, %swap3A_734] {strides = array<i32>} : memref<64x128xf32, #tpu.memory_space<vmem>>, vector<16xf32>,
          tpu.vector_store %arg20[%swap3A_733, %swap3A_734], %mul3A_732 {strides = array<i32>} : memref<64x128xf32, #tpu.memory_space<vmem>>, vector<16xf32>,
          %get3A_736 = arith.index_cast %add3A_719 : i32 to index
          %get3A_737 = arith.constant 32 : index
          %get3A_738 = tpu.vector_load %arg20[%get3A_736, %get3A_737] {strides = array<i32>} : memref<64x128xf32, #tpu.memory_space<vmem>>, vector<16xf32>,
          %mul3A_739 = arith.mulf %get3A_738, %gather3A_721 : vector<16xf32>
          %swap3A_740 = arith.index_cast %add3A_719 : i32 to index
          %swap3A_741 = arith.constant 32 : index
          %swap3A_742 = tpu.vector_load %arg20[%swap3A_740, %swap3A_741] {strides = array<i32>} : memref<64x128xf32, #tpu.memory_space<vmem>>, vector<16xf32>,
          tpu.vector_store %arg20[%swap3A_740, %swap3A_741], %mul3A_739 {strides = array<i32>} : memref<64x128xf32, #tpu.memory_space<vmem>>, vector<16xf32>,
          %get3A_743 = arith.index_cast %add3A_719 : i32 to index
          %get3A_744 = arith.constant 48 : index
          %get3A_745 = tpu.vector_load %arg20[%get3A_743, %get3A_744] {strides = array<i32>} : memref<64x128xf32, #tpu.memory_space<vmem>>, vector<16xf32>,
          %mul3A_746 = arith.mulf %get3A_745, %gather3A_721 : vector<16xf32>
          %swap3A_747 = arith.index_cast %add3A_719 : i32 to index
          %swap3A_748 = arith.constant 48 : index
          %swap3A_749 = tpu.vector_load %arg20[%swap3A_747, %swap3A_748] {strides = array<i32>} : memref<64x128xf32, #tpu.memory_space<vmem>>, vector<16xf32>,
          tpu.vector_store %arg20[%swap3A_747, %swap3A_748], %mul3A_746 {strides = array<i32>} : memref<64x128xf32, #tpu.memory_space<vmem>>, vector<16xf32>,
          %get3A_750 = arith.index_cast %add3A_719 : i32 to index
          %get3A_751 = arith.constant 64 : index
          %get3A_752 = tpu.vector_load %arg20[%get3A_750, %get3A_751] {strides = array<i32>} : memref<64x128xf32, #tpu.memory_space<vmem>>, vector<16xf32>,
          %mul3A_753 = arith.mulf %get3A_752, %gather3A_721 : vector<16xf32>
          %swap3A_754 = arith.index_cast %add3A_719 : i32 to index
          %swap3A_755 = arith.constant 64 : index
          %swap3A_756 = tpu.vector_load %arg20[%swap3A_754, %swap3A_755] {strides = array<i32>} : memref<64x128xf32, #tpu.memory_space<vmem>>, vector<16xf32>,
          tpu.vector_store %arg20[%swap3A_754, %swap3A_755], %mul3A_753 {strides = array<i32>} : memref<64x128xf32, #tpu.memory_space<vmem>>, vector<16xf32>,
          %get3A_757 = arith.index_cast %add3A_719 : i32 to index
          %get3A_758 = arith.constant 80 : index
          %get3A_759 = tpu.vector_load %arg20[%get3A_757, %get3A_758] {strides = array<i32>} : memref<64x128xf32, #tpu.memory_space<vmem>>, vector<16xf32>,
          %mul3A_760 = arith.mulf %get3A_759, %gather3A_721 : vector<16xf32>
          %swap3A_761 = arith.index_cast %add3A_719 : i32 to index
          %swap3A_762 = arith.constant 80 : index
          %swap3A_763 = tpu.vector_load %arg20[%swap3A_761, %swap3A_762] {strides = array<i32>} : memref<64x128xf32, #tpu.memory_space<vmem>>, vector<16xf32>,
          tpu.vector_store %arg20[%swap3A_761, %swap3A_762], %mul3A_760 {strides = array<i32>} : memref<64x128xf32, #tpu.memory_space<vmem>>, vector<16xf32>,
          %get3A_764 = arith.index_cast %add3A_719 : i32 to index
          %get3A_765 = arith.constant 96 : index
          %get3A_766 = tpu.vector_load %arg20[%get3A_764, %get3A_765] {strides = array<i32>} : memref<64x128xf32, #tpu.memory_space<vmem>>, vector<16xf32>,
          %mul3A_767 = arith.mulf %get3A_766, %gather3A_721 : vector<16xf32>
          %swap3A_768 = arith.index_cast %add3A_719 : i32 to index
          %swap3A_769 = arith.constant 96 : index
          %swap3A_770 = tpu.vector_load %arg20[%swap3A_768, %swap3A_769] {strides = array<i32>} : memref<64x128xf32, #tpu.memory_space<vmem>>, vector<16xf32>,
          tpu.vector_store %arg20[%swap3A_768, %swap3A_769], %mul3A_767 {strides = array<i32>} : memref<64x128xf32, #tpu.memory_space<vmem>>, vector<16xf32>,
          %get3A_771 = arith.index_cast %add3A_719 : i32 to index
          %get3A_772 = arith.constant 112 : index
          %get3A_773 = tpu.vector_load %arg20[%get3A_771, %get3A_772] {strides = array<i32>} : memref<64x128xf32, #tpu.memory_space<vmem>>, vector<16xf32>,
          %mul3A_774 = arith.mulf %get3A_773, %gather3A_721 : vector<16xf32>
          %swap3A_775 = arith.index_cast %add3A_719 : i32 to index
          %swap3A_776 = arith.constant 112 : index
          %swap3A_777 = tpu.vector_load %arg20[%swap3A_775, %swap3A_776] {strides = array<i32>} : memref<64x128xf32, #tpu.memory_space<vmem>>, vector<16xf32>,
          tpu.vector_store %arg20[%swap3A_775, %swap3A_776], %mul3A_774 {strides = array<i32>} : memref<64x128xf32, #tpu.memory_space<vmem>>, vector<16xf32>,
          %scan3A_778 = arith.constant 7 : i32
          %scan3A_779 = arith.addi %scan3A_331, %scan3A_778 : i32
          %mul3A_780 = arith.constant 1 : i32
          %mul3A_781 = arith.muli %scan3A_779, %mul3A_780 : i32
          %add3A_782 = arith.constant 0 : i32
          %add3A_783 = arith.addi %add3A_782, %mul3A_781 : i32
          %broadcast_in_dim3A_784 = vector.broadcast %add3A_783 : i32 to vector<16xi32>
          %gather3A_785 = tpu.vector_load_idx %arg18[%broadcast_in_dim3A_784] : memref<64xf32, #tpu.memory_space<vmem>>[vector<16xi32>], vector<16xf32>,
          %get3A_786 = arith.index_cast %add3A_783 : i32 to index
          %get3A_787 = arith.constant 0 : index
          %get3A_788 = tpu.vector_load %arg20[%get3A_786, %get3A_787] {strides = array<i32>} : memref<64x128xf32, #tpu.memory_space<vmem>>, vector<16xf32>,
          %mul3A_789 = arith.mulf %get3A_788, %gather3A_785 : vector<16xf32>
          %swap3A_790 = arith.index_cast %add3A_783 : i32 to index
          %swap3A_791 = arith.constant 0 : index
          %swap3A_792 = tpu.vector_load %arg20[%swap3A_790, %swap3A_791] {strides = array<i32>} : memref<64x128xf32, #tpu.memory_space<vmem>>, vector<16xf32>,
          tpu.vector_store %arg20[%swap3A_790, %swap3A_791], %mul3A_789 {strides = array<i32>} : memref<64x128xf32, #tpu.memory_space<vmem>>, vector<16xf32>,
          %get3A_793 = arith.index_cast %add3A_783 : i32 to index
          %get3A_794 = arith.constant 16 : index
          %get3A_795 = tpu.vector_load %arg20[%get3A_793, %get3A_794] {strides = array<i32>} : memref<64x128xf32, #tpu.memory_space<vmem>>, vector<16xf32>,
          %mul3A_796 = arith.mulf %get3A_795, %gather3A_785 : vector<16xf32>
          %swap3A_797 = arith.index_cast %add3A_783 : i32 to index
          %swap3A_798 = arith.constant 16 : index
          %swap3A_799 = tpu.vector_load %arg20[%swap3A_797, %swap3A_798] {strides = array<i32>} : memref<64x128xf32, #tpu.memory_space<vmem>>, vector<16xf32>,
          tpu.vector_store %arg20[%swap3A_797, %swap3A_798], %mul3A_796 {strides = array<i32>} : memref<64x128xf32, #tpu.memory_space<vmem>>, vector<16xf32>,
          %get3A_800 = arith.index_cast %add3A_783 : i32 to index
          %get3A_801 = arith.constant 32 : index
          %get3A_802 = tpu.vector_load %arg20[%get3A_800, %get3A_801] {strides = array<i32>} : memref<64x128xf32, #tpu.memory_space<vmem>>, vector<16xf32>,
          %mul3A_803 = arith.mulf %get3A_802, %gather3A_785 : vector<16xf32>
          %swap3A_804 = arith.index_cast %add3A_783 : i32 to index
          %swap3A_805 = arith.constant 32 : index
          %swap3A_806 = tpu.vector_load %arg20[%swap3A_804, %swap3A_805] {strides = array<i32>} : memref<64x128xf32, #tpu.memory_space<vmem>>, vector<16xf32>,
          tpu.vector_store %arg20[%swap3A_804, %swap3A_805], %mul3A_803 {strides = array<i32>} : memref<64x128xf32, #tpu.memory_space<vmem>>, vector<16xf32>,
          %get3A_807 = arith.index_cast %add3A_783 : i32 to index
          %get3A_808 = arith.constant 48 : index
          %get3A_809 = tpu.vector_load %arg20[%get3A_807, %get3A_808] {strides = array<i32>} : memref<64x128xf32, #tpu.memory_space<vmem>>, vector<16xf32>,
          %mul3A_810 = arith.mulf %get3A_809, %gather3A_785 : vector<16xf32>
          %swap3A_811 = arith.index_cast %add3A_783 : i32 to index
          %swap3A_812 = arith.constant 48 : index
          %swap3A_813 = tpu.vector_load %arg20[%swap3A_811, %swap3A_812] {strides = array<i32>} : memref<64x128xf32, #tpu.memory_space<vmem>>, vector<16xf32>,
          tpu.vector_store %arg20[%swap3A_811, %swap3A_812], %mul3A_810 {strides = array<i32>} : memref<64x128xf32, #tpu.memory_space<vmem>>, vector<16xf32>,
          %get3A_814 = arith.index_cast %add3A_783 : i32 to index
          %get3A_815 = arith.constant 64 : index
          %get3A_816 = tpu.vector_load %arg20[%get3A_814, %get3A_815] {strides = array<i32>} : memref<64x128xf32, #tpu.memory_space<vmem>>, vector<16xf32>,
          %mul3A_817 = arith.mulf %get3A_816, %gather3A_785 : vector<16xf32>
          %swap3A_818 = arith.index_cast %add3A_783 : i32 to index
          %swap3A_819 = arith.constant 64 : index
          %swap3A_820 = tpu.vector_load %arg20[%swap3A_818, %swap3A_819] {strides = array<i32>} : memref<64x128xf32, #tpu.memory_space<vmem>>, vector<16xf32>,
          tpu.vector_store %arg20[%swap3A_818, %swap3A_819], %mul3A_817 {strides = array<i32>} : memref<64x128xf32, #tpu.memory_space<vmem>>, vector<16xf32>,
          %get3A_821 = arith.index_cast %add3A_783 : i32 to index
          %get3A_822 = arith.constant 80 : index
          %get3A_823 = tpu.vector_load %arg20[%get3A_821, %get3A_822] {strides = array<i32>} : memref<64x128xf32, #tpu.memory_space<vmem>>, vector<16xf32>,
          %mul3A_824 = arith.mulf %get3A_823, %gather3A_785 : vector<16xf32>
          %swap3A_825 = arith.index_cast %add3A_783 : i32 to index
          %swap3A_826 = arith.constant 80 : index
          %swap3A_827 = tpu.vector_load %arg20[%swap3A_825, %swap3A_826] {strides = array<i32>} : memref<64x128xf32, #tpu.memory_space<vmem>>, vector<16xf32>,
          tpu.vector_store %arg20[%swap3A_825, %swap3A_826], %mul3A_824 {strides = array<i32>} : memref<64x128xf32, #tpu.memory_space<vmem>>, vector<16xf32>,
          %get3A_828 = arith.index_cast %add3A_783 : i32 to index
          %get3A_829 = arith.constant 96 : index
          %get3A_830 = tpu.vector_load %arg20[%get3A_828, %get3A_829] {strides = array<i32>} : memref<64x128xf32, #tpu.memory_space<vmem>>, vector<16xf32>,
          %mul3A_831 = arith.mulf %get3A_830, %gather3A_785 : vector<16xf32>
          %swap3A_832 = arith.index_cast %add3A_783 : i32 to index
          %swap3A_833 = arith.constant 96 : index
          %swap3A_834 = tpu.vector_load %arg20[%swap3A_832, %swap3A_833] {strides = array<i32>} : memref<64x128xf32, #tpu.memory_space<vmem>>, vector<16xf32>,
          tpu.vector_store %arg20[%swap3A_832, %swap3A_833], %mul3A_831 {strides = array<i32>} : memref<64x128xf32, #tpu.memory_space<vmem>>, vector<16xf32>,
          %get3A_835 = arith.index_cast %add3A_783 : i32 to index
          %get3A_836 = arith.constant 112 : index
          %get3A_837 = tpu.vector_load %arg20[%get3A_835, %get3A_836] {strides = array<i32>} : memref<64x128xf32, #tpu.memory_space<vmem>>, vector<16xf32>,
          %mul3A_838 = arith.mulf %get3A_837, %gather3A_785 : vector<16xf32>
          %swap3A_839 = arith.index_cast %add3A_783 : i32 to index
          %swap3A_840 = arith.constant 112 : index
          %swap3A_841 = tpu.vector_load %arg20[%swap3A_839, %swap3A_840] {strides = array<i32>} : memref<64x128xf32, #tpu.memory_space<vmem>>, vector<16xf32>,
          tpu.vector_store %arg20[%swap3A_839, %swap3A_840], %mul3A_838 {strides = array<i32>} : memref<64x128xf32, #tpu.memory_space<vmem>>, vector<16xf32>,
        }
        %scan3A_327 = arith.constant 64 : i32
        %dma_start3A_328 = arith.constant 0 : i32
        %dma_start3A_329 = arith.constant 0 : i32
        %dma_start3A_330 = tpu.memref_slice %arg9[%dma_start3A_328, %dma_start3A_329] : memref<10240x128xf32, #tpu.memory_space<vmem_shared>> -> memref<10240x128xf32, #tpu.memory_space<vmem_shared>>
        tpu.enqueue_indirect_dma source(%arg20 : memref<64x128xf32, #tpu.memory_space<vmem>>) target(%dma_start3A_330 : memref<10240x128xf32, #tpu.memory_space<vmem_shared>>) offsets(%arg17 : memref<64xi32, #tpu.memory_space<vmem>>) semaphore(%arg22 : memref<!tpu.dma_semaphore, #tpu.memory_space<semaphore_mem>>) {add = true}
      }
      %scan3A_47 = arith.constant 6 : i32
    }
    %scan3A_22 = arith.constant 27 : i32
    %dma_wait3A = arith.constant 0 : i32
    %dma_wait3A_23 = arith.constant 0 : i32
    %dma_wait3A_24 = tpu.memref_slice %arg9[%dma_wait3A, %dma_wait3A_23] : memref<10240x128xf32, #tpu.memory_space<vmem_shared>> -> memref<10240x128xf32, #tpu.memory_space<vmem_shared>>
    tpu.wait_indirect_dma semaphore(%arg22 : memref<!tpu.dma_semaphore, #tpu.memory_space<semaphore_mem>>) src(%arg19 : memref<64x128xf32, #tpu.memory_space<vmem>>) dst(%dma_wait3A_24 : memref<10240x128xf32, #tpu.memory_space<vmem_shared>>)
    %dma_wait3A_25 = arith.constant 0 : i32
    %dma_wait3A_26 = arith.constant 0 : i32
    %dma_wait3A_27 = tpu.memref_slice %arg9[%dma_wait3A_25, %dma_wait3A_26] : memref<10240x128xf32, #tpu.memory_space<vmem_shared>> -> memref<10240x128xf32, #tpu.memory_space<vmem_shared>>
    tpu.wait_indirect_dma semaphore(%arg22 : memref<!tpu.dma_semaphore, #tpu.memory_space<semaphore_mem>>) src(%arg20 : memref<64x128xf32, #tpu.memory_space<vmem>>) dst(%dma_wait3A_27 : memref<10240x128xf32, #tpu.memory_space<vmem_shared>>)
    %barrier3A_28 = arith.constant 0 : index
    tpu.barrier barrier_id(%barrier3A_28)
    %scan3A_29 = arith.constant 0 : i32
    %scan3A_30 = arith.constant 10 : i32
    %scan3A_31 = arith.addi %scan3A_29, %scan3A_30 : i32
    %scan3A_32 = arith.constant 1 : i32
    scf.for %scan3A_34 = %scan3A_29 to %scan3A_31 step %scan3A_32  : i32 {
      %mul3A_35 = arith.constant 1 : i32
      %mul3A_36 = arith.muli %scan3A_34, %mul3A_35 : i32
      %add3A_37 = arith.constant 0 : i32
      %add3A_38 = arith.addi %add3A_37, %mul3A_36 : i32
      %mul3A_39 = arith.constant 640 : i32
      %mul3A_40 = arith.muli %arg1, %mul3A_39 : i32
      %mul3A_41 = arith.constant 64 : i32
      %mul3A_42 = arith.muli %add3A_38, %mul3A_41 : i32
      %add3A_43 = arith.addi %mul3A_40, %mul3A_42 : i32
      "tpu.region"() ({
        %run_scoped3A = tpu.sem_alloc : memref<!tpu.dma_semaphore, #tpu.memory_space<semaphore_mem>>
        %dma_start3A = arith.constant 0 : i32
        %dma_start3A_45 = tpu.memref_slice %arg9[%add3A_43, %dma_start3A] : memref<10240x128xf32, #tpu.memory_space<vmem_shared>> -> memref<64x128xf32, #tpu.memory_space<vmem_shared>>
        %dma_start3A_46 = arith.constant 0 : i32
        %dma_start3A_47 = tpu.memref_slice %arg9[%add3A_43, %dma_start3A_46] : memref<10240x128xf32, #tpu.memory_space<vmem_shared>> -> memref<64x128xf32, #tpu.memory_space<vmem_shared>>
        tpu.enqueue_dma source(%dma_start3A_47 : memref<64x128xf32, #tpu.memory_space<vmem_shared>>) target(%arg19 : memref<64x128xf32, #tpu.memory_space<vmem>>) target_semaphore(%run_scoped3A : memref<!tpu.dma_semaphore, #tpu.memory_space<semaphore_mem>>)
        %dma_wait3A_48 = arith.constant 0 : i32
        %dma_wait3A_49 = tpu.memref_slice %arg9[%add3A_43, %dma_wait3A_48] : memref<10240x128xf32, #tpu.memory_space<vmem_shared>> -> memref<64x128xf32, #tpu.memory_space<vmem_shared>>
        %dma_wait3A_50 = arith.constant 0 : i32
        %dma_wait3A_51 = tpu.memref_slice %arg9[%add3A_43, %dma_wait3A_50] : memref<10240x128xf32, #tpu.memory_space<vmem_shared>> -> memref<64x128xf32, #tpu.memory_space<vmem_shared>>
        tpu.wait_dma2 semaphore(%run_scoped3A : memref<!tpu.dma_semaphore, #tpu.memory_space<semaphore_mem>>) src(%dma_wait3A_51 : memref<64x128xf32, #tpu.memory_space<vmem_shared>>) dst(%arg19 : memref<64x128xf32, #tpu.memory_space<vmem>>)
        tpu.yield
      }) : () -> ()
      %add3A_44 = arith.addi %mul3A_2, %add3A_43 : i32
      "tpu.region"() ({
        %run_scoped3A = tpu.sem_alloc : memref<!tpu.dma_semaphore, #tpu.memory_space<semaphore_mem>>
        %dma_start3A = arith.constant 0 : i32
        %dma_start3A_45 = tpu.memref_slice %arg7[%add3A_44, %dma_start3A] : memref<20480x128xf32, #tpu.memory_space<hbm>> -> memref<64x128xf32, #tpu.memory_space<hbm>>
        %dma_start3A_46 = arith.constant 0 : i32
        %dma_start3A_47 = tpu.memref_slice %arg7[%add3A_44, %dma_start3A_46] : memref<20480x128xf32, #tpu.memory_space<hbm>> -> memref<64x128xf32, #tpu.memory_space<hbm>>
        tpu.enqueue_dma source(%arg19 : memref<64x128xf32, #tpu.memory_space<vmem>>) target(%dma_start3A_47 : memref<64x128xf32, #tpu.memory_space<hbm>>) target_semaphore(%run_scoped3A : memref<!tpu.dma_semaphore, #tpu.memory_space<semaphore_mem>>)
        %dma_wait3A_48 = arith.constant 0 : i32
        %dma_wait3A_49 = tpu.memref_slice %arg7[%add3A_44, %dma_wait3A_48] : memref<20480x128xf32, #tpu.memory_space<hbm>> -> memref<64x128xf32, #tpu.memory_space<hbm>>
        %dma_wait3A_50 = arith.constant 0 : i32
        %dma_wait3A_51 = tpu.memref_slice %arg7[%add3A_44, %dma_wait3A_50] : memref<20480x128xf32, #tpu.memory_space<hbm>> -> memref<64x128xf32, #tpu.memory_space<hbm>>
        tpu.wait_dma2 semaphore(%run_scoped3A : memref<!tpu.dma_semaphore, #tpu.memory_space<semaphore_mem>>) src(%arg19 : memref<64x128xf32, #tpu.memory_space<vmem>>) dst(%dma_wait3A_51 : memref<64x128xf32, #tpu.memory_space<hbm>>)
        tpu.yield
      }) : () -> ()
    }
    %scan3A_33 = arith.constant 10 : i32
    "tpu.region"() ({
      %run_scoped3A = tpu.sem_alloc : memref<!tpu.dma_semaphore, #tpu.memory_space<semaphore_mem>>
      %dma_start3A = arith.constant 0 : i32
      %dma_start3A_34 = tpu.memref_slice %arg8[%add3A, %dma_start3A] : memref<32x10240xf32, #tpu.memory_space<hbm>> -> memref<1x10240xf32, #tpu.memory_space<hbm>>
      %dma_start3A_35 = tpu.memref_squeeze %dma_start3A_34 : memref<1x10240xf32, #tpu.memory_space<hbm>> -> memref<10240xf32, #tpu.memory_space<hbm>>
      %dma_start3A_36 = arith.constant 0 : i32
      %dma_start3A_37 = tpu.memref_slice %arg8[%add3A, %dma_start3A_36] : memref<32x10240xf32, #tpu.memory_space<hbm>> -> memref<1x10240xf32, #tpu.memory_space<hbm>>
      %dma_start3A_38 = tpu.memref_squeeze %dma_start3A_37 : memref<1x10240xf32, #tpu.memory_space<hbm>> -> memref<10240xf32, #tpu.memory_space<hbm>>
      tpu.enqueue_dma source(%arg12 : memref<10240xf32, #tpu.memory_space<vmem>>) target(%dma_start3A_38 : memref<10240xf32, #tpu.memory_space<hbm>>) target_semaphore(%run_scoped3A : memref<!tpu.dma_semaphore, #tpu.memory_space<semaphore_mem>>)
      %dma_wait3A_39 = arith.constant 0 : i32
      %dma_wait3A_40 = tpu.memref_slice %arg8[%add3A, %dma_wait3A_39] : memref<32x10240xf32, #tpu.memory_space<hbm>> -> memref<1x10240xf32, #tpu.memory_space<hbm>>
      %dma_wait3A_41 = tpu.memref_squeeze %dma_wait3A_40 : memref<1x10240xf32, #tpu.memory_space<hbm>> -> memref<10240xf32, #tpu.memory_space<hbm>>
      %dma_wait3A_42 = arith.constant 0 : i32
      %dma_wait3A_43 = tpu.memref_slice %arg8[%add3A, %dma_wait3A_42] : memref<32x10240xf32, #tpu.memory_space<hbm>> -> memref<1x10240xf32, #tpu.memory_space<hbm>>
      %dma_wait3A_44 = tpu.memref_squeeze %dma_wait3A_43 : memref<1x10240xf32, #tpu.memory_space<hbm>> -> memref<10240xf32, #tpu.memory_space<hbm>>
      tpu.wait_dma2 semaphore(%run_scoped3A : memref<!tpu.dma_semaphore, #tpu.memory_space<semaphore_mem>>) src(%arg12 : memref<10240xf32, #tpu.memory_space<vmem>>) dst(%dma_wait3A_44 : memref<10240xf32, #tpu.memory_space<hbm>>)
      tpu.yield
    }) : () -> ()
    return
  }
}

module attributes {stable_mosaic.version = 14 : i64} {
  func.func @_t1_body(%arg0: i32, %arg1: memref<1024x128xf32, #tpu.memory_space<vmem>>, %arg2: memref<128x256xf32, #tpu.memory_space<vmem>>, %arg3: memref<256x8xf32, #tpu.memory_space<vmem>>, %arg4: memref<2x1024x128xf32, #tpu.memory_space<vmem>>, %arg5: memref<1024x8xf32, #tpu.memory_space<vmem>>) attributes {dimension_semantics = [#tpu.dimension_semantics<arbitrary>], iteration_bounds = array<i64: 10>, scalar_prefetch = 0 : i64, scratch_operands = 0 : i64, tpu.core_type = #tpu.core_type<tc>, window_params = [{transform_indices = @transform_0, window_bounds = array<i64: 1024, 128>}, {pipeline_mode = #tpu.pipeline_mode<synchronous>, transform_indices = @transform_1, window_bounds = array<i64: 128, 256>}, {pipeline_mode = #tpu.pipeline_mode<synchronous>, transform_indices = @transform_2, window_bounds = array<i64: 256, 8>}, {transform_indices = @transform_3, window_bounds = array<i64: 2, 1024, 128>}, {transform_indices = @transform_4, window_bounds = array<i64: 1024, 8>}]} {
    %get3A = arith.constant 0 : index
    %get3A_0 = arith.constant 0 : index
    %get3A_1 = vector.load %arg1[%get3A, %get3A_0] : memref<1024x128xf32, #tpu.memory_space<vmem>>, vector<1024x128xf32>
    %get3A_2 = arith.constant 0 : index
    %get3A_3 = arith.constant 0 : index
    %get3A_4 = vector.load %arg2[%get3A_2, %get3A_3] : memref<128x256xf32, #tpu.memory_space<vmem>>, vector<128x256xf32>
    %dot_general3A = arith.constant dense<0.000000e+00> : vector<1024x256xf32>
    %dot_general3A_5 = tpu.matmul %get3A_1, %get3A_4, %dot_general3A {dimension_numbers = #tpu.dot_dimension_numbers<[1], [0], [0], [1], [0, 0, 1, 1], [], []>, transpose_lhs_hint = false} : vector<1024x128xf32>, vector<128x256xf32>, vector<1024x256xf32> -> vector<1024x256xf32>
    %slice3A = vector.extract_strided_slice %dot_general3A_5 {offsets = [0, 0], sizes = [1024, 128], strides = [1, 1]} : vector<1024x256xf32> to vector<1024x128xf32>
    %swap3A = arith.constant 0 : index
    %swap3A_6 = arith.constant 0 : index
    %swap3A_7 = arith.constant 0 : index
    %swap3A_8 = vector.load %arg4[%swap3A, %swap3A_6, %swap3A_7] : memref<2x1024x128xf32, #tpu.memory_space<vmem>>, vector<1x1024x128xf32>
    %swap3A_9 = vector.shape_cast %swap3A_8 : vector<1x1024x128xf32> to vector<1024x128xf32>
    %swap3A_10 = vector.shape_cast %slice3A : vector<1024x128xf32> to vector<1x1024x128xf32>
    tpu.vector_store %arg4[%swap3A, %swap3A_6, %swap3A_7], %swap3A_10 {strides = array<i32>} : memref<2x1024x128xf32, #tpu.memory_space<vmem>>, vector<1x1024x128xf32>,
    %slice3A_11 = vector.extract_strided_slice %dot_general3A_5 {offsets = [0, 128], sizes = [1024, 128], strides = [1, 1]} : vector<1024x256xf32> to vector<1024x128xf32>
    %swap3A_12 = arith.constant 1 : index
    %swap3A_13 = arith.constant 0 : index
    %swap3A_14 = arith.constant 0 : index
    %swap3A_15 = vector.load %arg4[%swap3A_12, %swap3A_13, %swap3A_14] : memref<2x1024x128xf32, #tpu.memory_space<vmem>>, vector<1x1024x128xf32>
    %swap3A_16 = vector.shape_cast %swap3A_15 : vector<1x1024x128xf32> to vector<1024x128xf32>
    %swap3A_17 = vector.shape_cast %slice3A_11 : vector<1024x128xf32> to vector<1x1024x128xf32>
    tpu.vector_store %arg4[%swap3A_12, %swap3A_13, %swap3A_14], %swap3A_17 {strides = array<i32>} : memref<2x1024x128xf32, #tpu.memory_space<vmem>>, vector<1x1024x128xf32>,
    %get3A_18 = arith.constant 0 : index
    %get3A_19 = arith.constant 0 : index
    %get3A_20 = vector.load %arg3[%get3A_18, %get3A_19] : memref<256x8xf32, #tpu.memory_space<vmem>>, vector<256x8xf32>
    %dot_general3A_21 = arith.constant dense<0.000000e+00> : vector<1024x8xf32>
    %dot_general3A_22 = tpu.matmul %dot_general3A_5, %get3A_20, %dot_general3A_21 {dimension_numbers = #tpu.dot_dimension_numbers<[1], [0], [0], [1], [0, 0, 1, 1], [], []>, transpose_lhs_hint = false} : vector<1024x256xf32>, vector<256x8xf32>, vector<1024x8xf32> -> vector<1024x8xf32>
    %swap3A_23 = arith.constant 0 : index
    %swap3A_24 = arith.constant 0 : index
    %swap3A_25 = vector.load %arg5[%swap3A_23, %swap3A_24] : memref<1024x8xf32, #tpu.memory_space<vmem>>, vector<1024x8xf32>
    tpu.vector_store %arg5[%swap3A_23, %swap3A_24], %dot_general3A_22 {strides = array<i32>} : memref<1024x8xf32, #tpu.memory_space<vmem>>, vector<1024x8xf32>,
    return
  }
  func.func @transform_0(%arg0: i32) -> (i32, i32) {
    %c0_i32 = arith.constant 0 : i32
    %c0_i32_0 = arith.constant 0 : i32
    return %arg0, %c0_i32 : i32, i32
  }
  func.func @transform_1(%arg0: i32) -> (i32, i32) {
    %c0_i32 = arith.constant 0 : i32
    %c0_i32_0 = arith.constant 0 : i32
    %c0_i32_1 = arith.constant 0 : i32
    return %c0_i32, %c0_i32_0 : i32, i32
  }
  func.func @transform_2(%arg0: i32) -> (i32, i32) {
    %c0_i32 = arith.constant 0 : i32
    %c0_i32_0 = arith.constant 0 : i32
    %c0_i32_1 = arith.constant 0 : i32
    return %c0_i32, %c0_i32_0 : i32, i32
  }
  func.func @transform_3(%arg0: i32) -> (i32, i32, i32) {
    %c0_i32 = arith.constant 0 : i32
    %c0_i32_0 = arith.constant 0 : i32
    %c0_i32_1 = arith.constant 0 : i32
    return %c0_i32, %arg0, %c0_i32_0 : i32, i32, i32
  }
  func.func @transform_4(%arg0: i32) -> (i32, i32) {
    %c0_i32 = arith.constant 0 : i32
    %c0_i32_0 = arith.constant 0 : i32
    return %arg0, %c0_i32 : i32, i32
  }
}

module attributes {stable_mosaic.version = 14 : i64} {
  func.func @_t3_body(%arg0: i32, %arg1: memref<2x1024x128xf32, #tpu.memory_space<vmem>>, %arg2: memref<2x16x1024xf32, #tpu.memory_space<vmem>>, %arg3: memref<2x1x128xf32, #tpu.memory_space<vmem>>, %arg4: memref<256x128xf32, #tpu.memory_space<vmem>>, %arg5: memref<1x128xf32, #tpu.memory_space<vmem>>, %arg6: memref<1024x128xf32, #tpu.memory_space<vmem>>) attributes {dimension_semantics = [#tpu.dimension_semantics<arbitrary>], iteration_bounds = array<i64: 10>, scalar_prefetch = 0 : i64, scratch_operands = 0 : i64, tpu.core_type = #tpu.core_type<tc>, window_params = [{transform_indices = @transform_0, window_bounds = array<i64: 2, 1024, 128>}, {transform_indices = @transform_1, window_bounds = array<i64: 2, 16, 1024>}, {pipeline_mode = #tpu.pipeline_mode<synchronous>, transform_indices = @transform_2, window_bounds = array<i64: 2, 1, 128>}, {pipeline_mode = #tpu.pipeline_mode<synchronous>, transform_indices = @transform_3, window_bounds = array<i64: 256, 128>}, {pipeline_mode = #tpu.pipeline_mode<synchronous>, transform_indices = @transform_4, window_bounds = array<i64: 1, 128>}, {transform_indices = @transform_5, window_bounds = array<i64: 1024, 128>}]} {
    %get3A = arith.constant 0 : index
    %get3A_0 = arith.constant 0 : index
    %get3A_1 = arith.constant 0 : index
    %get3A_2 = vector.load %arg1[%get3A, %get3A_0, %get3A_1] : memref<2x1024x128xf32, #tpu.memory_space<vmem>>, vector<1x1024x128xf32>
    %get3A_3 = vector.shape_cast %get3A_2 : vector<1x1024x128xf32> to vector<1024x128xf32>
    %get3A_4 = arith.constant 0 : index
    %get3A_5 = arith.constant 0 : index
    %get3A_6 = arith.constant 0 : index
    %get3A_7 = vector.load %arg2[%get3A_4, %get3A_5, %get3A_6] : memref<2x16x1024xf32, #tpu.memory_space<vmem>>, vector<1x16x1024xf32>
    %get3A_8 = vector.shape_cast %get3A_7 : vector<1x16x1024xf32> to vector<16x1024xf32>
    %reduce_sum3A = arith.constant dense<0.000000e+00> : vector<1024xf32>
    %reduce_sum3A_9 = vector.multi_reduction <add>, %get3A_8, %reduce_sum3A [0] : vector<16x1024xf32> to vector<1024xf32>
    %broadcast_in_dim3A = vector.shape_cast %reduce_sum3A_9 : vector<1024xf32> to vector<1024x1xf32>
    %add3A = arith.constant 1.000000e-16 : f32
    %add3A_10 = vector.broadcast %add3A : f32 to vector<1024x1xf32>
    %add3A_11 = arith.addf %broadcast_in_dim3A, %add3A_10 : vector<1024x1xf32>
    %div3A = vector.broadcast %add3A_11 : vector<1024x1xf32> to vector<1024x128xf32>
    %div3A_12 = arith.divf %get3A_3, %div3A : vector<1024x128xf32>
    %get3A_13 = arith.constant 0 : index
    %get3A_14 = arith.constant 0 : index
    %get3A_15 = arith.constant 0 : index
    %get3A_16 = vector.load %arg3[%get3A_13, %get3A_14, %get3A_15] : memref<2x1x128xf32, #tpu.memory_space<vmem>>, vector<1x1x128xf32>
    %get3A_17 = vector.shape_cast %get3A_16 : vector<1x1x128xf32> to vector<1x128xf32>
    %add3A_18 = vector.broadcast %get3A_17 : vector<1x128xf32> to vector<1024x128xf32>
    %add3A_19 = arith.addf %div3A_12, %add3A_18 : vector<1024x128xf32>
    %get3A_20 = arith.constant 1 : index
    %get3A_21 = arith.constant 0 : index
    %get3A_22 = arith.constant 0 : index
    %get3A_23 = vector.load %arg1[%get3A_20, %get3A_21, %get3A_22] : memref<2x1024x128xf32, #tpu.memory_space<vmem>>, vector<1x1024x128xf32>
    %get3A_24 = vector.shape_cast %get3A_23 : vector<1x1024x128xf32> to vector<1024x128xf32>
    %get3A_25 = arith.constant 1 : index
    %get3A_26 = arith.constant 0 : index
    %get3A_27 = arith.constant 0 : index
    %get3A_28 = vector.load %arg2[%get3A_25, %get3A_26, %get3A_27] : memref<2x16x1024xf32, #tpu.memory_space<vmem>>, vector<1x16x1024xf32>
    %get3A_29 = vector.shape_cast %get3A_28 : vector<1x16x1024xf32> to vector<16x1024xf32>
    %reduce_sum3A_30 = arith.constant dense<0.000000e+00> : vector<1024xf32>
    %reduce_sum3A_31 = vector.multi_reduction <add>, %get3A_29, %reduce_sum3A_30 [0] : vector<16x1024xf32> to vector<1024xf32>
    %broadcast_in_dim3A_32 = vector.shape_cast %reduce_sum3A_31 : vector<1024xf32> to vector<1024x1xf32>
    %add3A_33 = arith.constant 1.000000e-16 : f32
    %add3A_34 = vector.broadcast %add3A_33 : f32 to vector<1024x1xf32>
    %add3A_35 = arith.addf %broadcast_in_dim3A_32, %add3A_34 : vector<1024x1xf32>
    %div3A_36 = vector.broadcast %add3A_35 : vector<1024x1xf32> to vector<1024x128xf32>
    %div3A_37 = arith.divf %get3A_24, %div3A_36 : vector<1024x128xf32>
    %get3A_38 = arith.constant 1 : index
    %get3A_39 = arith.constant 0 : index
    %get3A_40 = arith.constant 0 : index
    %get3A_41 = vector.load %arg3[%get3A_38, %get3A_39, %get3A_40] : memref<2x1x128xf32, #tpu.memory_space<vmem>>, vector<1x1x128xf32>
    %get3A_42 = vector.shape_cast %get3A_41 : vector<1x1x128xf32> to vector<1x128xf32>
    %add3A_43 = vector.broadcast %get3A_42 : vector<1x128xf32> to vector<1024x128xf32>
    %add3A_44 = arith.addf %div3A_37, %add3A_43 : vector<1024x128xf32>
    %concatenate3A = tpu.concatenate %add3A_19, %add3A_44 in 1 : vector<1024x128xf32>, vector<1024x128xf32> -> vector<1024x256xf32>
    %get3A_45 = arith.constant 0 : index
    %get3A_46 = arith.constant 0 : index
    %get3A_47 = vector.load %arg4[%get3A_45, %get3A_46] : memref<256x128xf32, #tpu.memory_space<vmem>>, vector<256x128xf32>
    %dot_general3A = arith.constant dense<0.000000e+00> : vector<1024x128xf32>
    %dot_general3A_48 = tpu.matmul %concatenate3A, %get3A_47, %dot_general3A {dimension_numbers = #tpu.dot_dimension_numbers<[1], [0], [0], [1], [0, 0, 1, 1], [], []>, transpose_lhs_hint = false} : vector<1024x256xf32>, vector<256x128xf32>, vector<1024x128xf32> -> vector<1024x128xf32>
    %get3A_49 = arith.constant 0 : index
    %get3A_50 = arith.constant 0 : index
    %get3A_51 = vector.load %arg5[%get3A_49, %get3A_50] : memref<1x128xf32, #tpu.memory_space<vmem>>, vector<1x128xf32>
    %add3A_52 = vector.broadcast %get3A_51 : vector<1x128xf32> to vector<1024x128xf32>
    %add3A_53 = arith.addf %dot_general3A_48, %add3A_52 : vector<1024x128xf32>
    %swap3A = arith.constant 0 : index
    %swap3A_54 = arith.constant 0 : index
    %swap3A_55 = vector.load %arg6[%swap3A, %swap3A_54] : memref<1024x128xf32, #tpu.memory_space<vmem>>, vector<1024x128xf32>
    tpu.vector_store %arg6[%swap3A, %swap3A_54], %add3A_53 {strides = array<i32>} : memref<1024x128xf32, #tpu.memory_space<vmem>>, vector<1024x128xf32>,
    return
  }
  func.func @transform_0(%arg0: i32) -> (i32, i32, i32) {
    %c0_i32 = arith.constant 0 : i32
    %c0_i32_0 = arith.constant 0 : i32
    %c0_i32_1 = arith.constant 0 : i32
    return %c0_i32, %arg0, %c0_i32_0 : i32, i32, i32
  }
  func.func @transform_1(%arg0: i32) -> (i32, i32, i32) {
    %c0_i32 = arith.constant 0 : i32
    %c0_i32_0 = arith.constant 0 : i32
    %c0_i32_1 = arith.constant 0 : i32
    return %c0_i32, %c0_i32_0, %arg0 : i32, i32, i32
  }
  func.func @transform_2(%arg0: i32) -> (i32, i32, i32) {
    %c0_i32 = arith.constant 0 : i32
    %c0_i32_0 = arith.constant 0 : i32
    %c0_i32_1 = arith.constant 0 : i32
    %c0_i32_2 = arith.constant 0 : i32
    return %c0_i32, %c0_i32_0, %c0_i32_1 : i32, i32, i32
  }
  func.func @transform_3(%arg0: i32) -> (i32, i32) {
    %c0_i32 = arith.constant 0 : i32
    %c0_i32_0 = arith.constant 0 : i32
    %c0_i32_1 = arith.constant 0 : i32
    return %c0_i32, %c0_i32_0 : i32, i32
  }
  func.func @transform_4(%arg0: i32) -> (i32, i32) {
    %c0_i32 = arith.constant 0 : i32
    %c0_i32_0 = arith.constant 0 : i32
    %c0_i32_1 = arith.constant 0 : i32
    return %c0_i32, %c0_i32_0 : i32, i32
  }
  func.func @transform_5(%arg0: i32) -> (i32, i32) {
    %c0_i32 = arith.constant 0 : i32
    %c0_i32_0 = arith.constant 0 : i32
    return %arg0, %c0_i32 : i32, i32
  }
}

module attributes {stable_mosaic.version = 14 : i64} {
  func.func @_t2_body(%arg0: i32, %arg1: memref<2x1024x128xf32, #tpu.memory_space<vmem>>, %arg2: memref<2x16x1024xf32, #tpu.memory_space<vmem>>, %arg3: memref<2x1x128xf32, #tpu.memory_space<vmem>>, %arg4: memref<256x256xf32, #tpu.memory_space<vmem>>, %arg5: memref<256x8xf32, #tpu.memory_space<vmem>>, %arg6: memref<2x1024x128xf32, #tpu.memory_space<vmem>>, %arg7: memref<1024x8xf32, #tpu.memory_space<vmem>>) attributes {dimension_semantics = [#tpu.dimension_semantics<arbitrary>], iteration_bounds = array<i64: 10>, scalar_prefetch = 0 : i64, scratch_operands = 0 : i64, tpu.core_type = #tpu.core_type<tc>, window_params = [{transform_indices = @transform_0, window_bounds = array<i64: 2, 1024, 128>}, {transform_indices = @transform_1, window_bounds = array<i64: 2, 16, 1024>}, {pipeline_mode = #tpu.pipeline_mode<synchronous>, transform_indices = @transform_2, window_bounds = array<i64: 2, 1, 128>}, {pipeline_mode = #tpu.pipeline_mode<synchronous>, transform_indices = @transform_3, window_bounds = array<i64: 256, 256>}, {pipeline_mode = #tpu.pipeline_mode<synchronous>, transform_indices = @transform_4, window_bounds = array<i64: 256, 8>}, {transform_indices = @transform_5, window_bounds = array<i64: 2, 1024, 128>}, {transform_indices = @transform_6, window_bounds = array<i64: 1024, 8>}]} {
    %get3A = arith.constant 0 : index
    %get3A_0 = arith.constant 0 : index
    %get3A_1 = arith.constant 0 : index
    %get3A_2 = vector.load %arg1[%get3A, %get3A_0, %get3A_1] : memref<2x1024x128xf32, #tpu.memory_space<vmem>>, vector<1x1024x128xf32>
    %get3A_3 = vector.shape_cast %get3A_2 : vector<1x1024x128xf32> to vector<1024x128xf32>
    %get3A_4 = arith.constant 0 : index
    %get3A_5 = arith.constant 0 : index
    %get3A_6 = arith.constant 0 : index
    %get3A_7 = vector.load %arg2[%get3A_4, %get3A_5, %get3A_6] : memref<2x16x1024xf32, #tpu.memory_space<vmem>>, vector<1x16x1024xf32>
    %get3A_8 = vector.shape_cast %get3A_7 : vector<1x16x1024xf32> to vector<16x1024xf32>
    %reduce_sum3A = arith.constant dense<0.000000e+00> : vector<1024xf32>
    %reduce_sum3A_9 = vector.multi_reduction <add>, %get3A_8, %reduce_sum3A [0] : vector<16x1024xf32> to vector<1024xf32>
    %broadcast_in_dim3A = vector.shape_cast %reduce_sum3A_9 : vector<1024xf32> to vector<1024x1xf32>
    %add3A = arith.constant 1.000000e-16 : f32
    %add3A_10 = vector.broadcast %add3A : f32 to vector<1024x1xf32>
    %add3A_11 = arith.addf %broadcast_in_dim3A, %add3A_10 : vector<1024x1xf32>
    %div3A = vector.broadcast %add3A_11 : vector<1024x1xf32> to vector<1024x128xf32>
    %div3A_12 = arith.divf %get3A_3, %div3A : vector<1024x128xf32>
    %get3A_13 = arith.constant 0 : index
    %get3A_14 = arith.constant 0 : index
    %get3A_15 = arith.constant 0 : index
    %get3A_16 = vector.load %arg3[%get3A_13, %get3A_14, %get3A_15] : memref<2x1x128xf32, #tpu.memory_space<vmem>>, vector<1x1x128xf32>
    %get3A_17 = vector.shape_cast %get3A_16 : vector<1x1x128xf32> to vector<1x128xf32>
    %add3A_18 = vector.broadcast %get3A_17 : vector<1x128xf32> to vector<1024x128xf32>
    %add3A_19 = arith.addf %div3A_12, %add3A_18 : vector<1024x128xf32>
    %max3A = arith.constant 0.000000e+00 : f32
    %max3A_20 = vector.broadcast %max3A : f32 to vector<1024x128xf32>
    %max3A_21 = arith.maximumf %add3A_19, %max3A_20 : vector<1024x128xf32>
    %get3A_22 = arith.constant 1 : index
    %get3A_23 = arith.constant 0 : index
    %get3A_24 = arith.constant 0 : index
    %get3A_25 = vector.load %arg1[%get3A_22, %get3A_23, %get3A_24] : memref<2x1024x128xf32, #tpu.memory_space<vmem>>, vector<1x1024x128xf32>
    %get3A_26 = vector.shape_cast %get3A_25 : vector<1x1024x128xf32> to vector<1024x128xf32>
    %get3A_27 = arith.constant 1 : index
    %get3A_28 = arith.constant 0 : index
    %get3A_29 = arith.constant 0 : index
    %get3A_30 = vector.load %arg2[%get3A_27, %get3A_28, %get3A_29] : memref<2x16x1024xf32, #tpu.memory_space<vmem>>, vector<1x16x1024xf32>
    %get3A_31 = vector.shape_cast %get3A_30 : vector<1x16x1024xf32> to vector<16x1024xf32>
    %reduce_sum3A_32 = arith.constant dense<0.000000e+00> : vector<1024xf32>
    %reduce_sum3A_33 = vector.multi_reduction <add>, %get3A_31, %reduce_sum3A_32 [0] : vector<16x1024xf32> to vector<1024xf32>
    %broadcast_in_dim3A_34 = vector.shape_cast %reduce_sum3A_33 : vector<1024xf32> to vector<1024x1xf32>
    %add3A_35 = arith.constant 1.000000e-16 : f32
    %add3A_36 = vector.broadcast %add3A_35 : f32 to vector<1024x1xf32>
    %add3A_37 = arith.addf %broadcast_in_dim3A_34, %add3A_36 : vector<1024x1xf32>
    %div3A_38 = vector.broadcast %add3A_37 : vector<1024x1xf32> to vector<1024x128xf32>
    %div3A_39 = arith.divf %get3A_26, %div3A_38 : vector<1024x128xf32>
    %get3A_40 = arith.constant 1 : index
    %get3A_41 = arith.constant 0 : index
    %get3A_42 = arith.constant 0 : index
    %get3A_43 = vector.load %arg3[%get3A_40, %get3A_41, %get3A_42] : memref<2x1x128xf32, #tpu.memory_space<vmem>>, vector<1x1x128xf32>
    %get3A_44 = vector.shape_cast %get3A_43 : vector<1x1x128xf32> to vector<1x128xf32>
    %add3A_45 = vector.broadcast %get3A_44 : vector<1x128xf32> to vector<1024x128xf32>
    %add3A_46 = arith.addf %div3A_39, %add3A_45 : vector<1024x128xf32>
    %max3A_47 = arith.constant 0.000000e+00 : f32
    %max3A_48 = vector.broadcast %max3A_47 : f32 to vector<1024x128xf32>
    %max3A_49 = arith.maximumf %add3A_46, %max3A_48 : vector<1024x128xf32>
    %concatenate3A = tpu.concatenate %max3A_21, %max3A_49 in 1 : vector<1024x128xf32>, vector<1024x128xf32> -> vector<1024x256xf32>
    %get3A_50 = arith.constant 0 : index
    %get3A_51 = arith.constant 0 : index
    %get3A_52 = vector.load %arg4[%get3A_50, %get3A_51] : memref<256x256xf32, #tpu.memory_space<vmem>>, vector<256x256xf32>
    %dot_general3A = arith.constant dense<0.000000e+00> : vector<1024x256xf32>
    %dot_general3A_53 = tpu.matmul %concatenate3A, %get3A_52, %dot_general3A {dimension_numbers = #tpu.dot_dimension_numbers<[1], [0], [0], [1], [0, 0, 1, 1], [], []>, transpose_lhs_hint = false} : vector<1024x256xf32>, vector<256x256xf32>, vector<1024x256xf32> -> vector<1024x256xf32>
    %slice3A = vector.extract_strided_slice %dot_general3A_53 {offsets = [0, 0], sizes = [1024, 128], strides = [1, 1]} : vector<1024x256xf32> to vector<1024x128xf32>
    %swap3A = arith.constant 0 : index
    %swap3A_54 = arith.constant 0 : index
    %swap3A_55 = arith.constant 0 : index
    %swap3A_56 = vector.load %arg6[%swap3A, %swap3A_54, %swap3A_55] : memref<2x1024x128xf32, #tpu.memory_space<vmem>>, vector<1x1024x128xf32>
    %swap3A_57 = vector.shape_cast %swap3A_56 : vector<1x1024x128xf32> to vector<1024x128xf32>
    %swap3A_58 = vector.shape_cast %slice3A : vector<1024x128xf32> to vector<1x1024x128xf32>
    tpu.vector_store %arg6[%swap3A, %swap3A_54, %swap3A_55], %swap3A_58 {strides = array<i32>} : memref<2x1024x128xf32, #tpu.memory_space<vmem>>, vector<1x1024x128xf32>,
    %slice3A_59 = vector.extract_strided_slice %dot_general3A_53 {offsets = [0, 128], sizes = [1024, 128], strides = [1, 1]} : vector<1024x256xf32> to vector<1024x128xf32>
    %swap3A_60 = arith.constant 1 : index
    %swap3A_61 = arith.constant 0 : index
    %swap3A_62 = arith.constant 0 : index
    %swap3A_63 = vector.load %arg6[%swap3A_60, %swap3A_61, %swap3A_62] : memref<2x1024x128xf32, #tpu.memory_space<vmem>>, vector<1x1024x128xf32>
    %swap3A_64 = vector.shape_cast %swap3A_63 : vector<1x1024x128xf32> to vector<1024x128xf32>
    %swap3A_65 = vector.shape_cast %slice3A_59 : vector<1024x128xf32> to vector<1x1024x128xf32>
    tpu.vector_store %arg6[%swap3A_60, %swap3A_61, %swap3A_62], %swap3A_65 {strides = array<i32>} : memref<2x1024x128xf32, #tpu.memory_space<vmem>>, vector<1x1024x128xf32>,
    %get3A_66 = arith.constant 0 : index
    %get3A_67 = arith.constant 0 : index
    %get3A_68 = vector.load %arg5[%get3A_66, %get3A_67] : memref<256x8xf32, #tpu.memory_space<vmem>>, vector<256x8xf32>
    %dot_general3A_69 = arith.constant dense<0.000000e+00> : vector<1024x8xf32>
    %dot_general3A_70 = tpu.matmul %dot_general3A_53, %get3A_68, %dot_general3A_69 {dimension_numbers = #tpu.dot_dimension_numbers<[1], [0], [0], [1], [0, 0, 1, 1], [], []>, transpose_lhs_hint = false} : vector<1024x256xf32>, vector<256x8xf32>, vector<1024x8xf32> -> vector<1024x8xf32>
    %swap3A_71 = arith.constant 0 : index
    %swap3A_72 = arith.constant 0 : index
    %swap3A_73 = vector.load %arg7[%swap3A_71, %swap3A_72] : memref<1024x8xf32, #tpu.memory_space<vmem>>, vector<1024x8xf32>
    tpu.vector_store %arg7[%swap3A_71, %swap3A_72], %dot_general3A_70 {strides = array<i32>} : memref<1024x8xf32, #tpu.memory_space<vmem>>, vector<1024x8xf32>,
    return
  }
  func.func @transform_0(%arg0: i32) -> (i32, i32, i32) {
    %c0_i32 = arith.constant 0 : i32
    %c0_i32_0 = arith.constant 0 : i32
    %c0_i32_1 = arith.constant 0 : i32
    return %c0_i32, %arg0, %c0_i32_0 : i32, i32, i32
  }
  func.func @transform_1(%arg0: i32) -> (i32, i32, i32) {
    %c0_i32 = arith.constant 0 : i32
    %c0_i32_0 = arith.constant 0 : i32
    %c0_i32_1 = arith.constant 0 : i32
    return %c0_i32, %c0_i32_0, %arg0 : i32, i32, i32
  }
  func.func @transform_2(%arg0: i32) -> (i32, i32, i32) {
    %c0_i32 = arith.constant 0 : i32
    %c0_i32_0 = arith.constant 0 : i32
    %c0_i32_1 = arith.constant 0 : i32
    %c0_i32_2 = arith.constant 0 : i32
    return %c0_i32, %c0_i32_0, %c0_i32_1 : i32, i32, i32
  }
  func.func @transform_3(%arg0: i32) -> (i32, i32) {
    %c0_i32 = arith.constant 0 : i32
    %c0_i32_0 = arith.constant 0 : i32
    %c0_i32_1 = arith.constant 0 : i32
    return %c0_i32, %c0_i32_0 : i32, i32
  }
  func.func @transform_4(%arg0: i32) -> (i32, i32) {
    %c0_i32 = arith.constant 0 : i32
    %c0_i32_0 = arith.constant 0 : i32
    %c0_i32_1 = arith.constant 0 : i32
    return %c0_i32, %c0_i32_0 : i32, i32
  }
  func.func @transform_5(%arg0: i32) -> (i32, i32, i32) {
    %c0_i32 = arith.constant 0 : i32
    %c0_i32_0 = arith.constant 0 : i32
    %c0_i32_1 = arith.constant 0 : i32
    return %c0_i32, %arg0, %c0_i32_0 : i32, i32, i32
  }
  func.func @transform_6(%arg0: i32) -> (i32, i32) {
    %c0_i32 = arith.constant 0 : i32
    %c0_i32_0 = arith.constant 0 : i32
    return %arg0, %c0_i32 : i32, i32
  }
}

</mosaic_0001>

<sc_bundles>
// kernel: kernel.10.cloned.1.call-start
scs
__scs_entry_jumppad:
0x0: {  	(pc) =	sbr.rel $0x88, $3  }
0x1: {  	(tag) =	ssettag $0x0;
	lr =	simm.s32 $0x1  }
0x2: {  	[smem:$0x3F8C] =	sst lr;
	_ =	strace $0xD0000000  }
0x3: {  	_ = 	snop  }
0x4: {  	_ = 	snop  }
0x5: {  	_ = 	snop  }
0x6: {  	_ = 	snop  }
0x7: {  	_ = 	snop  }
__scs_overlays_trampoline_lowered:
0x8: {  	[smem:$0x3F9B] =	sst s0  }
0x9: {  	[smem:$0x3F9C] =	sst s1  }
0xa: {  	[smem:$0x3F9D] =	sst s2  }
0xb: {  	[smem:$0x3F9E] =	sst s3  }
0xc: {  	[smem:$0x3F9F] =	sst s4  }
0xd: {  	[smem:$0x3FA0] =	sst s5  }
0xe: {  	[smem:$0x3FA1] =	sst s6  }
0xf: {  	[smem:$0x3FA2] =	sst s7  }
0x10: {  	[smem:$0x3FA3] =	sst s8  }
0x11: {  	[smem:$0x3FA4] =	sst s9;
	s0 =	simm.s32 @!p0 $0x0  }
0x12: {  	s1 =	sld [smem:$0x3F8A];
	s0 =	simm.s32 @p0 $0x1  }
0x13: {  	[smem:$0x3FA5] =	sst s0;
	s0 =	simm.s32 @!p1 $0x0  }
0x14: {  	s2 =	sld [smem:$0x3F89];
	s0 =	simm.s32 @p1 $0x1  }
0x15: {  	[smem:$0x3FA6] =	sst s0;
	s0 =	simm.s32 @!p2 $0x0  }
0x16: {  	s3 =	sld [smem:$0x3FDB];
	s0 =	simm.s32 @p2 $0x1  }
0x17: {  	s4 =	simm.s32 $0x1BF5;
	[smem:$0x3FA8] =	sst s0  }
0x18: {  	s0 =	sld [smem:$0x3F8B];
	_ =	swait.ge [sflag:s4], $0x0  }
0x19: {  	s7 =	sld [smem:$0x3F8C]  }
0x1a: {  	s8 =	sadd.s32 $0xFFFFE003, lr  }
0x1b: {  	s9 =	sadd.s32 $0xFFFFFEF7, lr;
	s5 =	simm.s32 $0xFFFFFFFF;
	p2 =	slt.u32 s8, $0xFFFFF086  }
0x1c: {  	p1 =	slt.u32 s9, $0xF7A;
	s5 =	simm.s32 @!p2 $0x0  }
0x1d: {  	s5 =	simm.s32 @p1 $0x1;
	p0 =	seq.s32 s7, s2  }
0x1e: {  	s7 =	smul.u32 @!p0 $0xF7A, s2;
	p2 =	seq.s32 @!p0 s5, $0x0  }
0x1f: {  	s9 =	smul.u32 $0xF7A, s1;
	s8 =	simm.s32 @!p0 $0x1BF5;
	p2 =	por !p2, p0  }
0x20: {  	[sflag:s8] =	ssyncset.s32 @!p0 $0xFFFFF086;
	s6 =	sadd.s32 @!p0 s3, s7;
	s7 =	simm.s32 @!p0 $0x108  }
0x21: {  	s3 =	sadd.s32 s3, s9;
	s6 =	sadd.s32 @!p0 $0x88, s6;
	s7 =	simm.s32 @p2 $0x1082  }
0x22: {  	[simem:s7], [sflag:s8] =	dma.local @!p0 [hbm:s6], $0xF7A  }
0x23: {  	s9 =	sor.u32 $0xD0000000, s2;
	s6 =	simm.s32 $0x108;
	_ =	swait.ge @!p0 [sflag:s8], $0x0  }
0x24: {  	s3 =	sadd.s32 $0x88, s3;
	s6 =	simm.s32 @!p1 $0x1082;
	[sflag:s4] =	ssyncset.s32 $0xFFFFF086  }
0x25: {  	[simem:s6], [sflag:s4] =	dma.local [hbm:s3], $0xF7A  }
0x26: {  	[smem:$0x3F8C] =	sst s1;
	(tag) =	ssettag s2;
	_ =	strace s9  }
0x27: {  	s1 =	sld [smem:$0x3F9C]  }
0x28: {  	s2 =	sld [smem:$0x3F9D]  }
0x29: {  	s4 =	sld [smem:$0x3F9F]  }
0x2a: {  	p0 =	seq.s32 s5, $0x0;
	s5 =	sld [smem:$0x3FA0]  }
0x2b: {  	s6 =	sld [smem:$0x3FA1]  }
0x2c: {  	s7 =	sld [smem:$0x3FA2]  }
0x2d: {  	s3 =	simm.s32 $0x108;
	s8 =	sld [smem:$0x3FA3]  }
0x2e: {  	s3 =	simm.s32 @!p0 $0x1082;
	s9 =	sld [smem:$0x3FA4]  }
0x2f: {  	lr =	sadd.s32 s0, s3;
	s0 =	sld [smem:$0x3F9B]  }
0x30: {  	s3 =	sld [smem:$0x3F9E]  }
0x31: {  	[smem:$0x3FA7] =	sst s10  }
0x32: {  	s10 =	sld [smem:$0x3FA5];
	_ =	sdelay $0x3  }
0x33: {  	p0 =	seq.s32 s10, $0x1;
	s10 =	sld [smem:$0x3FA7];
	_ =	sdelay $0x3  }
0x34: {  	[smem:$0x3FA7] =	sst s10  }
0x35: {  	s10 =	sld [smem:$0x3FA6];
	_ =	sdelay $0x3  }
0x36: {  	p1 =	seq.s32 s10, $0x1;
	s10 =	sld [smem:$0x3FA7];
	_ =	sdelay $0x3  }
0x37: {  	[smem:$0x3FA7] =	sst s10  }
0x38: {  	s10 =	sld [smem:$0x3FA8]  }
0x39: {  	_ = 	snop;
	(pc) =	sbr.ind lr, $3  }
0x3a: {  	_ = 	snop  }
0x3b: {  	_ = 	snop  }
0x3c: {  	p2 =	seq.s32 s10, $0x1;
	s10 =	sld [smem:$0x3FA7]  }
0x3d: {  	_ =	shalt  }
0x3e: {  	_ =	shalt  }
0x3f: {  	_ =	shalt  }
0x40: {  	_ =	shalt  }
0x41: {  	_ =	shalt  }
0x42: {  	_ =	shalt  }
0x43: {  	_ =	shalt  }
0x44: {  	_ =	shalt  }
0x45: {  	_ =	shalt  }
0x46: {  	_ =	shalt  }
0x47: {  	_ =	shalt  }
0x48: {  	_ =	shalt  }
0x49: {  	_ =	shalt  }
0x4a: {  	_ =	shalt  }
0x4b: {  	_ =	shalt  }
0x4c: {  	_ =	shalt  }
0x4d: {  	_ =	shalt  }
0x4e: {  	_ =	shalt  }
0x4f: {  	_ =	shalt  }
0x50: {  	_ =	shalt  }
0x51: {  	_ =	shalt  }
0x52: {  	_ =	shalt  }
0x53: {  	_ =	shalt  }
0x54: {  	_ =	shalt  }
0x55: {  	_ =	shalt  }
0x56: {  	_ =	shalt  }
0x57: {  	_ =	shalt  }
0x58: {  	_ =	shalt  }
0x59: {  	_ =	shalt  }
0x5a: {  	_ =	shalt  }
0x5b: {  	_ =	shalt  }
0x5c: {  	_ =	shalt  }
0x5d: {  	_ =	shalt  }
0x5e: {  	_ =	shalt  }
0x5f: {  	_ =	shalt  }
0x60: {  	_ =	shalt  }
0x61: {  	_ =	shalt  }
0x62: {  	_ =	shalt  }
0x63: {  	_ =	shalt  }
0x64: {  	_ =	shalt  }
0x65: {  	_ =	shalt  }
0x66: {  	_ =	shalt  }
0x67: {  	_ =	shalt  }
0x68: {  	_ =	shalt  }
0x69: {  	_ =	shalt  }
0x6a: {  	_ =	shalt  }
0x6b: {  	_ =	shalt  }
0x6c: {  	_ =	shalt  }
0x6d: {  	_ =	shalt  }
0x6e: {  	_ =	shalt  }
0x6f: {  	_ =	shalt  }
0x70: {  	_ =	shalt  }
0x71: {  	_ =	shalt  }
0x72: {  	_ =	shalt  }
0x73: {  	_ =	shalt  }
0x74: {  	_ =	shalt  }
0x75: {  	_ =	shalt  }
0x76: {  	_ =	shalt  }
0x77: {  	_ =	shalt  }
0x78: {  	_ =	shalt  }
0x79: {  	_ =	shalt  }
0x7a: {  	_ =	shalt  }
0x7b: {  	_ =	shalt  }
0x7c: {  	_ =	shalt  }
0x7d: {  	_ =	shalt  }
0x7e: {  	_ =	shalt  }
0x7f: {  	_ =	shalt  }
0x80: {  	_ =	shalt  }
0x81: {  	_ =	shalt  }
0x82: {  	_ =	shalt  }
0x83: {  	_ =	shalt  }
0x84: {  	_ =	shalt  }
0x85: {  	_ =	shalt  }
0x86: {  	_ =	shalt  }
0x87: {  	_ =	shalt  }
.Lfunc_end0:
.L_simem_size_0:
called_computation.1_lowered:
.L_overlay_start_0:
0x88: {  	s2 =	sld [smem:$0x3FD9]  }
0x89: {  	s3 =	sld [smem:$0x3FFE];
	_ =	sdelay $0x1  }
0x8a: {  	s1 =	srdreg.scid  }
0x8b: {  	s0 =	sand.u32 $0x1, s1  }
0x8c: {  	s17 =	sshll.u32 s0, $0xA;
	s2 =	sadd.s32 s3, s2  }
0x8d: {  	s2 =	sadd.s32 s2, s17  }
0x8e: {  	[smem:$0x3FB3] =	sst s2  }
0x8f: {  	_ = 	snop  }
0x90: {  	s2 =	sld [smem:$0x3FD0];
	(tm) =	ssettm $0x1  }
0x91: {  	s18 =	sld [smem:$0x3FFB];
	_ =	sdelay $0x3  }
0x92: {  	_ =	strace s18  }
0x93: {  	s3 =	sld [smem:$0x3FFC];
	_ =	sdelay $0x3  }
0x94: {  	_ =	strace s3  }
0x95: {  	s3 =	sld [smem:$0x3FFD];
	_ =	sdelay $0x3  }
0x96: {  	_ =	strace s3  }
0x97: {  	_ =	strace $0x8FFFFFFF  }
0x98: {  	s19 =	sld [smem:$0x3FDB];
	_ =	sdelay $0x1  }
0x99: {  	s4 =	simm.s32 $_scs_section_size  }
0x9a: {  	s5 =	simm.s32 $_size__tile_overlayer_lowered;
	s6 =	simm.s32 $_tile_overlayer_lowered  }
0x9b: {  	s22 =	simm.s32 $0x1BFF;
	s21 =	sshll.u32 s6, $0x1;
	s3 =	sadd.s32 s4, s19  }
0x9c: {  	s7 =	simm.s32 $0x0;
	s20 =	sshll.u32 s5, $0x1;
	s5 =	sadd.s32 s21, s3  }
0x9d: {  	[timem:s7], [sflag:s22] =	dma.local [hbm:s5], s20  }
0x9e: {  	_ =	swait.ge [sflag:s22], s20  }
0x9f: {  	s4 =	ssub.s32 $0x0, s20;
	[sflag:s22] =	ssyncset.done $0x0  }
0xa0: {  	[sflag:s22] =	ssyncadd.s32 s4;
	_ =	sdelay $0x1  }
0xa1: {  	s23 =	simm.s32 $0x1B8B  }
0xa2: {  	_ =	swait.ge [sflag:s23], $0x1  }
0xa3: {  	[sflag:s23] =	ssyncset.done $0x0  }
0xa4: {  	s25 =	simm.s32 $0x1B8E;
	s24 =	sld [smem:$0x3FFE];
	[sflag:s23] =	ssyncadd.s32 $0xFFFFFFFF  }
0xa5: {  	s26 =	simm.s32 $execute0_lowered;
	[smem:$0x3FD2] =	sst s25  }
0xa6: {  	s5 =	sshll.u32 s26, $0x1;
	_ =	strace $0x80000049;
	[dreg:$0x1] =	wrdreg $0xFFFFFFFF  }
0xa7: {  	s28 =	simm.s32 $_size_execute0_lowered;
	s3 =	sadd.s32 s3, s5;
	[dreg:$0x0] =	wrdreg $0x0  }
0xa8: {  	s5 =	sshll.u32 s28, $0x1;
	[dreg:$0x2] =	wrdreg s3  }
0xa9: {  	[dreg:$0x3] =	wrdreg s5  }
0xaa: {  	[dreg:$0x4] =	wrdreg $0xC0  }
0xab: {  	_ =	task [dreg:s7], $0x5FFFF  }
0xac: {  	[dreg:$0x1] =	wrdreg $0xFFFFFFFF  }
0xad: {  	[dreg:$0x0] =	wrdreg $0x60  }
0xae: {  	[dreg:$0x2] =	wrdreg s24  }
0xaf: {  	[dreg:$0x3] =	wrdreg s2  }
0xb0: {  	[dreg:$0x4] =	wrdreg $0x0  }
0xb1: {  	[dreg:$0x5] =	wrdreg $0x9  }
0xb2: {  	_ =	task.clear_ibuf [dreg:s7], $0x6FFFF;
	_ =	strace $0x90000049  }
0xb3: {  	s29 =	simm.s32 $0x9;
	_ =	strace $0x8000004B  }
0xb4: {  	_ =	swait.ge [sflag:s29], $0x1  }
0xb5: {  	[sflag:s29] =	ssyncadd.s32 $0xFFFFFFFF  }
0xb6: {  	_ =	strace $0x9000004B  }
0xb7: {  	_ =	sfence  }
0xb8: {  	s30 =	sld [smem:$0x0];
	_ =	sdelay $0x2  }
0xb9: {  	s31 =	sshll.u32 s1, $0xD;
	s1 =	sshrl.u32 s1, $0x2  }
0xba: {  	s3 =	sand.u32 $0x4000, s31;
	s1 =	sadd.s32 s1, s30  }
0xbb: {  	s0 =	sor.u32 s3, s0;
	s1 =	sshll.u32 s1, $0x11  }
0xbc: {  	s0 =	sor.u32 s1, s0  }
0xbd: {  	s0 =	sadd.s32 $0x8F2B, s0  }
0xbe: {  	[sflag:s0] =	ssyncadd.remote.s32 $0x1  }
0xbf: {  	_ =	sfence.sel $0xFFFF  }
0xc0: {  	[dreg:$0x0] =	wrdreg $0xFFFFFFFF;
	(pc) =	sbr.abs _section_cstart, $3  }
0xc1: {  	[dreg:$0x1] =	wrdreg $0xFFFFFFFF  }
0xc2: {  	_ =	task.clear_ibuf [dreg:s7], $0x2FFFF;
	_ =	strace $0x9FFFFFFF  }
0xc3: {  	(tm) =	ssettm $0x7FFFFFFF  }
tec
execute0_lowered:
.L_overlay_start_1:
0x0: {  	(tag) =	ssettag $0x1  }
0x1: {  	s0 =	srdreg.scid  }
0x2: {  	s2 =	rddreg [dreg:$0x0];
	s17 =	stileid.u32  }
0x3: {  	s1 =	rddreg [dreg:$0x1];
	s20 =	simm.s32 $0x0;
	s28 =	simm.s32 $0x19000  }
0x4: {  	s29 =	simm.s32 $0x1;
	s30 =	simm.s32 $0x1BF80;
	s31 =	simm.s32 $0x1BE80  }
0x5: {  	s3 =	sand.u32 $0x1, s0;
	[smem:$0x7FF] =	sst s20;
	s5 =	sadd.s32 $0x66A00, s2  }
0x6: {  	s6 =	sshll.u32 s17, $0x7;
	s8 =	smul.u32 $0x280, s17;
	s0 =	sshll.u32 s3, $0x4  }
0x7: {  	s6 =	sand.u32 $0x380, s6;
	s4 =	sor.u32 s17, s0;
	s0 =	smul.u32 $0x2800, s3  }
0x8: {  	s3 =	ssub.s32 $0x2, s3;
	s11 =	sor.u32 $0x40, s8;
	s4 =	sshrl.u32 s4, $0x3  }
0x9: {  	s14 =	sadd.s32 $0x100, s8;
	s9 =	sshrl.u32 s3, $0x1;
	s7 =	smul.u32 $0x14000, s4  }
0xa: {  	s4 =	smul.u32 $0x28800, s4;
	s9 =	ssub.s32 s3, s9;
	s10 =	sadd.s32 s0, s8  }
0xb: {  	s16 =	sadd.s32 s0, s11;
	s22 =	sadd.s32 s0, s14;
	s15 =	sshll.u32 s10, $0x4  }
0xc: {  	s18 =	sshll.u32 s16, $0x4;
	s10 =	sadd.s32 $0xC0, s8;
	s23 =	sshll.u32 s22, $0x4  }
0xd: {  	s22 =	sshrl.u32 s0, $0x3;
	s7 =	sor.u32 s6, s7;
	s3 =	sor.u32 s6, s4  }
0xe: {  	s4 =	sadd.s32 s5, s15;
	s6 =	sadd.s32 $0x80, s8;
	s12 =	sadd.s32 s0, s10  }
0xf: {  	s15 =	sadd.s32 $0x180, s8;
	[dreg:$0x4] =	wrdreg s4;
	s4 =	sadd.s32 s5, s18  }
0x10: {  	s19 =	sadd.s32 s0, s6;
	s21 =	sshll.u32 s12, $0x4;
	s12 =	sadd.s32 $0x140, s8  }
0x11: {  	s13 =	sadd.s32 s0, s15;
	[dreg:$0x5] =	wrdreg s4;
	s4 =	sshll.u32 s19, $0x4  }
0x12: {  	s18 =	sadd.s32 $0x1C0, s8;
	s7 =	sshrl.u32 s7, $0x3;
	s4 =	sadd.s32 s5, s4  }
0x13: {  	s24 =	sadd.s32 s0, s12;
	[dreg:$0x6] =	wrdreg s4;
	s4 =	sadd.s32 s5, s21  }
0x14: {  	s25 =	sshll.u32 s13, $0x4;
	[dreg:$0x7] =	wrdreg s4;
	s4 =	sadd.s32 s5, s23  }
0x15: {  	s26 =	sadd.s32 s0, s18;
	[dreg:$0x8] =	wrdreg s4;
	s4 =	sshll.u32 s24, $0x4  }
0x16: {  	s19 =	sadd.s32 $0x200, s8;
	s13 =	sshll.u32 s26, $0x4;
	s4 =	sadd.s32 s5, s4  }
0x17: {  	s16 =	sadd.s32 s0, s19;
	[dreg:$0x9] =	wrdreg s4;
	s4 =	sadd.s32 s5, s25  }
0x18: {  	s23 =	smul.u32 $0x50000, s17;
	[dreg:$0xa] =	wrdreg s4;
	s4 =	sadd.s32 s5, s13  }
0x19: {  	[dreg:$0xb] =	wrdreg s4;
	s4 =	sadd.s32 $0x240, s8;
	s8 =	sshll.u32 s16, $0x4  }
0x1a: {  	s13 =	rddreg [dreg:$0x2];
	s16 =	sadd.s32 s0, s4;
	s8 =	sadd.s32 s5, s8  }
0x1b: {  	s26 =	sshrl.u32 s23, $0x2;
	[dreg:$0xc] =	wrdreg s8;
	s21 =	sshll.u32 s16, $0x4  }
0x1c: {  	s8 =	sadd.s32 s26, s13;
	s5 =	sadd.s32 s5, s21;
	s21 =	sshll.u32 s10, $0x7  }
0x1d: {  	s26 =	sshll.u32 s15, $0x7;
	[dreg:$0xd] =	wrdreg s5;
	s23 =	sadd.s32 s21, s13  }
0x1e: {  	s15 =	sadd.s32 $0x2000, s8;
	_ =	strace $0x8000004A;
	[dreg:$0x15] =	wrdreg s23  }
0x1f: {  	s10 =	sshll.u32 s18, $0x7;
	s18 =	sadd.s32 $0x4000, s8;
	[dreg:$0x1c] =	wrdreg s15  }
0x20: {  	s7 =	sadd.s32 s7, s2;
	s21 =	sadd.s32 $0x8000, s8;
	[dreg:$0x1d] =	wrdreg s18  }
0x21: {  	s17 =	sadd.s32 $0x51200, s2;
	s5 =	sadd.s32 s22, s2;
	[dreg:$0x1f] =	wrdreg s21  }
0x22: {  	s4 =	sshll.u32 s4, $0x7;
	s24 =	sadd.s32 $0x66000, s5;
	[dreg:$0x10] =	wrdreg s8  }
0x23: {  	v0 =	vmov s0;
	s0 =	simm.s32 $0x1BF00;
	s25 =	sadd.s32 $0x65600, s5;
	[dreg:$0xe] =	wrdreg s24  }
0x24: {  	s16 =	sadd.s32 $0x1200, s2;
	s5 =	sadd.s32 $0xB6A00, s7;
	[dreg:$0xf] =	wrdreg s25  }
0x25: {  	s7 =	smax.u32 s9, $0x1;
	s9 =	sshll.u32 s11, $0x7;
	[dreg:$0x11] =	wrdreg s5  }
0x26: {  	s11 =	sshll.u32 s6, $0x7;
	s23 =	sadd.s32 $0xC000, s8;
	[dreg:$0x12] =	wrdreg s7  }
0x27: {  	s15 =	simm.s32 $0x3;
	s2 =	sadd.s32 s9, s13;
	[smem:$0x7FA] =	sst s23  }
0x28: {  	s18 =	simm.s32 $0x16800;
	s22 =	sadd.s32 s11, s13;
	[dreg:$0x13] =	wrdreg s2  }
0x29: {  	s21 =	simm.s32 $0x80;
	s9 =	sadd.s32 s26, s13;
	[dreg:$0x14] =	wrdreg s22  }
0x2a: {  	s24 =	sshll.u32 s14, $0x7;
	s14 =	sadd.s32 s4, s13;
	[dreg:$0x18] =	wrdreg s9  }
0x2b: {  	s11 =	sshll.u32 s19, $0x7;
	s19 =	sadd.s32 $0x6000, s8;
	[dreg:$0x1b] =	wrdreg s14  }
0x2c: {  	s25 =	sshll.u32 s12, $0x7;
	s26 =	sadd.s32 $0x12000, s8;
	[dreg:$0x1e] =	wrdreg s19  }
0x2d: {  	s23 =	simm.s32 $0x1B800;
	s2 =	sadd.s32 s24, s13;
	[smem:$0x7FD] =	sst s26  }
0x2e: {  	s4 =	simm.s32 $0x0;
	s7 =	sadd.s32 s25, s13;
	[dreg:$0x16] =	wrdreg s2  }
0x2f: {  	s12 =	sadd.s32 s11, s13;
	s22 =	sadd.s32 $0xA000, s8;
	[dreg:$0x17] =	wrdreg s7  }
0x30: {  	s24 =	sadd.s32 $0xE000, s8;
	s25 =	sadd.s32 $0x10000, s8;
	[dreg:$0x1a] =	wrdreg s12  }
0x31: {  	s14 =	simm.s32 $0x14000;
	s19 =	simm.s32 $0x1C000;
	[smem:$0x7F9] =	sst s22  }
0x32: {  	s26 =	simm.s32 $0x1BE00;
	s2 =	sadd.s32 s10, s13;
	[smem:$0x7FB] =	sst s24  }
0x33: {  	[smem:$0x7FC] =	sst s25;
	s22 =	simm.s32 $0x400;
	s24 =	simm.s32 $0x1BB00  }
0x34: {  	v1 =	vimm.f32 $0.0e+00;
	s25 =	simm.s32 $0x40;
	s12 =	simm.s32 $0x1E000;
	[dreg:$0x19] =	wrdreg s2  }
.LBB2_1:
0x35: {  	[smem:$0x7F8] =	sst s4  }
0x36: {  	s2 =	rddreg [dreg:$0xe]  }
0x37: {  	[tilespmem:s14], [sflag:$0x3] =	stream.linear.gather [hbm4b:s2+s20], $0x2800, $0x38;
	v63 =	vld [tilespmem:$0x0]  }
0x38: {  	_ =	swait.ge [sflag:s15], $0x2800  }
0x39: {  	[sflag:s15] =	ssyncset.done $0x0  }
0x3a: {  	s11 =	rddreg [dreg:$0xf];
	[sflag:s15] =	ssyncadd.s32 $0xFFFFD800  }
0x3b: {  	[tilespmem:s18], [sflag:$0x3] =	stream.linear.gather [hbm4b:s11+s20], $0x2800, $0x38;
	v63 =	vld [tilespmem:$0x0]  }
0x3c: {  	_ =	swait.ge [sflag:s15], $0x2800  }
0x3d: {  	[sflag:s15] =	ssyncset.done $0x0  }
0x3e: {  	s4 =	simm.s32 $0x200;
	s2 =	simm.s32 $0x0;
	[sflag:s15] =	ssyncadd.s32 $0xFFFFD800  }
.LBB2_2:
0x3f: {  	p0 =	sne.s32 s4, $0x7E00;
	[tilespmem:s2+$0x1C070] =	vst v1  }
0x40: {  	[tilespmem:s2+$0x1C000] =	vst v1  }
0x41: {  	[tilespmem:s2+$0x1C010] =	vst v1  }
.Ltmp0:
0x42: {  	[tilespmem:s2+$0x1C020] =	vst v1;
	(pc) =	sbr.rel @p0 .LBB2_2-.Ltmp0, $4  }
0x43: {  	[tilespmem:s2+$0x1C030] =	vst v1  }
0x44: {  	[tilespmem:s2+$0x1C040] =	vst v1  }
0x45: {  	[tilespmem:s2+$0x1C050] =	vst v1  }
0x46: {  	[tilespmem:s2+$0x1C060] =	vst v1;
	s2 =	sshra.s32 s4, $0x2;
	s4 =	sadd.s32 $0x200, s4  }
0x47: {  	[tilespmem:s2+$0x1C070] =	vst v1  }
0x48: {  	[tilespmem:s2+$0x1C000] =	vst v1  }
0x49: {  	[tilespmem:s2+$0x1C010] =	vst v1  }
0x4a: {  	[tilespmem:s2+$0x1C020] =	vst v1  }
0x4b: {  	[tilespmem:s2+$0x1C030] =	vst v1  }
0x4c: {  	[tilespmem:s2+$0x1C040] =	vst v1  }
0x4d: {  	[tilespmem:s2+$0x1C050] =	vst v1  }
0x4e: {  	[tilespmem:s2+$0x1C060] =	vst v1;
	s2 =	simm.s32 $0x40;
	s4 =	simm.s32 $0x0  }
.LBB2_4:
0x4f: {  	p0 =	sne.s32 s2, $0x9FC0;
	[tilespmem:s4+$0x19000] =	vst v1;
	s4 =	smov.u32 s2;
	s2 =	sadd.s32 $0x40, s2  }
.Ltmp1:
0x50: {  	(pc) =	sbr.rel @p0 .LBB2_4-.Ltmp1, $2  }
0x51: {  	_ =	sdelay $0x2  }
0x52: {  	s4 =	sshra.s32 s4, $0x2  }
0x53: {  	[tilespmem:s4+$0x19000] =	vst v1  }
0x54: {  	[spmem:s8] =	stream.linear.scatter [tilespmem:s19], [sflag:$0x3], $0x2000, $0x38;
	v63 =	vld [tilespmem:$0x0]  }
0x55: {  	_ =	swait.ge [sflag:s15], $0x2000  }
0x56: {  	[sflag:s15] =	ssyncset.done $0x0  }
0x57: {  	s2 =	rddreg [dreg:$0x1c];
	[sflag:s15] =	ssyncadd.s32 $0xFFFFE000  }
0x58: {  	[spmem:s2] =	stream.linear.scatter [tilespmem:s19], [sflag:$0x3], $0x2000, $0x38;
	v63 =	vld [tilespmem:$0x0]  }
0x59: {  	_ =	swait.ge [sflag:s15], $0x2000  }
0x5a: {  	[sflag:s15] =	ssyncset.done $0x0  }
0x5b: {  	s5 =	rddreg [dreg:$0x1d];
	[sflag:s15] =	ssyncadd.s32 $0xFFFFE000  }
0x5c: {  	[spmem:s5] =	stream.linear.scatter [tilespmem:s19], [sflag:$0x3], $0x2000, $0x38;
	v63 =	vld [tilespmem:$0x0]  }
0x5d: {  	_ =	swait.ge [sflag:s15], $0x2000  }
0x5e: {  	[sflag:s15] =	ssyncset.done $0x0  }
0x5f: {  	s6 =	rddreg [dreg:$0x1e];
	[sflag:s15] =	ssyncadd.s32 $0xFFFFE000  }
0x60: {  	[spmem:s6] =	stream.linear.scatter [tilespmem:s19], [sflag:$0x3], $0x2000, $0x38;
	v63 =	vld [tilespmem:$0x0]  }
0x61: {  	_ =	swait.ge [sflag:s15], $0x2000  }
0x62: {  	[sflag:s15] =	ssyncset.done $0x0  }
0x63: {  	s7 =	rddreg [dreg:$0x1f];
	[sflag:s15] =	ssyncadd.s32 $0xFFFFE000  }
0x64: {  	[spmem:s7] =	stream.linear.scatter [tilespmem:s19], [sflag:$0x3], $0x2000, $0x38;
	v63 =	vld [tilespmem:$0x0]  }
0x65: {  	_ =	swait.ge [sflag:s15], $0x2000  }
0x66: {  	s8 =	sld [smem:$0x7F9]  }
0x67: {  	[sflag:s15] =	ssyncset.done $0x0  }
0x68: {  	[sflag:s15] =	ssyncadd.s32 $0xFFFFE000  }
0x69: {  	[spmem:s8] =	stream.linear.scatter [tilespmem:s19], [sflag:$0x3], $0x2000, $0x38;
	v63 =	vld [tilespmem:$0x0]  }
0x6a: {  	_ =	swait.ge [sflag:s15], $0x2000  }
0x6b: {  	s9 =	sld [smem:$0x7FA]  }
0x6c: {  	[sflag:s15] =	ssyncset.done $0x0  }
0x6d: {  	[sflag:s15] =	ssyncadd.s32 $0xFFFFE000  }
0x6e: {  	[spmem:s9] =	stream.linear.scatter [tilespmem:s19], [sflag:$0x3], $0x2000, $0x38;
	v63 =	vld [tilespmem:$0x0]  }
0x6f: {  	_ =	swait.ge [sflag:s15], $0x2000  }
0x70: {  	s10 =	sld [smem:$0x7FB]  }
0x71: {  	[sflag:s15] =	ssyncset.done $0x0  }
0x72: {  	[sflag:s15] =	ssyncadd.s32 $0xFFFFE000  }
0x73: {  	[spmem:s10] =	stream.linear.scatter [tilespmem:s19], [sflag:$0x3], $0x2000, $0x38;
	v63 =	vld [tilespmem:$0x0]  }
0x74: {  	_ =	swait.ge [sflag:s15], $0x2000  }
0x75: {  	s11 =	sld [smem:$0x7FC]  }
0x76: {  	[sflag:s15] =	ssyncset.done $0x0  }
0x77: {  	[sflag:s15] =	ssyncadd.s32 $0xFFFFE000  }
0x78: {  	[spmem:s11] =	stream.linear.scatter [tilespmem:s19], [sflag:$0x3], $0x2000, $0x38;
	v63 =	vld [tilespmem:$0x0]  }
0x79: {  	_ =	swait.ge [sflag:s15], $0x2000  }
0x7a: {  	s20 =	sld [smem:$0x7FD]  }
0x7b: {  	[sflag:s15] =	ssyncset.done $0x0  }
0x7c: {  	[sflag:s15] =	ssyncadd.s32 $0xFFFFE000  }
0x7d: {  	[spmem:s20] =	stream.linear.scatter [tilespmem:s19], [sflag:$0x3], $0x2000, $0x38;
	v63 =	vld [tilespmem:$0x0]  }
0x7e: {  	_ =	swait.ge [sflag:s15], $0x2000  }
0x7f: {  	[sflag:s15] =	ssyncset.done $0x0  }
0x80: {  	[sflag:s15] =	ssyncadd.s32 $0xFFFFE000  }
0x81: {  	s6 =	simm.s32 $0x0;
	[bflag:$0x0] =	sbarrier.arrive $0xFFFF  }
.LBB2_6:
0x82: {  	s2 =	smul.u32 $0x1800, s6;
	_ =	sdelay $0x1  }
0x83: {  	s2 =	sadd.s32 s3, s2  }
0x84: {  	s2 =	sshrl.u32 s2, $0x3  }
0x85: {  	s4 =	sadd.s32 s1, s2  }
0x86: {  	[tilespmem:s23], [sflag:$0x3] =	stream.strided.gather [hbm4b:s4+s21], $0x300, s22, s21, $0x38;
	v63 =	vld [tilespmem:$0x0]  }
0x87: {  	_ =	swait.ge [sflag:s15], $0x300  }
0x88: {  	[sflag:s15] =	ssyncset.done $0x0  }
0x89: {  	s2 =	sadd.s32 s17, s2;
	[sflag:s15] =	ssyncadd.s32 $0xFFFFFD00  }
0x8a: {  	[tilespmem:s24], [sflag:$0x3] =	stream.strided.gather [hbm4b:s2+s21], $0x300, s22, s21, $0x38;
	v63 =	vld [tilespmem:$0x0]  }
0x8b: {  	_ =	swait.ge [sflag:s15], $0x300  }
0x8c: {  	[sflag:s15] =	ssyncset.done $0x0  }
0x8d: {  	s7 =	smul.u32 $0xC, s6;
	s8 =	simm.s32 $0x0;
	[sflag:s15] =	ssyncadd.s32 $0xFFFFFD00  }
.LBB2_7:
0x8e: {  	s2 =	sshll.u32 s8, $0x7  }
0x8f: {  	v2 =	vld [tilespmem:s2+$0x1B800];
	_ =	sdelay $0x4  }
0x90: {  	v2 =	vadd.s32 v0, v2  }
0x91: {  	[tilespmem:$0x1BE00] =	vst v2  }
0x92: {  	v2 =	vld [tilespmem:s2+$0x1B810];
	_ =	sdelay $0x4  }
0x93: {  	v2 =	vadd.s32 v0, v2  }
0x94: {  	[tilespmem:$0x1BE10] =	vst v2  }
0x95: {  	v2 =	vld [tilespmem:s2+$0x1B820];
	_ =	sdelay $0x4  }
0x96: {  	v2 =	vadd.s32 v0, v2  }
0x97: {  	[tilespmem:$0x1BE20] =	vst v2  }
0x98: {  	v2 =	vld [tilespmem:s2+$0x1B830];
	_ =	sdelay $0x3  }
0x99: {  	s4 =	sor.u32 s7, s8  }
0x9a: {  	p0 =	seq.s32 s4, $0x0;
	v2 =	vadd.s32 v0, v2  }
0x9b: {  	s4 =	simm.s32 @!p0 $0x2;
	[tilespmem:$0x1BE30] =	vst v2  }
0x9c: {  	_ =	swait.ge @!p0 [sflag:s4], $0x2000  }
0x9d: {  	[sflag:s4] =	ssyncset.done @!p0 $0x0  }
0x9e: {  	[sflag:s4] =	ssyncadd.s32 @!p0 $0xFFFFE000  }
0x9f: {  	[tilespmem:s19], [sflag:$0x1] =	stream.indirect.gather [hbm4b:s16+s25], $0x80, s26, s25, $0xb8;
	v63 =	vld [tilespmem:$0x0]  }
0xa0: {  	v2 =	vld [tilespmem:s2+$0x1B800]  }
0xa1: {  	v3 =	vld [tilespmem:s2+$0x1BB00];
	_ =	sdelay $0x5  }
0xa2: {  	[tilespmem:$0x1BE80] =	vst v3  }
0xa3: {  	v2 =	vld.idx.msk [tilespmem:v2+s14+$0x0], $0xffff  }
0xa4: {  	v4 =	vld.idx.msk [tilespmem:v3+s18+$0x0], $0xffff;
	_ =	sdelay $0x4  }
0xa5: {  	v2 =	vadd.f32 v4, v2;
	_ =	sdelay $0x1  }
0xa6: {  	v4 =	vmul.f32 $2.000000030e-01, v2  }
0xa7: {  	vm0 =	vgt.f32 v2, $0.0e+00  }
0xa8: {  	v2 =	vsel vm0, v2, v4  }
0xa9: {  	v2 =	vmul.f32 $1.442695020e+00, v2;
	_ =	sdelay $0x1  }
0xaa: {  	(erf) = vpow2.f32 v2;
	_ =	sdelay $0x8  }
0xab: {  	v2 =	vpop (erf)  }
0xac: {  	[tilespmem:$0x1BF80] =	vst v2  }
0xad: {  	s11 =	sor.u32 $0x10, s2;
	[tilespmem:v3+s28+$0x0] =	vst.idx.add.f32.msk $0xffff, v2  }
0xae: {  	v2 =	vld [tilespmem:s11+$0x1B800]  }
0xaf: {  	v3 =	vld [tilespmem:s11+$0x1BB00];
	_ =	sdelay $0x5  }
0xb0: {  	[tilespmem:$0x1BE90] =	vst v3  }
0xb1: {  	v2 =	vld.idx.msk [tilespmem:v2+s14+$0x0], $0xffff  }
0xb2: {  	v4 =	vld.idx.msk [tilespmem:v3+s18+$0x0], $0xffff;
	_ =	sdelay $0x4  }
0xb3: {  	v2 =	vadd.f32 v4, v2;
	_ =	sdelay $0x1  }
0xb4: {  	v4 =	vmul.f32 $2.000000030e-01, v2  }
0xb5: {  	vm13 =	vgt.f32 v2, $0.0e+00  }
0xb6: {  	v2 =	vsel vm13, v2, v4  }
0xb7: {  	v2 =	vmul.f32 $1.442695020e+00, v2;
	_ =	sdelay $0x1  }
0xb8: {  	(erf) = vpow2.f32 v2;
	_ =	sdelay $0x8  }
0xb9: {  	v2 =	vpop (erf)  }
0xba: {  	[tilespmem:$0x1BF90] =	vst v2  }
0xbb: {  	s20 =	sor.u32 $0x20, s2;
	[tilespmem:v3+s28+$0x0] =	vst.idx.add.f32.msk $0xffff, v2  }
0xbc: {  	v2 =	vld [tilespmem:s20+$0x1B800]  }
0xbd: {  	v3 =	vld [tilespmem:s20+$0x1BB00];
	_ =	sdelay $0x5  }
0xbe: {  	[tilespmem:$0x1BEA0] =	vst v3  }
0xbf: {  	v2 =	vld.idx.msk [tilespmem:v2+s14+$0x0], $0xffff  }
0xc0: {  	v4 =	vld.idx.msk [tilespmem:v3+s18+$0x0], $0xffff;
	_ =	sdelay $0x4  }
0xc1: {  	v2 =	vadd.f32 v4, v2;
	_ =	sdelay $0x1  }
0xc2: {  	v4 =	vmul.f32 $2.000000030e-01, v2  }
0xc3: {  	vm14 =	vgt.f32 v2, $0.0e+00  }
0xc4: {  	v2 =	vsel vm14, v2, v4  }
0xc5: {  	v2 =	vmul.f32 $1.442695020e+00, v2;
	_ =	sdelay $0x1  }
0xc6: {  	(erf) = vpow2.f32 v2;
	_ =	sdelay $0x8  }
0xc7: {  	v2 =	vpop (erf)  }
0xc8: {  	[tilespmem:$0x1BFA0] =	vst v2  }
0xc9: {  	s2 =	sor.u32 $0x30, s2;
	[tilespmem:v3+s28+$0x0] =	vst.idx.add.f32.msk $0xffff, v2  }
0xca: {  	v2 =	vld [tilespmem:s2+$0x1B800]  }
0xcb: {  	v3 =	vld [tilespmem:s2+$0x1BB00];
	_ =	sdelay $0x5  }
0xcc: {  	[tilespmem:$0x1BEB0] =	vst v3  }
0xcd: {  	v2 =	vld.idx.msk [tilespmem:v2+s14+$0x0], $0xffff  }
0xce: {  	v4 =	vld.idx.msk [tilespmem:v3+s18+$0x0], $0xffff;
	_ =	sdelay $0x4  }
0xcf: {  	v2 =	vadd.f32 v4, v2;
	_ =	sdelay $0x1  }
0xd0: {  	v4 =	vmul.f32 $2.000000030e-01, v2  }
0xd1: {  	vm15 =	vgt.f32 v2, $0.0e+00  }
0xd2: {  	v2 =	vsel vm15, v2, v4  }
0xd3: {  	v2 =	vmul.f32 $1.442695020e+00, v2;
	_ =	sdelay $0x1  }
0xd4: {  	(erf) = vpow2.f32 v2;
	_ =	sdelay $0x7  }
0xd5: {  	s9 =	simm.s32 $0x0  }
0xd6: {  	v4 =	vmov s9;
	v2 =	vpop (erf)  }
0xd7: {  	v4 =	vand.u32 $0xFFFFFFF8, v4;
	[tilespmem:$0x1BFB0] =	vst v2  }
0xd8: {  	[tilespmem:v3+s28+$0x0] =	vst.idx.add.f32.msk $0xffff, v2;
	v2 =	vbroadcast v4, $0x0;
	_ =	sdelay $0x1  }
0xd9: {  	_ =	swait.ge [sflag:s29], $0x2000  }
0xda: {  	[sflag:s29] =	ssyncset.done $0x0  }
0xdb: {  	s10 =	simm.s32 $0x1C200;
	[sflag:s29] =	ssyncadd.s32 $0xFFFFE000  }
0xdc: {  	v4 =	vld [tilespmem:s10+$0xFFFFFE70]  }
0xdd: {  	v2 =	vld.idx.msk [tilespmem:v2+s30+$0x0], $0xffff  }
0xde: {  	v5 =	vld [tilespmem:s10+$0xFFFFFE00]  }
0xdf: {  	v6 =	vld [tilespmem:s10+$0xFFFFFE20]  }
0xe0: {  	v7 =	vld [tilespmem:s10+$0xFFFFFE30]  }
0xe1: {  	v3 =	vld [tilespmem:s10+$0xFFFFFE50]  }
0xe2: {  	v9 =	vld [tilespmem:s10+$0xFFFFFE10];
	v4 =	vmul.f32 v4, v2  }
0xe3: {  	s4 =	simm.s32 $0x1;
	v8 =	vld [tilespmem:s10+$0xFFFFFE60];
	v5 =	vmul.f32 v5, v2  }
0xe4: {  	v10 =	vld [tilespmem:s10+$0xFFFFFE40];
	v6 =	vmul.f32 v6, v2;
	[tilespmem:s10+$0xFFFFFE70] =	vst v4;
	v4 =	vmov s4  }
0xe5: {  	v7 =	vmul.f32 v7, v2;
	[tilespmem:s10+$0xFFFFFE00] =	vst v5;
	v4 =	vand.u32 $0xFFFFFFF9, v4  }
0xe6: {  	v3 =	vmul.f32 v3, v2;
	[tilespmem:s10+$0xFFFFFE20] =	vst v6;
	v4 =	vbroadcast v4, $0x0  }
0xe7: {  	v5 =	vmul.f32 v9, v2;
	[tilespmem:s10+$0xFFFFFE30] =	vst v7  }
0xe8: {  	v6 =	vmul.f32 v8, v2;
	[tilespmem:s10+$0xFFFFFE50] =	vst v3  }
0xe9: {  	v2 =	vmul.f32 v10, v2;
	[tilespmem:s10+$0xFFFFFE10] =	vst v5  }
0xea: {  	[tilespmem:s10+$0xFFFFFE60] =	vst v6  }
0xeb: {  	[tilespmem:s10+$0xFFFFFE40] =	vst v2  }
0xec: {  	v2 =	vld.idx.msk [tilespmem:v4+s30+$0x0], $0xffff  }
0xed: {  	v4 =	vld [tilespmem:s10+$0xFFFFFE90]  }
0xee: {  	v5 =	vld [tilespmem:s10+$0xFFFFFEC0]  }
0xef: {  	v6 =	vld [tilespmem:s10+$0xFFFFFE80]  }
0xf0: {  	v7 =	vld [tilespmem:s10+$0xFFFFFED0]  }
0xf1: {  	v3 =	vld [tilespmem:s10+$0xFFFFFEF0]  }
0xf2: {  	v8 =	vld [tilespmem:s10+$0xFFFFFEE0];
	v4 =	vmul.f32 v4, v2  }
0xf3: {  	s5 =	simm.s32 $0x2;
	v9 =	vld [tilespmem:s10+$0xFFFFFEB0];
	v5 =	vmul.f32 v5, v2  }
0xf4: {  	v10 =	vld [tilespmem:s10+$0xFFFFFEA0];
	v6 =	vmul.f32 v6, v2;
	[tilespmem:s10+$0xFFFFFE90] =	vst v4;
	v4 =	vmov s5  }
0xf5: {  	v7 =	vmul.f32 v7, v2;
	[tilespmem:s10+$0xFFFFFEC0] =	vst v5;
	v4 =	vand.u32 $0xFFFFFFFA, v4  }
0xf6: {  	v3 =	vmul.f32 v3, v2;
	[tilespmem:s10+$0xFFFFFE80] =	vst v6;
	v4 =	vbroadcast v4, $0x0  }
0xf7: {  	v5 =	vmul.f32 v8, v2;
	[tilespmem:s10+$0xFFFFFED0] =	vst v7  }
0xf8: {  	v6 =	vmul.f32 v9, v2;
	[tilespmem:s10+$0xFFFFFEF0] =	vst v3  }
0xf9: {  	v2 =	vmul.f32 v10, v2;
	[tilespmem:s10+$0xFFFFFEE0] =	vst v5  }
0xfa: {  	[tilespmem:s10+$0xFFFFFEB0] =	vst v6  }
0xfb: {  	v3 =	vld [tilespmem:s10+$0xFFFFFF00];
	[tilespmem:s10+$0xFFFFFEA0] =	vst v2  }
0xfc: {  	v2 =	vld.idx.msk [tilespmem:v4+s30+$0x0], $0xffff  }
0xfd: {  	v4 =	vld [tilespmem:s10+$0xFFFFFF60]  }
0xfe: {  	v5 =	vld [tilespmem:s10+$0xFFFFFF10]  }
0xff: {  	v6 =	vld [tilespmem:s10+$0xFFFFFF50]  }
0x100: {  	v7 =	vld [tilespmem:s10+$0xFFFFFF70]  }
0x101: {  	v8 =	vld [tilespmem:s10+$0xFFFFFF20];
	v3 =	vmul.f32 v3, v2  }
0x102: {  	s11 =	simm.s32 $0x3;
	v9 =	vld [tilespmem:s10+$0xFFFFFF30];
	v4 =	vmul.f32 v4, v2  }
0x103: {  	v10 =	vld [tilespmem:s10+$0xFFFFFF40];
	v5 =	vmul.f32 v5, v2;
	[tilespmem:s10+$0xFFFFFF00] =	vst v3;
	v3 =	vmov s11  }
0x104: {  	v6 =	vmul.f32 v6, v2;
	[tilespmem:s10+$0xFFFFFF60] =	vst v4;
	v3 =	vand.u32 $0xFFFFFFFB, v3  }
0x105: {  	v4 =	vmul.f32 v7, v2;
	[tilespmem:s10+$0xFFFFFF10] =	vst v5;
	v3 =	vbroadcast v3, $0x0  }
0x106: {  	v5 =	vmul.f32 v8, v2;
	[tilespmem:s10+$0xFFFFFF50] =	vst v6  }
0x107: {  	v6 =	vmul.f32 v9, v2;
	[tilespmem:s10+$0xFFFFFF70] =	vst v4  }
0x108: {  	v2 =	vmul.f32 v10, v2;
	[tilespmem:s10+$0xFFFFFF20] =	vst v5  }
0x109: {  	[tilespmem:s10+$0xFFFFFF30] =	vst v6  }
0x10a: {  	[tilespmem:s10+$0xFFFFFF40] =	vst v2  }
0x10b: {  	v2 =	vld.idx.msk [tilespmem:v3+s30+$0x0], $0xffff  }
0x10c: {  	v3 =	vld [tilespmem:s10+$0xFFFFFFB0]  }
0x10d: {  	v5 =	vld [tilespmem:s10+$0xFFFFFFE0]  }
0x10e: {  	v6 =	vld [tilespmem:s10+$0xFFFFFF80]  }
0x10f: {  	v7 =	vld [tilespmem:s10+$0xFFFFFFD0]  }
0x110: {  	v4 =	vld [tilespmem:s10+$0xFFFFFFF0]  }
0x111: {  	v9 =	vld [tilespmem:s10+$0xFFFFFFA0];
	v3 =	vmul.f32 v3, v2  }
0x112: {  	s20 =	simm.s32 $0x4;
	v8 =	vld [tilespmem:s10+$0xFFFFFF90];
	v5 =	vmul.f32 v5, v2  }
0x113: {  	v10 =	vld [tilespmem:s10+$0xFFFFFFC0];
	v6 =	vmul.f32 v6, v2;
	[tilespmem:s10+$0xFFFFFFB0] =	vst v3;
	v3 =	vmov s20  }
0x114: {  	v7 =	vmul.f32 v7, v2;
	[tilespmem:s10+$0xFFFFFFE0] =	vst v5;
	v3 =	vand.u32 $0xFFFFFFFC, v3  }
0x115: {  	v4 =	vmul.f32 v4, v2;
	[tilespmem:s10+$0xFFFFFF80] =	vst v6;
	v3 =	vbroadcast v3, $0x0  }
0x116: {  	v11 =	vld [tilespmem:s10+$0x40];
	v5 =	vmul.f32 v9, v2;
	[tilespmem:s10+$0xFFFFFFD0] =	vst v7  }
0x117: {  	v6 =	vmul.f32 v8, v2;
	[tilespmem:s10+$0xFFFFFFF0] =	vst v4;
	v9 =	vld [tilespmem:s10+$0x0]  }
0x118: {  	v4 =	vmul.f32 v10, v2;
	v2 =	vld [tilespmem:s10+$0x70];
	[tilespmem:s10+$0xFFFFFFA0] =	vst v5  }
0x119: {  	v8 =	vld [tilespmem:s10+$0x20];
	[tilespmem:s10+$0xFFFFFF90] =	vst v6  }
0x11a: {  	v7 =	vld [tilespmem:s10+$0x30];
	[tilespmem:s10+$0xFFFFFFC0] =	vst v4  }
0x11b: {  	v3 =	vld.idx.msk [tilespmem:v3+s30+$0x0], $0xffff  }
0x11c: {  	v4 =	vld [tilespmem:s10+$0x50]  }
0x11d: {  	v5 =	vld [tilespmem:s10+$0x10]  }
0x11e: {  	v6 =	vld [tilespmem:s10+$0x60];
	_ =	sdelay $0x1  }
0x11f: {  	s4 =	simm.s32 $0x8;
	s11 =	sshll.u32 s8, $0x1;
	s20 =	simm.s32 $0x1C200;
	v10 =	vmul.f32 v9, v3;
	v9 =	vmul.f32 v11, v3  }
.LBB2_8:
0x120: {  	p0 =	slt.u32 s4, $0x38;
	v8 =	vmul.f32 v8, v3;
	v7 =	vmul.f32 v7, v3;
	s2 =	sadd.s32 $0x5, s9;
	s10 =	sadd.s32 $0x400, s10  }
0x121: {  	v4 =	vmul.f32 v4, v3;
	[tilespmem:s20+$0x0] =	vst v10;
	v5 =	vmul.f32 v5, v3;
	v10 =	vmov s2;
	s2 =	smov.u32 s4;
	s4 =	sadd.s32 $0x8, s4  }
0x122: {  	v2 =	vmul.f32 v2, v3;
	[tilespmem:s20+$0x40] =	vst v9;
	v6 =	vmul.f32 v6, v3;
	v3 =	vand.u32 $0xFFFFFFFD, v10  }
0x123: {  	[tilespmem:s20+$0x20] =	vst v8;
	v3 =	vbroadcast v3, $0x0  }
0x124: {  	[tilespmem:s20+$0x50] =	vst v4  }
0x125: {  	[tilespmem:s20+$0x70] =	vst v2;
	v2 =	vld [tilespmem:s20+$0xA0]  }
0x126: {  	[tilespmem:s20+$0x30] =	vst v7;
	v4 =	vld [tilespmem:s20+$0x80]  }
0x127: {  	[tilespmem:s20+$0x60] =	vst v6;
	v6 =	vld [tilespmem:s20+$0xD0]  }
0x128: {  	[tilespmem:s20+$0x10] =	vst v5;
	v5 =	vld [tilespmem:s20+$0xF0]  }
0x129: {  	v3 =	vld.idx.msk [tilespmem:v3+s30+$0x0], $0xffff  }
0x12a: {  	v7 =	vld [tilespmem:s20+$0xC0]  }
0x12b: {  	v8 =	vld [tilespmem:s20+$0xB0]  }
0x12c: {  	v9 =	vld [tilespmem:s20+$0x90]  }
0x12d: {  	v10 =	vld [tilespmem:s20+$0xE0];
	_ =	sdelay $0x1  }
0x12e: {  	v4 =	vmul.f32 v4, v3;
	v7 =	vmul.f32 v7, v3  }
0x12f: {  	s5 =	sadd.s32 $0x6, s9;
	v2 =	vmul.f32 v2, v3;
	v8 =	vmul.f32 v8, v3  }
0x130: {  	v6 =	vmul.f32 v6, v3;
	[tilespmem:s20+$0x80] =	vst v4;
	v4 =	vmul.f32 v9, v3;
	v9 =	vmov s5  }
0x131: {  	[tilespmem:s20+$0xA0] =	vst v2;
	v2 =	vmul.f32 v10, v3;
	v3 =	vmul.f32 v5, v3;
	v5 =	vand.u32 $0xFFFFFFFE, v9  }
0x132: {  	[tilespmem:s20+$0xD0] =	vst v6;
	v5 =	vbroadcast v5, $0x0  }
0x133: {  	[tilespmem:s20+$0xC0] =	vst v7  }
0x134: {  	[tilespmem:s20+$0xF0] =	vst v3;
	v3 =	vld [tilespmem:s20+$0x120]  }
0x135: {  	[tilespmem:s20+$0xB0] =	vst v8;
	v6 =	vld [tilespmem:s20+$0x100]  }
0x136: {  	[tilespmem:s20+$0x90] =	vst v4;
	v4 =	vld [tilespmem:s20+$0x140]  }
0x137: {  	[tilespmem:s20+$0xE0] =	vst v2;
	v2 =	vld [tilespmem:s20+$0x130]  }
0x138: {  	v5 =	vld.idx.msk [tilespmem:v5+s30+$0x0], $0xffff  }
0x139: {  	v7 =	vld [tilespmem:s20+$0x110]  }
0x13a: {  	v8 =	vld [tilespmem:s20+$0x160]  }
0x13b: {  	v9 =	vld [tilespmem:s20+$0x150]  }
0x13c: {  	v10 =	vld [tilespmem:s20+$0x170];
	_ =	sdelay $0x1  }
0x13d: {  	v6 =	vmul.f32 v6, v5;
	v7 =	vmul.f32 v7, v5  }
0x13e: {  	v3 =	vmul.f32 v3, v5;
	v2 =	vmul.f32 v2, v5  }
0x13f: {  	v4 =	vmul.f32 v4, v5;
	[tilespmem:s20+$0x100] =	vst v6;
	v6 =	vmul.f32 v9, v5  }
0x140: {  	[tilespmem:s20+$0x120] =	vst v3;
	v3 =	vmul.f32 v8, v5;
	v5 =	vmul.f32 v10, v5  }
0x141: {  	s5 =	sadd.s32 $0x7, s9;
	s9 =	smov.u32 s2;
	[tilespmem:s20+$0x130] =	vst v2  }
0x142: {  	v2 =	vmov s5;
	[tilespmem:s20+$0x140] =	vst v4  }
0x143: {  	[tilespmem:s20+$0x160] =	vst v3;
	v3 =	vld [tilespmem:s20+$0x180]  }
0x144: {  	[tilespmem:s20+$0x110] =	vst v7;
	v4 =	vld [tilespmem:s20+$0x1D0]  }
0x145: {  	[tilespmem:s20+$0x150] =	vst v6;
	v6 =	vld [tilespmem:s20+$0x190]  }
0x146: {  	[tilespmem:s20+$0x170] =	vst v5;
	v5 =	vld [tilespmem:s20+$0x1F0]  }
0x147: {  	v2 =	vld.idx.msk [tilespmem:v2+s30+$0x0], $0xffff  }
0x148: {  	v7 =	vld [tilespmem:s20+$0x1B0]  }
0x149: {  	v8 =	vld [tilespmem:s20+$0x1A0]  }
0x14a: {  	v9 =	vld [tilespmem:s20+$0x1C0]  }
0x14b: {  	v10 =	vld [tilespmem:s20+$0x1E0];
	_ =	sdelay $0x1  }
0x14c: {  	v3 =	vmul.f32 v3, v2;
	v6 =	vmul.f32 v6, v2  }
0x14d: {  	v7 =	vmul.f32 v7, v2;
	v8 =	vmul.f32 v8, v2  }
0x14e: {  	v11 =	vmov s9;
	v4 =	vmul.f32 v4, v2;
	[tilespmem:s20+$0x180] =	vst v3;
	v3 =	vmul.f32 v9, v2  }
0x14f: {  	v9 =	vand.u32 $0xFFFFFFF8, v11;
	[tilespmem:s20+$0x190] =	vst v6;
	v6 =	vmul.f32 v10, v2;
	v2 =	vmul.f32 v5, v2  }
0x150: {  	v5 =	vbroadcast v9, $0x0;
	[tilespmem:s20+$0x1D0] =	vst v4  }
0x151: {  	[tilespmem:s20+$0x1A0] =	vst v8  }
0x152: {  	v4 =	vld [tilespmem:s10+$0xFFFFFE50];
	[tilespmem:s20+$0x1F0] =	vst v2  }
0x153: {  	v2 =	vld [tilespmem:s10+$0xFFFFFE30];
	[tilespmem:s20+$0x1B0] =	vst v7  }
0x154: {  	v7 =	vld [tilespmem:s10+$0xFFFFFE60];
	[tilespmem:s20+$0x1E0] =	vst v6  }
0x155: {  	v6 =	vld [tilespmem:s10+$0xFFFFFE70];
	[tilespmem:s20+$0x1C0] =	vst v3;
	s20 =	smov.u32 s10  }
0x156: {  	v3 =	vld.idx.msk [tilespmem:v5+s30+$0x0], $0xffff  }
0x157: {  	v5 =	vld [tilespmem:s10+$0xFFFFFE00]  }
0x158: {  	v8 =	vld [tilespmem:s10+$0xFFFFFE20]  }
0x159: {  	v9 =	vld [tilespmem:s10+$0xFFFFFE10]  }
0x15a: {  	v10 =	vld [tilespmem:s10+$0xFFFFFE40];
	_ =	sdelay $0x1  }
0x15b: {  	v6 =	vmul.f32 v6, v3;
	v5 =	vmul.f32 v5, v3  }
0x15c: {  	s2 =	sadd.s32 $0x1, s9;
	v7 =	vmul.f32 v7, v3;
	v8 =	vmul.f32 v8, v3  }
0x15d: {  	v2 =	vmul.f32 v2, v3;
	v9 =	vmul.f32 v9, v3;
	[tilespmem:s10+$0xFFFFFE70] =	vst v6;
	v6 =	vmov s2  }
0x15e: {  	[tilespmem:s10+$0xFFFFFE00] =	vst v5;
	v5 =	vmul.f32 v10, v3;
	v3 =	vmul.f32 v4, v3;
	v4 =	vand.u32 $0xFFFFFFF9, v6  }
0x15f: {  	[tilespmem:s10+$0xFFFFFE20] =	vst v8;
	v4 =	vbroadcast v4, $0x0  }
0x160: {  	[tilespmem:s10+$0xFFFFFE30] =	vst v2  }
0x161: {  	[tilespmem:s10+$0xFFFFFE50] =	vst v3;
	v2 =	vld [tilespmem:s10+$0xFFFFFEF0]  }
0x162: {  	[tilespmem:s10+$0xFFFFFE10] =	vst v9;
	v3 =	vld [tilespmem:s10+$0xFFFFFED0]  }
0x163: {  	[tilespmem:s10+$0xFFFFFE60] =	vst v7;
	v6 =	vld [tilespmem:s10+$0xFFFFFEB0]  }
0x164: {  	[tilespmem:s10+$0xFFFFFE40] =	vst v5;
	v5 =	vld [tilespmem:s10+$0xFFFFFEC0]  }
0x165: {  	v4 =	vld.idx.msk [tilespmem:v4+s30+$0x0], $0xffff  }
0x166: {  	v7 =	vld [tilespmem:s10+$0xFFFFFE90]  }
0x167: {  	v8 =	vld [tilespmem:s10+$0xFFFFFE80]  }
0x168: {  	v9 =	vld [tilespmem:s10+$0xFFFFFEA0]  }
0x169: {  	v10 =	vld [tilespmem:s10+$0xFFFFFEE0];
	_ =	sdelay $0x1  }
0x16a: {  	v5 =	vmul.f32 v5, v4;
	v7 =	vmul.f32 v7, v4  }
0x16b: {  	s2 =	sadd.s32 $0x2, s9;
	v6 =	vmul.f32 v6, v4;
	v8 =	vmul.f32 v8, v4  }
0x16c: {  	v3 =	vmul.f32 v3, v4;
	[tilespmem:s10+$0xFFFFFE90] =	vst v7;
	v7 =	vmul.f32 v9, v4;
	v9 =	vmov s2  }
0x16d: {  	v2 =	vmul.f32 v2, v4;
	[tilespmem:s10+$0xFFFFFEC0] =	vst v5;
	v5 =	vmul.f32 v10, v4;
	v4 =	vand.u32 $0xFFFFFFFA, v9  }
0x16e: {  	[tilespmem:s10+$0xFFFFFE80] =	vst v8;
	v4 =	vbroadcast v4, $0x0  }
0x16f: {  	[tilespmem:s10+$0xFFFFFED0] =	vst v3  }
0x170: {  	[tilespmem:s10+$0xFFFFFEE0] =	vst v5;
	v3 =	vld [tilespmem:s10+$0xFFFFFF70]  }
0x171: {  	[tilespmem:s10+$0xFFFFFEB0] =	vst v6;
	v5 =	vld [tilespmem:s10+$0xFFFFFF50]  }
0x172: {  	[tilespmem:s10+$0xFFFFFEF0] =	vst v2;
	v2 =	vld [tilespmem:s10+$0xFFFFFF20]  }
0x173: {  	[tilespmem:s10+$0xFFFFFEA0] =	vst v7;
	v6 =	vld [tilespmem:s10+$0xFFFFFF60]  }
0x174: {  	v4 =	vld.idx.msk [tilespmem:v4+s30+$0x0], $0xffff  }
0x175: {  	v7 =	vld [tilespmem:s10+$0xFFFFFF00]  }
0x176: {  	v8 =	vld [tilespmem:s10+$0xFFFFFF10]  }
0x177: {  	v9 =	vld [tilespmem:s10+$0xFFFFFF40]  }
0x178: {  	v10 =	vld [tilespmem:s10+$0xFFFFFF30];
	_ =	sdelay $0x1  }
0x179: {  	v6 =	vmul.f32 v6, v4;
	v7 =	vmul.f32 v7, v4  }
0x17a: {  	s2 =	sadd.s32 $0x3, s9;
	v2 =	vmul.f32 v2, v4;
	v8 =	vmul.f32 v8, v4  }
0x17b: {  	v5 =	vmul.f32 v5, v4;
	[tilespmem:s10+$0xFFFFFF00] =	vst v7;
	v7 =	vmul.f32 v9, v4;
	v9 =	vmov s2  }
0x17c: {  	v3 =	vmul.f32 v3, v4;
	v10 =	vmul.f32 v10, v4;
	[tilespmem:s10+$0xFFFFFF60] =	vst v6;
	v4 =	vand.u32 $0xFFFFFFFB, v9  }
0x17d: {  	[tilespmem:s10+$0xFFFFFF10] =	vst v8;
	v4 =	vbroadcast v4, $0x0  }
0x17e: {  	[tilespmem:s10+$0xFFFFFF50] =	vst v5  }
0x17f: {  	[tilespmem:s10+$0xFFFFFF70] =	vst v3;
	v3 =	vld [tilespmem:s10+$0xFFFFFFF0]  }
0x180: {  	[tilespmem:s10+$0xFFFFFF20] =	vst v2;
	v2 =	vld [tilespmem:s10+$0xFFFFFFD0]  }
0x181: {  	[tilespmem:s10+$0xFFFFFF30] =	vst v10;
	v5 =	vld [tilespmem:s10+$0xFFFFFF90]  }
0x182: {  	[tilespmem:s10+$0xFFFFFF40] =	vst v7;
	v6 =	vld [tilespmem:s10+$0xFFFFFFE0]  }
0x183: {  	v4 =	vld.idx.msk [tilespmem:v4+s30+$0x0], $0xffff  }
0x184: {  	v7 =	vld [tilespmem:s10+$0xFFFFFFB0]  }
0x185: {  	v8 =	vld [tilespmem:s10+$0xFFFFFF80]  }
0x186: {  	v9 =	vld [tilespmem:s10+$0xFFFFFFC0]  }
0x187: {  	v10 =	vld [tilespmem:s10+$0xFFFFFFA0];
	_ =	sdelay $0x1  }
0x188: {  	v6 =	vmul.f32 v6, v4;
	v7 =	vmul.f32 v7, v4  }
0x189: {  	s2 =	sadd.s32 $0x4, s9;
	v5 =	vmul.f32 v5, v4;
	v8 =	vmul.f32 v8, v4  }
0x18a: {  	v2 =	vmul.f32 v2, v4;
	[tilespmem:s10+$0xFFFFFFB0] =	vst v7;
	v7 =	vmul.f32 v9, v4;
	v9 =	vmov s2  }
0x18b: {  	v3 =	vmul.f32 v3, v4;
	v10 =	vmul.f32 v10, v4;
	[tilespmem:s10+$0xFFFFFFE0] =	vst v6;
	v4 =	vand.u32 $0xFFFFFFFC, v9  }
0x18c: {  	[tilespmem:s10+$0xFFFFFF80] =	vst v8;
	v6 =	vbroadcast v4, $0x0  }
0x18d: {  	[tilespmem:s10+$0xFFFFFFD0] =	vst v2  }
0x18e: {  	[tilespmem:s10+$0xFFFFFFF0] =	vst v3;
	v9 =	vld [tilespmem:s10+$0x0]  }
0x18f: {  	[tilespmem:s10+$0xFFFFFFA0] =	vst v10;
	v2 =	vld [tilespmem:s10+$0x70]  }
0x190: {  	[tilespmem:s10+$0xFFFFFF90] =	vst v5;
	v4 =	vld [tilespmem:s10+$0x50]  }
0x191: {  	[tilespmem:s10+$0xFFFFFFC0] =	vst v7;
	v8 =	vld [tilespmem:s10+$0x20]  }
0x192: {  	v3 =	vld.idx.msk [tilespmem:v6+s30+$0x0], $0xffff  }
0x193: {  	v11 =	vld [tilespmem:s10+$0x40]  }
.Ltmp2:
0x194: {  	v7 =	vld [tilespmem:s10+$0x30];
	(pc) =	sbr.rel @p0 .LBB2_8-.Ltmp2, $3  }
0x195: {  	v5 =	vld [tilespmem:s10+$0x10]  }
0x196: {  	v6 =	vld [tilespmem:s10+$0x60];
	_ =	sdelay $0x1  }
0x197: {  	v10 =	vmul.f32 v9, v3;
	v9 =	vmul.f32 v11, v3  }
0x198: {  	s2 =	sadd.s32 $0x5, s9  }
0x199: {  	v8 =	vmul.f32 v8, v3;
	[tilespmem:s20+$0x0] =	vst v10;
	v10 =	vmov s2  }
0x19a: {  	v4 =	vmul.f32 v4, v3;
	[tilespmem:s20+$0x40] =	vst v9;
	v9 =	vand.u32 $0xFFFFFFFD, v10  }
0x19b: {  	v2 =	vmul.f32 v2, v3;
	[tilespmem:s20+$0x20] =	vst v8;
	v8 =	vbroadcast v9, $0x0  }
0x19c: {  	v7 =	vmul.f32 v7, v3;
	[tilespmem:s20+$0x50] =	vst v4  }
0x19d: {  	v4 =	vmul.f32 v6, v3;
	[tilespmem:s20+$0x70] =	vst v2  }
0x19e: {  	v2 =	vmul.f32 v5, v3;
	[tilespmem:s20+$0x30] =	vst v7  }
0x19f: {  	[tilespmem:s20+$0x60] =	vst v4  }
0x1a0: {  	v3 =	vld [tilespmem:s20+$0x80];
	[tilespmem:s20+$0x10] =	vst v2  }
0x1a1: {  	v2 =	vld.idx.msk [tilespmem:v8+s30+$0x0], $0xffff  }
0x1a2: {  	v4 =	vld [tilespmem:s20+$0xA0]  }
0x1a3: {  	v6 =	vld [tilespmem:s20+$0xC0]  }
0x1a4: {  	v5 =	vld [tilespmem:s20+$0xD0];
	_ =	sdelay $0x1  }
0x1a5: {  	v9 =	vld [tilespmem:s20+$0x90];
	v3 =	vmul.f32 v3, v2  }
0x1a6: {  	v7 =	vld [tilespmem:s20+$0xF0];
	v4 =	vmul.f32 v4, v2  }
0x1a7: {  	s5 =	sadd.s32 $0x6, s9;
	v8 =	vld [tilespmem:s20+$0xB0];
	v6 =	vmul.f32 v6, v2;
	[tilespmem:s20+$0x80] =	vst v3  }
0x1a8: {  	v10 =	vld [tilespmem:s20+$0xE0];
	v3 =	vmul.f32 v5, v2;
	v5 =	vmov s5;
	[tilespmem:s20+$0xA0] =	vst v4  }
0x1a9: {  	[tilespmem:s20+$0xC0] =	vst v6;
	v4 =	vand.u32 $0xFFFFFFFE, v5  }
0x1aa: {  	v6 =	vmul.f32 v9, v2;
	[tilespmem:s20+$0xD0] =	vst v3;
	v3 =	vbroadcast v4, $0x0  }
0x1ab: {  	v5 =	vmul.f32 v7, v2  }
0x1ac: {  	v4 =	vmul.f32 v8, v2;
	[tilespmem:s20+$0x90] =	vst v6  }
0x1ad: {  	v2 =	vmul.f32 v10, v2;
	[tilespmem:s20+$0xF0] =	vst v5  }
0x1ae: {  	[tilespmem:s20+$0xB0] =	vst v4  }
0x1af: {  	v4 =	vld [tilespmem:s20+$0x100];
	[tilespmem:s20+$0xE0] =	vst v2  }
0x1b0: {  	v2 =	vld.idx.msk [tilespmem:v3+s30+$0x0], $0xffff  }
0x1b1: {  	v3 =	vld [tilespmem:s20+$0x120]  }
0x1b2: {  	v5 =	vld [tilespmem:s20+$0x130]  }
0x1b3: {  	v6 =	vld [tilespmem:s20+$0x140]  }
0x1b4: {  	v7 =	vld [tilespmem:s20+$0x160]  }
0x1b5: {  	v8 =	vld [tilespmem:s20+$0x110];
	v4 =	vmul.f32 v4, v2  }
0x1b6: {  	v9 =	vld [tilespmem:s20+$0x150];
	v3 =	vmul.f32 v3, v2  }
0x1b7: {  	v10 =	vld [tilespmem:s20+$0x170];
	v5 =	vmul.f32 v5, v2;
	[tilespmem:s20+$0x100] =	vst v4  }
0x1b8: {  	v4 =	vmul.f32 v6, v2;
	[tilespmem:s20+$0x120] =	vst v3  }
0x1b9: {  	s10 =	sadd.s32 $0x7, s9;
	v3 =	vmul.f32 v7, v2;
	[tilespmem:s20+$0x130] =	vst v5  }
0x1ba: {  	v5 =	vmul.f32 v8, v2;
	[tilespmem:s20+$0x140] =	vst v4;
	v4 =	vmov s10  }
0x1bb: {  	v6 =	vmul.f32 v9, v2;
	[tilespmem:s20+$0x160] =	vst v3  }
0x1bc: {  	v2 =	vmul.f32 v10, v2;
	[tilespmem:s20+$0x110] =	vst v5  }
0x1bd: {  	[tilespmem:s20+$0x150] =	vst v6  }
0x1be: {  	v3 =	vld [tilespmem:s20+$0x180];
	[tilespmem:s20+$0x170] =	vst v2  }
0x1bf: {  	v2 =	vld.idx.msk [tilespmem:v4+s30+$0x0], $0xffff  }
0x1c0: {  	v5 =	vld [tilespmem:s20+$0x190]  }
0x1c1: {  	v4 =	vld [tilespmem:s20+$0x1D0]  }
0x1c2: {  	v6 =	vld [tilespmem:s20+$0x1A0]  }
0x1c3: {  	v7 =	vld [tilespmem:s20+$0x1F0]  }
0x1c4: {  	v8 =	vld [tilespmem:s20+$0x1B0];
	v3 =	vmul.f32 v3, v2  }
0x1c5: {  	v9 =	vld [tilespmem:s20+$0x1E0];
	v5 =	vmul.f32 v5, v2  }
0x1c6: {  	v10 =	vld [tilespmem:s20+$0x1C0];
	[tilespmem:s20+$0x180] =	vst v3;
	v3 =	vmul.f32 v4, v2  }
0x1c7: {  	v4 =	vmul.f32 v6, v2;
	[tilespmem:s20+$0x190] =	vst v5  }
0x1c8: {  	v5 =	vmul.f32 v7, v2;
	[tilespmem:s20+$0x1D0] =	vst v3  }
0x1c9: {  	v3 =	vmul.f32 v8, v2;
	[tilespmem:s20+$0x1A0] =	vst v4  }
0x1ca: {  	v4 =	vmul.f32 v9, v2;
	[tilespmem:s20+$0x1F0] =	vst v5  }
0x1cb: {  	v2 =	vmul.f32 v10, v2;
	[tilespmem:s20+$0x1B0] =	vst v3  }
0x1cc: {  	s11 =	sor.u32 $0x1, s11;
	[tilespmem:s20+$0x1E0] =	vst v4  }
0x1cd: {  	s4 =	sshll.u32 s11, $0x6;
	[tilespmem:s20+$0x1C0] =	vst v2  }
0x1ce: {  	[spmem:s13] =	stream.indirect.scatter.add.f32 [tilespmem:s19], [sflag:$0x2], $0x80, s31, s25, $0xb8;
	v63 =	vld [tilespmem:$0x0]  }
0x1cf: {  	v2 =	vld [tilespmem:s4+$0x1B800];
	_ =	sdelay $0x4  }
0x1d0: {  	v2 =	vadd.s32 v0, v2  }
0x1d1: {  	s5 =	sor.u32 $0x50, s4;
	[tilespmem:$0x1BE00] =	vst v2  }
0x1d2: {  	v2 =	vld [tilespmem:s5+$0x1B800];
	_ =	sdelay $0x4  }
0x1d3: {  	v2 =	vadd.s32 v0, v2  }
0x1d4: {  	s20 =	sor.u32 $0x60, s4;
	[tilespmem:$0x1BE10] =	vst v2  }
0x1d5: {  	v2 =	vld [tilespmem:s20+$0x1B800];
	_ =	sdelay $0x4  }
0x1d6: {  	v2 =	vadd.s32 v0, v2  }
0x1d7: {  	s10 =	sor.u32 $0x70, s4;
	[tilespmem:$0x1BE20] =	vst v2  }
0x1d8: {  	v2 =	vld [tilespmem:s10+$0x1B800];
	_ =	sdelay $0x3  }
0x1d9: {  	s2 =	sadd.s32 s7, s11  }
0x1da: {  	p0 =	seq.s32 s2, $0x1;
	v2 =	vadd.s32 v0, v2  }
0x1db: {  	s2 =	simm.s32 @!p0 $0x2;
	[tilespmem:$0x1BE30] =	vst v2  }
0x1dc: {  	_ =	swait.ge @!p0 [sflag:s2], $0x2000  }
0x1dd: {  	[sflag:s2] =	ssyncset.done @!p0 $0x0  }
0x1de: {  	[sflag:s2] =	ssyncadd.s32 @!p0 $0xFFFFE000  }
0x1df: {  	[tilespmem:s12], [sflag:$0x1] =	stream.indirect.gather [hbm4b:s16+s25], $0x80, s26, s25, $0xb8;
	v63 =	vld [tilespmem:$0x0]  }
0x1e0: {  	v2 =	vld [tilespmem:s4+$0x1B800]  }
0x1e1: {  	v3 =	vld [tilespmem:s4+$0x1BB00];
	_ =	sdelay $0x5  }
0x1e2: {  	[tilespmem:$0x1BF00] =	vst v3  }
0x1e3: {  	v2 =	vld.idx.msk [tilespmem:v2+s14+$0x0], $0xffff  }
0x1e4: {  	v4 =	vld.idx.msk [tilespmem:v3+s18+$0x0], $0xffff;
	_ =	sdelay $0x4  }
0x1e5: {  	v2 =	vadd.f32 v4, v2;
	_ =	sdelay $0x1  }
0x1e6: {  	v4 =	vmul.f32 $2.000000030e-01, v2  }
0x1e7: {  	vm0 =	vgt.f32 v2, $0.0e+00  }
0x1e8: {  	v2 =	vsel vm0, v2, v4  }
0x1e9: {  	v2 =	vmul.f32 $1.442695020e+00, v2;
	_ =	sdelay $0x1  }
0x1ea: {  	(erf) = vpow2.f32 v2;
	_ =	sdelay $0x8  }
0x1eb: {  	v2 =	vpop (erf)  }
0x1ec: {  	[tilespmem:$0x1BF80] =	vst v2  }
0x1ed: {  	[tilespmem:v3+s28+$0x0] =	vst.idx.add.f32.msk $0xffff, v2  }
0x1ee: {  	v2 =	vld [tilespmem:s5+$0x1B800]  }
0x1ef: {  	v3 =	vld [tilespmem:s5+$0x1BB00];
	_ =	sdelay $0x5  }
0x1f0: {  	[tilespmem:$0x1BF10] =	vst v3  }
0x1f1: {  	v2 =	vld.idx.msk [tilespmem:v2+s14+$0x0], $0xffff  }
0x1f2: {  	v4 =	vld.idx.msk [tilespmem:v3+s18+$0x0], $0xffff;
	_ =	sdelay $0x4  }
0x1f3: {  	v2 =	vadd.f32 v4, v2;
	_ =	sdelay $0x1  }
0x1f4: {  	v4 =	vmul.f32 $2.000000030e-01, v2  }
0x1f5: {  	vm13 =	vgt.f32 v2, $0.0e+00  }
0x1f6: {  	v2 =	vsel vm13, v2, v4  }
0x1f7: {  	v2 =	vmul.f32 $1.442695020e+00, v2;
	_ =	sdelay $0x1  }
0x1f8: {  	(erf) = vpow2.f32 v2;
	_ =	sdelay $0x8  }
0x1f9: {  	v2 =	vpop (erf)  }
0x1fa: {  	[tilespmem:$0x1BF90] =	vst v2  }
0x1fb: {  	[tilespmem:v3+s28+$0x0] =	vst.idx.add.f32.msk $0xffff, v2  }
0x1fc: {  	v2 =	vld [tilespmem:s20+$0x1B800]  }
0x1fd: {  	v3 =	vld [tilespmem:s20+$0x1BB00];
	_ =	sdelay $0x5  }
0x1fe: {  	[tilespmem:$0x1BF20] =	vst v3  }
0x1ff: {  	v2 =	vld.idx.msk [tilespmem:v2+s14+$0x0], $0xffff  }
0x200: {  	v4 =	vld.idx.msk [tilespmem:v3+s18+$0x0], $0xffff;
	_ =	sdelay $0x4  }
0x201: {  	v2 =	vadd.f32 v4, v2;
	_ =	sdelay $0x1  }
0x202: {  	v4 =	vmul.f32 $2.000000030e-01, v2  }
0x203: {  	vm14 =	vgt.f32 v2, $0.0e+00  }
0x204: {  	v2 =	vsel vm14, v2, v4  }
0x205: {  	v2 =	vmul.f32 $1.442695020e+00, v2;
	_ =	sdelay $0x1  }
0x206: {  	(erf) = vpow2.f32 v2;
	_ =	sdelay $0x8  }
0x207: {  	v2 =	vpop (erf)  }
0x208: {  	[tilespmem:$0x1BFA0] =	vst v2  }
0x209: {  	[tilespmem:v3+s28+$0x0] =	vst.idx.add.f32.msk $0xffff, v2  }
0x20a: {  	v2 =	vld [tilespmem:s10+$0x1B800]  }
0x20b: {  	v3 =	vld [tilespmem:s10+$0x1BB00];
	_ =	sdelay $0x5  }
0x20c: {  	[tilespmem:$0x1BF30] =	vst v3  }
0x20d: {  	v2 =	vld.idx.msk [tilespmem:v2+s14+$0x0], $0xffff  }
0x20e: {  	v4 =	vld.idx.msk [tilespmem:v3+s18+$0x0], $0xffff;
	_ =	sdelay $0x4  }
0x20f: {  	v2 =	vadd.f32 v4, v2;
	_ =	sdelay $0x1  }
0x210: {  	v4 =	vmul.f32 $2.000000030e-01, v2  }
0x211: {  	vm15 =	vgt.f32 v2, $0.0e+00  }
0x212: {  	v2 =	vsel vm15, v2, v4  }
0x213: {  	v2 =	vmul.f32 $1.442695020e+00, v2;
	_ =	sdelay $0x1  }
0x214: {  	(erf) = vpow2.f32 v2;
	_ =	sdelay $0x7  }
0x215: {  	s9 =	simm.s32 $0x0  }
0x216: {  	v4 =	vmov s9;
	v2 =	vpop (erf)  }
0x217: {  	v4 =	vand.u32 $0xFFFFFFF8, v4;
	[tilespmem:$0x1BFB0] =	vst v2  }
0x218: {  	[tilespmem:v3+s28+$0x0] =	vst.idx.add.f32.msk $0xffff, v2;
	v2 =	vbroadcast v4, $0x0;
	_ =	sdelay $0x1  }
0x219: {  	_ =	swait.ge [sflag:s29], $0x2000  }
0x21a: {  	[sflag:s29] =	ssyncset.done $0x0  }
0x21b: {  	s10 =	simm.s32 $0x1E200;
	[sflag:s29] =	ssyncadd.s32 $0xFFFFE000  }
0x21c: {  	v4 =	vld [tilespmem:s10+$0xFFFFFE70]  }
0x21d: {  	v2 =	vld.idx.msk [tilespmem:v2+s30+$0x0], $0xffff  }
0x21e: {  	v5 =	vld [tilespmem:s10+$0xFFFFFE00]  }
0x21f: {  	v6 =	vld [tilespmem:s10+$0xFFFFFE20]  }
0x220: {  	v7 =	vld [tilespmem:s10+$0xFFFFFE30]  }
0x221: {  	v3 =	vld [tilespmem:s10+$0xFFFFFE50]  }
0x222: {  	v9 =	vld [tilespmem:s10+$0xFFFFFE10];
	v4 =	vmul.f32 v4, v2  }
0x223: {  	s4 =	simm.s32 $0x1;
	v8 =	vld [tilespmem:s10+$0xFFFFFE60];
	v5 =	vmul.f32 v5, v2  }
0x224: {  	v10 =	vld [tilespmem:s10+$0xFFFFFE40];
	v6 =	vmul.f32 v6, v2;
	[tilespmem:s10+$0xFFFFFE70] =	vst v4;
	v4 =	vmov s4  }
0x225: {  	v7 =	vmul.f32 v7, v2;
	[tilespmem:s10+$0xFFFFFE00] =	vst v5;
	v4 =	vand.u32 $0xFFFFFFF9, v4  }
0x226: {  	v3 =	vmul.f32 v3, v2;
	[tilespmem:s10+$0xFFFFFE20] =	vst v6;
	v4 =	vbroadcast v4, $0x0  }
0x227: {  	v5 =	vmul.f32 v9, v2;
	[tilespmem:s10+$0xFFFFFE30] =	vst v7  }
0x228: {  	v6 =	vmul.f32 v8, v2;
	[tilespmem:s10+$0xFFFFFE50] =	vst v3  }
0x229: {  	v2 =	vmul.f32 v10, v2;
	[tilespmem:s10+$0xFFFFFE10] =	vst v5  }
0x22a: {  	[tilespmem:s10+$0xFFFFFE60] =	vst v6  }
0x22b: {  	[tilespmem:s10+$0xFFFFFE40] =	vst v2  }
0x22c: {  	v2 =	vld.idx.msk [tilespmem:v4+s30+$0x0], $0xffff  }
0x22d: {  	v4 =	vld [tilespmem:s10+$0xFFFFFE90]  }
0x22e: {  	v5 =	vld [tilespmem:s10+$0xFFFFFEC0]  }
0x22f: {  	v6 =	vld [tilespmem:s10+$0xFFFFFE80]  }
0x230: {  	v7 =	vld [tilespmem:s10+$0xFFFFFED0]  }
0x231: {  	v3 =	vld [tilespmem:s10+$0xFFFFFEF0]  }
0x232: {  	v8 =	vld [tilespmem:s10+$0xFFFFFEE0];
	v4 =	vmul.f32 v4, v2  }
0x233: {  	s5 =	simm.s32 $0x2;
	v9 =	vld [tilespmem:s10+$0xFFFFFEB0];
	v5 =	vmul.f32 v5, v2  }
0x234: {  	v10 =	vld [tilespmem:s10+$0xFFFFFEA0];
	v6 =	vmul.f32 v6, v2;
	[tilespmem:s10+$0xFFFFFE90] =	vst v4;
	v4 =	vmov s5  }
0x235: {  	v7 =	vmul.f32 v7, v2;
	[tilespmem:s10+$0xFFFFFEC0] =	vst v5;
	v4 =	vand.u32 $0xFFFFFFFA, v4  }
0x236: {  	v3 =	vmul.f32 v3, v2;
	[tilespmem:s10+$0xFFFFFE80] =	vst v6;
	v4 =	vbroadcast v4, $0x0  }
0x237: {  	v5 =	vmul.f32 v8, v2;
	[tilespmem:s10+$0xFFFFFED0] =	vst v7  }
0x238: {  	v6 =	vmul.f32 v9, v2;
	[tilespmem:s10+$0xFFFFFEF0] =	vst v3  }
0x239: {  	v2 =	vmul.f32 v10, v2;
	[tilespmem:s10+$0xFFFFFEE0] =	vst v5  }
0x23a: {  	[tilespmem:s10+$0xFFFFFEB0] =	vst v6  }
0x23b: {  	v3 =	vld [tilespmem:s10+$0xFFFFFF00];
	[tilespmem:s10+$0xFFFFFEA0] =	vst v2  }
0x23c: {  	v2 =	vld.idx.msk [tilespmem:v4+s30+$0x0], $0xffff  }
0x23d: {  	v4 =	vld [tilespmem:s10+$0xFFFFFF60]  }
0x23e: {  	v5 =	vld [tilespmem:s10+$0xFFFFFF10]  }
0x23f: {  	v6 =	vld [tilespmem:s10+$0xFFFFFF50]  }
0x240: {  	v7 =	vld [tilespmem:s10+$0xFFFFFF70]  }
0x241: {  	v8 =	vld [tilespmem:s10+$0xFFFFFF20];
	v3 =	vmul.f32 v3, v2  }
0x242: {  	s11 =	simm.s32 $0x3;
	v9 =	vld [tilespmem:s10+$0xFFFFFF30];
	v4 =	vmul.f32 v4, v2  }
0x243: {  	v10 =	vld [tilespmem:s10+$0xFFFFFF40];
	v5 =	vmul.f32 v5, v2;
	[tilespmem:s10+$0xFFFFFF00] =	vst v3;
	v3 =	vmov s11  }
0x244: {  	v6 =	vmul.f32 v6, v2;
	[tilespmem:s10+$0xFFFFFF60] =	vst v4;
	v3 =	vand.u32 $0xFFFFFFFB, v3  }
0x245: {  	v4 =	vmul.f32 v7, v2;
	[tilespmem:s10+$0xFFFFFF10] =	vst v5;
	v3 =	vbroadcast v3, $0x0  }
0x246: {  	v5 =	vmul.f32 v8, v2;
	[tilespmem:s10+$0xFFFFFF50] =	vst v6  }
0x247: {  	v6 =	vmul.f32 v9, v2;
	[tilespmem:s10+$0xFFFFFF70] =	vst v4  }
0x248: {  	v2 =	vmul.f32 v10, v2;
	[tilespmem:s10+$0xFFFFFF20] =	vst v5  }
0x249: {  	[tilespmem:s10+$0xFFFFFF30] =	vst v6  }
0x24a: {  	[tilespmem:s10+$0xFFFFFF40] =	vst v2  }
0x24b: {  	v2 =	vld.idx.msk [tilespmem:v3+s30+$0x0], $0xffff  }
0x24c: {  	v3 =	vld [tilespmem:s10+$0xFFFFFFB0]  }
0x24d: {  	v5 =	vld [tilespmem:s10+$0xFFFFFFE0]  }
0x24e: {  	v6 =	vld [tilespmem:s10+$0xFFFFFF80]  }
0x24f: {  	v7 =	vld [tilespmem:s10+$0xFFFFFFD0]  }
0x250: {  	v4 =	vld [tilespmem:s10+$0xFFFFFFF0]  }
0x251: {  	v9 =	vld [tilespmem:s10+$0xFFFFFFA0];
	v3 =	vmul.f32 v3, v2  }
0x252: {  	s20 =	simm.s32 $0x4;
	v8 =	vld [tilespmem:s10+$0xFFFFFF90];
	v5 =	vmul.f32 v5, v2  }
0x253: {  	v10 =	vld [tilespmem:s10+$0xFFFFFFC0];
	v6 =	vmul.f32 v6, v2;
	[tilespmem:s10+$0xFFFFFFB0] =	vst v3;
	v3 =	vmov s20  }
0x254: {  	v7 =	vmul.f32 v7, v2;
	[tilespmem:s10+$0xFFFFFFE0] =	vst v5;
	v3 =	vand.u32 $0xFFFFFFFC, v3  }
0x255: {  	v4 =	vmul.f32 v4, v2;
	[tilespmem:s10+$0xFFFFFF80] =	vst v6;
	v3 =	vbroadcast v3, $0x0  }
0x256: {  	v11 =	vld [tilespmem:s10+$0x40];
	v5 =	vmul.f32 v9, v2;
	[tilespmem:s10+$0xFFFFFFD0] =	vst v7  }
0x257: {  	v6 =	vmul.f32 v8, v2;
	[tilespmem:s10+$0xFFFFFFF0] =	vst v4;
	v9 =	vld [tilespmem:s10+$0x0]  }
0x258: {  	v4 =	vmul.f32 v10, v2;
	v2 =	vld [tilespmem:s10+$0x70];
	[tilespmem:s10+$0xFFFFFFA0] =	vst v5  }
0x259: {  	v8 =	vld [tilespmem:s10+$0x20];
	[tilespmem:s10+$0xFFFFFF90] =	vst v6  }
0x25a: {  	v7 =	vld [tilespmem:s10+$0x30];
	[tilespmem:s10+$0xFFFFFFC0] =	vst v4  }
0x25b: {  	v3 =	vld.idx.msk [tilespmem:v3+s30+$0x0], $0xffff  }
0x25c: {  	v4 =	vld [tilespmem:s10+$0x50]  }
0x25d: {  	v6 =	vld [tilespmem:s10+$0x10]  }
0x25e: {  	v5 =	vld [tilespmem:s10+$0x60];
	_ =	sdelay $0x1  }
0x25f: {  	s4 =	simm.s32 $0x8;
	s11 =	simm.s32 $0x1E200;
	v10 =	vmul.f32 v9, v3;
	v9 =	vmul.f32 v11, v3  }
.LBB2_10:
0x260: {  	p0 =	slt.u32 s4, $0x38;
	v8 =	vmul.f32 v8, v3;
	v7 =	vmul.f32 v7, v3;
	s2 =	sadd.s32 $0x5, s9;
	s10 =	sadd.s32 $0x400, s10  }
0x261: {  	v4 =	vmul.f32 v4, v3;
	[tilespmem:s11+$0x0] =	vst v10;
	v6 =	vmul.f32 v6, v3;
	v10 =	vmov s2;
	s2 =	smov.u32 s4;
	s4 =	sadd.s32 $0x8, s4  }
0x262: {  	v2 =	vmul.f32 v2, v3;
	[tilespmem:s11+$0x40] =	vst v9;
	v5 =	vmul.f32 v5, v3;
	v3 =	vand.u32 $0xFFFFFFFD, v10  }
0x263: {  	[tilespmem:s11+$0x20] =	vst v8;
	v3 =	vbroadcast v3, $0x0  }
0x264: {  	[tilespmem:s11+$0x50] =	vst v4  }
0x265: {  	[tilespmem:s11+$0x70] =	vst v2;
	v2 =	vld [tilespmem:s11+$0xA0]  }
0x266: {  	[tilespmem:s11+$0x30] =	vst v7;
	v4 =	vld [tilespmem:s11+$0x80]  }
0x267: {  	[tilespmem:s11+$0x60] =	vst v5;
	v5 =	vld [tilespmem:s11+$0xD0]  }
0x268: {  	[tilespmem:s11+$0x10] =	vst v6;
	v6 =	vld [tilespmem:s11+$0xF0]  }
0x269: {  	v3 =	vld.idx.msk [tilespmem:v3+s30+$0x0], $0xffff  }
0x26a: {  	v7 =	vld [tilespmem:s11+$0xC0]  }
0x26b: {  	v8 =	vld [tilespmem:s11+$0xB0]  }
0x26c: {  	v9 =	vld [tilespmem:s11+$0x90]  }
0x26d: {  	v10 =	vld [tilespmem:s11+$0xE0];
	_ =	sdelay $0x1  }
0x26e: {  	v4 =	vmul.f32 v4, v3;
	v7 =	vmul.f32 v7, v3  }
0x26f: {  	s5 =	sadd.s32 $0x6, s9;
	v2 =	vmul.f32 v2, v3;
	v8 =	vmul.f32 v8, v3  }
0x270: {  	v5 =	vmul.f32 v5, v3;
	[tilespmem:s11+$0x80] =	vst v4;
	v4 =	vmul.f32 v9, v3;
	v9 =	vmov s5  }
0x271: {  	[tilespmem:s11+$0xA0] =	vst v2;
	v2 =	vmul.f32 v10, v3;
	v3 =	vmul.f32 v6, v3;
	v6 =	vand.u32 $0xFFFFFFFE, v9  }
0x272: {  	[tilespmem:s11+$0xD0] =	vst v5;
	v5 =	vbroadcast v6, $0x0  }
0x273: {  	[tilespmem:s11+$0xC0] =	vst v7  }
0x274: {  	[tilespmem:s11+$0xF0] =	vst v3;
	v3 =	vld [tilespmem:s11+$0x120]  }
0x275: {  	[tilespmem:s11+$0xB0] =	vst v8;
	v6 =	vld [tilespmem:s11+$0x100]  }
0x276: {  	[tilespmem:s11+$0x90] =	vst v4;
	v4 =	vld [tilespmem:s11+$0x140]  }
0x277: {  	[tilespmem:s11+$0xE0] =	vst v2;
	v2 =	vld [tilespmem:s11+$0x130]  }
0x278: {  	v5 =	vld.idx.msk [tilespmem:v5+s30+$0x0], $0xffff  }
0x279: {  	v7 =	vld [tilespmem:s11+$0x110]  }
0x27a: {  	v8 =	vld [tilespmem:s11+$0x160]  }
0x27b: {  	v9 =	vld [tilespmem:s11+$0x150]  }
0x27c: {  	v10 =	vld [tilespmem:s11+$0x170];
	_ =	sdelay $0x1  }
0x27d: {  	v6 =	vmul.f32 v6, v5;
	v7 =	vmul.f32 v7, v5  }
0x27e: {  	v3 =	vmul.f32 v3, v5;
	v2 =	vmul.f32 v2, v5  }
0x27f: {  	v4 =	vmul.f32 v4, v5;
	[tilespmem:s11+$0x100] =	vst v6;
	v6 =	vmul.f32 v9, v5  }
0x280: {  	[tilespmem:s11+$0x120] =	vst v3;
	v3 =	vmul.f32 v8, v5;
	v5 =	vmul.f32 v10, v5  }
0x281: {  	s5 =	sadd.s32 $0x7, s9;
	s9 =	smov.u32 s2;
	[tilespmem:s11+$0x130] =	vst v2  }
0x282: {  	v2 =	vmov s5;
	[tilespmem:s11+$0x140] =	vst v4  }
0x283: {  	[tilespmem:s11+$0x160] =	vst v3;
	v3 =	vld [tilespmem:s11+$0x180]  }
0x284: {  	[tilespmem:s11+$0x110] =	vst v7;
	v4 =	vld [tilespmem:s11+$0x1D0]  }
0x285: {  	[tilespmem:s11+$0x150] =	vst v6;
	v6 =	vld [tilespmem:s11+$0x190]  }
0x286: {  	[tilespmem:s11+$0x170] =	vst v5;
	v5 =	vld [tilespmem:s11+$0x1F0]  }
0x287: {  	v2 =	vld.idx.msk [tilespmem:v2+s30+$0x0], $0xffff  }
0x288: {  	v7 =	vld [tilespmem:s11+$0x1B0]  }
0x289: {  	v8 =	vld [tilespmem:s11+$0x1A0]  }
0x28a: {  	v9 =	vld [tilespmem:s11+$0x1C0]  }
0x28b: {  	v10 =	vld [tilespmem:s11+$0x1E0];
	_ =	sdelay $0x1  }
0x28c: {  	v3 =	vmul.f32 v3, v2;
	v6 =	vmul.f32 v6, v2  }
0x28d: {  	v7 =	vmul.f32 v7, v2;
	v8 =	vmul.f32 v8, v2  }
0x28e: {  	v11 =	vmov s9;
	v4 =	vmul.f32 v4, v2;
	[tilespmem:s11+$0x180] =	vst v3;
	v3 =	vmul.f32 v9, v2  }
0x28f: {  	v9 =	vand.u32 $0xFFFFFFF8, v11;
	[tilespmem:s11+$0x190] =	vst v6;
	v6 =	vmul.f32 v10, v2;
	v2 =	vmul.f32 v5, v2  }
0x290: {  	v5 =	vbroadcast v9, $0x0;
	[tilespmem:s11+$0x1D0] =	vst v4  }
0x291: {  	[tilespmem:s11+$0x1A0] =	vst v8  }
0x292: {  	v4 =	vld [tilespmem:s10+$0xFFFFFE50];
	[tilespmem:s11+$0x1F0] =	vst v2  }
0x293: {  	v2 =	vld [tilespmem:s10+$0xFFFFFE30];
	[tilespmem:s11+$0x1B0] =	vst v7  }
0x294: {  	v7 =	vld [tilespmem:s10+$0xFFFFFE60];
	[tilespmem:s11+$0x1E0] =	vst v6  }
0x295: {  	v6 =	vld [tilespmem:s10+$0xFFFFFE70];
	[tilespmem:s11+$0x1C0] =	vst v3;
	s11 =	smov.u32 s10  }
0x296: {  	v3 =	vld.idx.msk [tilespmem:v5+s30+$0x0], $0xffff  }
0x297: {  	v5 =	vld [tilespmem:s10+$0xFFFFFE00]  }
0x298: {  	v8 =	vld [tilespmem:s10+$0xFFFFFE20]  }
0x299: {  	v9 =	vld [tilespmem:s10+$0xFFFFFE10]  }
0x29a: {  	v10 =	vld [tilespmem:s10+$0xFFFFFE40];
	_ =	sdelay $0x1  }
0x29b: {  	v6 =	vmul.f32 v6, v3;
	v5 =	vmul.f32 v5, v3  }
0x29c: {  	s2 =	sadd.s32 $0x1, s9;
	v7 =	vmul.f32 v7, v3;
	v8 =	vmul.f32 v8, v3  }
0x29d: {  	v2 =	vmul.f32 v2, v3;
	v9 =	vmul.f32 v9, v3;
	[tilespmem:s10+$0xFFFFFE70] =	vst v6;
	v6 =	vmov s2  }
0x29e: {  	[tilespmem:s10+$0xFFFFFE00] =	vst v5;
	v5 =	vmul.f32 v10, v3;
	v3 =	vmul.f32 v4, v3;
	v4 =	vand.u32 $0xFFFFFFF9, v6  }
0x29f: {  	[tilespmem:s10+$0xFFFFFE20] =	vst v8;
	v4 =	vbroadcast v4, $0x0  }
0x2a0: {  	[tilespmem:s10+$0xFFFFFE30] =	vst v2  }
0x2a1: {  	[tilespmem:s10+$0xFFFFFE50] =	vst v3;
	v2 =	vld [tilespmem:s10+$0xFFFFFEF0]  }
0x2a2: {  	[tilespmem:s10+$0xFFFFFE10] =	vst v9;
	v3 =	vld [tilespmem:s10+$0xFFFFFED0]  }
0x2a3: {  	[tilespmem:s10+$0xFFFFFE60] =	vst v7;
	v6 =	vld [tilespmem:s10+$0xFFFFFEB0]  }
0x2a4: {  	[tilespmem:s10+$0xFFFFFE40] =	vst v5;
	v5 =	vld [tilespmem:s10+$0xFFFFFEC0]  }
0x2a5: {  	v4 =	vld.idx.msk [tilespmem:v4+s30+$0x0], $0xffff  }
0x2a6: {  	v7 =	vld [tilespmem:s10+$0xFFFFFE90]  }
0x2a7: {  	v8 =	vld [tilespmem:s10+$0xFFFFFE80]  }
0x2a8: {  	v9 =	vld [tilespmem:s10+$0xFFFFFEA0]  }
0x2a9: {  	v10 =	vld [tilespmem:s10+$0xFFFFFEE0];
	_ =	sdelay $0x1  }
0x2aa: {  	v5 =	vmul.f32 v5, v4;
	v7 =	vmul.f32 v7, v4  }
0x2ab: {  	s2 =	sadd.s32 $0x2, s9;
	v6 =	vmul.f32 v6, v4;
	v8 =	vmul.f32 v8, v4  }
0x2ac: {  	v3 =	vmul.f32 v3, v4;
	[tilespmem:s10+$0xFFFFFE90] =	vst v7;
	v7 =	vmul.f32 v9, v4;
	v9 =	vmov s2  }
0x2ad: {  	v2 =	vmul.f32 v2, v4;
	[tilespmem:s10+$0xFFFFFEC0] =	vst v5;
	v5 =	vmul.f32 v10, v4;
	v4 =	vand.u32 $0xFFFFFFFA, v9  }
0x2ae: {  	[tilespmem:s10+$0xFFFFFE80] =	vst v8;
	v4 =	vbroadcast v4, $0x0  }
0x2af: {  	[tilespmem:s10+$0xFFFFFED0] =	vst v3  }
0x2b0: {  	[tilespmem:s10+$0xFFFFFEE0] =	vst v5;
	v3 =	vld [tilespmem:s10+$0xFFFFFF70]  }
0x2b1: {  	[tilespmem:s10+$0xFFFFFEB0] =	vst v6;
	v5 =	vld [tilespmem:s10+$0xFFFFFF50]  }
0x2b2: {  	[tilespmem:s10+$0xFFFFFEF0] =	vst v2;
	v2 =	vld [tilespmem:s10+$0xFFFFFF20]  }
0x2b3: {  	[tilespmem:s10+$0xFFFFFEA0] =	vst v7;
	v6 =	vld [tilespmem:s10+$0xFFFFFF60]  }
0x2b4: {  	v4 =	vld.idx.msk [tilespmem:v4+s30+$0x0], $0xffff  }
0x2b5: {  	v7 =	vld [tilespmem:s10+$0xFFFFFF00]  }
0x2b6: {  	v8 =	vld [tilespmem:s10+$0xFFFFFF10]  }
0x2b7: {  	v9 =	vld [tilespmem:s10+$0xFFFFFF40]  }
0x2b8: {  	v10 =	vld [tilespmem:s10+$0xFFFFFF30];
	_ =	sdelay $0x1  }
0x2b9: {  	v6 =	vmul.f32 v6, v4;
	v7 =	vmul.f32 v7, v4  }
0x2ba: {  	s2 =	sadd.s32 $0x3, s9;
	v2 =	vmul.f32 v2, v4;
	v8 =	vmul.f32 v8, v4  }
0x2bb: {  	v5 =	vmul.f32 v5, v4;
	[tilespmem:s10+$0xFFFFFF00] =	vst v7;
	v7 =	vmul.f32 v9, v4;
	v9 =	vmov s2  }
0x2bc: {  	v3 =	vmul.f32 v3, v4;
	v10 =	vmul.f32 v10, v4;
	[tilespmem:s10+$0xFFFFFF60] =	vst v6;
	v4 =	vand.u32 $0xFFFFFFFB, v9  }
0x2bd: {  	[tilespmem:s10+$0xFFFFFF10] =	vst v8;
	v4 =	vbroadcast v4, $0x0  }
0x2be: {  	[tilespmem:s10+$0xFFFFFF50] =	vst v5  }
0x2bf: {  	[tilespmem:s10+$0xFFFFFF70] =	vst v3;
	v3 =	vld [tilespmem:s10+$0xFFFFFFF0]  }
0x2c0: {  	[tilespmem:s10+$0xFFFFFF20] =	vst v2;
	v2 =	vld [tilespmem:s10+$0xFFFFFFD0]  }
0x2c1: {  	[tilespmem:s10+$0xFFFFFF30] =	vst v10;
	v5 =	vld [tilespmem:s10+$0xFFFFFF90]  }
0x2c2: {  	[tilespmem:s10+$0xFFFFFF40] =	vst v7;
	v6 =	vld [tilespmem:s10+$0xFFFFFFE0]  }
0x2c3: {  	v4 =	vld.idx.msk [tilespmem:v4+s30+$0x0], $0xffff  }
0x2c4: {  	v7 =	vld [tilespmem:s10+$0xFFFFFFB0]  }
0x2c5: {  	v8 =	vld [tilespmem:s10+$0xFFFFFF80]  }
0x2c6: {  	v9 =	vld [tilespmem:s10+$0xFFFFFFC0]  }
0x2c7: {  	v10 =	vld [tilespmem:s10+$0xFFFFFFA0];
	_ =	sdelay $0x1  }
0x2c8: {  	v6 =	vmul.f32 v6, v4;
	v7 =	vmul.f32 v7, v4  }
0x2c9: {  	s2 =	sadd.s32 $0x4, s9;
	v5 =	vmul.f32 v5, v4;
	v8 =	vmul.f32 v8, v4  }
0x2ca: {  	v2 =	vmul.f32 v2, v4;
	[tilespmem:s10+$0xFFFFFFB0] =	vst v7;
	v7 =	vmul.f32 v9, v4;
	v9 =	vmov s2  }
0x2cb: {  	v3 =	vmul.f32 v3, v4;
	v10 =	vmul.f32 v10, v4;
	[tilespmem:s10+$0xFFFFFFE0] =	vst v6;
	v4 =	vand.u32 $0xFFFFFFFC, v9  }
0x2cc: {  	[tilespmem:s10+$0xFFFFFF80] =	vst v8;
	v6 =	vbroadcast v4, $0x0  }
0x2cd: {  	[tilespmem:s10+$0xFFFFFFD0] =	vst v2  }
0x2ce: {  	[tilespmem:s10+$0xFFFFFFF0] =	vst v3;
	v9 =	vld [tilespmem:s10+$0x0]  }
0x2cf: {  	[tilespmem:s10+$0xFFFFFFA0] =	vst v10;
	v2 =	vld [tilespmem:s10+$0x70]  }
0x2d0: {  	[tilespmem:s10+$0xFFFFFF90] =	vst v5;
	v4 =	vld [tilespmem:s10+$0x50]  }
0x2d1: {  	[tilespmem:s10+$0xFFFFFFC0] =	vst v7;
	v8 =	vld [tilespmem:s10+$0x20]  }
0x2d2: {  	v3 =	vld.idx.msk [tilespmem:v6+s30+$0x0], $0xffff  }
0x2d3: {  	v11 =	vld [tilespmem:s10+$0x40]  }
.Ltmp3:
0x2d4: {  	v7 =	vld [tilespmem:s10+$0x30];
	(pc) =	sbr.rel @p0 .LBB2_10-.Ltmp3, $3  }
0x2d5: {  	v6 =	vld [tilespmem:s10+$0x10]  }
0x2d6: {  	v5 =	vld [tilespmem:s10+$0x60];
	_ =	sdelay $0x1  }
0x2d7: {  	v10 =	vmul.f32 v9, v3;
	v9 =	vmul.f32 v11, v3  }
0x2d8: {  	s2 =	sadd.s32 $0x5, s9  }
0x2d9: {  	v8 =	vmul.f32 v8, v3;
	[tilespmem:s11+$0x0] =	vst v10;
	v26 =	vmov s2  }
0x2da: {  	v4 =	vmul.f32 v4, v3;
	[tilespmem:s11+$0x40] =	vst v9;
	v27 =	vand.u32 $0xFFFFFFFD, v26  }
0x2db: {  	v2 =	vmul.f32 v2, v3;
	[tilespmem:s11+$0x20] =	vst v8;
	v28 =	vbroadcast v27, $0x0  }
0x2dc: {  	v7 =	vmul.f32 v7, v3;
	[tilespmem:s11+$0x50] =	vst v4  }
0x2dd: {  	v29 =	vmul.f32 v5, v3;
	[tilespmem:s11+$0x70] =	vst v2  }
0x2de: {  	v2 =	vmul.f32 v6, v3;
	[tilespmem:s11+$0x30] =	vst v7  }
0x2df: {  	[tilespmem:s11+$0x60] =	vst v29  }
0x2e0: {  	v3 =	vld [tilespmem:s11+$0x80];
	[tilespmem:s11+$0x10] =	vst v2  }
0x2e1: {  	v2 =	vld.idx.msk [tilespmem:v28+s30+$0x0], $0xffff  }
0x2e2: {  	v30 =	vld [tilespmem:s11+$0xA0]  }
0x2e3: {  	v31 =	vld [tilespmem:s11+$0xD0]  }
0x2e4: {  	v32 =	vld [tilespmem:s11+$0xC0]  }
0x2e5: {  	v33 =	vld [tilespmem:s11+$0xF0]  }
0x2e6: {  	v34 =	vld [tilespmem:s11+$0xB0];
	v3 =	vmul.f32 v3, v2  }
0x2e7: {  	v35 =	vld [tilespmem:s11+$0x90];
	s10 =	sadd.s32 $0x6, s9;
	v4 =	vmul.f32 v30, v2  }
0x2e8: {  	v36 =	vld [tilespmem:s11+$0xE0];
	v37 =	vmov s10;
	[tilespmem:s11+$0x80] =	vst v3;
	v3 =	vmul.f32 v31, v2  }
0x2e9: {  	v38 =	vand.u32 $0xFFFFFFFE, v37;
	v6 =	vmul.f32 v32, v2;
	[tilespmem:s11+$0xA0] =	vst v4  }
0x2ea: {  	v39 =	vmul.f32 v33, v2;
	[tilespmem:s11+$0xD0] =	vst v3;
	v3 =	vbroadcast v38, $0x0  }
0x2eb: {  	v40 =	vmul.f32 v34, v2;
	[tilespmem:s11+$0xC0] =	vst v6  }
0x2ec: {  	v41 =	vmul.f32 v35, v2;
	[tilespmem:s11+$0xF0] =	vst v39  }
0x2ed: {  	v2 =	vmul.f32 v36, v2;
	[tilespmem:s11+$0xB0] =	vst v40  }
0x2ee: {  	[tilespmem:s11+$0x90] =	vst v41  }
0x2ef: {  	v42 =	vld [tilespmem:s11+$0x100];
	[tilespmem:s11+$0xE0] =	vst v2  }
0x2f0: {  	v2 =	vld.idx.msk [tilespmem:v3+s30+$0x0], $0xffff  }
0x2f1: {  	v3 =	vld [tilespmem:s11+$0x120]  }
0x2f2: {  	v43 =	vld [tilespmem:s11+$0x130]  }
0x2f3: {  	v44 =	vld [tilespmem:s11+$0x140]  }
0x2f4: {  	v46 =	vld [tilespmem:s11+$0x110]  }
0x2f5: {  	v47 =	vld [tilespmem:s11+$0x150];
	v4 =	vmul.f32 v42, v2  }
0x2f6: {  	v45 =	vld [tilespmem:s11+$0x160];
	v3 =	vmul.f32 v3, v2  }
0x2f7: {  	v48 =	vld [tilespmem:s11+$0x170];
	v5 =	vmul.f32 v43, v2;
	[tilespmem:s11+$0x100] =	vst v4  }
0x2f8: {  	v49 =	vmul.f32 v44, v2;
	[tilespmem:s11+$0x120] =	vst v3  }
0x2f9: {  	s20 =	sadd.s32 $0x7, s9;
	v50 =	vmul.f32 v46, v2;
	[tilespmem:s11+$0x130] =	vst v5  }
0x2fa: {  	v51 =	vmov s20;
	v52 =	vmul.f32 v47, v2;
	[tilespmem:s11+$0x140] =	vst v49  }
0x2fb: {  	v3 =	vmul.f32 v45, v2;
	[tilespmem:s11+$0x110] =	vst v50  }
0x2fc: {  	v2 =	vmul.f32 v48, v2;
	[tilespmem:s11+$0x150] =	vst v52  }
0x2fd: {  	[tilespmem:s11+$0x160] =	vst v3  }
0x2fe: {  	v3 =	vld [tilespmem:s11+$0x180];
	[tilespmem:s11+$0x170] =	vst v2  }
0x2ff: {  	v2 =	vld.idx.msk [tilespmem:v51+s30+$0x0], $0xffff  }
0x300: {  	v53 =	vld [tilespmem:s11+$0x190]  }
0x301: {  	v55 =	vld [tilespmem:s11+$0x1A0]  }
0x302: {  	v56 =	vld [tilespmem:s11+$0x1F0]  }
0x303: {  	v54 =	vld [tilespmem:s11+$0x1D0]  }
0x304: {  	v58 =	vld [tilespmem:s11+$0x1E0];
	v3 =	vmul.f32 v3, v2  }
0x305: {  	v57 =	vld [tilespmem:s11+$0x1B0];
	v5 =	vmul.f32 v53, v2  }
0x306: {  	v59 =	vld [tilespmem:s11+$0x1C0];
	v60 =	vmul.f32 v55, v2;
	[tilespmem:s11+$0x180] =	vst v3  }
0x307: {  	v61 =	vmul.f32 v56, v2;
	[tilespmem:s11+$0x190] =	vst v5  }
0x308: {  	s8 =	sadd.s32 $0x1, s8;
	v3 =	vmul.f32 v54, v2;
	[tilespmem:s11+$0x1A0] =	vst v60  }
0x309: {  	p0 =	sne.s32 s8, $0x6;
	v62 =	vmul.f32 v58, v2;
	[tilespmem:s11+$0x1F0] =	vst v61  }
.Ltmp4:
0x30a: {  	[tilespmem:s11+$0x1D0] =	vst v3;
	v3 =	vmul.f32 v57, v2;
	(pc) =	sbr.rel @p0 .LBB2_7-.Ltmp4, $4  }
0x30b: {  	[tilespmem:s11+$0x1E0] =	vst v62;
	v2 =	vmul.f32 v59, v2  }
0x30c: {  	[tilespmem:s11+$0x1B0] =	vst v3  }
0x30d: {  	[tilespmem:s11+$0x1C0] =	vst v2  }
0x30e: {  	[spmem:s13] =	stream.indirect.scatter.add.f32 [tilespmem:s12], [sflag:$0x2], $0x80, s0, s25, $0xb8;
	v63 =	vld [tilespmem:$0x0]  }
0x30f: {  	s6 =	sadd.s32 $0x1, s6  }
0x310: {  	p0 =	sne.s32 s6, $0x1B  }
.Ltmp5:
0x311: {  	_ = 	snop;
	(pc) =	sbr.rel @p0 .LBB2_6-.Ltmp5, $1  }
0x312: {  	_ =	sdelay $0x3  }
0x313: {  	s2 =	simm.s32 $0x2  }
0x314: {  	_ =	swait.ge [sflag:s2], $0x2000  }
0x315: {  	[sflag:s2] =	ssyncset.done $0x0  }
0x316: {  	[sflag:s2] =	ssyncadd.s32 $0xFFFFE000  }
0x317: {  	_ =	swait.ge [sflag:s2], $0x2000  }
0x318: {  	[sflag:s2] =	ssyncset.done $0x0  }
0x319: {  	[sflag:s2] =	ssyncadd.s32 $0xFFFFE000  }
0x31a: {  	[bflag:$0x0] =	sbarrier.arrive $0xFFFF  }
0x31b: {  	s8 =	rddreg [dreg:$0x10]  }
0x31c: {  	[tilespmem:s19], [sflag:$0x3] =	stream.linear.gather [spmem:s8], $0x2000, $0x38;
	v63 =	vld [tilespmem:$0x0]  }
0x31d: {  	_ =	swait.ge [sflag:s15], $0x2000  }
0x31e: {  	[sflag:s15] =	ssyncset.done $0x0  }
0x31f: {  	s20 =	simm.s32 $0x0;
	s4 =	rddreg [dreg:$0x4];
	[sflag:s15] =	ssyncadd.s32 $0xFFFFE000  }
0x320: {  	[hbm4b:s4+s20] =	stream.linear.scatter [tilespmem:s19], [sflag:$0x3], $0x2000, $0x38;
	v63 =	vld [tilespmem:$0x0]  }
0x321: {  	_ =	swait.ge [sflag:s15], $0x2000  }
0x322: {  	[sflag:s15] =	ssyncset.done $0x0  }
0x323: {  	s5 =	rddreg [dreg:$0x13];
	[sflag:s15] =	ssyncadd.s32 $0xFFFFE000  }
0x324: {  	[tilespmem:s19], [sflag:$0x3] =	stream.linear.gather [spmem:s5], $0x2000, $0x38;
	v63 =	vld [tilespmem:$0x0]  }
0x325: {  	_ =	swait.ge [sflag:s15], $0x2000  }
0x326: {  	[sflag:s15] =	ssyncset.done $0x0  }
0x327: {  	s6 =	rddreg [dreg:$0x5];
	[sflag:s15] =	ssyncadd.s32 $0xFFFFE000  }
0x328: {  	[hbm4b:s6+s20] =	stream.linear.scatter [tilespmem:s19], [sflag:$0x3], $0x2000, $0x38;
	v63 =	vld [tilespmem:$0x0]  }
0x329: {  	_ =	swait.ge [sflag:s15], $0x2000  }
0x32a: {  	[sflag:s15] =	ssyncset.done $0x0  }
0x32b: {  	s7 =	rddreg [dreg:$0x14];
	[sflag:s15] =	ssyncadd.s32 $0xFFFFE000  }
0x32c: {  	[tilespmem:s19], [sflag:$0x3] =	stream.linear.gather [spmem:s7], $0x2000, $0x38;
	v63 =	vld [tilespmem:$0x0]  }
0x32d: {  	_ =	swait.ge [sflag:s15], $0x2000  }
0x32e: {  	[sflag:s15] =	ssyncset.done $0x0  }
0x32f: {  	s9 =	rddreg [dreg:$0x6];
	[sflag:s15] =	ssyncadd.s32 $0xFFFFE000  }
0x330: {  	[hbm4b:s9+s20] =	stream.linear.scatter [tilespmem:s19], [sflag:$0x3], $0x2000, $0x38;
	v63 =	vld [tilespmem:$0x0]  }
0x331: {  	_ =	swait.ge [sflag:s15], $0x2000  }
0x332: {  	[sflag:s15] =	ssyncset.done $0x0  }
0x333: {  	s10 =	rddreg [dreg:$0x15];
	[sflag:s15] =	ssyncadd.s32 $0xFFFFE000  }
0x334: {  	[tilespmem:s19], [sflag:$0x3] =	stream.linear.gather [spmem:s10], $0x2000, $0x38;
	v63 =	vld [tilespmem:$0x0]  }
0x335: {  	_ =	swait.ge [sflag:s15], $0x2000  }
0x336: {  	[sflag:s15] =	ssyncset.done $0x0  }
0x337: {  	s11 =	rddreg [dreg:$0x7];
	[sflag:s15] =	ssyncadd.s32 $0xFFFFE000  }
0x338: {  	[hbm4b:s11+s20] =	stream.linear.scatter [tilespmem:s19], [sflag:$0x3], $0x2000, $0x38;
	v63 =	vld [tilespmem:$0x0]  }
0x339: {  	_ =	swait.ge [sflag:s15], $0x2000  }
0x33a: {  	[sflag:s15] =	ssyncset.done $0x0  }
0x33b: {  	s4 =	rddreg [dreg:$0x16];
	[sflag:s15] =	ssyncadd.s32 $0xFFFFE000  }
0x33c: {  	[tilespmem:s19], [sflag:$0x3] =	stream.linear.gather [spmem:s4], $0x2000, $0x38;
	v63 =	vld [tilespmem:$0x0]  }
0x33d: {  	_ =	swait.ge [sflag:s15], $0x2000  }
0x33e: {  	[sflag:s15] =	ssyncset.done $0x0  }
0x33f: {  	s5 =	rddreg [dreg:$0x8];
	[sflag:s15] =	ssyncadd.s32 $0xFFFFE000  }
0x340: {  	[hbm4b:s5+s20] =	stream.linear.scatter [tilespmem:s19], [sflag:$0x3], $0x2000, $0x38;
	v63 =	vld [tilespmem:$0x0]  }
0x341: {  	_ =	swait.ge [sflag:s15], $0x2000  }
0x342: {  	[sflag:s15] =	ssyncset.done $0x0  }
0x343: {  	s6 =	rddreg [dreg:$0x17];
	[sflag:s15] =	ssyncadd.s32 $0xFFFFE000  }
0x344: {  	[tilespmem:s19], [sflag:$0x3] =	stream.linear.gather [spmem:s6], $0x2000, $0x38;
	v63 =	vld [tilespmem:$0x0]  }
0x345: {  	_ =	swait.ge [sflag:s15], $0x2000  }
0x346: {  	[sflag:s15] =	ssyncset.done $0x0  }
0x347: {  	s7 =	rddreg [dreg:$0x9];
	[sflag:s15] =	ssyncadd.s32 $0xFFFFE000  }
0x348: {  	[hbm4b:s7+s20] =	stream.linear.scatter [tilespmem:s19], [sflag:$0x3], $0x2000, $0x38;
	v63 =	vld [tilespmem:$0x0]  }
0x349: {  	_ =	swait.ge [sflag:s15], $0x2000  }
0x34a: {  	[sflag:s15] =	ssyncset.done $0x0  }
0x34b: {  	s9 =	rddreg [dreg:$0x18];
	[sflag:s15] =	ssyncadd.s32 $0xFFFFE000  }
0x34c: {  	[tilespmem:s19], [sflag:$0x3] =	stream.linear.gather [spmem:s9], $0x2000, $0x38;
	v63 =	vld [tilespmem:$0x0]  }
0x34d: {  	_ =	swait.ge [sflag:s15], $0x2000  }
0x34e: {  	[sflag:s15] =	ssyncset.done $0x0  }
0x34f: {  	s10 =	rddreg [dreg:$0xa];
	[sflag:s15] =	ssyncadd.s32 $0xFFFFE000  }
0x350: {  	[hbm4b:s10+s20] =	stream.linear.scatter [tilespmem:s19], [sflag:$0x3], $0x2000, $0x38;
	v63 =	vld [tilespmem:$0x0]  }
0x351: {  	_ =	swait.ge [sflag:s15], $0x2000  }
0x352: {  	[sflag:s15] =	ssyncset.done $0x0  }
0x353: {  	s11 =	rddreg [dreg:$0x19];
	[sflag:s15] =	ssyncadd.s32 $0xFFFFE000  }
0x354: {  	[tilespmem:s19], [sflag:$0x3] =	stream.linear.gather [spmem:s11], $0x2000, $0x38;
	v63 =	vld [tilespmem:$0x0]  }
0x355: {  	_ =	swait.ge [sflag:s15], $0x2000  }
0x356: {  	[sflag:s15] =	ssyncset.done $0x0  }
0x357: {  	s4 =	rddreg [dreg:$0xb];
	[sflag:s15] =	ssyncadd.s32 $0xFFFFE000  }
0x358: {  	[hbm4b:s4+s20] =	stream.linear.scatter [tilespmem:s19], [sflag:$0x3], $0x2000, $0x38;
	v63 =	vld [tilespmem:$0x0]  }
0x359: {  	_ =	swait.ge [sflag:s15], $0x2000  }
0x35a: {  	[sflag:s15] =	ssyncset.done $0x0  }
0x35b: {  	s5 =	rddreg [dreg:$0x1a];
	[sflag:s15] =	ssyncadd.s32 $0xFFFFE000  }
0x35c: {  	[tilespmem:s19], [sflag:$0x3] =	stream.linear.gather [spmem:s5], $0x2000, $0x38;
	v63 =	vld [tilespmem:$0x0]  }
0x35d: {  	_ =	swait.ge [sflag:s15], $0x2000  }
0x35e: {  	[sflag:s15] =	ssyncset.done $0x0  }
0x35f: {  	s6 =	rddreg [dreg:$0xc];
	[sflag:s15] =	ssyncadd.s32 $0xFFFFE000  }
0x360: {  	[hbm4b:s6+s20] =	stream.linear.scatter [tilespmem:s19], [sflag:$0x3], $0x2000, $0x38;
	v63 =	vld [tilespmem:$0x0]  }
0x361: {  	_ =	swait.ge [sflag:s15], $0x2000  }
0x362: {  	[sflag:s15] =	ssyncset.done $0x0  }
0x363: {  	s7 =	rddreg [dreg:$0x1b];
	[sflag:s15] =	ssyncadd.s32 $0xFFFFE000  }
0x364: {  	[tilespmem:s19], [sflag:$0x3] =	stream.linear.gather [spmem:s7], $0x2000, $0x38;
	v63 =	vld [tilespmem:$0x0]  }
0x365: {  	_ =	swait.ge [sflag:s15], $0x2000  }
0x366: {  	[sflag:s15] =	ssyncset.done $0x0  }
0x367: {  	s9 =	rddreg [dreg:$0xd];
	[sflag:s15] =	ssyncadd.s32 $0xFFFFE000  }
0x368: {  	[hbm4b:s9+s20] =	stream.linear.scatter [tilespmem:s19], [sflag:$0x3], $0x2000, $0x38;
	v63 =	vld [tilespmem:$0x0]  }
0x369: {  	_ =	swait.ge [sflag:s15], $0x2000  }
0x36a: {  	[sflag:s15] =	ssyncset.done $0x0  }
0x36b: {  	s10 =	rddreg [dreg:$0x11];
	[sflag:s15] =	ssyncadd.s32 $0xFFFFE000  }
0x36c: {  	[hbm4b:s10+s21] =	stream.strided.scatter [tilespmem:s28], [sflag:$0x3], $0x2800, s22, s21, $0x38;
	v63 =	vld [tilespmem:$0x0]  }
0x36d: {  	_ =	swait.ge [sflag:s15], $0x2800  }
0x36e: {  	s4 =	sld [smem:$0x7F8];
	_ =	sdelay $0x2  }
0x36f: {  	s11 =	rddreg [dreg:$0x12];
	s4 =	sadd.s32 $0x1, s4  }
0x370: {  	p0 =	sne.s32 s4, s11  }
.Ltmp6:
0x371: {  	_ = 	snop;
	(pc) =	sbr.rel @p0 .LBB2_1-.Ltmp6, $3  }
0x372: {  	_ =	sdelay $0x1  }
0x373: {  	[sflag:s15] =	ssyncset.done $0x0  }
0x374: {  	[sflag:s15] =	ssyncadd.s32 $0xFFFFD800  }
0x375: {  	_ =	sfence.sel $0x180000  }
0x376: {  	[bflag:$0x0] =	sbarrier.arrive $0xFFFF  }
0x377: {  	_ =	strace $0x9000004A  }
0x378: {  	s0 =	stileid.u32;
	[bflag:$0x2] =	sbarrier.arrive $0xFFFF  }
0x379: {  	p0 =	sne.s32 s0, $0x0;
	s0 =	rddreg [dreg:$0x3]  }
0x37a: {  	s0 =	sadd.s32 @!p0 $0x100000, s0  }
0x37b: {  	[sflag:s0] =	ssyncadd.tile.s32 @!p0 $0x1;
	_ =	shalt  }
.Lfunc_end2:
_tile_overlayer_lowered:
.L_overlay_start_2:
0x37c: {  	(tag) =	ssettag $0x2  }
0x37d: {  	s0 =	rddreg [dreg:$0x0];
	s2 =	stileid.u32  }
0x37e: {  	s1 =	rddreg [dreg:$0x1];
	p0 =	sne.s32 s2, $0x0  }
0x37f: {  	s3 =	rddreg [dreg:$0x2];
	[bflag:$0x3] =	sbarrier.arrive $0xFFFF;
	s2 =	simm.s32 @!p0 $0x1C03  }
0x380: {  	[timem:s3], [sflag:s2] =	dma.local @!p0 [hbm:s0], s1  }
0x381: {  	s0 =	simm.s32 @!p0 $0x3  }
0x382: {  	_ =	swait.ge @!p0 [sflag:s0], s1  }
0x383: {  	s1 =	ssub.s32 @!p0 $0x0, s1;
	[sflag:s0] =	ssyncset.done @!p0 $0x0  }
0x384: {  	[sflag:s0] =	ssyncadd.s32 @!p0 s1  }
0x385: {  	[bflag:$0x3] =	sbarrier.arrive $0xFFFF  }
0x386: {  	_ =	shalt  }

// kernel: kernel.7.cloned.1.call-start
scs
__scs_entry_jumppad:
0x0: {  	(pc) =	sbr.rel $0x88, $3  }
0x1: {  	(tag) =	ssettag $0x0;
	lr =	simm.s32 $0x1  }
0x2: {  	[smem:$0x3F8C] =	sst lr;
	_ =	strace $0xD0000000  }
0x3: {  	_ = 	snop  }
0x4: {  	_ = 	snop  }
0x5: {  	_ = 	snop  }
0x6: {  	_ = 	snop  }
0x7: {  	_ = 	snop  }
__scs_overlays_trampoline_lowered:
0x8: {  	[smem:$0x3F9B] =	sst s0  }
0x9: {  	[smem:$0x3F9C] =	sst s1  }
0xa: {  	[smem:$0x3F9D] =	sst s2  }
0xb: {  	[smem:$0x3F9E] =	sst s3  }
0xc: {  	[smem:$0x3F9F] =	sst s4  }
0xd: {  	[smem:$0x3FA0] =	sst s5  }
0xe: {  	[smem:$0x3FA1] =	sst s6  }
0xf: {  	[smem:$0x3FA2] =	sst s7  }
0x10: {  	[smem:$0x3FA3] =	sst s8  }
0x11: {  	[smem:$0x3FA4] =	sst s9;
	s0 =	simm.s32 @!p0 $0x0  }
0x12: {  	s1 =	sld [smem:$0x3F8A];
	s0 =	simm.s32 @p0 $0x1  }
0x13: {  	[smem:$0x3FA5] =	sst s0;
	s0 =	simm.s32 @!p1 $0x0  }
0x14: {  	s2 =	sld [smem:$0x3F89];
	s0 =	simm.s32 @p1 $0x1  }
0x15: {  	[smem:$0x3FA6] =	sst s0;
	s0 =	simm.s32 @!p2 $0x0  }
0x16: {  	s3 =	sld [smem:$0x3FDB];
	s0 =	simm.s32 @p2 $0x1  }
0x17: {  	s4 =	simm.s32 $0x1BF5;
	[smem:$0x3FA8] =	sst s0  }
0x18: {  	s0 =	sld [smem:$0x3F8B];
	_ =	swait.ge [sflag:s4], $0x0  }
0x19: {  	s7 =	sld [smem:$0x3F8C]  }
0x1a: {  	s8 =	sadd.s32 $0xFFFFE003, lr  }
0x1b: {  	s9 =	sadd.s32 $0xFFFFFEF7, lr;
	s5 =	simm.s32 $0xFFFFFFFF;
	p2 =	slt.u32 s8, $0xFFFFF086  }
0x1c: {  	p1 =	slt.u32 s9, $0xF7A;
	s5 =	simm.s32 @!p2 $0x0  }
0x1d: {  	s5 =	simm.s32 @p1 $0x1;
	p0 =	seq.s32 s7, s2  }
0x1e: {  	s7 =	smul.u32 @!p0 $0xF7A, s2;
	p2 =	seq.s32 @!p0 s5, $0x0  }
0x1f: {  	s9 =	smul.u32 $0xF7A, s1;
	s8 =	simm.s32 @!p0 $0x1BF5;
	p2 =	por !p2, p0  }
0x20: {  	[sflag:s8] =	ssyncset.s32 @!p0 $0xFFFFF086;
	s6 =	sadd.s32 @!p0 s3, s7;
	s7 =	simm.s32 @!p0 $0x108  }
0x21: {  	s3 =	sadd.s32 s3, s9;
	s6 =	sadd.s32 @!p0 $0x88, s6;
	s7 =	simm.s32 @p2 $0x1082  }
0x22: {  	[simem:s7], [sflag:s8] =	dma.local @!p0 [hbm:s6], $0xF7A  }
0x23: {  	s9 =	sor.u32 $0xD0000000, s2;
	s6 =	simm.s32 $0x108;
	_ =	swait.ge @!p0 [sflag:s8], $0x0  }
0x24: {  	s3 =	sadd.s32 $0x88, s3;
	s6 =	simm.s32 @!p1 $0x1082;
	[sflag:s4] =	ssyncset.s32 $0xFFFFF086  }
0x25: {  	[simem:s6], [sflag:s4] =	dma.local [hbm:s3], $0xF7A  }
0x26: {  	[smem:$0x3F8C] =	sst s1;
	(tag) =	ssettag s2;
	_ =	strace s9  }
0x27: {  	s1 =	sld [smem:$0x3F9C]  }
0x28: {  	s2 =	sld [smem:$0x3F9D]  }
0x29: {  	s4 =	sld [smem:$0x3F9F]  }
0x2a: {  	p0 =	seq.s32 s5, $0x0;
	s5 =	sld [smem:$0x3FA0]  }
0x2b: {  	s6 =	sld [smem:$0x3FA1]  }
0x2c: {  	s7 =	sld [smem:$0x3FA2]  }
0x2d: {  	s3 =	simm.s32 $0x108;
	s8 =	sld [smem:$0x3FA3]  }
0x2e: {  	s3 =	simm.s32 @!p0 $0x1082;
	s9 =	sld [smem:$0x3FA4]  }
0x2f: {  	lr =	sadd.s32 s0, s3;
	s0 =	sld [smem:$0x3F9B]  }
0x30: {  	s3 =	sld [smem:$0x3F9E]  }
0x31: {  	[smem:$0x3FA7] =	sst s10  }
0x32: {  	s10 =	sld [smem:$0x3FA5];
	_ =	sdelay $0x3  }
0x33: {  	p0 =	seq.s32 s10, $0x1;
	s10 =	sld [smem:$0x3FA7];
	_ =	sdelay $0x3  }
0x34: {  	[smem:$0x3FA7] =	sst s10  }
0x35: {  	s10 =	sld [smem:$0x3FA6];
	_ =	sdelay $0x3  }
0x36: {  	p1 =	seq.s32 s10, $0x1;
	s10 =	sld [smem:$0x3FA7];
	_ =	sdelay $0x3  }
0x37: {  	[smem:$0x3FA7] =	sst s10  }
0x38: {  	s10 =	sld [smem:$0x3FA8]  }
0x39: {  	_ = 	snop;
	(pc) =	sbr.ind lr, $3  }
0x3a: {  	_ = 	snop  }
0x3b: {  	_ = 	snop  }
0x3c: {  	p2 =	seq.s32 s10, $0x1;
	s10 =	sld [smem:$0x3FA7]  }
0x3d: {  	_ =	shalt  }
0x3e: {  	_ =	shalt  }
0x3f: {  	_ =	shalt  }
0x40: {  	_ =	shalt  }
0x41: {  	_ =	shalt  }
0x42: {  	_ =	shalt  }
0x43: {  	_ =	shalt  }
0x44: {  	_ =	shalt  }
0x45: {  	_ =	shalt  }
0x46: {  	_ =	shalt  }
0x47: {  	_ =	shalt  }
0x48: {  	_ =	shalt  }
0x49: {  	_ =	shalt  }
0x4a: {  	_ =	shalt  }
0x4b: {  	_ =	shalt  }
0x4c: {  	_ =	shalt  }
0x4d: {  	_ =	shalt  }
0x4e: {  	_ =	shalt  }
0x4f: {  	_ =	shalt  }
0x50: {  	_ =	shalt  }
0x51: {  	_ =	shalt  }
0x52: {  	_ =	shalt  }
0x53: {  	_ =	shalt  }
0x54: {  	_ =	shalt  }
0x55: {  	_ =	shalt  }
0x56: {  	_ =	shalt  }
0x57: {  	_ =	shalt  }
0x58: {  	_ =	shalt  }
0x59: {  	_ =	shalt  }
0x5a: {  	_ =	shalt  }
0x5b: {  	_ =	shalt  }
0x5c: {  	_ =	shalt  }
0x5d: {  	_ =	shalt  }
0x5e: {  	_ =	shalt  }
0x5f: {  	_ =	shalt  }
0x60: {  	_ =	shalt  }
0x61: {  	_ =	shalt  }
0x62: {  	_ =	shalt  }
0x63: {  	_ =	shalt  }
0x64: {  	_ =	shalt  }
0x65: {  	_ =	shalt  }
0x66: {  	_ =	shalt  }
0x67: {  	_ =	shalt  }
0x68: {  	_ =	shalt  }
0x69: {  	_ =	shalt  }
0x6a: {  	_ =	shalt  }
0x6b: {  	_ =	shalt  }
0x6c: {  	_ =	shalt  }
0x6d: {  	_ =	shalt  }
0x6e: {  	_ =	shalt  }
0x6f: {  	_ =	shalt  }
0x70: {  	_ =	shalt  }
0x71: {  	_ =	shalt  }
0x72: {  	_ =	shalt  }
0x73: {  	_ =	shalt  }
0x74: {  	_ =	shalt  }
0x75: {  	_ =	shalt  }
0x76: {  	_ =	shalt  }
0x77: {  	_ =	shalt  }
0x78: {  	_ =	shalt  }
0x79: {  	_ =	shalt  }
0x7a: {  	_ =	shalt  }
0x7b: {  	_ =	shalt  }
0x7c: {  	_ =	shalt  }
0x7d: {  	_ =	shalt  }
0x7e: {  	_ =	shalt  }
0x7f: {  	_ =	shalt  }
0x80: {  	_ =	shalt  }
0x81: {  	_ =	shalt  }
0x82: {  	_ =	shalt  }
0x83: {  	_ =	shalt  }
0x84: {  	_ =	shalt  }
0x85: {  	_ =	shalt  }
0x86: {  	_ =	shalt  }
0x87: {  	_ =	shalt  }
.Lfunc_end0:
.L_simem_size_0:
called_computation_lowered:
.L_overlay_start_0:
0x88: {  	s2 =	sld [smem:$0x3FD9]  }
0x89: {  	s3 =	sld [smem:$0x3FFE];
	_ =	sdelay $0x1  }
0x8a: {  	s1 =	srdreg.scid  }
0x8b: {  	s0 =	sand.u32 $0x1, s1  }
0x8c: {  	s17 =	sshll.u32 s0, $0xA;
	s2 =	sadd.s32 s3, s2  }
0x8d: {  	s2 =	sadd.s32 s2, s17  }
0x8e: {  	[smem:$0x3FB3] =	sst s2  }
0x8f: {  	_ = 	snop  }
0x90: {  	s2 =	sld [smem:$0x3FD0];
	(tm) =	ssettm $0x1  }
0x91: {  	s18 =	sld [smem:$0x3FFB];
	_ =	sdelay $0x3  }
0x92: {  	_ =	strace s18  }
0x93: {  	s3 =	sld [smem:$0x3FFC];
	_ =	sdelay $0x3  }
0x94: {  	_ =	strace s3  }
0x95: {  	s3 =	sld [smem:$0x3FFD];
	_ =	sdelay $0x3  }
0x96: {  	_ =	strace s3  }
0x97: {  	_ =	strace $0x8FFFFFFF  }
0x98: {  	s19 =	sld [smem:$0x3FDB];
	_ =	sdelay $0x1  }
0x99: {  	s4 =	simm.s32 $_scs_section_size  }
0x9a: {  	s5 =	simm.s32 $_size__tile_overlayer_lowered;
	s6 =	simm.s32 $_tile_overlayer_lowered  }
0x9b: {  	s22 =	simm.s32 $0x1BFF;
	s21 =	sshll.u32 s6, $0x1;
	s3 =	sadd.s32 s4, s19  }
0x9c: {  	s7 =	simm.s32 $0x0;
	s20 =	sshll.u32 s5, $0x1;
	s5 =	sadd.s32 s21, s3  }
0x9d: {  	[timem:s7], [sflag:s22] =	dma.local [hbm:s5], s20  }
0x9e: {  	_ =	swait.ge [sflag:s22], s20  }
0x9f: {  	s4 =	ssub.s32 $0x0, s20;
	[sflag:s22] =	ssyncset.done $0x0  }
0xa0: {  	[sflag:s22] =	ssyncadd.s32 s4;
	_ =	sdelay $0x1  }
0xa1: {  	s23 =	simm.s32 $0x1B8B  }
0xa2: {  	_ =	swait.ge [sflag:s23], $0x1  }
0xa3: {  	[sflag:s23] =	ssyncset.done $0x0  }
0xa4: {  	s25 =	simm.s32 $0x1B8E;
	s24 =	sld [smem:$0x3FFE];
	[sflag:s23] =	ssyncadd.s32 $0xFFFFFFFF  }
0xa5: {  	s26 =	simm.s32 $execute0_lowered;
	[smem:$0x3FD2] =	sst s25  }
0xa6: {  	s5 =	sshll.u32 s26, $0x1;
	_ =	strace $0x80000046;
	[dreg:$0x1] =	wrdreg $0xFFFFFFFF  }
0xa7: {  	s28 =	simm.s32 $_size_execute0_lowered;
	s3 =	sadd.s32 s3, s5;
	[dreg:$0x0] =	wrdreg $0x0  }
0xa8: {  	s5 =	sshll.u32 s28, $0x1;
	[dreg:$0x2] =	wrdreg s3  }
0xa9: {  	[dreg:$0x3] =	wrdreg s5  }
0xaa: {  	[dreg:$0x4] =	wrdreg $0xC0  }
0xab: {  	_ =	task [dreg:s7], $0x5FFFF  }
0xac: {  	[dreg:$0x1] =	wrdreg $0xFFFFFFFF  }
0xad: {  	[dreg:$0x0] =	wrdreg $0x60  }
0xae: {  	[dreg:$0x2] =	wrdreg s24  }
0xaf: {  	[dreg:$0x3] =	wrdreg s2  }
0xb0: {  	[dreg:$0x4] =	wrdreg $0x0  }
0xb1: {  	[dreg:$0x5] =	wrdreg $0x9  }
0xb2: {  	_ =	task.clear_ibuf [dreg:s7], $0x6FFFF;
	_ =	strace $0x90000046  }
0xb3: {  	s29 =	simm.s32 $0x9;
	_ =	strace $0x80000048  }
0xb4: {  	_ =	swait.ge [sflag:s29], $0x1  }
0xb5: {  	[sflag:s29] =	ssyncadd.s32 $0xFFFFFFFF  }
0xb6: {  	_ =	strace $0x90000048  }
0xb7: {  	_ =	sfence  }
0xb8: {  	s30 =	sld [smem:$0x0];
	_ =	sdelay $0x2  }
0xb9: {  	s31 =	sshll.u32 s1, $0xD;
	s1 =	sshrl.u32 s1, $0x2  }
0xba: {  	s3 =	sand.u32 $0x4000, s31;
	s1 =	sadd.s32 s1, s30  }
0xbb: {  	s0 =	sor.u32 s3, s0;
	s1 =	sshll.u32 s1, $0x11  }
0xbc: {  	s0 =	sor.u32 s1, s0  }
0xbd: {  	s0 =	sadd.s32 $0x8F2B, s0  }
0xbe: {  	[sflag:s0] =	ssyncadd.remote.s32 $0x1  }
0xbf: {  	_ =	sfence.sel $0xFFFF  }
0xc0: {  	[dreg:$0x0] =	wrdreg $0xFFFFFFFF;
	(pc) =	sbr.abs _section_cstart, $3  }
0xc1: {  	[dreg:$0x1] =	wrdreg $0xFFFFFFFF  }
0xc2: {  	_ =	task.clear_ibuf [dreg:s7], $0x2FFFF;
	_ =	strace $0x9FFFFFFF  }
0xc3: {  	(tm) =	ssettm $0x7FFFFFFF  }
tec
execute0_lowered:
.L_overlay_start_1:
0x0: {  	(tag) =	ssettag $0x1  }
0x1: {  	s0 =	srdreg.scid  }
0x2: {  	s2 =	rddreg [dreg:$0x0];
	s17 =	stileid.u32  }
0x3: {  	s1 =	rddreg [dreg:$0x1];
	s20 =	simm.s32 $0x0;
	s28 =	simm.s32 $0x19000  }
0x4: {  	s29 =	simm.s32 $0x1;
	s30 =	simm.s32 $0x1BF80;
	s31 =	simm.s32 $0x1BE80  }
0x5: {  	s3 =	sand.u32 $0x1, s0;
	[smem:$0x7FF] =	sst s20;
	s5 =	sadd.s32 $0x70A00, s2  }
0x6: {  	s6 =	sshll.u32 s17, $0x7;
	s8 =	smul.u32 $0x280, s17;
	s0 =	sshll.u32 s3, $0x4  }
0x7: {  	s6 =	sand.u32 $0x380, s6;
	s4 =	sor.u32 s17, s0;
	s0 =	smul.u32 $0x2800, s3  }
0x8: {  	s3 =	ssub.s32 $0x2, s3;
	s11 =	sor.u32 $0x40, s8;
	s4 =	sshrl.u32 s4, $0x3  }
0x9: {  	s14 =	sadd.s32 $0x100, s8;
	s9 =	sshrl.u32 s3, $0x1;
	s7 =	smul.u32 $0x14000, s4  }
0xa: {  	s4 =	smul.u32 $0x28800, s4;
	s9 =	ssub.s32 s3, s9;
	s10 =	sadd.s32 s0, s8  }
0xb: {  	s16 =	sadd.s32 s0, s11;
	s22 =	sadd.s32 s0, s14;
	s15 =	sshll.u32 s10, $0x4  }
0xc: {  	s18 =	sshll.u32 s16, $0x4;
	s10 =	sadd.s32 $0xC0, s8;
	s23 =	sshll.u32 s22, $0x4  }
0xd: {  	s22 =	sshrl.u32 s0, $0x3;
	s7 =	sor.u32 s6, s7;
	s3 =	sor.u32 s6, s4  }
0xe: {  	s4 =	sadd.s32 s5, s15;
	s6 =	sadd.s32 $0x80, s8;
	s12 =	sadd.s32 s0, s10  }
0xf: {  	s15 =	sadd.s32 $0x180, s8;
	[dreg:$0x4] =	wrdreg s4;
	s4 =	sadd.s32 s5, s18  }
0x10: {  	s19 =	sadd.s32 s0, s6;
	s21 =	sshll.u32 s12, $0x4;
	s12 =	sadd.s32 $0x140, s8  }
0x11: {  	s13 =	sadd.s32 s0, s15;
	[dreg:$0x5] =	wrdreg s4;
	s4 =	sshll.u32 s19, $0x4  }
0x12: {  	s18 =	sadd.s32 $0x1C0, s8;
	s7 =	sshrl.u32 s7, $0x3;
	s4 =	sadd.s32 s5, s4  }
0x13: {  	s24 =	sadd.s32 s0, s12;
	[dreg:$0x6] =	wrdreg s4;
	s4 =	sadd.s32 s5, s21  }
0x14: {  	s25 =	sshll.u32 s13, $0x4;
	[dreg:$0x7] =	wrdreg s4;
	s4 =	sadd.s32 s5, s23  }
0x15: {  	s26 =	sadd.s32 s0, s18;
	[dreg:$0x8] =	wrdreg s4;
	s4 =	sshll.u32 s24, $0x4  }
0x16: {  	s19 =	sadd.s32 $0x200, s8;
	s13 =	sshll.u32 s26, $0x4;
	s4 =	sadd.s32 s5, s4  }
0x17: {  	s16 =	sadd.s32 s0, s19;
	[dreg:$0x9] =	wrdreg s4;
	s4 =	sadd.s32 s5, s25  }
0x18: {  	s23 =	smul.u32 $0x50000, s17;
	[dreg:$0xa] =	wrdreg s4;
	s4 =	sadd.s32 s5, s13  }
0x19: {  	[dreg:$0xb] =	wrdreg s4;
	s4 =	sadd.s32 $0x240, s8;
	s8 =	sshll.u32 s16, $0x4  }
0x1a: {  	s13 =	rddreg [dreg:$0x2];
	s16 =	sadd.s32 s0, s4;
	s8 =	sadd.s32 s5, s8  }
0x1b: {  	s26 =	sshrl.u32 s23, $0x2;
	[dreg:$0xc] =	wrdreg s8;
	s21 =	sshll.u32 s16, $0x4  }
0x1c: {  	s8 =	sadd.s32 s26, s13;
	s5 =	sadd.s32 s5, s21;
	s21 =	sshll.u32 s10, $0x7  }
0x1d: {  	s26 =	sshll.u32 s15, $0x7;
	[dreg:$0xd] =	wrdreg s5;
	s23 =	sadd.s32 s21, s13  }
0x1e: {  	s15 =	sadd.s32 $0x2000, s8;
	_ =	strace $0x80000047;
	[dreg:$0x15] =	wrdreg s23  }
0x1f: {  	s10 =	sshll.u32 s18, $0x7;
	s18 =	sadd.s32 $0x4000, s8;
	[dreg:$0x1c] =	wrdreg s15  }
0x20: {  	s7 =	sadd.s32 s7, s2;
	s21 =	sadd.s32 $0x8000, s8;
	[dreg:$0x1d] =	wrdreg s18  }
0x21: {  	s17 =	sadd.s32 $0x51200, s2;
	s5 =	sadd.s32 s22, s2;
	[dreg:$0x1f] =	wrdreg s21  }
0x22: {  	s4 =	sshll.u32 s4, $0x7;
	s24 =	sadd.s32 $0x65600, s5;
	[dreg:$0x10] =	wrdreg s8  }
0x23: {  	v0 =	vmov s0;
	s0 =	simm.s32 $0x1BF00;
	s25 =	sadd.s32 $0x66000, s5;
	[dreg:$0xe] =	wrdreg s24  }
0x24: {  	s16 =	sadd.s32 $0x1200, s2;
	s5 =	sadd.s32 $0x66A00, s7;
	[dreg:$0xf] =	wrdreg s25  }
0x25: {  	s7 =	smax.u32 s9, $0x1;
	s9 =	sshll.u32 s11, $0x7;
	[dreg:$0x11] =	wrdreg s5  }
0x26: {  	s11 =	sshll.u32 s6, $0x7;
	s23 =	sadd.s32 $0xC000, s8;
	[dreg:$0x12] =	wrdreg s7  }
0x27: {  	s15 =	simm.s32 $0x3;
	s2 =	sadd.s32 s9, s13;
	[smem:$0x7FA] =	sst s23  }
0x28: {  	s18 =	simm.s32 $0x16800;
	s22 =	sadd.s32 s11, s13;
	[dreg:$0x13] =	wrdreg s2  }
0x29: {  	s21 =	simm.s32 $0x80;
	s9 =	sadd.s32 s26, s13;
	[dreg:$0x14] =	wrdreg s22  }
0x2a: {  	s24 =	sshll.u32 s14, $0x7;
	s14 =	sadd.s32 s4, s13;
	[dreg:$0x18] =	wrdreg s9  }
0x2b: {  	s11 =	sshll.u32 s19, $0x7;
	s19 =	sadd.s32 $0x6000, s8;
	[dreg:$0x1b] =	wrdreg s14  }
0x2c: {  	s25 =	sshll.u32 s12, $0x7;
	s26 =	sadd.s32 $0x12000, s8;
	[dreg:$0x1e] =	wrdreg s19  }
0x2d: {  	s23 =	simm.s32 $0x1B800;
	s2 =	sadd.s32 s24, s13;
	[smem:$0x7FD] =	sst s26  }
0x2e: {  	s4 =	simm.s32 $0x0;
	s7 =	sadd.s32 s25, s13;
	[dreg:$0x16] =	wrdreg s2  }
0x2f: {  	s12 =	sadd.s32 s11, s13;
	s22 =	sadd.s32 $0xA000, s8;
	[dreg:$0x17] =	wrdreg s7  }
0x30: {  	s24 =	sadd.s32 $0xE000, s8;
	s25 =	sadd.s32 $0x10000, s8;
	[dreg:$0x1a] =	wrdreg s12  }
0x31: {  	s14 =	simm.s32 $0x14000;
	s19 =	simm.s32 $0x1C000;
	[smem:$0x7F9] =	sst s22  }
0x32: {  	s26 =	simm.s32 $0x1BE00;
	s2 =	sadd.s32 s10, s13;
	[smem:$0x7FB] =	sst s24  }
0x33: {  	[smem:$0x7FC] =	sst s25;
	s22 =	simm.s32 $0x400;
	s24 =	simm.s32 $0x1BB00  }
0x34: {  	v1 =	vimm.f32 $0.0e+00;
	s25 =	simm.s32 $0x40;
	s12 =	simm.s32 $0x1E000;
	[dreg:$0x19] =	wrdreg s2  }
.LBB2_1:
0x35: {  	[smem:$0x7F8] =	sst s4  }
0x36: {  	s2 =	rddreg [dreg:$0xe]  }
0x37: {  	[tilespmem:s14], [sflag:$0x3] =	stream.linear.gather [hbm4b:s2+s20], $0x2800, $0x38;
	v63 =	vld [tilespmem:$0x0]  }
0x38: {  	_ =	swait.ge [sflag:s15], $0x2800  }
0x39: {  	[sflag:s15] =	ssyncset.done $0x0  }
0x3a: {  	s11 =	rddreg [dreg:$0xf];
	[sflag:s15] =	ssyncadd.s32 $0xFFFFD800  }
0x3b: {  	[tilespmem:s18], [sflag:$0x3] =	stream.linear.gather [hbm4b:s11+s20], $0x2800, $0x38;
	v63 =	vld [tilespmem:$0x0]  }
0x3c: {  	_ =	swait.ge [sflag:s15], $0x2800  }
0x3d: {  	[sflag:s15] =	ssyncset.done $0x0  }
0x3e: {  	s4 =	simm.s32 $0x200;
	s2 =	simm.s32 $0x0;
	[sflag:s15] =	ssyncadd.s32 $0xFFFFD800  }
.LBB2_2:
0x3f: {  	p0 =	sne.s32 s4, $0x7E00;
	[tilespmem:s2+$0x1C070] =	vst v1  }
0x40: {  	[tilespmem:s2+$0x1C000] =	vst v1  }
0x41: {  	[tilespmem:s2+$0x1C010] =	vst v1  }
.Ltmp0:
0x42: {  	[tilespmem:s2+$0x1C020] =	vst v1;
	(pc) =	sbr.rel @p0 .LBB2_2-.Ltmp0, $4  }
0x43: {  	[tilespmem:s2+$0x1C030] =	vst v1  }
0x44: {  	[tilespmem:s2+$0x1C040] =	vst v1  }
0x45: {  	[tilespmem:s2+$0x1C050] =	vst v1  }
0x46: {  	[tilespmem:s2+$0x1C060] =	vst v1;
	s2 =	sshra.s32 s4, $0x2;
	s4 =	sadd.s32 $0x200, s4  }
0x47: {  	[tilespmem:s2+$0x1C070] =	vst v1  }
0x48: {  	[tilespmem:s2+$0x1C000] =	vst v1  }
0x49: {  	[tilespmem:s2+$0x1C010] =	vst v1  }
0x4a: {  	[tilespmem:s2+$0x1C020] =	vst v1  }
0x4b: {  	[tilespmem:s2+$0x1C030] =	vst v1  }
0x4c: {  	[tilespmem:s2+$0x1C040] =	vst v1  }
0x4d: {  	[tilespmem:s2+$0x1C050] =	vst v1  }
0x4e: {  	[tilespmem:s2+$0x1C060] =	vst v1;
	s2 =	simm.s32 $0x40;
	s4 =	simm.s32 $0x0  }
.LBB2_4:
0x4f: {  	p0 =	sne.s32 s2, $0x9FC0;
	[tilespmem:s4+$0x19000] =	vst v1;
	s4 =	smov.u32 s2;
	s2 =	sadd.s32 $0x40, s2  }
.Ltmp1:
0x50: {  	(pc) =	sbr.rel @p0 .LBB2_4-.Ltmp1, $2  }
0x51: {  	_ =	sdelay $0x2  }
0x52: {  	s4 =	sshra.s32 s4, $0x2  }
0x53: {  	[tilespmem:s4+$0x19000] =	vst v1  }
0x54: {  	[spmem:s8] =	stream.linear.scatter [tilespmem:s19], [sflag:$0x3], $0x2000, $0x38;
	v63 =	vld [tilespmem:$0x0]  }
0x55: {  	_ =	swait.ge [sflag:s15], $0x2000  }
0x56: {  	[sflag:s15] =	ssyncset.done $0x0  }
0x57: {  	s2 =	rddreg [dreg:$0x1c];
	[sflag:s15] =	ssyncadd.s32 $0xFFFFE000  }
0x58: {  	[spmem:s2] =	stream.linear.scatter [tilespmem:s19], [sflag:$0x3], $0x2000, $0x38;
	v63 =	vld [tilespmem:$0x0]  }
0x59: {  	_ =	swait.ge [sflag:s15], $0x2000  }
0x5a: {  	[sflag:s15] =	ssyncset.done $0x0  }
0x5b: {  	s5 =	rddreg [dreg:$0x1d];
	[sflag:s15] =	ssyncadd.s32 $0xFFFFE000  }
0x5c: {  	[spmem:s5] =	stream.linear.scatter [tilespmem:s19], [sflag:$0x3], $0x2000, $0x38;
	v63 =	vld [tilespmem:$0x0]  }
0x5d: {  	_ =	swait.ge [sflag:s15], $0x2000  }
0x5e: {  	[sflag:s15] =	ssyncset.done $0x0  }
0x5f: {  	s6 =	rddreg [dreg:$0x1e];
	[sflag:s15] =	ssyncadd.s32 $0xFFFFE000  }
0x60: {  	[spmem:s6] =	stream.linear.scatter [tilespmem:s19], [sflag:$0x3], $0x2000, $0x38;
	v63 =	vld [tilespmem:$0x0]  }
0x61: {  	_ =	swait.ge [sflag:s15], $0x2000  }
0x62: {  	[sflag:s15] =	ssyncset.done $0x0  }
0x63: {  	s7 =	rddreg [dreg:$0x1f];
	[sflag:s15] =	ssyncadd.s32 $0xFFFFE000  }
0x64: {  	[spmem:s7] =	stream.linear.scatter [tilespmem:s19], [sflag:$0x3], $0x2000, $0x38;
	v63 =	vld [tilespmem:$0x0]  }
0x65: {  	_ =	swait.ge [sflag:s15], $0x2000  }
0x66: {  	s8 =	sld [smem:$0x7F9]  }
0x67: {  	[sflag:s15] =	ssyncset.done $0x0  }
0x68: {  	[sflag:s15] =	ssyncadd.s32 $0xFFFFE000  }
0x69: {  	[spmem:s8] =	stream.linear.scatter [tilespmem:s19], [sflag:$0x3], $0x2000, $0x38;
	v63 =	vld [tilespmem:$0x0]  }
0x6a: {  	_ =	swait.ge [sflag:s15], $0x2000  }
0x6b: {  	s9 =	sld [smem:$0x7FA]  }
0x6c: {  	[sflag:s15] =	ssyncset.done $0x0  }
0x6d: {  	[sflag:s15] =	ssyncadd.s32 $0xFFFFE000  }
0x6e: {  	[spmem:s9] =	stream.linear.scatter [tilespmem:s19], [sflag:$0x3], $0x2000, $0x38;
	v63 =	vld [tilespmem:$0x0]  }
0x6f: {  	_ =	swait.ge [sflag:s15], $0x2000  }
0x70: {  	s10 =	sld [smem:$0x7FB]  }
0x71: {  	[sflag:s15] =	ssyncset.done $0x0  }
0x72: {  	[sflag:s15] =	ssyncadd.s32 $0xFFFFE000  }
0x73: {  	[spmem:s10] =	stream.linear.scatter [tilespmem:s19], [sflag:$0x3], $0x2000, $0x38;
	v63 =	vld [tilespmem:$0x0]  }
0x74: {  	_ =	swait.ge [sflag:s15], $0x2000  }
0x75: {  	s11 =	sld [smem:$0x7FC]  }
0x76: {  	[sflag:s15] =	ssyncset.done $0x0  }
0x77: {  	[sflag:s15] =	ssyncadd.s32 $0xFFFFE000  }
0x78: {  	[spmem:s11] =	stream.linear.scatter [tilespmem:s19], [sflag:$0x3], $0x2000, $0x38;
	v63 =	vld [tilespmem:$0x0]  }
0x79: {  	_ =	swait.ge [sflag:s15], $0x2000  }
0x7a: {  	s20 =	sld [smem:$0x7FD]  }
0x7b: {  	[sflag:s15] =	ssyncset.done $0x0  }
0x7c: {  	[sflag:s15] =	ssyncadd.s32 $0xFFFFE000  }
0x7d: {  	[spmem:s20] =	stream.linear.scatter [tilespmem:s19], [sflag:$0x3], $0x2000, $0x38;
	v63 =	vld [tilespmem:$0x0]  }
0x7e: {  	_ =	swait.ge [sflag:s15], $0x2000  }
0x7f: {  	[sflag:s15] =	ssyncset.done $0x0  }
0x80: {  	[sflag:s15] =	ssyncadd.s32 $0xFFFFE000  }
0x81: {  	s6 =	simm.s32 $0x0;
	[bflag:$0x0] =	sbarrier.arrive $0xFFFF  }
.LBB2_6:
0x82: {  	s2 =	smul.u32 $0x1800, s6;
	_ =	sdelay $0x1  }
0x83: {  	s2 =	sadd.s32 s3, s2  }
0x84: {  	s2 =	sshrl.u32 s2, $0x3  }
0x85: {  	s4 =	sadd.s32 s1, s2  }
0x86: {  	[tilespmem:s23], [sflag:$0x3] =	stream.strided.gather [hbm4b:s4+s21], $0x300, s22, s21, $0x38;
	v63 =	vld [tilespmem:$0x0]  }
0x87: {  	_ =	swait.ge [sflag:s15], $0x300  }
0x88: {  	[sflag:s15] =	ssyncset.done $0x0  }
0x89: {  	s2 =	sadd.s32 s17, s2;
	[sflag:s15] =	ssyncadd.s32 $0xFFFFFD00  }
0x8a: {  	[tilespmem:s24], [sflag:$0x3] =	stream.strided.gather [hbm4b:s2+s21], $0x300, s22, s21, $0x38;
	v63 =	vld [tilespmem:$0x0]  }
0x8b: {  	_ =	swait.ge [sflag:s15], $0x300  }
0x8c: {  	[sflag:s15] =	ssyncset.done $0x0  }
0x8d: {  	s7 =	smul.u32 $0xC, s6;
	s8 =	simm.s32 $0x0;
	[sflag:s15] =	ssyncadd.s32 $0xFFFFFD00  }
.LBB2_7:
0x8e: {  	s2 =	sshll.u32 s8, $0x7  }
0x8f: {  	v2 =	vld [tilespmem:s2+$0x1B800];
	_ =	sdelay $0x4  }
0x90: {  	v2 =	vadd.s32 v0, v2  }
0x91: {  	[tilespmem:$0x1BE00] =	vst v2  }
0x92: {  	v2 =	vld [tilespmem:s2+$0x1B810];
	_ =	sdelay $0x4  }
0x93: {  	v2 =	vadd.s32 v0, v2  }
0x94: {  	[tilespmem:$0x1BE10] =	vst v2  }
0x95: {  	v2 =	vld [tilespmem:s2+$0x1B820];
	_ =	sdelay $0x4  }
0x96: {  	v2 =	vadd.s32 v0, v2  }
0x97: {  	[tilespmem:$0x1BE20] =	vst v2  }
0x98: {  	v2 =	vld [tilespmem:s2+$0x1B830];
	_ =	sdelay $0x3  }
0x99: {  	s4 =	sor.u32 s7, s8  }
0x9a: {  	p0 =	seq.s32 s4, $0x0;
	v2 =	vadd.s32 v0, v2  }
0x9b: {  	s4 =	simm.s32 @!p0 $0x2;
	[tilespmem:$0x1BE30] =	vst v2  }
0x9c: {  	_ =	swait.ge @!p0 [sflag:s4], $0x2000  }
0x9d: {  	[sflag:s4] =	ssyncset.done @!p0 $0x0  }
0x9e: {  	[sflag:s4] =	ssyncadd.s32 @!p0 $0xFFFFE000  }
0x9f: {  	[tilespmem:s19], [sflag:$0x1] =	stream.indirect.gather [hbm4b:s16+s25], $0x80, s26, s25, $0xb8;
	v63 =	vld [tilespmem:$0x0]  }
0xa0: {  	v2 =	vld [tilespmem:s2+$0x1B800]  }
0xa1: {  	v3 =	vld [tilespmem:s2+$0x1BB00];
	_ =	sdelay $0x5  }
0xa2: {  	[tilespmem:$0x1BE80] =	vst v3  }
0xa3: {  	v2 =	vld.idx.msk [tilespmem:v2+s14+$0x0], $0xffff  }
0xa4: {  	v4 =	vld.idx.msk [tilespmem:v3+s18+$0x0], $0xffff;
	_ =	sdelay $0x4  }
0xa5: {  	v2 =	vadd.f32 v4, v2;
	_ =	sdelay $0x1  }
0xa6: {  	v4 =	vmul.f32 $2.000000030e-01, v2  }
0xa7: {  	vm0 =	vgt.f32 v2, $0.0e+00  }
0xa8: {  	v2 =	vsel vm0, v2, v4  }
0xa9: {  	v2 =	vmul.f32 $1.442695020e+00, v2;
	_ =	sdelay $0x1  }
0xaa: {  	(erf) = vpow2.f32 v2;
	_ =	sdelay $0x8  }
0xab: {  	v2 =	vpop (erf)  }
0xac: {  	[tilespmem:$0x1BF80] =	vst v2  }
0xad: {  	s11 =	sor.u32 $0x10, s2;
	[tilespmem:v3+s28+$0x0] =	vst.idx.add.f32.msk $0xffff, v2  }
0xae: {  	v2 =	vld [tilespmem:s11+$0x1B800]  }
0xaf: {  	v3 =	vld [tilespmem:s11+$0x1BB00];
	_ =	sdelay $0x5  }
0xb0: {  	[tilespmem:$0x1BE90] =	vst v3  }
0xb1: {  	v2 =	vld.idx.msk [tilespmem:v2+s14+$0x0], $0xffff  }
0xb2: {  	v4 =	vld.idx.msk [tilespmem:v3+s18+$0x0], $0xffff;
	_ =	sdelay $0x4  }
0xb3: {  	v2 =	vadd.f32 v4, v2;
	_ =	sdelay $0x1  }
0xb4: {  	v4 =	vmul.f32 $2.000000030e-01, v2  }
0xb5: {  	vm13 =	vgt.f32 v2, $0.0e+00  }
0xb6: {  	v2 =	vsel vm13, v2, v4  }
0xb7: {  	v2 =	vmul.f32 $1.442695020e+00, v2;
	_ =	sdelay $0x1  }
0xb8: {  	(erf) = vpow2.f32 v2;
	_ =	sdelay $0x8  }
0xb9: {  	v2 =	vpop (erf)  }
0xba: {  	[tilespmem:$0x1BF90] =	vst v2  }
0xbb: {  	s20 =	sor.u32 $0x20, s2;
	[tilespmem:v3+s28+$0x0] =	vst.idx.add.f32.msk $0xffff, v2  }
0xbc: {  	v2 =	vld [tilespmem:s20+$0x1B800]  }
0xbd: {  	v3 =	vld [tilespmem:s20+$0x1BB00];
	_ =	sdelay $0x5  }
0xbe: {  	[tilespmem:$0x1BEA0] =	vst v3  }
0xbf: {  	v2 =	vld.idx.msk [tilespmem:v2+s14+$0x0], $0xffff  }
0xc0: {  	v4 =	vld.idx.msk [tilespmem:v3+s18+$0x0], $0xffff;
	_ =	sdelay $0x4  }
0xc1: {  	v2 =	vadd.f32 v4, v2;
	_ =	sdelay $0x1  }
0xc2: {  	v4 =	vmul.f32 $2.000000030e-01, v2  }
0xc3: {  	vm14 =	vgt.f32 v2, $0.0e+00  }
0xc4: {  	v2 =	vsel vm14, v2, v4  }
0xc5: {  	v2 =	vmul.f32 $1.442695020e+00, v2;
	_ =	sdelay $0x1  }
0xc6: {  	(erf) = vpow2.f32 v2;
	_ =	sdelay $0x8  }
0xc7: {  	v2 =	vpop (erf)  }
0xc8: {  	[tilespmem:$0x1BFA0] =	vst v2  }
0xc9: {  	s2 =	sor.u32 $0x30, s2;
	[tilespmem:v3+s28+$0x0] =	vst.idx.add.f32.msk $0xffff, v2  }
0xca: {  	v2 =	vld [tilespmem:s2+$0x1B800]  }
0xcb: {  	v3 =	vld [tilespmem:s2+$0x1BB00];
	_ =	sdelay $0x5  }
0xcc: {  	[tilespmem:$0x1BEB0] =	vst v3  }
0xcd: {  	v2 =	vld.idx.msk [tilespmem:v2+s14+$0x0], $0xffff  }
0xce: {  	v4 =	vld.idx.msk [tilespmem:v3+s18+$0x0], $0xffff;
	_ =	sdelay $0x4  }
0xcf: {  	v2 =	vadd.f32 v4, v2;
	_ =	sdelay $0x1  }
0xd0: {  	v4 =	vmul.f32 $2.000000030e-01, v2  }
0xd1: {  	vm15 =	vgt.f32 v2, $0.0e+00  }
0xd2: {  	v2 =	vsel vm15, v2, v4  }
0xd3: {  	v2 =	vmul.f32 $1.442695020e+00, v2;
	_ =	sdelay $0x1  }
0xd4: {  	(erf) = vpow2.f32 v2;
	_ =	sdelay $0x7  }
0xd5: {  	s9 =	simm.s32 $0x0  }
0xd6: {  	v4 =	vmov s9;
	v2 =	vpop (erf)  }
0xd7: {  	v4 =	vand.u32 $0xFFFFFFF8, v4;
	[tilespmem:$0x1BFB0] =	vst v2  }
0xd8: {  	[tilespmem:v3+s28+$0x0] =	vst.idx.add.f32.msk $0xffff, v2;
	v2 =	vbroadcast v4, $0x0;
	_ =	sdelay $0x1  }
0xd9: {  	_ =	swait.ge [sflag:s29], $0x2000  }
0xda: {  	[sflag:s29] =	ssyncset.done $0x0  }
0xdb: {  	s10 =	simm.s32 $0x1C200;
	[sflag:s29] =	ssyncadd.s32 $0xFFFFE000  }
0xdc: {  	v4 =	vld [tilespmem:s10+$0xFFFFFE70]  }
0xdd: {  	v2 =	vld.idx.msk [tilespmem:v2+s30+$0x0], $0xffff  }
0xde: {  	v5 =	vld [tilespmem:s10+$0xFFFFFE00]  }
0xdf: {  	v6 =	vld [tilespmem:s10+$0xFFFFFE20]  }
0xe0: {  	v7 =	vld [tilespmem:s10+$0xFFFFFE30]  }
0xe1: {  	v3 =	vld [tilespmem:s10+$0xFFFFFE50]  }
0xe2: {  	v9 =	vld [tilespmem:s10+$0xFFFFFE10];
	v4 =	vmul.f32 v4, v2  }
0xe3: {  	s4 =	simm.s32 $0x1;
	v8 =	vld [tilespmem:s10+$0xFFFFFE60];
	v5 =	vmul.f32 v5, v2  }
0xe4: {  	v10 =	vld [tilespmem:s10+$0xFFFFFE40];
	v6 =	vmul.f32 v6, v2;
	[tilespmem:s10+$0xFFFFFE70] =	vst v4;
	v4 =	vmov s4  }
0xe5: {  	v7 =	vmul.f32 v7, v2;
	[tilespmem:s10+$0xFFFFFE00] =	vst v5;
	v4 =	vand.u32 $0xFFFFFFF9, v4  }
0xe6: {  	v3 =	vmul.f32 v3, v2;
	[tilespmem:s10+$0xFFFFFE20] =	vst v6;
	v4 =	vbroadcast v4, $0x0  }
0xe7: {  	v5 =	vmul.f32 v9, v2;
	[tilespmem:s10+$0xFFFFFE30] =	vst v7  }
0xe8: {  	v6 =	vmul.f32 v8, v2;
	[tilespmem:s10+$0xFFFFFE50] =	vst v3  }
0xe9: {  	v2 =	vmul.f32 v10, v2;
	[tilespmem:s10+$0xFFFFFE10] =	vst v5  }
0xea: {  	[tilespmem:s10+$0xFFFFFE60] =	vst v6  }
0xeb: {  	[tilespmem:s10+$0xFFFFFE40] =	vst v2  }
0xec: {  	v2 =	vld.idx.msk [tilespmem:v4+s30+$0x0], $0xffff  }
0xed: {  	v4 =	vld [tilespmem:s10+$0xFFFFFE90]  }
0xee: {  	v5 =	vld [tilespmem:s10+$0xFFFFFEC0]  }
0xef: {  	v6 =	vld [tilespmem:s10+$0xFFFFFE80]  }
0xf0: {  	v7 =	vld [tilespmem:s10+$0xFFFFFED0]  }
0xf1: {  	v3 =	vld [tilespmem:s10+$0xFFFFFEF0]  }
0xf2: {  	v8 =	vld [tilespmem:s10+$0xFFFFFEE0];
	v4 =	vmul.f32 v4, v2  }
0xf3: {  	s5 =	simm.s32 $0x2;
	v9 =	vld [tilespmem:s10+$0xFFFFFEB0];
	v5 =	vmul.f32 v5, v2  }
0xf4: {  	v10 =	vld [tilespmem:s10+$0xFFFFFEA0];
	v6 =	vmul.f32 v6, v2;
	[tilespmem:s10+$0xFFFFFE90] =	vst v4;
	v4 =	vmov s5  }
0xf5: {  	v7 =	vmul.f32 v7, v2;
	[tilespmem:s10+$0xFFFFFEC0] =	vst v5;
	v4 =	vand.u32 $0xFFFFFFFA, v4  }
0xf6: {  	v3 =	vmul.f32 v3, v2;
	[tilespmem:s10+$0xFFFFFE80] =	vst v6;
	v4 =	vbroadcast v4, $0x0  }
0xf7: {  	v5 =	vmul.f32 v8, v2;
	[tilespmem:s10+$0xFFFFFED0] =	vst v7  }
0xf8: {  	v6 =	vmul.f32 v9, v2;
	[tilespmem:s10+$0xFFFFFEF0] =	vst v3  }
0xf9: {  	v2 =	vmul.f32 v10, v2;
	[tilespmem:s10+$0xFFFFFEE0] =	vst v5  }
0xfa: {  	[tilespmem:s10+$0xFFFFFEB0] =	vst v6  }
0xfb: {  	v3 =	vld [tilespmem:s10+$0xFFFFFF00];
	[tilespmem:s10+$0xFFFFFEA0] =	vst v2  }
0xfc: {  	v2 =	vld.idx.msk [tilespmem:v4+s30+$0x0], $0xffff  }
0xfd: {  	v4 =	vld [tilespmem:s10+$0xFFFFFF60]  }
0xfe: {  	v5 =	vld [tilespmem:s10+$0xFFFFFF10]  }
0xff: {  	v6 =	vld [tilespmem:s10+$0xFFFFFF50]  }
0x100: {  	v7 =	vld [tilespmem:s10+$0xFFFFFF70]  }
0x101: {  	v8 =	vld [tilespmem:s10+$0xFFFFFF20];
	v3 =	vmul.f32 v3, v2  }
0x102: {  	s11 =	simm.s32 $0x3;
	v9 =	vld [tilespmem:s10+$0xFFFFFF30];
	v4 =	vmul.f32 v4, v2  }
0x103: {  	v10 =	vld [tilespmem:s10+$0xFFFFFF40];
	v5 =	vmul.f32 v5, v2;
	[tilespmem:s10+$0xFFFFFF00] =	vst v3;
	v3 =	vmov s11  }
0x104: {  	v6 =	vmul.f32 v6, v2;
	[tilespmem:s10+$0xFFFFFF60] =	vst v4;
	v3 =	vand.u32 $0xFFFFFFFB, v3  }
0x105: {  	v4 =	vmul.f32 v7, v2;
	[tilespmem:s10+$0xFFFFFF10] =	vst v5;
	v3 =	vbroadcast v3, $0x0  }
0x106: {  	v5 =	vmul.f32 v8, v2;
	[tilespmem:s10+$0xFFFFFF50] =	vst v6  }
0x107: {  	v6 =	vmul.f32 v9, v2;
	[tilespmem:s10+$0xFFFFFF70] =	vst v4  }
0x108: {  	v2 =	vmul.f32 v10, v2;
	[tilespmem:s10+$0xFFFFFF20] =	vst v5  }
0x109: {  	[tilespmem:s10+$0xFFFFFF30] =	vst v6  }
0x10a: {  	[tilespmem:s10+$0xFFFFFF40] =	vst v2  }
0x10b: {  	v2 =	vld.idx.msk [tilespmem:v3+s30+$0x0], $0xffff  }
0x10c: {  	v3 =	vld [tilespmem:s10+$0xFFFFFFB0]  }
0x10d: {  	v5 =	vld [tilespmem:s10+$0xFFFFFFE0]  }
0x10e: {  	v6 =	vld [tilespmem:s10+$0xFFFFFF80]  }
0x10f: {  	v7 =	vld [tilespmem:s10+$0xFFFFFFD0]  }
0x110: {  	v4 =	vld [tilespmem:s10+$0xFFFFFFF0]  }
0x111: {  	v9 =	vld [tilespmem:s10+$0xFFFFFFA0];
	v3 =	vmul.f32 v3, v2  }
0x112: {  	s20 =	simm.s32 $0x4;
	v8 =	vld [tilespmem:s10+$0xFFFFFF90];
	v5 =	vmul.f32 v5, v2  }
0x113: {  	v10 =	vld [tilespmem:s10+$0xFFFFFFC0];
	v6 =	vmul.f32 v6, v2;
	[tilespmem:s10+$0xFFFFFFB0] =	vst v3;
	v3 =	vmov s20  }
0x114: {  	v7 =	vmul.f32 v7, v2;
	[tilespmem:s10+$0xFFFFFFE0] =	vst v5;
	v3 =	vand.u32 $0xFFFFFFFC, v3  }
0x115: {  	v4 =	vmul.f32 v4, v2;
	[tilespmem:s10+$0xFFFFFF80] =	vst v6;
	v3 =	vbroadcast v3, $0x0  }
0x116: {  	v11 =	vld [tilespmem:s10+$0x40];
	v5 =	vmul.f32 v9, v2;
	[tilespmem:s10+$0xFFFFFFD0] =	vst v7  }
0x117: {  	v6 =	vmul.f32 v8, v2;
	[tilespmem:s10+$0xFFFFFFF0] =	vst v4;
	v9 =	vld [tilespmem:s10+$0x0]  }
0x118: {  	v4 =	vmul.f32 v10, v2;
	v2 =	vld [tilespmem:s10+$0x70];
	[tilespmem:s10+$0xFFFFFFA0] =	vst v5  }
0x119: {  	v8 =	vld [tilespmem:s10+$0x20];
	[tilespmem:s10+$0xFFFFFF90] =	vst v6  }
0x11a: {  	v7 =	vld [tilespmem:s10+$0x30];
	[tilespmem:s10+$0xFFFFFFC0] =	vst v4  }
0x11b: {  	v3 =	vld.idx.msk [tilespmem:v3+s30+$0x0], $0xffff  }
0x11c: {  	v4 =	vld [tilespmem:s10+$0x50]  }
0x11d: {  	v5 =	vld [tilespmem:s10+$0x10]  }
0x11e: {  	v6 =	vld [tilespmem:s10+$0x60];
	_ =	sdelay $0x1  }
0x11f: {  	s4 =	simm.s32 $0x8;
	s11 =	sshll.u32 s8, $0x1;
	s20 =	simm.s32 $0x1C200;
	v10 =	vmul.f32 v9, v3;
	v9 =	vmul.f32 v11, v3  }
.LBB2_8:
0x120: {  	p0 =	slt.u32 s4, $0x38;
	v8 =	vmul.f32 v8, v3;
	v7 =	vmul.f32 v7, v3;
	s2 =	sadd.s32 $0x5, s9;
	s10 =	sadd.s32 $0x400, s10  }
0x121: {  	v4 =	vmul.f32 v4, v3;
	[tilespmem:s20+$0x0] =	vst v10;
	v5 =	vmul.f32 v5, v3;
	v10 =	vmov s2;
	s2 =	smov.u32 s4;
	s4 =	sadd.s32 $0x8, s4  }
0x122: {  	v2 =	vmul.f32 v2, v3;
	[tilespmem:s20+$0x40] =	vst v9;
	v6 =	vmul.f32 v6, v3;
	v3 =	vand.u32 $0xFFFFFFFD, v10  }
0x123: {  	[tilespmem:s20+$0x20] =	vst v8;
	v3 =	vbroadcast v3, $0x0  }
0x124: {  	[tilespmem:s20+$0x50] =	vst v4  }
0x125: {  	[tilespmem:s20+$0x70] =	vst v2;
	v2 =	vld [tilespmem:s20+$0xA0]  }
0x126: {  	[tilespmem:s20+$0x30] =	vst v7;
	v4 =	vld [tilespmem:s20+$0x80]  }
0x127: {  	[tilespmem:s20+$0x60] =	vst v6;
	v6 =	vld [tilespmem:s20+$0xD0]  }
0x128: {  	[tilespmem:s20+$0x10] =	vst v5;
	v5 =	vld [tilespmem:s20+$0xF0]  }
0x129: {  	v3 =	vld.idx.msk [tilespmem:v3+s30+$0x0], $0xffff  }
0x12a: {  	v7 =	vld [tilespmem:s20+$0xC0]  }
0x12b: {  	v8 =	vld [tilespmem:s20+$0xB0]  }
0x12c: {  	v9 =	vld [tilespmem:s20+$0x90]  }
0x12d: {  	v10 =	vld [tilespmem:s20+$0xE0];
	_ =	sdelay $0x1  }
0x12e: {  	v4 =	vmul.f32 v4, v3;
	v7 =	vmul.f32 v7, v3  }
0x12f: {  	s5 =	sadd.s32 $0x6, s9;
	v2 =	vmul.f32 v2, v3;
	v8 =	vmul.f32 v8, v3  }
0x130: {  	v6 =	vmul.f32 v6, v3;
	[tilespmem:s20+$0x80] =	vst v4;
	v4 =	vmul.f32 v9, v3;
	v9 =	vmov s5  }
0x131: {  	[tilespmem:s20+$0xA0] =	vst v2;
	v2 =	vmul.f32 v10, v3;
	v3 =	vmul.f32 v5, v3;
	v5 =	vand.u32 $0xFFFFFFFE, v9  }
0x132: {  	[tilespmem:s20+$0xD0] =	vst v6;
	v5 =	vbroadcast v5, $0x0  }
0x133: {  	[tilespmem:s20+$0xC0] =	vst v7  }
0x134: {  	[tilespmem:s20+$0xF0] =	vst v3;
	v3 =	vld [tilespmem:s20+$0x120]  }
0x135: {  	[tilespmem:s20+$0xB0] =	vst v8;
	v6 =	vld [tilespmem:s20+$0x100]  }
0x136: {  	[tilespmem:s20+$0x90] =	vst v4;
	v4 =	vld [tilespmem:s20+$0x140]  }
0x137: {  	[tilespmem:s20+$0xE0] =	vst v2;
	v2 =	vld [tilespmem:s20+$0x130]  }
0x138: {  	v5 =	vld.idx.msk [tilespmem:v5+s30+$0x0], $0xffff  }
0x139: {  	v7 =	vld [tilespmem:s20+$0x110]  }
0x13a: {  	v8 =	vld [tilespmem:s20+$0x160]  }
0x13b: {  	v9 =	vld [tilespmem:s20+$0x150]  }
0x13c: {  	v10 =	vld [tilespmem:s20+$0x170];
	_ =	sdelay $0x1  }
0x13d: {  	v6 =	vmul.f32 v6, v5;
	v7 =	vmul.f32 v7, v5  }
0x13e: {  	v3 =	vmul.f32 v3, v5;
	v2 =	vmul.f32 v2, v5  }
0x13f: {  	v4 =	vmul.f32 v4, v5;
	[tilespmem:s20+$0x100] =	vst v6;
	v6 =	vmul.f32 v9, v5  }
0x140: {  	[tilespmem:s20+$0x120] =	vst v3;
	v3 =	vmul.f32 v8, v5;
	v5 =	vmul.f32 v10, v5  }
0x141: {  	s5 =	sadd.s32 $0x7, s9;
	s9 =	smov.u32 s2;
	[tilespmem:s20+$0x130] =	vst v2  }
0x142: {  	v2 =	vmov s5;
	[tilespmem:s20+$0x140] =	vst v4  }
0x143: {  	[tilespmem:s20+$0x160] =	vst v3;
	v3 =	vld [tilespmem:s20+$0x180]  }
0x144: {  	[tilespmem:s20+$0x110] =	vst v7;
	v4 =	vld [tilespmem:s20+$0x1D0]  }
0x145: {  	[tilespmem:s20+$0x150] =	vst v6;
	v6 =	vld [tilespmem:s20+$0x190]  }
0x146: {  	[tilespmem:s20+$0x170] =	vst v5;
	v5 =	vld [tilespmem:s20+$0x1F0]  }
0x147: {  	v2 =	vld.idx.msk [tilespmem:v2+s30+$0x0], $0xffff  }
0x148: {  	v7 =	vld [tilespmem:s20+$0x1B0]  }
0x149: {  	v8 =	vld [tilespmem:s20+$0x1A0]  }
0x14a: {  	v9 =	vld [tilespmem:s20+$0x1C0]  }
0x14b: {  	v10 =	vld [tilespmem:s20+$0x1E0];
	_ =	sdelay $0x1  }
0x14c: {  	v3 =	vmul.f32 v3, v2;
	v6 =	vmul.f32 v6, v2  }
0x14d: {  	v7 =	vmul.f32 v7, v2;
	v8 =	vmul.f32 v8, v2  }
0x14e: {  	v11 =	vmov s9;
	v4 =	vmul.f32 v4, v2;
	[tilespmem:s20+$0x180] =	vst v3;
	v3 =	vmul.f32 v9, v2  }
0x14f: {  	v9 =	vand.u32 $0xFFFFFFF8, v11;
	[tilespmem:s20+$0x190] =	vst v6;
	v6 =	vmul.f32 v10, v2;
	v2 =	vmul.f32 v5, v2  }
0x150: {  	v5 =	vbroadcast v9, $0x0;
	[tilespmem:s20+$0x1D0] =	vst v4  }
0x151: {  	[tilespmem:s20+$0x1A0] =	vst v8  }
0x152: {  	v4 =	vld [tilespmem:s10+$0xFFFFFE50];
	[tilespmem:s20+$0x1F0] =	vst v2  }
0x153: {  	v2 =	vld [tilespmem:s10+$0xFFFFFE30];
	[tilespmem:s20+$0x1B0] =	vst v7  }
0x154: {  	v7 =	vld [tilespmem:s10+$0xFFFFFE60];
	[tilespmem:s20+$0x1E0] =	vst v6  }
0x155: {  	v6 =	vld [tilespmem:s10+$0xFFFFFE70];
	[tilespmem:s20+$0x1C0] =	vst v3;
	s20 =	smov.u32 s10  }
0x156: {  	v3 =	vld.idx.msk [tilespmem:v5+s30+$0x0], $0xffff  }
0x157: {  	v5 =	vld [tilespmem:s10+$0xFFFFFE00]  }
0x158: {  	v8 =	vld [tilespmem:s10+$0xFFFFFE20]  }
0x159: {  	v9 =	vld [tilespmem:s10+$0xFFFFFE10]  }
0x15a: {  	v10 =	vld [tilespmem:s10+$0xFFFFFE40];
	_ =	sdelay $0x1  }
0x15b: {  	v6 =	vmul.f32 v6, v3;
	v5 =	vmul.f32 v5, v3  }
0x15c: {  	s2 =	sadd.s32 $0x1, s9;
	v7 =	vmul.f32 v7, v3;
	v8 =	vmul.f32 v8, v3  }
0x15d: {  	v2 =	vmul.f32 v2, v3;
	v9 =	vmul.f32 v9, v3;
	[tilespmem:s10+$0xFFFFFE70] =	vst v6;
	v6 =	vmov s2  }
0x15e: {  	[tilespmem:s10+$0xFFFFFE00] =	vst v5;
	v5 =	vmul.f32 v10, v3;
	v3 =	vmul.f32 v4, v3;
	v4 =	vand.u32 $0xFFFFFFF9, v6  }
0x15f: {  	[tilespmem:s10+$0xFFFFFE20] =	vst v8;
	v4 =	vbroadcast v4, $0x0  }
0x160: {  	[tilespmem:s10+$0xFFFFFE30] =	vst v2  }
0x161: {  	[tilespmem:s10+$0xFFFFFE50] =	vst v3;
	v2 =	vld [tilespmem:s10+$0xFFFFFEF0]  }
0x162: {  	[tilespmem:s10+$0xFFFFFE10] =	vst v9;
	v3 =	vld [tilespmem:s10+$0xFFFFFED0]  }
0x163: {  	[tilespmem:s10+$0xFFFFFE60] =	vst v7;
	v6 =	vld [tilespmem:s10+$0xFFFFFEB0]  }
0x164: {  	[tilespmem:s10+$0xFFFFFE40] =	vst v5;
	v5 =	vld [tilespmem:s10+$0xFFFFFEC0]  }
0x165: {  	v4 =	vld.idx.msk [tilespmem:v4+s30+$0x0], $0xffff  }
0x166: {  	v7 =	vld [tilespmem:s10+$0xFFFFFE90]  }
0x167: {  	v8 =	vld [tilespmem:s10+$0xFFFFFE80]  }
0x168: {  	v9 =	vld [tilespmem:s10+$0xFFFFFEA0]  }
0x169: {  	v10 =	vld [tilespmem:s10+$0xFFFFFEE0];
	_ =	sdelay $0x1  }
0x16a: {  	v5 =	vmul.f32 v5, v4;
	v7 =	vmul.f32 v7, v4  }
0x16b: {  	s2 =	sadd.s32 $0x2, s9;
	v6 =	vmul.f32 v6, v4;
	v8 =	vmul.f32 v8, v4  }
0x16c: {  	v3 =	vmul.f32 v3, v4;
	[tilespmem:s10+$0xFFFFFE90] =	vst v7;
	v7 =	vmul.f32 v9, v4;
	v9 =	vmov s2  }
0x16d: {  	v2 =	vmul.f32 v2, v4;
	[tilespmem:s10+$0xFFFFFEC0] =	vst v5;
	v5 =	vmul.f32 v10, v4;
	v4 =	vand.u32 $0xFFFFFFFA, v9  }
0x16e: {  	[tilespmem:s10+$0xFFFFFE80] =	vst v8;
	v4 =	vbroadcast v4, $0x0  }
0x16f: {  	[tilespmem:s10+$0xFFFFFED0] =	vst v3  }
0x170: {  	[tilespmem:s10+$0xFFFFFEE0] =	vst v5;
	v3 =	vld [tilespmem:s10+$0xFFFFFF70]  }
0x171: {  	[tilespmem:s10+$0xFFFFFEB0] =	vst v6;
	v5 =	vld [tilespmem:s10+$0xFFFFFF50]  }
0x172: {  	[tilespmem:s10+$0xFFFFFEF0] =	vst v2;
	v2 =	vld [tilespmem:s10+$0xFFFFFF20]  }
0x173: {  	[tilespmem:s10+$0xFFFFFEA0] =	vst v7;
	v6 =	vld [tilespmem:s10+$0xFFFFFF60]  }
0x174: {  	v4 =	vld.idx.msk [tilespmem:v4+s30+$0x0], $0xffff  }
0x175: {  	v7 =	vld [tilespmem:s10+$0xFFFFFF00]  }
0x176: {  	v8 =	vld [tilespmem:s10+$0xFFFFFF10]  }
0x177: {  	v9 =	vld [tilespmem:s10+$0xFFFFFF40]  }
0x178: {  	v10 =	vld [tilespmem:s10+$0xFFFFFF30];
	_ =	sdelay $0x1  }
0x179: {  	v6 =	vmul.f32 v6, v4;
	v7 =	vmul.f32 v7, v4  }
0x17a: {  	s2 =	sadd.s32 $0x3, s9;
	v2 =	vmul.f32 v2, v4;
	v8 =	vmul.f32 v8, v4  }
0x17b: {  	v5 =	vmul.f32 v5, v4;
	[tilespmem:s10+$0xFFFFFF00] =	vst v7;
	v7 =	vmul.f32 v9, v4;
	v9 =	vmov s2  }
0x17c: {  	v3 =	vmul.f32 v3, v4;
	v10 =	vmul.f32 v10, v4;
	[tilespmem:s10+$0xFFFFFF60] =	vst v6;
	v4 =	vand.u32 $0xFFFFFFFB, v9  }
0x17d: {  	[tilespmem:s10+$0xFFFFFF10] =	vst v8;
	v4 =	vbroadcast v4, $0x0  }
0x17e: {  	[tilespmem:s10+$0xFFFFFF50] =	vst v5  }
0x17f: {  	[tilespmem:s10+$0xFFFFFF70] =	vst v3;
	v3 =	vld [tilespmem:s10+$0xFFFFFFF0]  }
0x180: {  	[tilespmem:s10+$0xFFFFFF20] =	vst v2;
	v2 =	vld [tilespmem:s10+$0xFFFFFFD0]  }
0x181: {  	[tilespmem:s10+$0xFFFFFF30] =	vst v10;
	v5 =	vld [tilespmem:s10+$0xFFFFFF90]  }
0x182: {  	[tilespmem:s10+$0xFFFFFF40] =	vst v7;
	v6 =	vld [tilespmem:s10+$0xFFFFFFE0]  }
0x183: {  	v4 =	vld.idx.msk [tilespmem:v4+s30+$0x0], $0xffff  }
0x184: {  	v7 =	vld [tilespmem:s10+$0xFFFFFFB0]  }
0x185: {  	v8 =	vld [tilespmem:s10+$0xFFFFFF80]  }
0x186: {  	v9 =	vld [tilespmem:s10+$0xFFFFFFC0]  }
0x187: {  	v10 =	vld [tilespmem:s10+$0xFFFFFFA0];
	_ =	sdelay $0x1  }
0x188: {  	v6 =	vmul.f32 v6, v4;
	v7 =	vmul.f32 v7, v4  }
0x189: {  	s2 =	sadd.s32 $0x4, s9;
	v5 =	vmul.f32 v5, v4;
	v8 =	vmul.f32 v8, v4  }
0x18a: {  	v2 =	vmul.f32 v2, v4;
	[tilespmem:s10+$0xFFFFFFB0] =	vst v7;
	v7 =	vmul.f32 v9, v4;
	v9 =	vmov s2  }
0x18b: {  	v3 =	vmul.f32 v3, v4;
	v10 =	vmul.f32 v10, v4;
	[tilespmem:s10+$0xFFFFFFE0] =	vst v6;
	v4 =	vand.u32 $0xFFFFFFFC, v9  }
0x18c: {  	[tilespmem:s10+$0xFFFFFF80] =	vst v8;
	v6 =	vbroadcast v4, $0x0  }
0x18d: {  	[tilespmem:s10+$0xFFFFFFD0] =	vst v2  }
0x18e: {  	[tilespmem:s10+$0xFFFFFFF0] =	vst v3;
	v9 =	vld [tilespmem:s10+$0x0]  }
0x18f: {  	[tilespmem:s10+$0xFFFFFFA0] =	vst v10;
	v2 =	vld [tilespmem:s10+$0x70]  }
0x190: {  	[tilespmem:s10+$0xFFFFFF90] =	vst v5;
	v4 =	vld [tilespmem:s10+$0x50]  }
0x191: {  	[tilespmem:s10+$0xFFFFFFC0] =	vst v7;
	v8 =	vld [tilespmem:s10+$0x20]  }
0x192: {  	v3 =	vld.idx.msk [tilespmem:v6+s30+$0x0], $0xffff  }
0x193: {  	v11 =	vld [tilespmem:s10+$0x40]  }
.Ltmp2:
0x194: {  	v7 =	vld [tilespmem:s10+$0x30];
	(pc) =	sbr.rel @p0 .LBB2_8-.Ltmp2, $3  }
0x195: {  	v5 =	vld [tilespmem:s10+$0x10]  }
0x196: {  	v6 =	vld [tilespmem:s10+$0x60];
	_ =	sdelay $0x1  }
0x197: {  	v10 =	vmul.f32 v9, v3;
	v9 =	vmul.f32 v11, v3  }
0x198: {  	s2 =	sadd.s32 $0x5, s9  }
0x199: {  	v8 =	vmul.f32 v8, v3;
	[tilespmem:s20+$0x0] =	vst v10;
	v10 =	vmov s2  }
0x19a: {  	v4 =	vmul.f32 v4, v3;
	[tilespmem:s20+$0x40] =	vst v9;
	v9 =	vand.u32 $0xFFFFFFFD, v10  }
0x19b: {  	v2 =	vmul.f32 v2, v3;
	[tilespmem:s20+$0x20] =	vst v8;
	v8 =	vbroadcast v9, $0x0  }
0x19c: {  	v7 =	vmul.f32 v7, v3;
	[tilespmem:s20+$0x50] =	vst v4  }
0x19d: {  	v4 =	vmul.f32 v6, v3;
	[tilespmem:s20+$0x70] =	vst v2  }
0x19e: {  	v2 =	vmul.f32 v5, v3;
	[tilespmem:s20+$0x30] =	vst v7  }
0x19f: {  	[tilespmem:s20+$0x60] =	vst v4  }
0x1a0: {  	v3 =	vld [tilespmem:s20+$0x80];
	[tilespmem:s20+$0x10] =	vst v2  }
0x1a1: {  	v2 =	vld.idx.msk [tilespmem:v8+s30+$0x0], $0xffff  }
0x1a2: {  	v4 =	vld [tilespmem:s20+$0xA0]  }
0x1a3: {  	v6 =	vld [tilespmem:s20+$0xC0]  }
0x1a4: {  	v5 =	vld [tilespmem:s20+$0xD0];
	_ =	sdelay $0x1  }
0x1a5: {  	v9 =	vld [tilespmem:s20+$0x90];
	v3 =	vmul.f32 v3, v2  }
0x1a6: {  	v7 =	vld [tilespmem:s20+$0xF0];
	v4 =	vmul.f32 v4, v2  }
0x1a7: {  	s5 =	sadd.s32 $0x6, s9;
	v8 =	vld [tilespmem:s20+$0xB0];
	v6 =	vmul.f32 v6, v2;
	[tilespmem:s20+$0x80] =	vst v3  }
0x1a8: {  	v10 =	vld [tilespmem:s20+$0xE0];
	v3 =	vmul.f32 v5, v2;
	v5 =	vmov s5;
	[tilespmem:s20+$0xA0] =	vst v4  }
0x1a9: {  	[tilespmem:s20+$0xC0] =	vst v6;
	v4 =	vand.u32 $0xFFFFFFFE, v5  }
0x1aa: {  	v6 =	vmul.f32 v9, v2;
	[tilespmem:s20+$0xD0] =	vst v3;
	v3 =	vbroadcast v4, $0x0  }
0x1ab: {  	v5 =	vmul.f32 v7, v2  }
0x1ac: {  	v4 =	vmul.f32 v8, v2;
	[tilespmem:s20+$0x90] =	vst v6  }
0x1ad: {  	v2 =	vmul.f32 v10, v2;
	[tilespmem:s20+$0xF0] =	vst v5  }
0x1ae: {  	[tilespmem:s20+$0xB0] =	vst v4  }
0x1af: {  	v4 =	vld [tilespmem:s20+$0x100];
	[tilespmem:s20+$0xE0] =	vst v2  }
0x1b0: {  	v2 =	vld.idx.msk [tilespmem:v3+s30+$0x0], $0xffff  }
0x1b1: {  	v3 =	vld [tilespmem:s20+$0x120]  }
0x1b2: {  	v5 =	vld [tilespmem:s20+$0x130]  }
0x1b3: {  	v6 =	vld [tilespmem:s20+$0x140]  }
0x1b4: {  	v7 =	vld [tilespmem:s20+$0x160]  }
0x1b5: {  	v8 =	vld [tilespmem:s20+$0x110];
	v4 =	vmul.f32 v4, v2  }
0x1b6: {  	v9 =	vld [tilespmem:s20+$0x150];
	v3 =	vmul.f32 v3, v2  }
0x1b7: {  	v10 =	vld [tilespmem:s20+$0x170];
	v5 =	vmul.f32 v5, v2;
	[tilespmem:s20+$0x100] =	vst v4  }
0x1b8: {  	v4 =	vmul.f32 v6, v2;
	[tilespmem:s20+$0x120] =	vst v3  }
0x1b9: {  	s10 =	sadd.s32 $0x7, s9;
	v3 =	vmul.f32 v7, v2;
	[tilespmem:s20+$0x130] =	vst v5  }
0x1ba: {  	v5 =	vmul.f32 v8, v2;
	[tilespmem:s20+$0x140] =	vst v4;
	v4 =	vmov s10  }
0x1bb: {  	v6 =	vmul.f32 v9, v2;
	[tilespmem:s20+$0x160] =	vst v3  }
0x1bc: {  	v2 =	vmul.f32 v10, v2;
	[tilespmem:s20+$0x110] =	vst v5  }
0x1bd: {  	[tilespmem:s20+$0x150] =	vst v6  }
0x1be: {  	v3 =	vld [tilespmem:s20+$0x180];
	[tilespmem:s20+$0x170] =	vst v2  }
0x1bf: {  	v2 =	vld.idx.msk [tilespmem:v4+s30+$0x0], $0xffff  }
0x1c0: {  	v5 =	vld [tilespmem:s20+$0x190]  }
0x1c1: {  	v4 =	vld [tilespmem:s20+$0x1D0]  }
0x1c2: {  	v6 =	vld [tilespmem:s20+$0x1A0]  }
0x1c3: {  	v7 =	vld [tilespmem:s20+$0x1F0]  }
0x1c4: {  	v8 =	vld [tilespmem:s20+$0x1B0];
	v3 =	vmul.f32 v3, v2  }
0x1c5: {  	v9 =	vld [tilespmem:s20+$0x1E0];
	v5 =	vmul.f32 v5, v2  }
0x1c6: {  	v10 =	vld [tilespmem:s20+$0x1C0];
	[tilespmem:s20+$0x180] =	vst v3;
	v3 =	vmul.f32 v4, v2  }
0x1c7: {  	v4 =	vmul.f32 v6, v2;
	[tilespmem:s20+$0x190] =	vst v5  }
0x1c8: {  	v5 =	vmul.f32 v7, v2;
	[tilespmem:s20+$0x1D0] =	vst v3  }
0x1c9: {  	v3 =	vmul.f32 v8, v2;
	[tilespmem:s20+$0x1A0] =	vst v4  }
0x1ca: {  	v4 =	vmul.f32 v9, v2;
	[tilespmem:s20+$0x1F0] =	vst v5  }
0x1cb: {  	v2 =	vmul.f32 v10, v2;
	[tilespmem:s20+$0x1B0] =	vst v3  }
0x1cc: {  	s11 =	sor.u32 $0x1, s11;
	[tilespmem:s20+$0x1E0] =	vst v4  }
0x1cd: {  	s4 =	sshll.u32 s11, $0x6;
	[tilespmem:s20+$0x1C0] =	vst v2  }
0x1ce: {  	[spmem:s13] =	stream.indirect.scatter.add.f32 [tilespmem:s19], [sflag:$0x2], $0x80, s31, s25, $0xb8;
	v63 =	vld [tilespmem:$0x0]  }
0x1cf: {  	v2 =	vld [tilespmem:s4+$0x1B800];
	_ =	sdelay $0x4  }
0x1d0: {  	v2 =	vadd.s32 v0, v2  }
0x1d1: {  	s5 =	sor.u32 $0x50, s4;
	[tilespmem:$0x1BE00] =	vst v2  }
0x1d2: {  	v2 =	vld [tilespmem:s5+$0x1B800];
	_ =	sdelay $0x4  }
0x1d3: {  	v2 =	vadd.s32 v0, v2  }
0x1d4: {  	s20 =	sor.u32 $0x60, s4;
	[tilespmem:$0x1BE10] =	vst v2  }
0x1d5: {  	v2 =	vld [tilespmem:s20+$0x1B800];
	_ =	sdelay $0x4  }
0x1d6: {  	v2 =	vadd.s32 v0, v2  }
0x1d7: {  	s10 =	sor.u32 $0x70, s4;
	[tilespmem:$0x1BE20] =	vst v2  }
0x1d8: {  	v2 =	vld [tilespmem:s10+$0x1B800];
	_ =	sdelay $0x3  }
0x1d9: {  	s2 =	sadd.s32 s7, s11  }
0x1da: {  	p0 =	seq.s32 s2, $0x1;
	v2 =	vadd.s32 v0, v2  }
0x1db: {  	s2 =	simm.s32 @!p0 $0x2;
	[tilespmem:$0x1BE30] =	vst v2  }
0x1dc: {  	_ =	swait.ge @!p0 [sflag:s2], $0x2000  }
0x1dd: {  	[sflag:s2] =	ssyncset.done @!p0 $0x0  }
0x1de: {  	[sflag:s2] =	ssyncadd.s32 @!p0 $0xFFFFE000  }
0x1df: {  	[tilespmem:s12], [sflag:$0x1] =	stream.indirect.gather [hbm4b:s16+s25], $0x80, s26, s25, $0xb8;
	v63 =	vld [tilespmem:$0x0]  }
0x1e0: {  	v2 =	vld [tilespmem:s4+$0x1B800]  }
0x1e1: {  	v3 =	vld [tilespmem:s4+$0x1BB00];
	_ =	sdelay $0x5  }
0x1e2: {  	[tilespmem:$0x1BF00] =	vst v3  }
0x1e3: {  	v2 =	vld.idx.msk [tilespmem:v2+s14+$0x0], $0xffff  }
0x1e4: {  	v4 =	vld.idx.msk [tilespmem:v3+s18+$0x0], $0xffff;
	_ =	sdelay $0x4  }
0x1e5: {  	v2 =	vadd.f32 v4, v2;
	_ =	sdelay $0x1  }
0x1e6: {  	v4 =	vmul.f32 $2.000000030e-01, v2  }
0x1e7: {  	vm0 =	vgt.f32 v2, $0.0e+00  }
0x1e8: {  	v2 =	vsel vm0, v2, v4  }
0x1e9: {  	v2 =	vmul.f32 $1.442695020e+00, v2;
	_ =	sdelay $0x1  }
0x1ea: {  	(erf) = vpow2.f32 v2;
	_ =	sdelay $0x8  }
0x1eb: {  	v2 =	vpop (erf)  }
0x1ec: {  	[tilespmem:$0x1BF80] =	vst v2  }
0x1ed: {  	[tilespmem:v3+s28+$0x0] =	vst.idx.add.f32.msk $0xffff, v2  }
0x1ee: {  	v2 =	vld [tilespmem:s5+$0x1B800]  }
0x1ef: {  	v3 =	vld [tilespmem:s5+$0x1BB00];
	_ =	sdelay $0x5  }
0x1f0: {  	[tilespmem:$0x1BF10] =	vst v3  }
0x1f1: {  	v2 =	vld.idx.msk [tilespmem:v2+s14+$0x0], $0xffff  }
0x1f2: {  	v4 =	vld.idx.msk [tilespmem:v3+s18+$0x0], $0xffff;
	_ =	sdelay $0x4  }
0x1f3: {  	v2 =	vadd.f32 v4, v2;
	_ =	sdelay $0x1  }
0x1f4: {  	v4 =	vmul.f32 $2.000000030e-01, v2  }
0x1f5: {  	vm13 =	vgt.f32 v2, $0.0e+00  }
0x1f6: {  	v2 =	vsel vm13, v2, v4  }
0x1f7: {  	v2 =	vmul.f32 $1.442695020e+00, v2;
	_ =	sdelay $0x1  }
0x1f8: {  	(erf) = vpow2.f32 v2;
	_ =	sdelay $0x8  }
0x1f9: {  	v2 =	vpop (erf)  }
0x1fa: {  	[tilespmem:$0x1BF90] =	vst v2  }
0x1fb: {  	[tilespmem:v3+s28+$0x0] =	vst.idx.add.f32.msk $0xffff, v2  }
0x1fc: {  	v2 =	vld [tilespmem:s20+$0x1B800]  }
0x1fd: {  	v3 =	vld [tilespmem:s20+$0x1BB00];
	_ =	sdelay $0x5  }
0x1fe: {  	[tilespmem:$0x1BF20] =	vst v3  }
0x1ff: {  	v2 =	vld.idx.msk [tilespmem:v2+s14+$0x0], $0xffff  }
0x200: {  	v4 =	vld.idx.msk [tilespmem:v3+s18+$0x0], $0xffff;
	_ =	sdelay $0x4  }
0x201: {  	v2 =	vadd.f32 v4, v2;
	_ =	sdelay $0x1  }
0x202: {  	v4 =	vmul.f32 $2.000000030e-01, v2  }
0x203: {  	vm14 =	vgt.f32 v2, $0.0e+00  }
0x204: {  	v2 =	vsel vm14, v2, v4  }
0x205: {  	v2 =	vmul.f32 $1.442695020e+00, v2;
	_ =	sdelay $0x1  }
0x206: {  	(erf) = vpow2.f32 v2;
	_ =	sdelay $0x8  }
0x207: {  	v2 =	vpop (erf)  }
0x208: {  	[tilespmem:$0x1BFA0] =	vst v2  }
0x209: {  	[tilespmem:v3+s28+$0x0] =	vst.idx.add.f32.msk $0xffff, v2  }
0x20a: {  	v2 =	vld [tilespmem:s10+$0x1B800]  }
0x20b: {  	v3 =	vld [tilespmem:s10+$0x1BB00];
	_ =	sdelay $0x5  }
0x20c: {  	[tilespmem:$0x1BF30] =	vst v3  }
0x20d: {  	v2 =	vld.idx.msk [tilespmem:v2+s14+$0x0], $0xffff  }
0x20e: {  	v4 =	vld.idx.msk [tilespmem:v3+s18+$0x0], $0xffff;
	_ =	sdelay $0x4  }
0x20f: {  	v2 =	vadd.f32 v4, v2;
	_ =	sdelay $0x1  }
0x210: {  	v4 =	vmul.f32 $2.000000030e-01, v2  }
0x211: {  	vm15 =	vgt.f32 v2, $0.0e+00  }
0x212: {  	v2 =	vsel vm15, v2, v4  }
0x213: {  	v2 =	vmul.f32 $1.442695020e+00, v2;
	_ =	sdelay $0x1  }
0x214: {  	(erf) = vpow2.f32 v2;
	_ =	sdelay $0x7  }
0x215: {  	s9 =	simm.s32 $0x0  }
0x216: {  	v4 =	vmov s9;
	v2 =	vpop (erf)  }
0x217: {  	v4 =	vand.u32 $0xFFFFFFF8, v4;
	[tilespmem:$0x1BFB0] =	vst v2  }
0x218: {  	[tilespmem:v3+s28+$0x0] =	vst.idx.add.f32.msk $0xffff, v2;
	v2 =	vbroadcast v4, $0x0;
	_ =	sdelay $0x1  }
0x219: {  	_ =	swait.ge [sflag:s29], $0x2000  }
0x21a: {  	[sflag:s29] =	ssyncset.done $0x0  }
0x21b: {  	s10 =	simm.s32 $0x1E200;
	[sflag:s29] =	ssyncadd.s32 $0xFFFFE000  }
0x21c: {  	v4 =	vld [tilespmem:s10+$0xFFFFFE70]  }
0x21d: {  	v2 =	vld.idx.msk [tilespmem:v2+s30+$0x0], $0xffff  }
0x21e: {  	v5 =	vld [tilespmem:s10+$0xFFFFFE00]  }
0x21f: {  	v6 =	vld [tilespmem:s10+$0xFFFFFE20]  }
0x220: {  	v7 =	vld [tilespmem:s10+$0xFFFFFE30]  }
0x221: {  	v3 =	vld [tilespmem:s10+$0xFFFFFE50]  }
0x222: {  	v9 =	vld [tilespmem:s10+$0xFFFFFE10];
	v4 =	vmul.f32 v4, v2  }
0x223: {  	s4 =	simm.s32 $0x1;
	v8 =	vld [tilespmem:s10+$0xFFFFFE60];
	v5 =	vmul.f32 v5, v2  }
0x224: {  	v10 =	vld [tilespmem:s10+$0xFFFFFE40];
	v6 =	vmul.f32 v6, v2;
	[tilespmem:s10+$0xFFFFFE70] =	vst v4;
	v4 =	vmov s4  }
0x225: {  	v7 =	vmul.f32 v7, v2;
	[tilespmem:s10+$0xFFFFFE00] =	vst v5;
	v4 =	vand.u32 $0xFFFFFFF9, v4  }
0x226: {  	v3 =	vmul.f32 v3, v2;
	[tilespmem:s10+$0xFFFFFE20] =	vst v6;
	v4 =	vbroadcast v4, $0x0  }
0x227: {  	v5 =	vmul.f32 v9, v2;
	[tilespmem:s10+$0xFFFFFE30] =	vst v7  }
0x228: {  	v6 =	vmul.f32 v8, v2;
	[tilespmem:s10+$0xFFFFFE50] =	vst v3  }
0x229: {  	v2 =	vmul.f32 v10, v2;
	[tilespmem:s10+$0xFFFFFE10] =	vst v5  }
0x22a: {  	[tilespmem:s10+$0xFFFFFE60] =	vst v6  }
0x22b: {  	[tilespmem:s10+$0xFFFFFE40] =	vst v2  }
0x22c: {  	v2 =	vld.idx.msk [tilespmem:v4+s30+$0x0], $0xffff  }
0x22d: {  	v4 =	vld [tilespmem:s10+$0xFFFFFE90]  }
0x22e: {  	v5 =	vld [tilespmem:s10+$0xFFFFFEC0]  }
0x22f: {  	v6 =	vld [tilespmem:s10+$0xFFFFFE80]  }
0x230: {  	v7 =	vld [tilespmem:s10+$0xFFFFFED0]  }
0x231: {  	v3 =	vld [tilespmem:s10+$0xFFFFFEF0]  }
0x232: {  	v8 =	vld [tilespmem:s10+$0xFFFFFEE0];
	v4 =	vmul.f32 v4, v2  }
0x233: {  	s5 =	simm.s32 $0x2;
	v9 =	vld [tilespmem:s10+$0xFFFFFEB0];
	v5 =	vmul.f32 v5, v2  }
0x234: {  	v10 =	vld [tilespmem:s10+$0xFFFFFEA0];
	v6 =	vmul.f32 v6, v2;
	[tilespmem:s10+$0xFFFFFE90] =	vst v4;
	v4 =	vmov s5  }
0x235: {  	v7 =	vmul.f32 v7, v2;
	[tilespmem:s10+$0xFFFFFEC0] =	vst v5;
	v4 =	vand.u32 $0xFFFFFFFA, v4  }
0x236: {  	v3 =	vmul.f32 v3, v2;
	[tilespmem:s10+$0xFFFFFE80] =	vst v6;
	v4 =	vbroadcast v4, $0x0  }
0x237: {  	v5 =	vmul.f32 v8, v2;
	[tilespmem:s10+$0xFFFFFED0] =	vst v7  }
0x238: {  	v6 =	vmul.f32 v9, v2;
	[tilespmem:s10+$0xFFFFFEF0] =	vst v3  }
0x239: {  	v2 =	vmul.f32 v10, v2;
	[tilespmem:s10+$0xFFFFFEE0] =	vst v5  }
0x23a: {  	[tilespmem:s10+$0xFFFFFEB0] =	vst v6  }
0x23b: {  	v3 =	vld [tilespmem:s10+$0xFFFFFF00];
	[tilespmem:s10+$0xFFFFFEA0] =	vst v2  }
0x23c: {  	v2 =	vld.idx.msk [tilespmem:v4+s30+$0x0], $0xffff  }
0x23d: {  	v4 =	vld [tilespmem:s10+$0xFFFFFF60]  }
0x23e: {  	v5 =	vld [tilespmem:s10+$0xFFFFFF10]  }
0x23f: {  	v6 =	vld [tilespmem:s10+$0xFFFFFF50]  }
0x240: {  	v7 =	vld [tilespmem:s10+$0xFFFFFF70]  }
0x241: {  	v8 =	vld [tilespmem:s10+$0xFFFFFF20];
	v3 =	vmul.f32 v3, v2  }
0x242: {  	s11 =	simm.s32 $0x3;
	v9 =	vld [tilespmem:s10+$0xFFFFFF30];
	v4 =	vmul.f32 v4, v2  }
0x243: {  	v10 =	vld [tilespmem:s10+$0xFFFFFF40];
	v5 =	vmul.f32 v5, v2;
	[tilespmem:s10+$0xFFFFFF00] =	vst v3;
	v3 =	vmov s11  }
0x244: {  	v6 =	vmul.f32 v6, v2;
	[tilespmem:s10+$0xFFFFFF60] =	vst v4;
	v3 =	vand.u32 $0xFFFFFFFB, v3  }
0x245: {  	v4 =	vmul.f32 v7, v2;
	[tilespmem:s10+$0xFFFFFF10] =	vst v5;
	v3 =	vbroadcast v3, $0x0  }
0x246: {  	v5 =	vmul.f32 v8, v2;
	[tilespmem:s10+$0xFFFFFF50] =	vst v6  }
0x247: {  	v6 =	vmul.f32 v9, v2;
	[tilespmem:s10+$0xFFFFFF70] =	vst v4  }
0x248: {  	v2 =	vmul.f32 v10, v2;
	[tilespmem:s10+$0xFFFFFF20] =	vst v5  }
0x249: {  	[tilespmem:s10+$0xFFFFFF30] =	vst v6  }
0x24a: {  	[tilespmem:s10+$0xFFFFFF40] =	vst v2  }
0x24b: {  	v2 =	vld.idx.msk [tilespmem:v3+s30+$0x0], $0xffff  }
0x24c: {  	v3 =	vld [tilespmem:s10+$0xFFFFFFB0]  }
0x24d: {  	v5 =	vld [tilespmem:s10+$0xFFFFFFE0]  }
0x24e: {  	v6 =	vld [tilespmem:s10+$0xFFFFFF80]  }
0x24f: {  	v7 =	vld [tilespmem:s10+$0xFFFFFFD0]  }
0x250: {  	v4 =	vld [tilespmem:s10+$0xFFFFFFF0]  }
0x251: {  	v9 =	vld [tilespmem:s10+$0xFFFFFFA0];
	v3 =	vmul.f32 v3, v2  }
0x252: {  	s20 =	simm.s32 $0x4;
	v8 =	vld [tilespmem:s10+$0xFFFFFF90];
	v5 =	vmul.f32 v5, v2  }
0x253: {  	v10 =	vld [tilespmem:s10+$0xFFFFFFC0];
	v6 =	vmul.f32 v6, v2;
	[tilespmem:s10+$0xFFFFFFB0] =	vst v3;
	v3 =	vmov s20  }
0x254: {  	v7 =	vmul.f32 v7, v2;
	[tilespmem:s10+$0xFFFFFFE0] =	vst v5;
	v3 =	vand.u32 $0xFFFFFFFC, v3  }
0x255: {  	v4 =	vmul.f32 v4, v2;
	[tilespmem:s10+$0xFFFFFF80] =	vst v6;
	v3 =	vbroadcast v3, $0x0  }
0x256: {  	v11 =	vld [tilespmem:s10+$0x40];
	v5 =	vmul.f32 v9, v2;
	[tilespmem:s10+$0xFFFFFFD0] =	vst v7  }
0x257: {  	v6 =	vmul.f32 v8, v2;
	[tilespmem:s10+$0xFFFFFFF0] =	vst v4;
	v9 =	vld [tilespmem:s10+$0x0]  }
0x258: {  	v4 =	vmul.f32 v10, v2;
	v2 =	vld [tilespmem:s10+$0x70];
	[tilespmem:s10+$0xFFFFFFA0] =	vst v5  }
0x259: {  	v8 =	vld [tilespmem:s10+$0x20];
	[tilespmem:s10+$0xFFFFFF90] =	vst v6  }
0x25a: {  	v7 =	vld [tilespmem:s10+$0x30];
	[tilespmem:s10+$0xFFFFFFC0] =	vst v4  }
0x25b: {  	v3 =	vld.idx.msk [tilespmem:v3+s30+$0x0], $0xffff  }
0x25c: {  	v4 =	vld [tilespmem:s10+$0x50]  }
0x25d: {  	v6 =	vld [tilespmem:s10+$0x10]  }
0x25e: {  	v5 =	vld [tilespmem:s10+$0x60];
	_ =	sdelay $0x1  }
0x25f: {  	s4 =	simm.s32 $0x8;
	s11 =	simm.s32 $0x1E200;
	v10 =	vmul.f32 v9, v3;
	v9 =	vmul.f32 v11, v3  }
.LBB2_10:
0x260: {  	p0 =	slt.u32 s4, $0x38;
	v8 =	vmul.f32 v8, v3;
	v7 =	vmul.f32 v7, v3;
	s2 =	sadd.s32 $0x5, s9;
	s10 =	sadd.s32 $0x400, s10  }
0x261: {  	v4 =	vmul.f32 v4, v3;
	[tilespmem:s11+$0x0] =	vst v10;
	v6 =	vmul.f32 v6, v3;
	v10 =	vmov s2;
	s2 =	smov.u32 s4;
	s4 =	sadd.s32 $0x8, s4  }
0x262: {  	v2 =	vmul.f32 v2, v3;
	[tilespmem:s11+$0x40] =	vst v9;
	v5 =	vmul.f32 v5, v3;
	v3 =	vand.u32 $0xFFFFFFFD, v10  }
0x263: {  	[tilespmem:s11+$0x20] =	vst v8;
	v3 =	vbroadcast v3, $0x0  }
0x264: {  	[tilespmem:s11+$0x50] =	vst v4  }
0x265: {  	[tilespmem:s11+$0x70] =	vst v2;
	v2 =	vld [tilespmem:s11+$0xA0]  }
0x266: {  	[tilespmem:s11+$0x30] =	vst v7;
	v4 =	vld [tilespmem:s11+$0x80]  }
0x267: {  	[tilespmem:s11+$0x60] =	vst v5;
	v5 =	vld [tilespmem:s11+$0xD0]  }
0x268: {  	[tilespmem:s11+$0x10] =	vst v6;
	v6 =	vld [tilespmem:s11+$0xF0]  }
0x269: {  	v3 =	vld.idx.msk [tilespmem:v3+s30+$0x0], $0xffff  }
0x26a: {  	v7 =	vld [tilespmem:s11+$0xC0]  }
0x26b: {  	v8 =	vld [tilespmem:s11+$0xB0]  }
0x26c: {  	v9 =	vld [tilespmem:s11+$0x90]  }
0x26d: {  	v10 =	vld [tilespmem:s11+$0xE0];
	_ =	sdelay $0x1  }
0x26e: {  	v4 =	vmul.f32 v4, v3;
	v7 =	vmul.f32 v7, v3  }
0x26f: {  	s5 =	sadd.s32 $0x6, s9;
	v2 =	vmul.f32 v2, v3;
	v8 =	vmul.f32 v8, v3  }
0x270: {  	v5 =	vmul.f32 v5, v3;
	[tilespmem:s11+$0x80] =	vst v4;
	v4 =	vmul.f32 v9, v3;
	v9 =	vmov s5  }
0x271: {  	[tilespmem:s11+$0xA0] =	vst v2;
	v2 =	vmul.f32 v10, v3;
	v3 =	vmul.f32 v6, v3;
	v6 =	vand.u32 $0xFFFFFFFE, v9  }
0x272: {  	[tilespmem:s11+$0xD0] =	vst v5;
	v5 =	vbroadcast v6, $0x0  }
0x273: {  	[tilespmem:s11+$0xC0] =	vst v7  }
0x274: {  	[tilespmem:s11+$0xF0] =	vst v3;
	v3 =	vld [tilespmem:s11+$0x120]  }
0x275: {  	[tilespmem:s11+$0xB0] =	vst v8;
	v6 =	vld [tilespmem:s11+$0x100]  }
0x276: {  	[tilespmem:s11+$0x90] =	vst v4;
	v4 =	vld [tilespmem:s11+$0x140]  }
0x277: {  	[tilespmem:s11+$0xE0] =	vst v2;
	v2 =	vld [tilespmem:s11+$0x130]  }
0x278: {  	v5 =	vld.idx.msk [tilespmem:v5+s30+$0x0], $0xffff  }
0x279: {  	v7 =	vld [tilespmem:s11+$0x110]  }
0x27a: {  	v8 =	vld [tilespmem:s11+$0x160]  }
0x27b: {  	v9 =	vld [tilespmem:s11+$0x150]  }
0x27c: {  	v10 =	vld [tilespmem:s11+$0x170];
	_ =	sdelay $0x1  }
0x27d: {  	v6 =	vmul.f32 v6, v5;
	v7 =	vmul.f32 v7, v5  }
0x27e: {  	v3 =	vmul.f32 v3, v5;
	v2 =	vmul.f32 v2, v5  }
0x27f: {  	v4 =	vmul.f32 v4, v5;
	[tilespmem:s11+$0x100] =	vst v6;
	v6 =	vmul.f32 v9, v5  }
0x280: {  	[tilespmem:s11+$0x120] =	vst v3;
	v3 =	vmul.f32 v8, v5;
	v5 =	vmul.f32 v10, v5  }
0x281: {  	s5 =	sadd.s32 $0x7, s9;
	s9 =	smov.u32 s2;
	[tilespmem:s11+$0x130] =	vst v2  }
0x282: {  	v2 =	vmov s5;
	[tilespmem:s11+$0x140] =	vst v4  }
0x283: {  	[tilespmem:s11+$0x160] =	vst v3;
	v3 =	vld [tilespmem:s11+$0x180]  }
0x284: {  	[tilespmem:s11+$0x110] =	vst v7;
	v4 =	vld [tilespmem:s11+$0x1D0]  }
0x285: {  	[tilespmem:s11+$0x150] =	vst v6;
	v6 =	vld [tilespmem:s11+$0x190]  }
0x286: {  	[tilespmem:s11+$0x170] =	vst v5;
	v5 =	vld [tilespmem:s11+$0x1F0]  }
0x287: {  	v2 =	vld.idx.msk [tilespmem:v2+s30+$0x0], $0xffff  }
0x288: {  	v7 =	vld [tilespmem:s11+$0x1B0]  }
0x289: {  	v8 =	vld [tilespmem:s11+$0x1A0]  }
0x28a: {  	v9 =	vld [tilespmem:s11+$0x1C0]  }
0x28b: {  	v10 =	vld [tilespmem:s11+$0x1E0];
	_ =	sdelay $0x1  }
0x28c: {  	v3 =	vmul.f32 v3, v2;
	v6 =	vmul.f32 v6, v2  }
0x28d: {  	v7 =	vmul.f32 v7, v2;
	v8 =	vmul.f32 v8, v2  }
0x28e: {  	v11 =	vmov s9;
	v4 =	vmul.f32 v4, v2;
	[tilespmem:s11+$0x180] =	vst v3;
	v3 =	vmul.f32 v9, v2  }
0x28f: {  	v9 =	vand.u32 $0xFFFFFFF8, v11;
	[tilespmem:s11+$0x190] =	vst v6;
	v6 =	vmul.f32 v10, v2;
	v2 =	vmul.f32 v5, v2  }
0x290: {  	v5 =	vbroadcast v9, $0x0;
	[tilespmem:s11+$0x1D0] =	vst v4  }
0x291: {  	[tilespmem:s11+$0x1A0] =	vst v8  }
0x292: {  	v4 =	vld [tilespmem:s10+$0xFFFFFE50];
	[tilespmem:s11+$0x1F0] =	vst v2  }
0x293: {  	v2 =	vld [tilespmem:s10+$0xFFFFFE30];
	[tilespmem:s11+$0x1B0] =	vst v7  }
0x294: {  	v7 =	vld [tilespmem:s10+$0xFFFFFE60];
	[tilespmem:s11+$0x1E0] =	vst v6  }
0x295: {  	v6 =	vld [tilespmem:s10+$0xFFFFFE70];
	[tilespmem:s11+$0x1C0] =	vst v3;
	s11 =	smov.u32 s10  }
0x296: {  	v3 =	vld.idx.msk [tilespmem:v5+s30+$0x0], $0xffff  }
0x297: {  	v5 =	vld [tilespmem:s10+$0xFFFFFE00]  }
0x298: {  	v8 =	vld [tilespmem:s10+$0xFFFFFE20]  }
0x299: {  	v9 =	vld [tilespmem:s10+$0xFFFFFE10]  }
0x29a: {  	v10 =	vld [tilespmem:s10+$0xFFFFFE40];
	_ =	sdelay $0x1  }
0x29b: {  	v6 =	vmul.f32 v6, v3;
	v5 =	vmul.f32 v5, v3  }
0x29c: {  	s2 =	sadd.s32 $0x1, s9;
	v7 =	vmul.f32 v7, v3;
	v8 =	vmul.f32 v8, v3  }
0x29d: {  	v2 =	vmul.f32 v2, v3;
	v9 =	vmul.f32 v9, v3;
	[tilespmem:s10+$0xFFFFFE70] =	vst v6;
	v6 =	vmov s2  }
0x29e: {  	[tilespmem:s10+$0xFFFFFE00] =	vst v5;
	v5 =	vmul.f32 v10, v3;
	v3 =	vmul.f32 v4, v3;
	v4 =	vand.u32 $0xFFFFFFF9, v6  }
0x29f: {  	[tilespmem:s10+$0xFFFFFE20] =	vst v8;
	v4 =	vbroadcast v4, $0x0  }
0x2a0: {  	[tilespmem:s10+$0xFFFFFE30] =	vst v2  }
0x2a1: {  	[tilespmem:s10+$0xFFFFFE50] =	vst v3;
	v2 =	vld [tilespmem:s10+$0xFFFFFEF0]  }
0x2a2: {  	[tilespmem:s10+$0xFFFFFE10] =	vst v9;
	v3 =	vld [tilespmem:s10+$0xFFFFFED0]  }
0x2a3: {  	[tilespmem:s10+$0xFFFFFE60] =	vst v7;
	v6 =	vld [tilespmem:s10+$0xFFFFFEB0]  }
0x2a4: {  	[tilespmem:s10+$0xFFFFFE40] =	vst v5;
	v5 =	vld [tilespmem:s10+$0xFFFFFEC0]  }
0x2a5: {  	v4 =	vld.idx.msk [tilespmem:v4+s30+$0x0], $0xffff  }
0x2a6: {  	v7 =	vld [tilespmem:s10+$0xFFFFFE90]  }
0x2a7: {  	v8 =	vld [tilespmem:s10+$0xFFFFFE80]  }
0x2a8: {  	v9 =	vld [tilespmem:s10+$0xFFFFFEA0]  }
0x2a9: {  	v10 =	vld [tilespmem:s10+$0xFFFFFEE0];
	_ =	sdelay $0x1  }
0x2aa: {  	v5 =	vmul.f32 v5, v4;
	v7 =	vmul.f32 v7, v4  }
0x2ab: {  	s2 =	sadd.s32 $0x2, s9;
	v6 =	vmul.f32 v6, v4;
	v8 =	vmul.f32 v8, v4  }
0x2ac: {  	v3 =	vmul.f32 v3, v4;
	[tilespmem:s10+$0xFFFFFE90] =	vst v7;
	v7 =	vmul.f32 v9, v4;
	v9 =	vmov s2  }
0x2ad: {  	v2 =	vmul.f32 v2, v4;
	[tilespmem:s10+$0xFFFFFEC0] =	vst v5;
	v5 =	vmul.f32 v10, v4;
	v4 =	vand.u32 $0xFFFFFFFA, v9  }
0x2ae: {  	[tilespmem:s10+$0xFFFFFE80] =	vst v8;
	v4 =	vbroadcast v4, $0x0  }
0x2af: {  	[tilespmem:s10+$0xFFFFFED0] =	vst v3  }
0x2b0: {  	[tilespmem:s10+$0xFFFFFEE0] =	vst v5;
	v3 =	vld [tilespmem:s10+$0xFFFFFF70]  }
0x2b1: {  	[tilespmem:s10+$0xFFFFFEB0] =	vst v6;
	v5 =	vld [tilespmem:s10+$0xFFFFFF50]  }
0x2b2: {  	[tilespmem:s10+$0xFFFFFEF0] =	vst v2;
	v2 =	vld [tilespmem:s10+$0xFFFFFF20]  }
0x2b3: {  	[tilespmem:s10+$0xFFFFFEA0] =	vst v7;
	v6 =	vld [tilespmem:s10+$0xFFFFFF60]  }
0x2b4: {  	v4 =	vld.idx.msk [tilespmem:v4+s30+$0x0], $0xffff  }
0x2b5: {  	v7 =	vld [tilespmem:s10+$0xFFFFFF00]  }
0x2b6: {  	v8 =	vld [tilespmem:s10+$0xFFFFFF10]  }
0x2b7: {  	v9 =	vld [tilespmem:s10+$0xFFFFFF40]  }
0x2b8: {  	v10 =	vld [tilespmem:s10+$0xFFFFFF30];
	_ =	sdelay $0x1  }
0x2b9: {  	v6 =	vmul.f32 v6, v4;
	v7 =	vmul.f32 v7, v4  }
0x2ba: {  	s2 =	sadd.s32 $0x3, s9;
	v2 =	vmul.f32 v2, v4;
	v8 =	vmul.f32 v8, v4  }
0x2bb: {  	v5 =	vmul.f32 v5, v4;
	[tilespmem:s10+$0xFFFFFF00] =	vst v7;
	v7 =	vmul.f32 v9, v4;
	v9 =	vmov s2  }
0x2bc: {  	v3 =	vmul.f32 v3, v4;
	v10 =	vmul.f32 v10, v4;
	[tilespmem:s10+$0xFFFFFF60] =	vst v6;
	v4 =	vand.u32 $0xFFFFFFFB, v9  }
0x2bd: {  	[tilespmem:s10+$0xFFFFFF10] =	vst v8;
	v4 =	vbroadcast v4, $0x0  }
0x2be: {  	[tilespmem:s10+$0xFFFFFF50] =	vst v5  }
0x2bf: {  	[tilespmem:s10+$0xFFFFFF70] =	vst v3;
	v3 =	vld [tilespmem:s10+$0xFFFFFFF0]  }
0x2c0: {  	[tilespmem:s10+$0xFFFFFF20] =	vst v2;
	v2 =	vld [tilespmem:s10+$0xFFFFFFD0]  }
0x2c1: {  	[tilespmem:s10+$0xFFFFFF30] =	vst v10;
	v5 =	vld [tilespmem:s10+$0xFFFFFF90]  }
0x2c2: {  	[tilespmem:s10+$0xFFFFFF40] =	vst v7;
	v6 =	vld [tilespmem:s10+$0xFFFFFFE0]  }
0x2c3: {  	v4 =	vld.idx.msk [tilespmem:v4+s30+$0x0], $0xffff  }
0x2c4: {  	v7 =	vld [tilespmem:s10+$0xFFFFFFB0]  }
0x2c5: {  	v8 =	vld [tilespmem:s10+$0xFFFFFF80]  }
0x2c6: {  	v9 =	vld [tilespmem:s10+$0xFFFFFFC0]  }
0x2c7: {  	v10 =	vld [tilespmem:s10+$0xFFFFFFA0];
	_ =	sdelay $0x1  }
0x2c8: {  	v6 =	vmul.f32 v6, v4;
	v7 =	vmul.f32 v7, v4  }
0x2c9: {  	s2 =	sadd.s32 $0x4, s9;
	v5 =	vmul.f32 v5, v4;
	v8 =	vmul.f32 v8, v4  }
0x2ca: {  	v2 =	vmul.f32 v2, v4;
	[tilespmem:s10+$0xFFFFFFB0] =	vst v7;
	v7 =	vmul.f32 v9, v4;
	v9 =	vmov s2  }
0x2cb: {  	v3 =	vmul.f32 v3, v4;
	v10 =	vmul.f32 v10, v4;
	[tilespmem:s10+$0xFFFFFFE0] =	vst v6;
	v4 =	vand.u32 $0xFFFFFFFC, v9  }
0x2cc: {  	[tilespmem:s10+$0xFFFFFF80] =	vst v8;
	v6 =	vbroadcast v4, $0x0  }
0x2cd: {  	[tilespmem:s10+$0xFFFFFFD0] =	vst v2  }
0x2ce: {  	[tilespmem:s10+$0xFFFFFFF0] =	vst v3;
	v9 =	vld [tilespmem:s10+$0x0]  }
0x2cf: {  	[tilespmem:s10+$0xFFFFFFA0] =	vst v10;
	v2 =	vld [tilespmem:s10+$0x70]  }
0x2d0: {  	[tilespmem:s10+$0xFFFFFF90] =	vst v5;
	v4 =	vld [tilespmem:s10+$0x50]  }
0x2d1: {  	[tilespmem:s10+$0xFFFFFFC0] =	vst v7;
	v8 =	vld [tilespmem:s10+$0x20]  }
0x2d2: {  	v3 =	vld.idx.msk [tilespmem:v6+s30+$0x0], $0xffff  }
0x2d3: {  	v11 =	vld [tilespmem:s10+$0x40]  }
.Ltmp3:
0x2d4: {  	v7 =	vld [tilespmem:s10+$0x30];
	(pc) =	sbr.rel @p0 .LBB2_10-.Ltmp3, $3  }
0x2d5: {  	v6 =	vld [tilespmem:s10+$0x10]  }
0x2d6: {  	v5 =	vld [tilespmem:s10+$0x60];
	_ =	sdelay $0x1  }
0x2d7: {  	v10 =	vmul.f32 v9, v3;
	v9 =	vmul.f32 v11, v3  }
0x2d8: {  	s2 =	sadd.s32 $0x5, s9  }
0x2d9: {  	v8 =	vmul.f32 v8, v3;
	[tilespmem:s11+$0x0] =	vst v10;
	v26 =	vmov s2  }
0x2da: {  	v4 =	vmul.f32 v4, v3;
	[tilespmem:s11+$0x40] =	vst v9;
	v27 =	vand.u32 $0xFFFFFFFD, v26  }
0x2db: {  	v2 =	vmul.f32 v2, v3;
	[tilespmem:s11+$0x20] =	vst v8;
	v28 =	vbroadcast v27, $0x0  }
0x2dc: {  	v7 =	vmul.f32 v7, v3;
	[tilespmem:s11+$0x50] =	vst v4  }
0x2dd: {  	v29 =	vmul.f32 v5, v3;
	[tilespmem:s11+$0x70] =	vst v2  }
0x2de: {  	v2 =	vmul.f32 v6, v3;
	[tilespmem:s11+$0x30] =	vst v7  }
0x2df: {  	[tilespmem:s11+$0x60] =	vst v29  }
0x2e0: {  	v3 =	vld [tilespmem:s11+$0x80];
	[tilespmem:s11+$0x10] =	vst v2  }
0x2e1: {  	v2 =	vld.idx.msk [tilespmem:v28+s30+$0x0], $0xffff  }
0x2e2: {  	v30 =	vld [tilespmem:s11+$0xA0]  }
0x2e3: {  	v31 =	vld [tilespmem:s11+$0xD0]  }
0x2e4: {  	v32 =	vld [tilespmem:s11+$0xC0]  }
0x2e5: {  	v33 =	vld [tilespmem:s11+$0xF0]  }
0x2e6: {  	v34 =	vld [tilespmem:s11+$0xB0];
	v3 =	vmul.f32 v3, v2  }
0x2e7: {  	v35 =	vld [tilespmem:s11+$0x90];
	s10 =	sadd.s32 $0x6, s9;
	v4 =	vmul.f32 v30, v2  }
0x2e8: {  	v36 =	vld [tilespmem:s11+$0xE0];
	v37 =	vmov s10;
	[tilespmem:s11+$0x80] =	vst v3;
	v3 =	vmul.f32 v31, v2  }
0x2e9: {  	v38 =	vand.u32 $0xFFFFFFFE, v37;
	v6 =	vmul.f32 v32, v2;
	[tilespmem:s11+$0xA0] =	vst v4  }
0x2ea: {  	v39 =	vmul.f32 v33, v2;
	[tilespmem:s11+$0xD0] =	vst v3;
	v3 =	vbroadcast v38, $0x0  }
0x2eb: {  	v40 =	vmul.f32 v34, v2;
	[tilespmem:s11+$0xC0] =	vst v6  }
0x2ec: {  	v41 =	vmul.f32 v35, v2;
	[tilespmem:s11+$0xF0] =	vst v39  }
0x2ed: {  	v2 =	vmul.f32 v36, v2;
	[tilespmem:s11+$0xB0] =	vst v40  }
0x2ee: {  	[tilespmem:s11+$0x90] =	vst v41  }
0x2ef: {  	v42 =	vld [tilespmem:s11+$0x100];
	[tilespmem:s11+$0xE0] =	vst v2  }
0x2f0: {  	v2 =	vld.idx.msk [tilespmem:v3+s30+$0x0], $0xffff  }
0x2f1: {  	v3 =	vld [tilespmem:s11+$0x120]  }
0x2f2: {  	v43 =	vld [tilespmem:s11+$0x130]  }
0x2f3: {  	v44 =	vld [tilespmem:s11+$0x140]  }
0x2f4: {  	v46 =	vld [tilespmem:s11+$0x110]  }
0x2f5: {  	v47 =	vld [tilespmem:s11+$0x150];
	v4 =	vmul.f32 v42, v2  }
0x2f6: {  	v45 =	vld [tilespmem:s11+$0x160];
	v3 =	vmul.f32 v3, v2  }
0x2f7: {  	v48 =	vld [tilespmem:s11+$0x170];
	v5 =	vmul.f32 v43, v2;
	[tilespmem:s11+$0x100] =	vst v4  }
0x2f8: {  	v49 =	vmul.f32 v44, v2;
	[tilespmem:s11+$0x120] =	vst v3  }
0x2f9: {  	s20 =	sadd.s32 $0x7, s9;
	v50 =	vmul.f32 v46, v2;
	[tilespmem:s11+$0x130] =	vst v5  }
0x2fa: {  	v51 =	vmov s20;
	v52 =	vmul.f32 v47, v2;
	[tilespmem:s11+$0x140] =	vst v49  }
0x2fb: {  	v3 =	vmul.f32 v45, v2;
	[tilespmem:s11+$0x110] =	vst v50  }
0x2fc: {  	v2 =	vmul.f32 v48, v2;
	[tilespmem:s11+$0x150] =	vst v52  }
0x2fd: {  	[tilespmem:s11+$0x160] =	vst v3  }
0x2fe: {  	v3 =	vld [tilespmem:s11+$0x180];
	[tilespmem:s11+$0x170] =	vst v2  }
0x2ff: {  	v2 =	vld.idx.msk [tilespmem:v51+s30+$0x0], $0xffff  }
0x300: {  	v53 =	vld [tilespmem:s11+$0x190]  }
0x301: {  	v55 =	vld [tilespmem:s11+$0x1A0]  }
0x302: {  	v56 =	vld [tilespmem:s11+$0x1F0]  }
0x303: {  	v54 =	vld [tilespmem:s11+$0x1D0]  }
0x304: {  	v58 =	vld [tilespmem:s11+$0x1E0];
	v3 =	vmul.f32 v3, v2  }
0x305: {  	v57 =	vld [tilespmem:s11+$0x1B0];
	v5 =	vmul.f32 v53, v2  }
0x306: {  	v59 =	vld [tilespmem:s11+$0x1C0];
	v60 =	vmul.f32 v55, v2;
	[tilespmem:s11+$0x180] =	vst v3  }
0x307: {  	v61 =	vmul.f32 v56, v2;
	[tilespmem:s11+$0x190] =	vst v5  }
0x308: {  	s8 =	sadd.s32 $0x1, s8;
	v3 =	vmul.f32 v54, v2;
	[tilespmem:s11+$0x1A0] =	vst v60  }
0x309: {  	p0 =	sne.s32 s8, $0x6;
	v62 =	vmul.f32 v58, v2;
	[tilespmem:s11+$0x1F0] =	vst v61  }
.Ltmp4:
0x30a: {  	[tilespmem:s11+$0x1D0] =	vst v3;
	v3 =	vmul.f32 v57, v2;
	(pc) =	sbr.rel @p0 .LBB2_7-.Ltmp4, $4  }
0x30b: {  	[tilespmem:s11+$0x1E0] =	vst v62;
	v2 =	vmul.f32 v59, v2  }
0x30c: {  	[tilespmem:s11+$0x1B0] =	vst v3  }
0x30d: {  	[tilespmem:s11+$0x1C0] =	vst v2  }
0x30e: {  	[spmem:s13] =	stream.indirect.scatter.add.f32 [tilespmem:s12], [sflag:$0x2], $0x80, s0, s25, $0xb8;
	v63 =	vld [tilespmem:$0x0]  }
0x30f: {  	s6 =	sadd.s32 $0x1, s6  }
0x310: {  	p0 =	sne.s32 s6, $0x1B  }
.Ltmp5:
0x311: {  	_ = 	snop;
	(pc) =	sbr.rel @p0 .LBB2_6-.Ltmp5, $1  }
0x312: {  	_ =	sdelay $0x3  }
0x313: {  	s2 =	simm.s32 $0x2  }
0x314: {  	_ =	swait.ge [sflag:s2], $0x2000  }
0x315: {  	[sflag:s2] =	ssyncset.done $0x0  }
0x316: {  	[sflag:s2] =	ssyncadd.s32 $0xFFFFE000  }
0x317: {  	_ =	swait.ge [sflag:s2], $0x2000  }
0x318: {  	[sflag:s2] =	ssyncset.done $0x0  }
0x319: {  	[sflag:s2] =	ssyncadd.s32 $0xFFFFE000  }
0x31a: {  	[bflag:$0x0] =	sbarrier.arrive $0xFFFF  }
0x31b: {  	s8 =	rddreg [dreg:$0x10]  }
0x31c: {  	[tilespmem:s19], [sflag:$0x3] =	stream.linear.gather [spmem:s8], $0x2000, $0x38;
	v63 =	vld [tilespmem:$0x0]  }
0x31d: {  	_ =	swait.ge [sflag:s15], $0x2000  }
0x31e: {  	[sflag:s15] =	ssyncset.done $0x0  }
0x31f: {  	s20 =	simm.s32 $0x0;
	s4 =	rddreg [dreg:$0x4];
	[sflag:s15] =	ssyncadd.s32 $0xFFFFE000  }
0x320: {  	[hbm4b:s4+s20] =	stream.linear.scatter [tilespmem:s19], [sflag:$0x3], $0x2000, $0x38;
	v63 =	vld [tilespmem:$0x0]  }
0x321: {  	_ =	swait.ge [sflag:s15], $0x2000  }
0x322: {  	[sflag:s15] =	ssyncset.done $0x0  }
0x323: {  	s5 =	rddreg [dreg:$0x13];
	[sflag:s15] =	ssyncadd.s32 $0xFFFFE000  }
0x324: {  	[tilespmem:s19], [sflag:$0x3] =	stream.linear.gather [spmem:s5], $0x2000, $0x38;
	v63 =	vld [tilespmem:$0x0]  }
0x325: {  	_ =	swait.ge [sflag:s15], $0x2000  }
0x326: {  	[sflag:s15] =	ssyncset.done $0x0  }
0x327: {  	s6 =	rddreg [dreg:$0x5];
	[sflag:s15] =	ssyncadd.s32 $0xFFFFE000  }
0x328: {  	[hbm4b:s6+s20] =	stream.linear.scatter [tilespmem:s19], [sflag:$0x3], $0x2000, $0x38;
	v63 =	vld [tilespmem:$0x0]  }
0x329: {  	_ =	swait.ge [sflag:s15], $0x2000  }
0x32a: {  	[sflag:s15] =	ssyncset.done $0x0  }
0x32b: {  	s7 =	rddreg [dreg:$0x14];
	[sflag:s15] =	ssyncadd.s32 $0xFFFFE000  }
0x32c: {  	[tilespmem:s19], [sflag:$0x3] =	stream.linear.gather [spmem:s7], $0x2000, $0x38;
	v63 =	vld [tilespmem:$0x0]  }
0x32d: {  	_ =	swait.ge [sflag:s15], $0x2000  }
0x32e: {  	[sflag:s15] =	ssyncset.done $0x0  }
0x32f: {  	s9 =	rddreg [dreg:$0x6];
	[sflag:s15] =	ssyncadd.s32 $0xFFFFE000  }
0x330: {  	[hbm4b:s9+s20] =	stream.linear.scatter [tilespmem:s19], [sflag:$0x3], $0x2000, $0x38;
	v63 =	vld [tilespmem:$0x0]  }
0x331: {  	_ =	swait.ge [sflag:s15], $0x2000  }
0x332: {  	[sflag:s15] =	ssyncset.done $0x0  }
0x333: {  	s10 =	rddreg [dreg:$0x15];
	[sflag:s15] =	ssyncadd.s32 $0xFFFFE000  }
0x334: {  	[tilespmem:s19], [sflag:$0x3] =	stream.linear.gather [spmem:s10], $0x2000, $0x38;
	v63 =	vld [tilespmem:$0x0]  }
0x335: {  	_ =	swait.ge [sflag:s15], $0x2000  }
0x336: {  	[sflag:s15] =	ssyncset.done $0x0  }
0x337: {  	s11 =	rddreg [dreg:$0x7];
	[sflag:s15] =	ssyncadd.s32 $0xFFFFE000  }
0x338: {  	[hbm4b:s11+s20] =	stream.linear.scatter [tilespmem:s19], [sflag:$0x3], $0x2000, $0x38;
	v63 =	vld [tilespmem:$0x0]  }
0x339: {  	_ =	swait.ge [sflag:s15], $0x2000  }
0x33a: {  	[sflag:s15] =	ssyncset.done $0x0  }
0x33b: {  	s4 =	rddreg [dreg:$0x16];
	[sflag:s15] =	ssyncadd.s32 $0xFFFFE000  }
0x33c: {  	[tilespmem:s19], [sflag:$0x3] =	stream.linear.gather [spmem:s4], $0x2000, $0x38;
	v63 =	vld [tilespmem:$0x0]  }
0x33d: {  	_ =	swait.ge [sflag:s15], $0x2000  }
0x33e: {  	[sflag:s15] =	ssyncset.done $0x0  }
0x33f: {  	s5 =	rddreg [dreg:$0x8];
	[sflag:s15] =	ssyncadd.s32 $0xFFFFE000  }
0x340: {  	[hbm4b:s5+s20] =	stream.linear.scatter [tilespmem:s19], [sflag:$0x3], $0x2000, $0x38;
	v63 =	vld [tilespmem:$0x0]  }
0x341: {  	_ =	swait.ge [sflag:s15], $0x2000  }
0x342: {  	[sflag:s15] =	ssyncset.done $0x0  }
0x343: {  	s6 =	rddreg [dreg:$0x17];
	[sflag:s15] =	ssyncadd.s32 $0xFFFFE000  }
0x344: {  	[tilespmem:s19], [sflag:$0x3] =	stream.linear.gather [spmem:s6], $0x2000, $0x38;
	v63 =	vld [tilespmem:$0x0]  }
0x345: {  	_ =	swait.ge [sflag:s15], $0x2000  }
0x346: {  	[sflag:s15] =	ssyncset.done $0x0  }
0x347: {  	s7 =	rddreg [dreg:$0x9];
	[sflag:s15] =	ssyncadd.s32 $0xFFFFE000  }
0x348: {  	[hbm4b:s7+s20] =	stream.linear.scatter [tilespmem:s19], [sflag:$0x3], $0x2000, $0x38;
	v63 =	vld [tilespmem:$0x0]  }
0x349: {  	_ =	swait.ge [sflag:s15], $0x2000  }
0x34a: {  	[sflag:s15] =	ssyncset.done $0x0  }
0x34b: {  	s9 =	rddreg [dreg:$0x18];
	[sflag:s15] =	ssyncadd.s32 $0xFFFFE000  }
0x34c: {  	[tilespmem:s19], [sflag:$0x3] =	stream.linear.gather [spmem:s9], $0x2000, $0x38;
	v63 =	vld [tilespmem:$0x0]  }
0x34d: {  	_ =	swait.ge [sflag:s15], $0x2000  }
0x34e: {  	[sflag:s15] =	ssyncset.done $0x0  }
0x34f: {  	s10 =	rddreg [dreg:$0xa];
	[sflag:s15] =	ssyncadd.s32 $0xFFFFE000  }
0x350: {  	[hbm4b:s10+s20] =	stream.linear.scatter [tilespmem:s19], [sflag:$0x3], $0x2000, $0x38;
	v63 =	vld [tilespmem:$0x0]  }
0x351: {  	_ =	swait.ge [sflag:s15], $0x2000  }
0x352: {  	[sflag:s15] =	ssyncset.done $0x0  }
0x353: {  	s11 =	rddreg [dreg:$0x19];
	[sflag:s15] =	ssyncadd.s32 $0xFFFFE000  }
0x354: {  	[tilespmem:s19], [sflag:$0x3] =	stream.linear.gather [spmem:s11], $0x2000, $0x38;
	v63 =	vld [tilespmem:$0x0]  }
0x355: {  	_ =	swait.ge [sflag:s15], $0x2000  }
0x356: {  	[sflag:s15] =	ssyncset.done $0x0  }
0x357: {  	s4 =	rddreg [dreg:$0xb];
	[sflag:s15] =	ssyncadd.s32 $0xFFFFE000  }
0x358: {  	[hbm4b:s4+s20] =	stream.linear.scatter [tilespmem:s19], [sflag:$0x3], $0x2000, $0x38;
	v63 =	vld [tilespmem:$0x0]  }
0x359: {  	_ =	swait.ge [sflag:s15], $0x2000  }
0x35a: {  	[sflag:s15] =	ssyncset.done $0x0  }
0x35b: {  	s5 =	rddreg [dreg:$0x1a];
	[sflag:s15] =	ssyncadd.s32 $0xFFFFE000  }
0x35c: {  	[tilespmem:s19], [sflag:$0x3] =	stream.linear.gather [spmem:s5], $0x2000, $0x38;
	v63 =	vld [tilespmem:$0x0]  }
0x35d: {  	_ =	swait.ge [sflag:s15], $0x2000  }
0x35e: {  	[sflag:s15] =	ssyncset.done $0x0  }
0x35f: {  	s6 =	rddreg [dreg:$0xc];
	[sflag:s15] =	ssyncadd.s32 $0xFFFFE000  }
0x360: {  	[hbm4b:s6+s20] =	stream.linear.scatter [tilespmem:s19], [sflag:$0x3], $0x2000, $0x38;
	v63 =	vld [tilespmem:$0x0]  }
0x361: {  	_ =	swait.ge [sflag:s15], $0x2000  }
0x362: {  	[sflag:s15] =	ssyncset.done $0x0  }
0x363: {  	s7 =	rddreg [dreg:$0x1b];
	[sflag:s15] =	ssyncadd.s32 $0xFFFFE000  }
0x364: {  	[tilespmem:s19], [sflag:$0x3] =	stream.linear.gather [spmem:s7], $0x2000, $0x38;
	v63 =	vld [tilespmem:$0x0]  }
0x365: {  	_ =	swait.ge [sflag:s15], $0x2000  }
0x366: {  	[sflag:s15] =	ssyncset.done $0x0  }
0x367: {  	s9 =	rddreg [dreg:$0xd];
	[sflag:s15] =	ssyncadd.s32 $0xFFFFE000  }
0x368: {  	[hbm4b:s9+s20] =	stream.linear.scatter [tilespmem:s19], [sflag:$0x3], $0x2000, $0x38;
	v63 =	vld [tilespmem:$0x0]  }
0x369: {  	_ =	swait.ge [sflag:s15], $0x2000  }
0x36a: {  	[sflag:s15] =	ssyncset.done $0x0  }
0x36b: {  	s10 =	rddreg [dreg:$0x11];
	[sflag:s15] =	ssyncadd.s32 $0xFFFFE000  }
0x36c: {  	[hbm4b:s10+s21] =	stream.strided.scatter [tilespmem:s28], [sflag:$0x3], $0x2800, s22, s21, $0x38;
	v63 =	vld [tilespmem:$0x0]  }
0x36d: {  	_ =	swait.ge [sflag:s15], $0x2800  }
0x36e: {  	s4 =	sld [smem:$0x7F8];
	_ =	sdelay $0x2  }
0x36f: {  	s11 =	rddreg [dreg:$0x12];
	s4 =	sadd.s32 $0x1, s4  }
0x370: {  	p0 =	sne.s32 s4, s11  }
.Ltmp6:
0x371: {  	_ = 	snop;
	(pc) =	sbr.rel @p0 .LBB2_1-.Ltmp6, $3  }
0x372: {  	_ =	sdelay $0x1  }
0x373: {  	[sflag:s15] =	ssyncset.done $0x0  }
0x374: {  	[sflag:s15] =	ssyncadd.s32 $0xFFFFD800  }
0x375: {  	_ =	sfence.sel $0x180000  }
0x376: {  	[bflag:$0x0] =	sbarrier.arrive $0xFFFF  }
0x377: {  	_ =	strace $0x90000047  }
0x378: {  	s0 =	stileid.u32;
	[bflag:$0x2] =	sbarrier.arrive $0xFFFF  }
0x379: {  	p0 =	sne.s32 s0, $0x0;
	s0 =	rddreg [dreg:$0x3]  }
0x37a: {  	s0 =	sadd.s32 @!p0 $0x100000, s0  }
0x37b: {  	[sflag:s0] =	ssyncadd.tile.s32 @!p0 $0x1;
	_ =	shalt  }
.Lfunc_end2:
_tile_overlayer_lowered:
.L_overlay_start_2:
0x37c: {  	(tag) =	ssettag $0x2  }
0x37d: {  	s0 =	rddreg [dreg:$0x0];
	s2 =	stileid.u32  }
0x37e: {  	s1 =	rddreg [dreg:$0x1];
	p0 =	sne.s32 s2, $0x0  }
0x37f: {  	s3 =	rddreg [dreg:$0x2];
	[bflag:$0x3] =	sbarrier.arrive $0xFFFF;
	s2 =	simm.s32 @!p0 $0x1C03  }
0x380: {  	[timem:s3], [sflag:s2] =	dma.local @!p0 [hbm:s0], s1  }
0x381: {  	s0 =	simm.s32 @!p0 $0x3  }
0x382: {  	_ =	swait.ge @!p0 [sflag:s0], s1  }
0x383: {  	s1 =	ssub.s32 @!p0 $0x0, s1;
	[sflag:s0] =	ssyncset.done @!p0 $0x0  }
0x384: {  	[sflag:s0] =	ssyncadd.s32 @!p0 s1  }
0x385: {  	[bflag:$0x3] =	sbarrier.arrive $0xFFFF  }
0x386: {  	_ =	shalt  }

</sc_bundles>
